<compile_context>
chip_gen: v7x
topology: tpu7x:2x2x1
jax: 0.10.2.dev20260603
libtpu: 0.0.44.dev20260713+nightly
codegen_flags: <defaults>
</compile_context>

<pallas_src>
import functools

import jax
import jax.numpy as jnp
from jax import lax
from jax.experimental import pallas as pl
from jax.experimental.pallas import tpu as pltpu
from jax.experimental.pallas import tpu_sc as plsc

B, N, D = 16, 1024, 64
K = 8
D_MODEL = 512
D2 = 2 * D

_ROWS = B * N * K
_FF_TILE = 512


def _prep_body(x_ref, f_ref, sq_ref, xn_ref, gidx_ref):
    b = pl.program_id(0)
    xm = x_ref[0]
    fr = f_ref[0]
    mask = fr > 0.1
    x_crd = jnp.where(mask, 0.0, xm)
    x_ftr = jnp.where(mask, xm, 0.0)
    xc = jnp.concatenate([x_crd, x_ftr], axis=1)
    mean = jnp.mean(xc, axis=0, keepdims=True)
    cent = xc - mean
    var = jnp.sum(cent * cent, axis=0, keepdims=True) / (N - 1)
    std = jnp.sqrt(var)
    xn_ref[0] = jnp.clip(cent / (std + 1e-5), -10.0, 10.0)

    sq_row = sq_ref[0]
    xb = x_crd.astype(jnp.bfloat16)
    dot = lax.dot_general(xb, xb, (((1,), (1,)), ((), ())),
                          preferred_element_type=jnp.float32)
    sq_col = lax.transpose(sq_row, (1, 0))
    d2 = sq_col + sq_row - 2.0 * dot
    dist = jnp.sqrt(jnp.maximum(d2, 1e-12))

    colf = lax.broadcasted_iota(jnp.int32, (N, N), 1).astype(jnp.float32)
    work = dist
    idxs = []
    for _ in range(K):
        m = jnp.min(work, axis=1, keepdims=True)
        ikf = jnp.min(jnp.where(work == m, colf, jnp.float32(N)),
                      axis=1, keepdims=True)
        idxs.append(ikf)
        work = jnp.where(colf == ikf, jnp.inf, work)
    gidx = jnp.concatenate(idxs, axis=1).astype(jnp.int32)
    gidx_ref[0] = gidx + b * N


def _prep_call(x, features, sq):
    nb = x.shape[0]
    f3 = features.reshape(nb, 1, D)
    sq3 = sq.reshape(nb, 1, N)
    return pl.pallas_call(
        _prep_body,
        grid=(nb,),
        in_specs=[
            pl.BlockSpec((1, N, D), lambda b: (b, 0, 0)),
            pl.BlockSpec((1, 1, D), lambda b: (b, 0, 0)),
            pl.BlockSpec((1, 1, N), lambda b: (b, 0, 0)),
        ],
        out_specs=[
            pl.BlockSpec((1, N, D2), lambda b: (b, 0, 0)),
            pl.BlockSpec((1, N, K), lambda b: (b, 0, 0)),
        ],
        out_shape=[
            jax.ShapeDtypeStruct((nb, N, D2), jnp.float32),
            jax.ShapeDtypeStruct((nb, N, K), jnp.int32),
        ],
    )(x, f3, sq3)


_CHUNK = 128
_NBUF = 4


def _gather_call(table, gidx_flat):
    rows = gidx_flat.shape[0]
    info = plsc.get_sparse_core_info()
    num_cores = info.num_cores
    nw = num_cores * info.num_subcores
    rpw = rows // nw
    nchunk = rpw // _CHUNK
    mesh = plsc.VectorSubcoreMesh(core_axis_name="c", subcore_axis_name="s")

    @functools.partial(
        pl.kernel,
        mesh=mesh,
        out_type=jax.ShapeDtypeStruct((rows, D2), jnp.float32),
        scratch_types=[
            pltpu.VMEM((rpw,), jnp.int32),
            pltpu.VMEM((_NBUF, _CHUNK, D2), jnp.float32),
        ]
        + [pltpu.SemaphoreType.DMA] * (2 * _NBUF),
    )
    def gather_kernel(table_hbm, idx_hbm, out_hbm, idx_v, rows_v, *sems):
        gsem, wsem = sems[:_NBUF], sems[_NBUF:]
        wid = lax.axis_index("s") * num_cores + lax.axis_index("c")
        base = wid * rpw
        pltpu.sync_copy(idx_hbm.at[pl.ds(base, rpw)], idx_v)

        gcp = [None] * _NBUF
        wcp = [None] * _NBUF
        for j in range(min(_NBUF, nchunk)):
            gcp[j] = pltpu.async_copy(
                table_hbm.at[idx_v.at[pl.ds(j * _CHUNK, _CHUNK)]],
                rows_v.at[j], gsem[j])
        for c in range(nchunk):
            j = c % _NBUF
            gcp[j].wait()
            wcp[j] = pltpu.async_copy(
                rows_v.at[j], out_hbm.at[pl.ds(base + c * _CHUNK, _CHUNK)],
                wsem[j])
            nc = c + _NBUF
            if nc < nchunk:
                wcp[j].wait()
                wcp[j] = None
                gcp[j] = pltpu.async_copy(
                    table_hbm.at[idx_v.at[pl.ds(nc * _CHUNK, _CHUNK)]],
                    rows_v.at[j], gsem[j])
        for j in range(_NBUF):
            if wcp[j] is not None:
                wcp[j].wait()

    return gather_kernel(table, gidx_flat)


def _ff_body(g_ref, xn_ref, w_ref, b_ref, o_ref):
    wm = w_ref[...]
    ws = wm[:, 0:D2]
    for k in range(1, K):
        ws = ws + wm[:, k * D2:(k + 1) * D2]
    wb = wm.astype(jnp.bfloat16)
    h = lax.dot_general(g_ref[...].astype(jnp.bfloat16), wb,
                        (((1,), (1,)), ((), ())),
                        preferred_element_type=jnp.float32)
    h = h - lax.dot_general(xn_ref[...].astype(jnp.bfloat16),
                            ws.astype(jnp.bfloat16),
                            (((1,), (1,)), ((), ())),
                            preferred_element_type=jnp.float32)
    h = h + b_ref[...]
    a = h[:, :D_MODEL]
    g = h[:, D_MODEL:]
    o_ref[...] = a * jax.nn.sigmoid(g)


def _ff_call(g2, xnf, W, b):
    brow = b.reshape(1, 2 * D_MODEL)
    nrows = g2.shape[0]
    n_tiles = nrows // _FF_TILE
    return pl.pallas_call(
        _ff_body,
        grid=(n_tiles,),
        in_specs=[
            pl.BlockSpec((_FF_TILE, K * D2), lambda i: (i, 0)),
            pl.BlockSpec((_FF_TILE, D2), lambda i: (i, 0)),
            pl.BlockSpec((2 * D_MODEL, K * D2), lambda i: (0, 0)),
            pl.BlockSpec((1, 2 * D_MODEL), lambda i: (0, 0)),
        ],
        out_specs=pl.BlockSpec((_FF_TILE, D_MODEL), lambda i: (i, 0)),
        out_shape=jax.ShapeDtypeStruct((nrows, D_MODEL), jnp.float32),
    )(g2, xnf, W, brow)


def kernel(x, features, W, b):
    feat_mask = features[:, None, :] > 0.1
    x_crd = jnp.where(feat_mask, 0.0, x)
    sq = jnp.sum(x_crd * x_crd, axis=-1)
    h = B // 2
    xa, ia = _prep_call(x[:h], features[:h], sq[:h])
    xb, ib = _prep_call(x[h:], features[h:], sq[h:])
    ta = xa.reshape(h * N, D2)
    tb = xb.reshape(h * N, D2)
    ga = _gather_call(ta, ia.reshape(h * N * K))
    gb = _gather_call(tb, ib.reshape(h * N * K))
    oa = _ff_call(ga.reshape(h * N, K * D2), ta, W, b)
    ob = _ff_call(gb.reshape(h * N, K * D2), tb, W, b)
    return jnp.concatenate([oa, ob], axis=0).reshape(B, N, D_MODEL)

# --- scband reference (transcript-rebuilt; emitter-appended) ---
"""Pipeline reference for scband-knnembedding-55164559949910 (READ-ONLY COPY).

The authoritative reference and input builder live on the scoring server;
editing this copy changes nothing except your own understanding.
"""

import jax, jax.numpy as jnp
import numpy as np

B, N, D = 16, 1024, 64
K = 8
D_MODEL = 512

def setup_inputs(seed: int = 0):
    key = jax.random.key(seed)
    k1, k2, k3 = jax.random.split(key, 3)
    x = jax.random.normal(k1, (B, N, D), dtype=jnp.float32)
    features = jax.random.uniform(k2, (B, D), dtype=jnp.float32)
    W = (jax.random.normal(k3, (2 * D_MODEL, D * K * 2), dtype=jnp.float32) * (1.0 / np.sqrt(D * K * 2))).astype(jnp.float32)
    b = jnp.zeros((2 * D_MODEL,), dtype=jnp.float32)
    return {"x": x, "features": features, "W": W, "b": b}

def reference(x, features, W, b):
    # feature/coordinate split based on feature indicator (broadcast over points)
    feat_mask = features[:, None, :] > 0.1
    x_crd = jnp.where(feat_mask, 0.0, x)
    x_ftr = jnp.where(feat_mask, x, 0.0)
    xc = jnp.concatenate([x_crd, x_ftr], axis=-1)  # [B, N, 2D]
    # masked_mean / masked_std with attn_mask=None -> plain mean/std over points dim
    mean = jnp.mean(xc, axis=1, keepdims=True)
    std = jnp.std(xc, axis=1, ddof=1, keepdims=True)
    xn = jnp.clip((xc - mean) / (std + 1e-5), -10.0, 10.0)
    # cdist(x_crd, x_crd, p=2) via squared-norm expansion
    sq = jnp.sum(x_crd * x_crd, axis=-1)
    d2 = sq[:, :, None] + sq[:, None, :] - 2.0 * jnp.einsum('bnd,bmd->bnm', x_crd, x_crd)
    dist = jnp.sqrt(jnp.maximum(d2, 1e-12))
    # find_knn: k smallest distances (includes self), gather features, local projection
    _, idx = jax.lax.top_k(-dist, K)  # [B, N, K]
    bidx = jnp.arange(B)[:, None, None]
    x_nbr = xn[bidx, idx]  # [B, N, K, 2D] gather
    x_nbr = x_nbr - xn[:, :, None, :]  # project_local=True: relative frame
    flat = x_nbr.reshape(B, N, K * 2 * D)  # [B, N, num_df*k*2]
    # ff: Linear(num_df*k*2 -> 2*d_model) -> GLU -> Dropout (identity in eval)
    h = flat @ W.T + b
    a, g = jnp.split(h, 2, axis=-1)
    out = a * jax.nn.sigmoid(g)
    return out

if __name__ == "__main__":
    import jax
    _d = setup_inputs()
    print(jax.jit(kernel)(*tuple(_d.values())))

</pallas_src>

<mosaic_0001>
#map = affine_map<(d0, d1) -> (0, 0)>
#map1 = affine_map<(d0, d1) -> (0)>
module attributes {stable_mosaic.version = 14 : i64} {
  func.func @gather_kernel(%arg0: i32, %arg1: i32, %arg2: memref<8192x128xf32, #tpu.memory_space<hbm>>, %arg3: memref<65536xi32, #tpu.memory_space<hbm>>, %arg4: memref<65536x128xf32, #tpu.memory_space<hbm>>, %arg5: memref<2048xi32, #tpu.memory_space<vmem>>, %arg6: memref<4x128x128xf32, #tpu.memory_space<vmem>>, %arg7: memref<!tpu.dma_semaphore, #tpu.memory_space<semaphore_mem>>, %arg8: memref<!tpu.dma_semaphore, #tpu.memory_space<semaphore_mem>>, %arg9: memref<!tpu.dma_semaphore, #tpu.memory_space<semaphore_mem>>, %arg10: memref<!tpu.dma_semaphore, #tpu.memory_space<semaphore_mem>>, %arg11: memref<!tpu.dma_semaphore, #tpu.memory_space<semaphore_mem>>, %arg12: memref<!tpu.dma_semaphore, #tpu.memory_space<semaphore_mem>>, %arg13: memref<!tpu.dma_semaphore, #tpu.memory_space<semaphore_mem>>, %arg14: memref<!tpu.dma_semaphore, #tpu.memory_space<semaphore_mem>>) attributes {dimension_semantics = [#tpu.dimension_semantics<core_parallel>, #tpu.dimension_semantics<subcore_parallel>], iteration_bounds = array<i64: 2, 16>, scalar_prefetch = 0 : i64, scratch_operands = 10 : i64, tpu.core_type = #tpu.core_type<sc_vector_subcore>, window_params = [{transform_indices = #map}, {transform_indices = #map1}, {transform_indices = #map}]} {
    %mul3A = arith.constant 2 : i32
    %mul3A_0 = arith.muli %arg1, %mul3A : i32
    %add3A = arith.addi %mul3A_0, %arg0 : i32
    %mul3A_1 = arith.constant 2048 : i32
    %mul3A_2 = arith.muli %add3A, %mul3A_1 : i32
    "tpu.region"() ({
      %run_scoped3A = tpu.sem_alloc : memref<!tpu.dma_semaphore, #tpu.memory_space<semaphore_mem>>
      %dma_start3A_769 = tpu.memref_slice %arg3[%mul3A_2] : memref<65536xi32, #tpu.memory_space<hbm>> -> memref<2048xi32, #tpu.memory_space<hbm>>
      %dma_start3A_770 = tpu.memref_slice %arg3[%mul3A_2] : memref<65536xi32, #tpu.memory_space<hbm>> -> memref<2048xi32, #tpu.memory_space<hbm>>
      tpu.enqueue_dma source(%dma_start3A_770 : memref<2048xi32, #tpu.memory_space<hbm>>) target(%arg5 : memref<2048xi32, #tpu.memory_space<vmem>>) target_semaphore(%run_scoped3A : memref<!tpu.dma_semaphore, #tpu.memory_space<semaphore_mem>>)
      %dma_wait3A_771 = tpu.memref_slice %arg3[%mul3A_2] : memref<65536xi32, #tpu.memory_space<hbm>> -> memref<2048xi32, #tpu.memory_space<hbm>>
      %dma_wait3A_772 = tpu.memref_slice %arg3[%mul3A_2] : memref<65536xi32, #tpu.memory_space<hbm>> -> memref<2048xi32, #tpu.memory_space<hbm>>
      tpu.wait_dma2 semaphore(%run_scoped3A : memref<!tpu.dma_semaphore, #tpu.memory_space<semaphore_mem>>) src(%dma_wait3A_772 : memref<2048xi32, #tpu.memory_space<hbm>>) dst(%arg5 : memref<2048xi32, #tpu.memory_space<vmem>>)
      tpu.yield
    }) : () -> ()
    %dma_start3A = arith.constant 0 : i32
    %dma_start3A_3 = arith.constant 0 : i32
    %dma_start3A_4 = arith.constant 0 : i32
    %dma_start3A_5 = tpu.memref_slice %arg6[%dma_start3A, %dma_start3A_3, %dma_start3A_4] : memref<4x128x128xf32, #tpu.memory_space<vmem>> -> memref<1x128x128xf32, #tpu.memory_space<vmem>>
    %dma_start3A_6 = tpu.memref_squeeze %dma_start3A_5 : memref<1x128x128xf32, #tpu.memory_space<vmem>> -> memref<128x128xf32, #tpu.memory_space<vmem>>
    %dma_start3A_7 = arith.constant 0 : i32
    %dma_start3A_8 = tpu.memref_slice %arg5[%dma_start3A_7] : memref<2048xi32, #tpu.memory_space<vmem>> -> memref<128xi32, #tpu.memory_space<vmem>>
    %dma_start3A_9 = arith.constant 0 : i32
    %dma_start3A_10 = arith.constant 0 : i32
    %dma_start3A_11 = tpu.memref_slice %arg2[%dma_start3A_9, %dma_start3A_10] : memref<8192x128xf32, #tpu.memory_space<hbm>> -> memref<8192x128xf32, #tpu.memory_space<hbm>>
    tpu.enqueue_indirect_dma source(%dma_start3A_11 : memref<8192x128xf32, #tpu.memory_space<hbm>>) target(%dma_start3A_6 : memref<128x128xf32, #tpu.memory_space<vmem>>) offsets(%dma_start3A_8 : memref<128xi32, #tpu.memory_space<vmem>>) semaphore(%arg7 : memref<!tpu.dma_semaphore, #tpu.memory_space<semaphore_mem>>)
    %dma_start3A_12 = arith.constant 1 : i32
    %dma_start3A_13 = arith.constant 0 : i32
    %dma_start3A_14 = arith.constant 0 : i32
    %dma_start3A_15 = tpu.memref_slice %arg6[%dma_start3A_12, %dma_start3A_13, %dma_start3A_14] : memref<4x128x128xf32, #tpu.memory_space<vmem>> -> memref<1x128x128xf32, #tpu.memory_space<vmem>>
    %dma_start3A_16 = tpu.memref_squeeze %dma_start3A_15 : memref<1x128x128xf32, #tpu.memory_space<vmem>> -> memref<128x128xf32, #tpu.memory_space<vmem>>
    %dma_start3A_17 = arith.constant 128 : i32
    %dma_start3A_18 = tpu.memref_slice %arg5[%dma_start3A_17] : memref<2048xi32, #tpu.memory_space<vmem>> -> memref<128xi32, #tpu.memory_space<vmem>>
    %dma_start3A_19 = arith.constant 0 : i32
    %dma_start3A_20 = arith.constant 0 : i32
    %dma_start3A_21 = tpu.memref_slice %arg2[%dma_start3A_19, %dma_start3A_20] : memref<8192x128xf32, #tpu.memory_space<hbm>> -> memref<8192x128xf32, #tpu.memory_space<hbm>>
    tpu.enqueue_indirect_dma source(%dma_start3A_21 : memref<8192x128xf32, #tpu.memory_space<hbm>>) target(%dma_start3A_16 : memref<128x128xf32, #tpu.memory_space<vmem>>) offsets(%dma_start3A_18 : memref<128xi32, #tpu.memory_space<vmem>>) semaphore(%arg8 : memref<!tpu.dma_semaphore, #tpu.memory_space<semaphore_mem>>)
    %dma_start3A_22 = arith.constant 2 : i32
    %dma_start3A_23 = arith.constant 0 : i32
    %dma_start3A_24 = arith.constant 0 : i32
    %dma_start3A_25 = tpu.memref_slice %arg6[%dma_start3A_22, %dma_start3A_23, %dma_start3A_24] : memref<4x128x128xf32, #tpu.memory_space<vmem>> -> memref<1x128x128xf32, #tpu.memory_space<vmem>>
    %dma_start3A_26 = tpu.memref_squeeze %dma_start3A_25 : memref<1x128x128xf32, #tpu.memory_space<vmem>> -> memref<128x128xf32, #tpu.memory_space<vmem>>
    %dma_start3A_27 = arith.constant 256 : i32
    %dma_start3A_28 = tpu.memref_slice %arg5[%dma_start3A_27] : memref<2048xi32, #tpu.memory_space<vmem>> -> memref<128xi32, #tpu.memory_space<vmem>>
    %dma_start3A_29 = arith.constant 0 : i32
    %dma_start3A_30 = arith.constant 0 : i32
    %dma_start3A_31 = tpu.memref_slice %arg2[%dma_start3A_29, %dma_start3A_30] : memref<8192x128xf32, #tpu.memory_space<hbm>> -> memref<8192x128xf32, #tpu.memory_space<hbm>>
    tpu.enqueue_indirect_dma source(%dma_start3A_31 : memref<8192x128xf32, #tpu.memory_space<hbm>>) target(%dma_start3A_26 : memref<128x128xf32, #tpu.memory_space<vmem>>) offsets(%dma_start3A_28 : memref<128xi32, #tpu.memory_space<vmem>>) semaphore(%arg9 : memref<!tpu.dma_semaphore, #tpu.memory_space<semaphore_mem>>)
    %dma_start3A_32 = arith.constant 3 : i32
    %dma_start3A_33 = arith.constant 0 : i32
    %dma_start3A_34 = arith.constant 0 : i32
    %dma_start3A_35 = tpu.memref_slice %arg6[%dma_start3A_32, %dma_start3A_33, %dma_start3A_34] : memref<4x128x128xf32, #tpu.memory_space<vmem>> -> memref<1x128x128xf32, #tpu.memory_space<vmem>>
    %dma_start3A_36 = tpu.memref_squeeze %dma_start3A_35 : memref<1x128x128xf32, #tpu.memory_space<vmem>> -> memref<128x128xf32, #tpu.memory_space<vmem>>
    %dma_start3A_37 = arith.constant 384 : i32
    %dma_start3A_38 = tpu.memref_slice %arg5[%dma_start3A_37] : memref<2048xi32, #tpu.memory_space<vmem>> -> memref<128xi32, #tpu.memory_space<vmem>>
    %dma_start3A_39 = arith.constant 0 : i32
    %dma_start3A_40 = arith.constant 0 : i32
    %dma_start3A_41 = tpu.memref_slice %arg2[%dma_start3A_39, %dma_start3A_40] : memref<8192x128xf32, #tpu.memory_space<hbm>> -> memref<8192x128xf32, #tpu.memory_space<hbm>>
    tpu.enqueue_indirect_dma source(%dma_start3A_41 : memref<8192x128xf32, #tpu.memory_space<hbm>>) target(%dma_start3A_36 : memref<128x128xf32, #tpu.memory_space<vmem>>) offsets(%dma_start3A_38 : memref<128xi32, #tpu.memory_space<vmem>>) semaphore(%arg10 : memref<!tpu.dma_semaphore, #tpu.memory_space<semaphore_mem>>)
    %dma_wait3A = arith.constant 0 : i32
    %dma_wait3A_42 = arith.constant 0 : i32
    %dma_wait3A_43 = arith.constant 0 : i32
    %dma_wait3A_44 = tpu.memref_slice %arg6[%dma_wait3A, %dma_wait3A_42, %dma_wait3A_43] : memref<4x128x128xf32, #tpu.memory_space<vmem>> -> memref<1x128x128xf32, #tpu.memory_space<vmem>>
    %dma_wait3A_45 = tpu.memref_squeeze %dma_wait3A_44 : memref<1x128x128xf32, #tpu.memory_space<vmem>> -> memref<128x128xf32, #tpu.memory_space<vmem>>
    %dma_wait3A_46 = arith.constant 0 : i32
    %dma_wait3A_47 = tpu.memref_slice %arg5[%dma_wait3A_46] : memref<2048xi32, #tpu.memory_space<vmem>> -> memref<128xi32, #tpu.memory_space<vmem>>
    %dma_wait3A_48 = arith.constant 0 : i32
    %dma_wait3A_49 = arith.constant 0 : i32
    %dma_wait3A_50 = tpu.memref_slice %arg2[%dma_wait3A_48, %dma_wait3A_49] : memref<8192x128xf32, #tpu.memory_space<hbm>> -> memref<8192x128xf32, #tpu.memory_space<hbm>>
    tpu.wait_indirect_dma semaphore(%arg7 : memref<!tpu.dma_semaphore, #tpu.memory_space<semaphore_mem>>) src(%dma_wait3A_50 : memref<8192x128xf32, #tpu.memory_space<hbm>>) dst(%dma_wait3A_45 : memref<128x128xf32, #tpu.memory_space<vmem>>)
    %add3A_51 = arith.constant 0 : i32
    %add3A_52 = arith.addi %mul3A_2, %add3A_51 : i32
    %dma_start3A_53 = arith.constant 0 : i32
    %dma_start3A_54 = arith.constant 0 : i32
    %dma_start3A_55 = arith.constant 0 : i32
    %dma_start3A_56 = tpu.memref_slice %arg6[%dma_start3A_53, %dma_start3A_54, %dma_start3A_55] : memref<4x128x128xf32, #tpu.memory_space<vmem>> -> memref<1x128x128xf32, #tpu.memory_space<vmem>>
    %dma_start3A_57 = tpu.memref_squeeze %dma_start3A_56 : memref<1x128x128xf32, #tpu.memory_space<vmem>> -> memref<128x128xf32, #tpu.memory_space<vmem>>
    %dma_start3A_58 = arith.constant 0 : i32
    %dma_start3A_59 = tpu.memref_slice %arg4[%add3A_52, %dma_start3A_58] : memref<65536x128xf32, #tpu.memory_space<hbm>> -> memref<128x128xf32, #tpu.memory_space<hbm>>
    %dma_start3A_60 = arith.constant 0 : i32
    %dma_start3A_61 = tpu.memref_slice %arg4[%add3A_52, %dma_start3A_60] : memref<65536x128xf32, #tpu.memory_space<hbm>> -> memref<128x128xf32, #tpu.memory_space<hbm>>
    %dma_start3A_62 = arith.constant 0 : i32
    %dma_start3A_63 = arith.constant 0 : i32
    %dma_start3A_64 = tpu.memref_slice %arg6[%dma_start3A_53, %dma_start3A_62, %dma_start3A_63] : memref<4x128x128xf32, #tpu.memory_space<vmem>> -> memref<1x128x128xf32, #tpu.memory_space<vmem>>
    %dma_start3A_65 = tpu.memref_squeeze %dma_start3A_64 : memref<1x128x128xf32, #tpu.memory_space<vmem>> -> memref<128x128xf32, #tpu.memory_space<vmem>>
    tpu.enqueue_dma source(%dma_start3A_65 : memref<128x128xf32, #tpu.memory_space<vmem>>) target(%dma_start3A_61 : memref<128x128xf32, #tpu.memory_space<hbm>>) target_semaphore(%arg11 : memref<!tpu.dma_semaphore, #tpu.memory_space<semaphore_mem>>)
    %dma_wait3A_66 = arith.constant 0 : i32
    %dma_wait3A_67 = arith.constant 0 : i32
    %dma_wait3A_68 = arith.constant 0 : i32
    %dma_wait3A_69 = tpu.memref_slice %arg6[%dma_wait3A_66, %dma_wait3A_67, %dma_wait3A_68] : memref<4x128x128xf32, #tpu.memory_space<vmem>> -> memref<1x128x128xf32, #tpu.memory_space<vmem>>
    %dma_wait3A_70 = tpu.memref_squeeze %dma_wait3A_69 : memref<1x128x128xf32, #tpu.memory_space<vmem>> -> memref<128x128xf32, #tpu.memory_space<vmem>>
    %dma_wait3A_71 = arith.constant 0 : i32
    %dma_wait3A_72 = tpu.memref_slice %arg4[%add3A_52, %dma_wait3A_71] : memref<65536x128xf32, #tpu.memory_space<hbm>> -> memref<128x128xf32, #tpu.memory_space<hbm>>
    %dma_wait3A_73 = arith.constant 0 : i32
    %dma_wait3A_74 = tpu.memref_slice %arg4[%add3A_52, %dma_wait3A_73] : memref<65536x128xf32, #tpu.memory_space<hbm>> -> memref<128x128xf32, #tpu.memory_space<hbm>>
    %dma_wait3A_75 = arith.constant 0 : i32
    %dma_wait3A_76 = arith.constant 0 : i32
    %dma_wait3A_77 = tpu.memref_slice %arg6[%dma_wait3A_66, %dma_wait3A_75, %dma_wait3A_76] : memref<4x128x128xf32, #tpu.memory_space<vmem>> -> memref<1x128x128xf32, #tpu.memory_space<vmem>>
    %dma_wait3A_78 = tpu.memref_squeeze %dma_wait3A_77 : memref<1x128x128xf32, #tpu.memory_space<vmem>> -> memref<128x128xf32, #tpu.memory_space<vmem>>
    tpu.wait_dma2 semaphore(%arg11 : memref<!tpu.dma_semaphore, #tpu.memory_space<semaphore_mem>>) src(%dma_wait3A_78 : memref<128x128xf32, #tpu.memory_space<vmem>>) dst(%dma_wait3A_74 : memref<128x128xf32, #tpu.memory_space<hbm>>)
    %dma_start3A_79 = arith.constant 0 : i32
    %dma_start3A_80 = arith.constant 0 : i32
    %dma_start3A_81 = arith.constant 0 : i32
    %dma_start3A_82 = tpu.memref_slice %arg6[%dma_start3A_79, %dma_start3A_80, %dma_start3A_81] : memref<4x128x128xf32, #tpu.memory_space<vmem>> -> memref<1x128x128xf32, #tpu.memory_space<vmem>>
    %dma_start3A_83 = tpu.memref_squeeze %dma_start3A_82 : memref<1x128x128xf32, #tpu.memory_space<vmem>> -> memref<128x128xf32, #tpu.memory_space<vmem>>
    %dma_start3A_84 = arith.constant 512 : i32
    %dma_start3A_85 = tpu.memref_slice %arg5[%dma_start3A_84] : memref<2048xi32, #tpu.memory_space<vmem>> -> memref<128xi32, #tpu.memory_space<vmem>>
    %dma_start3A_86 = arith.constant 0 : i32
    %dma_start3A_87 = arith.constant 0 : i32
    %dma_start3A_88 = tpu.memref_slice %arg2[%dma_start3A_86, %dma_start3A_87] : memref<8192x128xf32, #tpu.memory_space<hbm>> -> memref<8192x128xf32, #tpu.memory_space<hbm>>
    tpu.enqueue_indirect_dma source(%dma_start3A_88 : memref<8192x128xf32, #tpu.memory_space<hbm>>) target(%dma_start3A_83 : memref<128x128xf32, #tpu.memory_space<vmem>>) offsets(%dma_start3A_85 : memref<128xi32, #tpu.memory_space<vmem>>) semaphore(%arg7 : memref<!tpu.dma_semaphore, #tpu.memory_space<semaphore_mem>>)
    %dma_wait3A_89 = arith.constant 1 : i32
    %dma_wait3A_90 = arith.constant 0 : i32
    %dma_wait3A_91 = arith.constant 0 : i32
    %dma_wait3A_92 = tpu.memref_slice %arg6[%dma_wait3A_89, %dma_wait3A_90, %dma_wait3A_91] : memref<4x128x128xf32, #tpu.memory_space<vmem>> -> memref<1x128x128xf32, #tpu.memory_space<vmem>>
    %dma_wait3A_93 = tpu.memref_squeeze %dma_wait3A_92 : memref<1x128x128xf32, #tpu.memory_space<vmem>> -> memref<128x128xf32, #tpu.memory_space<vmem>>
    %dma_wait3A_94 = arith.constant 128 : i32
    %dma_wait3A_95 = tpu.memref_slice %arg5[%dma_wait3A_94] : memref<2048xi32, #tpu.memory_space<vmem>> -> memref<128xi32, #tpu.memory_space<vmem>>
    %dma_wait3A_96 = arith.constant 0 : i32
    %dma_wait3A_97 = arith.constant 0 : i32
    %dma_wait3A_98 = tpu.memref_slice %arg2[%dma_wait3A_96, %dma_wait3A_97] : memref<8192x128xf32, #tpu.memory_space<hbm>> -> memref<8192x128xf32, #tpu.memory_space<hbm>>
    tpu.wait_indirect_dma semaphore(%arg8 : memref<!tpu.dma_semaphore, #tpu.memory_space<semaphore_mem>>) src(%dma_wait3A_98 : memref<8192x128xf32, #tpu.memory_space<hbm>>) dst(%dma_wait3A_93 : memref<128x128xf32, #tpu.memory_space<vmem>>)
    %add3A_99 = arith.constant 128 : i32
    %add3A_100 = arith.addi %mul3A_2, %add3A_99 : i32
    %dma_start3A_101 = arith.constant 1 : i32
    %dma_start3A_102 = arith.constant 0 : i32
    %dma_start3A_103 = arith.constant 0 : i32
    %dma_start3A_104 = tpu.memref_slice %arg6[%dma_start3A_101, %dma_start3A_102, %dma_start3A_103] : memref<4x128x128xf32, #tpu.memory_space<vmem>> -> memref<1x128x128xf32, #tpu.memory_space<vmem>>
    %dma_start3A_105 = tpu.memref_squeeze %dma_start3A_104 : memref<1x128x128xf32, #tpu.memory_space<vmem>> -> memref<128x128xf32, #tpu.memory_space<vmem>>
    %dma_start3A_106 = arith.constant 0 : i32
    %dma_start3A_107 = tpu.memref_slice %arg4[%add3A_100, %dma_start3A_106] : memref<65536x128xf32, #tpu.memory_space<hbm>> -> memref<128x128xf32, #tpu.memory_space<hbm>>
    %dma_start3A_108 = arith.constant 0 : i32
    %dma_start3A_109 = tpu.memref_slice %arg4[%add3A_100, %dma_start3A_108] : memref<65536x128xf32, #tpu.memory_space<hbm>> -> memref<128x128xf32, #tpu.memory_space<hbm>>
    %dma_start3A_110 = arith.constant 0 : i32
    %dma_start3A_111 = arith.constant 0 : i32
    %dma_start3A_112 = tpu.memref_slice %arg6[%dma_start3A_101, %dma_start3A_110, %dma_start3A_111] : memref<4x128x128xf32, #tpu.memory_space<vmem>> -> memref<1x128x128xf32, #tpu.memory_space<vmem>>
    %dma_start3A_113 = tpu.memref_squeeze %dma_start3A_112 : memref<1x128x128xf32, #tpu.memory_space<vmem>> -> memref<128x128xf32, #tpu.memory_space<vmem>>
    tpu.enqueue_dma source(%dma_start3A_113 : memref<128x128xf32, #tpu.memory_space<vmem>>) target(%dma_start3A_109 : memref<128x128xf32, #tpu.memory_space<hbm>>) target_semaphore(%arg12 : memref<!tpu.dma_semaphore, #tpu.memory_space<semaphore_mem>>)
    %dma_wait3A_114 = arith.constant 1 : i32
    %dma_wait3A_115 = arith.constant 0 : i32
    %dma_wait3A_116 = arith.constant 0 : i32
    %dma_wait3A_117 = tpu.memref_slice %arg6[%dma_wait3A_114, %dma_wait3A_115, %dma_wait3A_116] : memref<4x128x128xf32, #tpu.memory_space<vmem>> -> memref<1x128x128xf32, #tpu.memory_space<vmem>>
    %dma_wait3A_118 = tpu.memref_squeeze %dma_wait3A_117 : memref<1x128x128xf32, #tpu.memory_space<vmem>> -> memref<128x128xf32, #tpu.memory_space<vmem>>
    %dma_wait3A_119 = arith.constant 0 : i32
    %dma_wait3A_120 = tpu.memref_slice %arg4[%add3A_100, %dma_wait3A_119] : memref<65536x128xf32, #tpu.memory_space<hbm>> -> memref<128x128xf32, #tpu.memory_space<hbm>>
    %dma_wait3A_121 = arith.constant 0 : i32
    %dma_wait3A_122 = tpu.memref_slice %arg4[%add3A_100, %dma_wait3A_121] : memref<65536x128xf32, #tpu.memory_space<hbm>> -> memref<128x128xf32, #tpu.memory_space<hbm>>
    %dma_wait3A_123 = arith.constant 0 : i32
    %dma_wait3A_124 = arith.constant 0 : i32
    %dma_wait3A_125 = tpu.memref_slice %arg6[%dma_wait3A_114, %dma_wait3A_123, %dma_wait3A_124] : memref<4x128x128xf32, #tpu.memory_space<vmem>> -> memref<1x128x128xf32, #tpu.memory_space<vmem>>
    %dma_wait3A_126 = tpu.memref_squeeze %dma_wait3A_125 : memref<1x128x128xf32, #tpu.memory_space<vmem>> -> memref<128x128xf32, #tpu.memory_space<vmem>>
    tpu.wait_dma2 semaphore(%arg12 : memref<!tpu.dma_semaphore, #tpu.memory_space<semaphore_mem>>) src(%dma_wait3A_126 : memref<128x128xf32, #tpu.memory_space<vmem>>) dst(%dma_wait3A_122 : memref<128x128xf32, #tpu.memory_space<hbm>>)
    %dma_start3A_127 = arith.constant 1 : i32
    %dma_start3A_128 = arith.constant 0 : i32
    %dma_start3A_129 = arith.constant 0 : i32
    %dma_start3A_130 = tpu.memref_slice %arg6[%dma_start3A_127, %dma_start3A_128, %dma_start3A_129] : memref<4x128x128xf32, #tpu.memory_space<vmem>> -> memref<1x128x128xf32, #tpu.memory_space<vmem>>
    %dma_start3A_131 = tpu.memref_squeeze %dma_start3A_130 : memref<1x128x128xf32, #tpu.memory_space<vmem>> -> memref<128x128xf32, #tpu.memory_space<vmem>>
    %dma_start3A_132 = arith.constant 640 : i32
    %dma_start3A_133 = tpu.memref_slice %arg5[%dma_start3A_132] : memref<2048xi32, #tpu.memory_space<vmem>> -> memref<128xi32, #tpu.memory_space<vmem>>
    %dma_start3A_134 = arith.constant 0 : i32
    %dma_start3A_135 = arith.constant 0 : i32
    %dma_start3A_136 = tpu.memref_slice %arg2[%dma_start3A_134, %dma_start3A_135] : memref<8192x128xf32, #tpu.memory_space<hbm>> -> memref<8192x128xf32, #tpu.memory_space<hbm>>
    tpu.enqueue_indirect_dma source(%dma_start3A_136 : memref<8192x128xf32, #tpu.memory_space<hbm>>) target(%dma_start3A_131 : memref<128x128xf32, #tpu.memory_space<vmem>>) offsets(%dma_start3A_133 : memref<128xi32, #tpu.memory_space<vmem>>) semaphore(%arg8 : memref<!tpu.dma_semaphore, #tpu.memory_space<semaphore_mem>>)
    %dma_wait3A_137 = arith.constant 2 : i32
    %dma_wait3A_138 = arith.constant 0 : i32
    %dma_wait3A_139 = arith.constant 0 : i32
    %dma_wait3A_140 = tpu.memref_slice %arg6[%dma_wait3A_137, %dma_wait3A_138, %dma_wait3A_139] : memref<4x128x128xf32, #tpu.memory_space<vmem>> -> memref<1x128x128xf32, #tpu.memory_space<vmem>>
    %dma_wait3A_141 = tpu.memref_squeeze %dma_wait3A_140 : memref<1x128x128xf32, #tpu.memory_space<vmem>> -> memref<128x128xf32, #tpu.memory_space<vmem>>
    %dma_wait3A_142 = arith.constant 256 : i32
    %dma_wait3A_143 = tpu.memref_slice %arg5[%dma_wait3A_142] : memref<2048xi32, #tpu.memory_space<vmem>> -> memref<128xi32, #tpu.memory_space<vmem>>
    %dma_wait3A_144 = arith.constant 0 : i32
    %dma_wait3A_145 = arith.constant 0 : i32
    %dma_wait3A_146 = tpu.memref_slice %arg2[%dma_wait3A_144, %dma_wait3A_145] : memref<8192x128xf32, #tpu.memory_space<hbm>> -> memref<8192x128xf32, #tpu.memory_space<hbm>>
    tpu.wait_indirect_dma semaphore(%arg9 : memref<!tpu.dma_semaphore, #tpu.memory_space<semaphore_mem>>) src(%dma_wait3A_146 : memref<8192x128xf32, #tpu.memory_space<hbm>>) dst(%dma_wait3A_141 : memref<128x128xf32, #tpu.memory_space<vmem>>)
    %add3A_147 = arith.constant 256 : i32
    %add3A_148 = arith.addi %mul3A_2, %add3A_147 : i32
    %dma_start3A_149 = arith.constant 2 : i32
    %dma_start3A_150 = arith.constant 0 : i32
    %dma_start3A_151 = arith.constant 0 : i32
    %dma_start3A_152 = tpu.memref_slice %arg6[%dma_start3A_149, %dma_start3A_150, %dma_start3A_151] : memref<4x128x128xf32, #tpu.memory_space<vmem>> -> memref<1x128x128xf32, #tpu.memory_space<vmem>>
    %dma_start3A_153 = tpu.memref_squeeze %dma_start3A_152 : memref<1x128x128xf32, #tpu.memory_space<vmem>> -> memref<128x128xf32, #tpu.memory_space<vmem>>
    %dma_start3A_154 = arith.constant 0 : i32
    %dma_start3A_155 = tpu.memref_slice %arg4[%add3A_148, %dma_start3A_154] : memref<65536x128xf32, #tpu.memory_space<hbm>> -> memref<128x128xf32, #tpu.memory_space<hbm>>
    %dma_start3A_156 = arith.constant 0 : i32
    %dma_start3A_157 = tpu.memref_slice %arg4[%add3A_148, %dma_start3A_156] : memref<65536x128xf32, #tpu.memory_space<hbm>> -> memref<128x128xf32, #tpu.memory_space<hbm>>
    %dma_start3A_158 = arith.constant 0 : i32
    %dma_start3A_159 = arith.constant 0 : i32
    %dma_start3A_160 = tpu.memref_slice %arg6[%dma_start3A_149, %dma_start3A_158, %dma_start3A_159] : memref<4x128x128xf32, #tpu.memory_space<vmem>> -> memref<1x128x128xf32, #tpu.memory_space<vmem>>
    %dma_start3A_161 = tpu.memref_squeeze %dma_start3A_160 : memref<1x128x128xf32, #tpu.memory_space<vmem>> -> memref<128x128xf32, #tpu.memory_space<vmem>>
    tpu.enqueue_dma source(%dma_start3A_161 : memref<128x128xf32, #tpu.memory_space<vmem>>) target(%dma_start3A_157 : memref<128x128xf32, #tpu.memory_space<hbm>>) target_semaphore(%arg13 : memref<!tpu.dma_semaphore, #tpu.memory_space<semaphore_mem>>)
    %dma_wait3A_162 = arith.constant 2 : i32
    %dma_wait3A_163 = arith.constant 0 : i32
    %dma_wait3A_164 = arith.constant 0 : i32
    %dma_wait3A_165 = tpu.memref_slice %arg6[%dma_wait3A_162, %dma_wait3A_163, %dma_wait3A_164] : memref<4x128x128xf32, #tpu.memory_space<vmem>> -> memref<1x128x128xf32, #tpu.memory_space<vmem>>
    %dma_wait3A_166 = tpu.memref_squeeze %dma_wait3A_165 : memref<1x128x128xf32, #tpu.memory_space<vmem>> -> memref<128x128xf32, #tpu.memory_space<vmem>>
    %dma_wait3A_167 = arith.constant 0 : i32
    %dma_wait3A_168 = tpu.memref_slice %arg4[%add3A_148, %dma_wait3A_167] : memref<65536x128xf32, #tpu.memory_space<hbm>> -> memref<128x128xf32, #tpu.memory_space<hbm>>
    %dma_wait3A_169 = arith.constant 0 : i32
    %dma_wait3A_170 = tpu.memref_slice %arg4[%add3A_148, %dma_wait3A_169] : memref<65536x128xf32, #tpu.memory_space<hbm>> -> memref<128x128xf32, #tpu.memory_space<hbm>>
    %dma_wait3A_171 = arith.constant 0 : i32
    %dma_wait3A_172 = arith.constant 0 : i32
    %dma_wait3A_173 = tpu.memref_slice %arg6[%dma_wait3A_162, %dma_wait3A_171, %dma_wait3A_172] : memref<4x128x128xf32, #tpu.memory_space<vmem>> -> memref<1x128x128xf32, #tpu.memory_space<vmem>>
    %dma_wait3A_174 = tpu.memref_squeeze %dma_wait3A_173 : memref<1x128x128xf32, #tpu.memory_space<vmem>> -> memref<128x128xf32, #tpu.memory_space<vmem>>
    tpu.wait_dma2 semaphore(%arg13 : memref<!tpu.dma_semaphore, #tpu.memory_space<semaphore_mem>>) src(%dma_wait3A_174 : memref<128x128xf32, #tpu.memory_space<vmem>>) dst(%dma_wait3A_170 : memref<128x128xf32, #tpu.memory_space<hbm>>)
    %dma_start3A_175 = arith.constant 2 : i32
    %dma_start3A_176 = arith.constant 0 : i32
    %dma_start3A_177 = arith.constant 0 : i32
    %dma_start3A_178 = tpu.memref_slice %arg6[%dma_start3A_175, %dma_start3A_176, %dma_start3A_177] : memref<4x128x128xf32, #tpu.memory_space<vmem>> -> memref<1x128x128xf32, #tpu.memory_space<vmem>>
    %dma_start3A_179 = tpu.memref_squeeze %dma_start3A_178 : memref<1x128x128xf32, #tpu.memory_space<vmem>> -> memref<128x128xf32, #tpu.memory_space<vmem>>
    %dma_start3A_180 = arith.constant 768 : i32
    %dma_start3A_181 = tpu.memref_slice %arg5[%dma_start3A_180] : memref<2048xi32, #tpu.memory_space<vmem>> -> memref<128xi32, #tpu.memory_space<vmem>>
    %dma_start3A_182 = arith.constant 0 : i32
    %dma_start3A_183 = arith.constant 0 : i32
    %dma_start3A_184 = tpu.memref_slice %arg2[%dma_start3A_182, %dma_start3A_183] : memref<8192x128xf32, #tpu.memory_space<hbm>> -> memref<8192x128xf32, #tpu.memory_space<hbm>>
    tpu.enqueue_indirect_dma source(%dma_start3A_184 : memref<8192x128xf32, #tpu.memory_space<hbm>>) target(%dma_start3A_179 : memref<128x128xf32, #tpu.memory_space<vmem>>) offsets(%dma_start3A_181 : memref<128xi32, #tpu.memory_space<vmem>>) semaphore(%arg9 : memref<!tpu.dma_semaphore, #tpu.memory_space<semaphore_mem>>)
    %dma_wait3A_185 = arith.constant 3 : i32
    %dma_wait3A_186 = arith.constant 0 : i32
    %dma_wait3A_187 = arith.constant 0 : i32
    %dma_wait3A_188 = tpu.memref_slice %arg6[%dma_wait3A_185, %dma_wait3A_186, %dma_wait3A_187] : memref<4x128x128xf32, #tpu.memory_space<vmem>> -> memref<1x128x128xf32, #tpu.memory_space<vmem>>
    %dma_wait3A_189 = tpu.memref_squeeze %dma_wait3A_188 : memref<1x128x128xf32, #tpu.memory_space<vmem>> -> memref<128x128xf32, #tpu.memory_space<vmem>>
    %dma_wait3A_190 = arith.constant 384 : i32
    %dma_wait3A_191 = tpu.memref_slice %arg5[%dma_wait3A_190] : memref<2048xi32, #tpu.memory_space<vmem>> -> memref<128xi32, #tpu.memory_space<vmem>>
    %dma_wait3A_192 = arith.constant 0 : i32
    %dma_wait3A_193 = arith.constant 0 : i32
    %dma_wait3A_194 = tpu.memref_slice %arg2[%dma_wait3A_192, %dma_wait3A_193] : memref<8192x128xf32, #tpu.memory_space<hbm>> -> memref<8192x128xf32, #tpu.memory_space<hbm>>
    tpu.wait_indirect_dma semaphore(%arg10 : memref<!tpu.dma_semaphore, #tpu.memory_space<semaphore_mem>>) src(%dma_wait3A_194 : memref<8192x128xf32, #tpu.memory_space<hbm>>) dst(%dma_wait3A_189 : memref<128x128xf32, #tpu.memory_space<vmem>>)
    %add3A_195 = arith.constant 384 : i32
    %add3A_196 = arith.addi %mul3A_2, %add3A_195 : i32
    %dma_start3A_197 = arith.constant 3 : i32
    %dma_start3A_198 = arith.constant 0 : i32
    %dma_start3A_199 = arith.constant 0 : i32
    %dma_start3A_200 = tpu.memref_slice %arg6[%dma_start3A_197, %dma_start3A_198, %dma_start3A_199] : memref<4x128x128xf32, #tpu.memory_space<vmem>> -> memref<1x128x128xf32, #tpu.memory_space<vmem>>
    %dma_start3A_201 = tpu.memref_squeeze %dma_start3A_200 : memref<1x128x128xf32, #tpu.memory_space<vmem>> -> memref<128x128xf32, #tpu.memory_space<vmem>>
    %dma_start3A_202 = arith.constant 0 : i32
    %dma_start3A_203 = tpu.memref_slice %arg4[%add3A_196, %dma_start3A_202] : memref<65536x128xf32, #tpu.memory_space<hbm>> -> memref<128x128xf32, #tpu.memory_space<hbm>>
    %dma_start3A_204 = arith.constant 0 : i32
    %dma_start3A_205 = tpu.memref_slice %arg4[%add3A_196, %dma_start3A_204] : memref<65536x128xf32, #tpu.memory_space<hbm>> -> memref<128x128xf32, #tpu.memory_space<hbm>>
    %dma_start3A_206 = arith.constant 0 : i32
    %dma_start3A_207 = arith.constant 0 : i32
    %dma_start3A_208 = tpu.memref_slice %arg6[%dma_start3A_197, %dma_start3A_206, %dma_start3A_207] : memref<4x128x128xf32, #tpu.memory_space<vmem>> -> memref<1x128x128xf32, #tpu.memory_space<vmem>>
    %dma_start3A_209 = tpu.memref_squeeze %dma_start3A_208 : memref<1x128x128xf32, #tpu.memory_space<vmem>> -> memref<128x128xf32, #tpu.memory_space<vmem>>
    tpu.enqueue_dma source(%dma_start3A_209 : memref<128x128xf32, #tpu.memory_space<vmem>>) target(%dma_start3A_205 : memref<128x128xf32, #tpu.memory_space<hbm>>) target_semaphore(%arg14 : memref<!tpu.dma_semaphore, #tpu.memory_space<semaphore_mem>>)
    %dma_wait3A_210 = arith.constant 3 : i32
    %dma_wait3A_211 = arith.constant 0 : i32
    %dma_wait3A_212 = arith.constant 0 : i32
    %dma_wait3A_213 = tpu.memref_slice %arg6[%dma_wait3A_210, %dma_wait3A_211, %dma_wait3A_212] : memref<4x128x128xf32, #tpu.memory_space<vmem>> -> memref<1x128x128xf32, #tpu.memory_space<vmem>>
    %dma_wait3A_214 = tpu.memref_squeeze %dma_wait3A_213 : memref<1x128x128xf32, #tpu.memory_space<vmem>> -> memref<128x128xf32, #tpu.memory_space<vmem>>
    %dma_wait3A_215 = arith.constant 0 : i32
    %dma_wait3A_216 = tpu.memref_slice %arg4[%add3A_196, %dma_wait3A_215] : memref<65536x128xf32, #tpu.memory_space<hbm>> -> memref<128x128xf32, #tpu.memory_space<hbm>>
    %dma_wait3A_217 = arith.constant 0 : i32
    %dma_wait3A_218 = tpu.memref_slice %arg4[%add3A_196, %dma_wait3A_217] : memref<65536x128xf32, #tpu.memory_space<hbm>> -> memref<128x128xf32, #tpu.memory_space<hbm>>
    %dma_wait3A_219 = arith.constant 0 : i32
    %dma_wait3A_220 = arith.constant 0 : i32
    %dma_wait3A_221 = tpu.memref_slice %arg6[%dma_wait3A_210, %dma_wait3A_219, %dma_wait3A_220] : memref<4x128x128xf32, #tpu.memory_space<vmem>> -> memref<1x128x128xf32, #tpu.memory_space<vmem>>
    %dma_wait3A_222 = tpu.memref_squeeze %dma_wait3A_221 : memref<1x128x128xf32, #tpu.memory_space<vmem>> -> memref<128x128xf32, #tpu.memory_space<vmem>>
    tpu.wait_dma2 semaphore(%arg14 : memref<!tpu.dma_semaphore, #tpu.memory_space<semaphore_mem>>) src(%dma_wait3A_222 : memref<128x128xf32, #tpu.memory_space<vmem>>) dst(%dma_wait3A_218 : memref<128x128xf32, #tpu.memory_space<hbm>>)
    %dma_start3A_223 = arith.constant 3 : i32
    %dma_start3A_224 = arith.constant 0 : i32
    %dma_start3A_225 = arith.constant 0 : i32
    %dma_start3A_226 = tpu.memref_slice %arg6[%dma_start3A_223, %dma_start3A_224, %dma_start3A_225] : memref<4x128x128xf32, #tpu.memory_space<vmem>> -> memref<1x128x128xf32, #tpu.memory_space<vmem>>
    %dma_start3A_227 = tpu.memref_squeeze %dma_start3A_226 : memref<1x128x128xf32, #tpu.memory_space<vmem>> -> memref<128x128xf32, #tpu.memory_space<vmem>>
    %dma_start3A_228 = arith.constant 896 : i32
    %dma_start3A_229 = tpu.memref_slice %arg5[%dma_start3A_228] : memref<2048xi32, #tpu.memory_space<vmem>> -> memref<128xi32, #tpu.memory_space<vmem>>
    %dma_start3A_230 = arith.constant 0 : i32
    %dma_start3A_231 = arith.constant 0 : i32
    %dma_start3A_232 = tpu.memref_slice %arg2[%dma_start3A_230, %dma_start3A_231] : memref<8192x128xf32, #tpu.memory_space<hbm>> -> memref<8192x128xf32, #tpu.memory_space<hbm>>
    tpu.enqueue_indirect_dma source(%dma_start3A_232 : memref<8192x128xf32, #tpu.memory_space<hbm>>) target(%dma_start3A_227 : memref<128x128xf32, #tpu.memory_space<vmem>>) offsets(%dma_start3A_229 : memref<128xi32, #tpu.memory_space<vmem>>) semaphore(%arg10 : memref<!tpu.dma_semaphore, #tpu.memory_space<semaphore_mem>>)
    %dma_wait3A_233 = arith.constant 0 : i32
    %dma_wait3A_234 = arith.constant 0 : i32
    %dma_wait3A_235 = arith.constant 0 : i32
    %dma_wait3A_236 = tpu.memref_slice %arg6[%dma_wait3A_233, %dma_wait3A_234, %dma_wait3A_235] : memref<4x128x128xf32, #tpu.memory_space<vmem>> -> memref<1x128x128xf32, #tpu.memory_space<vmem>>
    %dma_wait3A_237 = tpu.memref_squeeze %dma_wait3A_236 : memref<1x128x128xf32, #tpu.memory_space<vmem>> -> memref<128x128xf32, #tpu.memory_space<vmem>>
    %dma_wait3A_238 = arith.constant 512 : i32
    %dma_wait3A_239 = tpu.memref_slice %arg5[%dma_wait3A_238] : memref<2048xi32, #tpu.memory_space<vmem>> -> memref<128xi32, #tpu.memory_space<vmem>>
    %dma_wait3A_240 = arith.constant 0 : i32
    %dma_wait3A_241 = arith.constant 0 : i32
    %dma_wait3A_242 = tpu.memref_slice %arg2[%dma_wait3A_240, %dma_wait3A_241] : memref<8192x128xf32, #tpu.memory_space<hbm>> -> memref<8192x128xf32, #tpu.memory_space<hbm>>
    tpu.wait_indirect_dma semaphore(%arg7 : memref<!tpu.dma_semaphore, #tpu.memory_space<semaphore_mem>>) src(%dma_wait3A_242 : memref<8192x128xf32, #tpu.memory_space<hbm>>) dst(%dma_wait3A_237 : memref<128x128xf32, #tpu.memory_space<vmem>>)
    %add3A_243 = arith.constant 512 : i32
    %add3A_244 = arith.addi %mul3A_2, %add3A_243 : i32
    %dma_start3A_245 = arith.constant 0 : i32
    %dma_start3A_246 = arith.constant 0 : i32
    %dma_start3A_247 = arith.constant 0 : i32
    %dma_start3A_248 = tpu.memref_slice %arg6[%dma_start3A_245, %dma_start3A_246, %dma_start3A_247] : memref<4x128x128xf32, #tpu.memory_space<vmem>> -> memref<1x128x128xf32, #tpu.memory_space<vmem>>
    %dma_start3A_249 = tpu.memref_squeeze %dma_start3A_248 : memref<1x128x128xf32, #tpu.memory_space<vmem>> -> memref<128x128xf32, #tpu.memory_space<vmem>>
    %dma_start3A_250 = arith.constant 0 : i32
    %dma_start3A_251 = tpu.memref_slice %arg4[%add3A_244, %dma_start3A_250] : memref<65536x128xf32, #tpu.memory_space<hbm>> -> memref<128x128xf32, #tpu.memory_space<hbm>>
    %dma_start3A_252 = arith.constant 0 : i32
    %dma_start3A_253 = tpu.memref_slice %arg4[%add3A_244, %dma_start3A_252] : memref<65536x128xf32, #tpu.memory_space<hbm>> -> memref<128x128xf32, #tpu.memory_space<hbm>>
    %dma_start3A_254 = arith.constant 0 : i32
    %dma_start3A_255 = arith.constant 0 : i32
    %dma_start3A_256 = tpu.memref_slice %arg6[%dma_start3A_245, %dma_start3A_254, %dma_start3A_255] : memref<4x128x128xf32, #tpu.memory_space<vmem>> -> memref<1x128x128xf32, #tpu.memory_space<vmem>>
    %dma_start3A_257 = tpu.memref_squeeze %dma_start3A_256 : memref<1x128x128xf32, #tpu.memory_space<vmem>> -> memref<128x128xf32, #tpu.memory_space<vmem>>
    tpu.enqueue_dma source(%dma_start3A_257 : memref<128x128xf32, #tpu.memory_space<vmem>>) target(%dma_start3A_253 : memref<128x128xf32, #tpu.memory_space<hbm>>) target_semaphore(%arg11 : memref<!tpu.dma_semaphore, #tpu.memory_space<semaphore_mem>>)
    %dma_wait3A_258 = arith.constant 0 : i32
    %dma_wait3A_259 = arith.constant 0 : i32
    %dma_wait3A_260 = arith.constant 0 : i32
    %dma_wait3A_261 = tpu.memref_slice %arg6[%dma_wait3A_258, %dma_wait3A_259, %dma_wait3A_260] : memref<4x128x128xf32, #tpu.memory_space<vmem>> -> memref<1x128x128xf32, #tpu.memory_space<vmem>>
    %dma_wait3A_262 = tpu.memref_squeeze %dma_wait3A_261 : memref<1x128x128xf32, #tpu.memory_space<vmem>> -> memref<128x128xf32, #tpu.memory_space<vmem>>
    %dma_wait3A_263 = arith.constant 0 : i32
    %dma_wait3A_264 = tpu.memref_slice %arg4[%add3A_244, %dma_wait3A_263] : memref<65536x128xf32, #tpu.memory_space<hbm>> -> memref<128x128xf32, #tpu.memory_space<hbm>>
    %dma_wait3A_265 = arith.constant 0 : i32
    %dma_wait3A_266 = tpu.memref_slice %arg4[%add3A_244, %dma_wait3A_265] : memref<65536x128xf32, #tpu.memory_space<hbm>> -> memref<128x128xf32, #tpu.memory_space<hbm>>
    %dma_wait3A_267 = arith.constant 0 : i32
    %dma_wait3A_268 = arith.constant 0 : i32
    %dma_wait3A_269 = tpu.memref_slice %arg6[%dma_wait3A_258, %dma_wait3A_267, %dma_wait3A_268] : memref<4x128x128xf32, #tpu.memory_space<vmem>> -> memref<1x128x128xf32, #tpu.memory_space<vmem>>
    %dma_wait3A_270 = tpu.memref_squeeze %dma_wait3A_269 : memref<1x128x128xf32, #tpu.memory_space<vmem>> -> memref<128x128xf32, #tpu.memory_space<vmem>>
    tpu.wait_dma2 semaphore(%arg11 : memref<!tpu.dma_semaphore, #tpu.memory_space<semaphore_mem>>) src(%dma_wait3A_270 : memref<128x128xf32, #tpu.memory_space<vmem>>) dst(%dma_wait3A_266 : memref<128x128xf32, #tpu.memory_space<hbm>>)
    %dma_start3A_271 = arith.constant 0 : i32
    %dma_start3A_272 = arith.constant 0 : i32
    %dma_start3A_273 = arith.constant 0 : i32
    %dma_start3A_274 = tpu.memref_slice %arg6[%dma_start3A_271, %dma_start3A_272, %dma_start3A_273] : memref<4x128x128xf32, #tpu.memory_space<vmem>> -> memref<1x128x128xf32, #tpu.memory_space<vmem>>
    %dma_start3A_275 = tpu.memref_squeeze %dma_start3A_274 : memref<1x128x128xf32, #tpu.memory_space<vmem>> -> memref<128x128xf32, #tpu.memory_space<vmem>>
    %dma_start3A_276 = arith.constant 1024 : i32
    %dma_start3A_277 = tpu.memref_slice %arg5[%dma_start3A_276] : memref<2048xi32, #tpu.memory_space<vmem>> -> memref<128xi32, #tpu.memory_space<vmem>>
    %dma_start3A_278 = arith.constant 0 : i32
    %dma_start3A_279 = arith.constant 0 : i32
    %dma_start3A_280 = tpu.memref_slice %arg2[%dma_start3A_278, %dma_start3A_279] : memref<8192x128xf32, #tpu.memory_space<hbm>> -> memref<8192x128xf32, #tpu.memory_space<hbm>>
    tpu.enqueue_indirect_dma source(%dma_start3A_280 : memref<8192x128xf32, #tpu.memory_space<hbm>>) target(%dma_start3A_275 : memref<128x128xf32, #tpu.memory_space<vmem>>) offsets(%dma_start3A_277 : memref<128xi32, #tpu.memory_space<vmem>>) semaphore(%arg7 : memref<!tpu.dma_semaphore, #tpu.memory_space<semaphore_mem>>)
    %dma_wait3A_281 = arith.constant 1 : i32
    %dma_wait3A_282 = arith.constant 0 : i32
    %dma_wait3A_283 = arith.constant 0 : i32
    %dma_wait3A_284 = tpu.memref_slice %arg6[%dma_wait3A_281, %dma_wait3A_282, %dma_wait3A_283] : memref<4x128x128xf32, #tpu.memory_space<vmem>> -> memref<1x128x128xf32, #tpu.memory_space<vmem>>
    %dma_wait3A_285 = tpu.memref_squeeze %dma_wait3A_284 : memref<1x128x128xf32, #tpu.memory_space<vmem>> -> memref<128x128xf32, #tpu.memory_space<vmem>>
    %dma_wait3A_286 = arith.constant 640 : i32
    %dma_wait3A_287 = tpu.memref_slice %arg5[%dma_wait3A_286] : memref<2048xi32, #tpu.memory_space<vmem>> -> memref<128xi32, #tpu.memory_space<vmem>>
    %dma_wait3A_288 = arith.constant 0 : i32
    %dma_wait3A_289 = arith.constant 0 : i32
    %dma_wait3A_290 = tpu.memref_slice %arg2[%dma_wait3A_288, %dma_wait3A_289] : memref<8192x128xf32, #tpu.memory_space<hbm>> -> memref<8192x128xf32, #tpu.memory_space<hbm>>
    tpu.wait_indirect_dma semaphore(%arg8 : memref<!tpu.dma_semaphore, #tpu.memory_space<semaphore_mem>>) src(%dma_wait3A_290 : memref<8192x128xf32, #tpu.memory_space<hbm>>) dst(%dma_wait3A_285 : memref<128x128xf32, #tpu.memory_space<vmem>>)
    %add3A_291 = arith.constant 640 : i32
    %add3A_292 = arith.addi %mul3A_2, %add3A_291 : i32
    %dma_start3A_293 = arith.constant 1 : i32
    %dma_start3A_294 = arith.constant 0 : i32
    %dma_start3A_295 = arith.constant 0 : i32
    %dma_start3A_296 = tpu.memref_slice %arg6[%dma_start3A_293, %dma_start3A_294, %dma_start3A_295] : memref<4x128x128xf32, #tpu.memory_space<vmem>> -> memref<1x128x128xf32, #tpu.memory_space<vmem>>
    %dma_start3A_297 = tpu.memref_squeeze %dma_start3A_296 : memref<1x128x128xf32, #tpu.memory_space<vmem>> -> memref<128x128xf32, #tpu.memory_space<vmem>>
    %dma_start3A_298 = arith.constant 0 : i32
    %dma_start3A_299 = tpu.memref_slice %arg4[%add3A_292, %dma_start3A_298] : memref<65536x128xf32, #tpu.memory_space<hbm>> -> memref<128x128xf32, #tpu.memory_space<hbm>>
    %dma_start3A_300 = arith.constant 0 : i32
    %dma_start3A_301 = tpu.memref_slice %arg4[%add3A_292, %dma_start3A_300] : memref<65536x128xf32, #tpu.memory_space<hbm>> -> memref<128x128xf32, #tpu.memory_space<hbm>>
    %dma_start3A_302 = arith.constant 0 : i32
    %dma_start3A_303 = arith.constant 0 : i32
    %dma_start3A_304 = tpu.memref_slice %arg6[%dma_start3A_293, %dma_start3A_302, %dma_start3A_303] : memref<4x128x128xf32, #tpu.memory_space<vmem>> -> memref<1x128x128xf32, #tpu.memory_space<vmem>>
    %dma_start3A_305 = tpu.memref_squeeze %dma_start3A_304 : memref<1x128x128xf32, #tpu.memory_space<vmem>> -> memref<128x128xf32, #tpu.memory_space<vmem>>
    tpu.enqueue_dma source(%dma_start3A_305 : memref<128x128xf32, #tpu.memory_space<vmem>>) target(%dma_start3A_301 : memref<128x128xf32, #tpu.memory_space<hbm>>) target_semaphore(%arg12 : memref<!tpu.dma_semaphore, #tpu.memory_space<semaphore_mem>>)
    %dma_wait3A_306 = arith.constant 1 : i32
    %dma_wait3A_307 = arith.constant 0 : i32
    %dma_wait3A_308 = arith.constant 0 : i32
    %dma_wait3A_309 = tpu.memref_slice %arg6[%dma_wait3A_306, %dma_wait3A_307, %dma_wait3A_308] : memref<4x128x128xf32, #tpu.memory_space<vmem>> -> memref<1x128x128xf32, #tpu.memory_space<vmem>>
    %dma_wait3A_310 = tpu.memref_squeeze %dma_wait3A_309 : memref<1x128x128xf32, #tpu.memory_space<vmem>> -> memref<128x128xf32, #tpu.memory_space<vmem>>
    %dma_wait3A_311 = arith.constant 0 : i32
    %dma_wait3A_312 = tpu.memref_slice %arg4[%add3A_292, %dma_wait3A_311] : memref<65536x128xf32, #tpu.memory_space<hbm>> -> memref<128x128xf32, #tpu.memory_space<hbm>>
    %dma_wait3A_313 = arith.constant 0 : i32
    %dma_wait3A_314 = tpu.memref_slice %arg4[%add3A_292, %dma_wait3A_313] : memref<65536x128xf32, #tpu.memory_space<hbm>> -> memref<128x128xf32, #tpu.memory_space<hbm>>
    %dma_wait3A_315 = arith.constant 0 : i32
    %dma_wait3A_316 = arith.constant 0 : i32
    %dma_wait3A_317 = tpu.memref_slice %arg6[%dma_wait3A_306, %dma_wait3A_315, %dma_wait3A_316] : memref<4x128x128xf32, #tpu.memory_space<vmem>> -> memref<1x128x128xf32, #tpu.memory_space<vmem>>
    %dma_wait3A_318 = tpu.memref_squeeze %dma_wait3A_317 : memref<1x128x128xf32, #tpu.memory_space<vmem>> -> memref<128x128xf32, #tpu.memory_space<vmem>>
    tpu.wait_dma2 semaphore(%arg12 : memref<!tpu.dma_semaphore, #tpu.memory_space<semaphore_mem>>) src(%dma_wait3A_318 : memref<128x128xf32, #tpu.memory_space<vmem>>) dst(%dma_wait3A_314 : memref<128x128xf32, #tpu.memory_space<hbm>>)
    %dma_start3A_319 = arith.constant 1 : i32
    %dma_start3A_320 = arith.constant 0 : i32
    %dma_start3A_321 = arith.constant 0 : i32
    %dma_start3A_322 = tpu.memref_slice %arg6[%dma_start3A_319, %dma_start3A_320, %dma_start3A_321] : memref<4x128x128xf32, #tpu.memory_space<vmem>> -> memref<1x128x128xf32, #tpu.memory_space<vmem>>
    %dma_start3A_323 = tpu.memref_squeeze %dma_start3A_322 : memref<1x128x128xf32, #tpu.memory_space<vmem>> -> memref<128x128xf32, #tpu.memory_space<vmem>>
    %dma_start3A_324 = arith.constant 1152 : i32
    %dma_start3A_325 = tpu.memref_slice %arg5[%dma_start3A_324] : memref<2048xi32, #tpu.memory_space<vmem>> -> memref<128xi32, #tpu.memory_space<vmem>>
    %dma_start3A_326 = arith.constant 0 : i32
    %dma_start3A_327 = arith.constant 0 : i32
    %dma_start3A_328 = tpu.memref_slice %arg2[%dma_start3A_326, %dma_start3A_327] : memref<8192x128xf32, #tpu.memory_space<hbm>> -> memref<8192x128xf32, #tpu.memory_space<hbm>>
    tpu.enqueue_indirect_dma source(%dma_start3A_328 : memref<8192x128xf32, #tpu.memory_space<hbm>>) target(%dma_start3A_323 : memref<128x128xf32, #tpu.memory_space<vmem>>) offsets(%dma_start3A_325 : memref<128xi32, #tpu.memory_space<vmem>>) semaphore(%arg8 : memref<!tpu.dma_semaphore, #tpu.memory_space<semaphore_mem>>)
    %dma_wait3A_329 = arith.constant 2 : i32
    %dma_wait3A_330 = arith.constant 0 : i32
    %dma_wait3A_331 = arith.constant 0 : i32
    %dma_wait3A_332 = tpu.memref_slice %arg6[%dma_wait3A_329, %dma_wait3A_330, %dma_wait3A_331] : memref<4x128x128xf32, #tpu.memory_space<vmem>> -> memref<1x128x128xf32, #tpu.memory_space<vmem>>
    %dma_wait3A_333 = tpu.memref_squeeze %dma_wait3A_332 : memref<1x128x128xf32, #tpu.memory_space<vmem>> -> memref<128x128xf32, #tpu.memory_space<vmem>>
    %dma_wait3A_334 = arith.constant 768 : i32
    %dma_wait3A_335 = tpu.memref_slice %arg5[%dma_wait3A_334] : memref<2048xi32, #tpu.memory_space<vmem>> -> memref<128xi32, #tpu.memory_space<vmem>>
    %dma_wait3A_336 = arith.constant 0 : i32
    %dma_wait3A_337 = arith.constant 0 : i32
    %dma_wait3A_338 = tpu.memref_slice %arg2[%dma_wait3A_336, %dma_wait3A_337] : memref<8192x128xf32, #tpu.memory_space<hbm>> -> memref<8192x128xf32, #tpu.memory_space<hbm>>
    tpu.wait_indirect_dma semaphore(%arg9 : memref<!tpu.dma_semaphore, #tpu.memory_space<semaphore_mem>>) src(%dma_wait3A_338 : memref<8192x128xf32, #tpu.memory_space<hbm>>) dst(%dma_wait3A_333 : memref<128x128xf32, #tpu.memory_space<vmem>>)
    %add3A_339 = arith.constant 768 : i32
    %add3A_340 = arith.addi %mul3A_2, %add3A_339 : i32
    %dma_start3A_341 = arith.constant 2 : i32
    %dma_start3A_342 = arith.constant 0 : i32
    %dma_start3A_343 = arith.constant 0 : i32
    %dma_start3A_344 = tpu.memref_slice %arg6[%dma_start3A_341, %dma_start3A_342, %dma_start3A_343] : memref<4x128x128xf32, #tpu.memory_space<vmem>> -> memref<1x128x128xf32, #tpu.memory_space<vmem>>
    %dma_start3A_345 = tpu.memref_squeeze %dma_start3A_344 : memref<1x128x128xf32, #tpu.memory_space<vmem>> -> memref<128x128xf32, #tpu.memory_space<vmem>>
    %dma_start3A_346 = arith.constant 0 : i32
    %dma_start3A_347 = tpu.memref_slice %arg4[%add3A_340, %dma_start3A_346] : memref<65536x128xf32, #tpu.memory_space<hbm>> -> memref<128x128xf32, #tpu.memory_space<hbm>>
    %dma_start3A_348 = arith.constant 0 : i32
    %dma_start3A_349 = tpu.memref_slice %arg4[%add3A_340, %dma_start3A_348] : memref<65536x128xf32, #tpu.memory_space<hbm>> -> memref<128x128xf32, #tpu.memory_space<hbm>>
    %dma_start3A_350 = arith.constant 0 : i32
    %dma_start3A_351 = arith.constant 0 : i32
    %dma_start3A_352 = tpu.memref_slice %arg6[%dma_start3A_341, %dma_start3A_350, %dma_start3A_351] : memref<4x128x128xf32, #tpu.memory_space<vmem>> -> memref<1x128x128xf32, #tpu.memory_space<vmem>>
    %dma_start3A_353 = tpu.memref_squeeze %dma_start3A_352 : memref<1x128x128xf32, #tpu.memory_space<vmem>> -> memref<128x128xf32, #tpu.memory_space<vmem>>
    tpu.enqueue_dma source(%dma_start3A_353 : memref<128x128xf32, #tpu.memory_space<vmem>>) target(%dma_start3A_349 : memref<128x128xf32, #tpu.memory_space<hbm>>) target_semaphore(%arg13 : memref<!tpu.dma_semaphore, #tpu.memory_space<semaphore_mem>>)
    %dma_wait3A_354 = arith.constant 2 : i32
    %dma_wait3A_355 = arith.constant 0 : i32
    %dma_wait3A_356 = arith.constant 0 : i32
    %dma_wait3A_357 = tpu.memref_slice %arg6[%dma_wait3A_354, %dma_wait3A_355, %dma_wait3A_356] : memref<4x128x128xf32, #tpu.memory_space<vmem>> -> memref<1x128x128xf32, #tpu.memory_space<vmem>>
    %dma_wait3A_358 = tpu.memref_squeeze %dma_wait3A_357 : memref<1x128x128xf32, #tpu.memory_space<vmem>> -> memref<128x128xf32, #tpu.memory_space<vmem>>
    %dma_wait3A_359 = arith.constant 0 : i32
    %dma_wait3A_360 = tpu.memref_slice %arg4[%add3A_340, %dma_wait3A_359] : memref<65536x128xf32, #tpu.memory_space<hbm>> -> memref<128x128xf32, #tpu.memory_space<hbm>>
    %dma_wait3A_361 = arith.constant 0 : i32
    %dma_wait3A_362 = tpu.memref_slice %arg4[%add3A_340, %dma_wait3A_361] : memref<65536x128xf32, #tpu.memory_space<hbm>> -> memref<128x128xf32, #tpu.memory_space<hbm>>
    %dma_wait3A_363 = arith.constant 0 : i32
    %dma_wait3A_364 = arith.constant 0 : i32
    %dma_wait3A_365 = tpu.memref_slice %arg6[%dma_wait3A_354, %dma_wait3A_363, %dma_wait3A_364] : memref<4x128x128xf32, #tpu.memory_space<vmem>> -> memref<1x128x128xf32, #tpu.memory_space<vmem>>
    %dma_wait3A_366 = tpu.memref_squeeze %dma_wait3A_365 : memref<1x128x128xf32, #tpu.memory_space<vmem>> -> memref<128x128xf32, #tpu.memory_space<vmem>>
    tpu.wait_dma2 semaphore(%arg13 : memref<!tpu.dma_semaphore, #tpu.memory_space<semaphore_mem>>) src(%dma_wait3A_366 : memref<128x128xf32, #tpu.memory_space<vmem>>) dst(%dma_wait3A_362 : memref<128x128xf32, #tpu.memory_space<hbm>>)
    %dma_start3A_367 = arith.constant 2 : i32
    %dma_start3A_368 = arith.constant 0 : i32
    %dma_start3A_369 = arith.constant 0 : i32
    %dma_start3A_370 = tpu.memref_slice %arg6[%dma_start3A_367, %dma_start3A_368, %dma_start3A_369] : memref<4x128x128xf32, #tpu.memory_space<vmem>> -> memref<1x128x128xf32, #tpu.memory_space<vmem>>
    %dma_start3A_371 = tpu.memref_squeeze %dma_start3A_370 : memref<1x128x128xf32, #tpu.memory_space<vmem>> -> memref<128x128xf32, #tpu.memory_space<vmem>>
    %dma_start3A_372 = arith.constant 1280 : i32
    %dma_start3A_373 = tpu.memref_slice %arg5[%dma_start3A_372] : memref<2048xi32, #tpu.memory_space<vmem>> -> memref<128xi32, #tpu.memory_space<vmem>>
    %dma_start3A_374 = arith.constant 0 : i32
    %dma_start3A_375 = arith.constant 0 : i32
    %dma_start3A_376 = tpu.memref_slice %arg2[%dma_start3A_374, %dma_start3A_375] : memref<8192x128xf32, #tpu.memory_space<hbm>> -> memref<8192x128xf32, #tpu.memory_space<hbm>>
    tpu.enqueue_indirect_dma source(%dma_start3A_376 : memref<8192x128xf32, #tpu.memory_space<hbm>>) target(%dma_start3A_371 : memref<128x128xf32, #tpu.memory_space<vmem>>) offsets(%dma_start3A_373 : memref<128xi32, #tpu.memory_space<vmem>>) semaphore(%arg9 : memref<!tpu.dma_semaphore, #tpu.memory_space<semaphore_mem>>)
    %dma_wait3A_377 = arith.constant 3 : i32
    %dma_wait3A_378 = arith.constant 0 : i32
    %dma_wait3A_379 = arith.constant 0 : i32
    %dma_wait3A_380 = tpu.memref_slice %arg6[%dma_wait3A_377, %dma_wait3A_378, %dma_wait3A_379] : memref<4x128x128xf32, #tpu.memory_space<vmem>> -> memref<1x128x128xf32, #tpu.memory_space<vmem>>
    %dma_wait3A_381 = tpu.memref_squeeze %dma_wait3A_380 : memref<1x128x128xf32, #tpu.memory_space<vmem>> -> memref<128x128xf32, #tpu.memory_space<vmem>>
    %dma_wait3A_382 = arith.constant 896 : i32
    %dma_wait3A_383 = tpu.memref_slice %arg5[%dma_wait3A_382] : memref<2048xi32, #tpu.memory_space<vmem>> -> memref<128xi32, #tpu.memory_space<vmem>>
    %dma_wait3A_384 = arith.constant 0 : i32
    %dma_wait3A_385 = arith.constant 0 : i32
    %dma_wait3A_386 = tpu.memref_slice %arg2[%dma_wait3A_384, %dma_wait3A_385] : memref<8192x128xf32, #tpu.memory_space<hbm>> -> memref<8192x128xf32, #tpu.memory_space<hbm>>
    tpu.wait_indirect_dma semaphore(%arg10 : memref<!tpu.dma_semaphore, #tpu.memory_space<semaphore_mem>>) src(%dma_wait3A_386 : memref<8192x128xf32, #tpu.memory_space<hbm>>) dst(%dma_wait3A_381 : memref<128x128xf32, #tpu.memory_space<vmem>>)
    %add3A_387 = arith.constant 896 : i32
    %add3A_388 = arith.addi %mul3A_2, %add3A_387 : i32
    %dma_start3A_389 = arith.constant 3 : i32
    %dma_start3A_390 = arith.constant 0 : i32
    %dma_start3A_391 = arith.constant 0 : i32
    %dma_start3A_392 = tpu.memref_slice %arg6[%dma_start3A_389, %dma_start3A_390, %dma_start3A_391] : memref<4x128x128xf32, #tpu.memory_space<vmem>> -> memref<1x128x128xf32, #tpu.memory_space<vmem>>
    %dma_start3A_393 = tpu.memref_squeeze %dma_start3A_392 : memref<1x128x128xf32, #tpu.memory_space<vmem>> -> memref<128x128xf32, #tpu.memory_space<vmem>>
    %dma_start3A_394 = arith.constant 0 : i32
    %dma_start3A_395 = tpu.memref_slice %arg4[%add3A_388, %dma_start3A_394] : memref<65536x128xf32, #tpu.memory_space<hbm>> -> memref<128x128xf32, #tpu.memory_space<hbm>>
    %dma_start3A_396 = arith.constant 0 : i32
    %dma_start3A_397 = tpu.memref_slice %arg4[%add3A_388, %dma_start3A_396] : memref<65536x128xf32, #tpu.memory_space<hbm>> -> memref<128x128xf32, #tpu.memory_space<hbm>>
    %dma_start3A_398 = arith.constant 0 : i32
    %dma_start3A_399 = arith.constant 0 : i32
    %dma_start3A_400 = tpu.memref_slice %arg6[%dma_start3A_389, %dma_start3A_398, %dma_start3A_399] : memref<4x128x128xf32, #tpu.memory_space<vmem>> -> memref<1x128x128xf32, #tpu.memory_space<vmem>>
    %dma_start3A_401 = tpu.memref_squeeze %dma_start3A_400 : memref<1x128x128xf32, #tpu.memory_space<vmem>> -> memref<128x128xf32, #tpu.memory_space<vmem>>
    tpu.enqueue_dma source(%dma_start3A_401 : memref<128x128xf32, #tpu.memory_space<vmem>>) target(%dma_start3A_397 : memref<128x128xf32, #tpu.memory_space<hbm>>) target_semaphore(%arg14 : memref<!tpu.dma_semaphore, #tpu.memory_space<semaphore_mem>>)
    %dma_wait3A_402 = arith.constant 3 : i32
    %dma_wait3A_403 = arith.constant 0 : i32
    %dma_wait3A_404 = arith.constant 0 : i32
    %dma_wait3A_405 = tpu.memref_slice %arg6[%dma_wait3A_402, %dma_wait3A_403, %dma_wait3A_404] : memref<4x128x128xf32, #tpu.memory_space<vmem>> -> memref<1x128x128xf32, #tpu.memory_space<vmem>>
    %dma_wait3A_406 = tpu.memref_squeeze %dma_wait3A_405 : memref<1x128x128xf32, #tpu.memory_space<vmem>> -> memref<128x128xf32, #tpu.memory_space<vmem>>
    %dma_wait3A_407 = arith.constant 0 : i32
    %dma_wait3A_408 = tpu.memref_slice %arg4[%add3A_388, %dma_wait3A_407] : memref<65536x128xf32, #tpu.memory_space<hbm>> -> memref<128x128xf32, #tpu.memory_space<hbm>>
    %dma_wait3A_409 = arith.constant 0 : i32
    %dma_wait3A_410 = tpu.memref_slice %arg4[%add3A_388, %dma_wait3A_409] : memref<65536x128xf32, #tpu.memory_space<hbm>> -> memref<128x128xf32, #tpu.memory_space<hbm>>
    %dma_wait3A_411 = arith.constant 0 : i32
    %dma_wait3A_412 = arith.constant 0 : i32
    %dma_wait3A_413 = tpu.memref_slice %arg6[%dma_wait3A_402, %dma_wait3A_411, %dma_wait3A_412] : memref<4x128x128xf32, #tpu.memory_space<vmem>> -> memref<1x128x128xf32, #tpu.memory_space<vmem>>
    %dma_wait3A_414 = tpu.memref_squeeze %dma_wait3A_413 : memref<1x128x128xf32, #tpu.memory_space<vmem>> -> memref<128x128xf32, #tpu.memory_space<vmem>>
    tpu.wait_dma2 semaphore(%arg14 : memref<!tpu.dma_semaphore, #tpu.memory_space<semaphore_mem>>) src(%dma_wait3A_414 : memref<128x128xf32, #tpu.memory_space<vmem>>) dst(%dma_wait3A_410 : memref<128x128xf32, #tpu.memory_space<hbm>>)
    %dma_start3A_415 = arith.constant 3 : i32
    %dma_start3A_416 = arith.constant 0 : i32
    %dma_start3A_417 = arith.constant 0 : i32
    %dma_start3A_418 = tpu.memref_slice %arg6[%dma_start3A_415, %dma_start3A_416, %dma_start3A_417] : memref<4x128x128xf32, #tpu.memory_space<vmem>> -> memref<1x128x128xf32, #tpu.memory_space<vmem>>
    %dma_start3A_419 = tpu.memref_squeeze %dma_start3A_418 : memref<1x128x128xf32, #tpu.memory_space<vmem>> -> memref<128x128xf32, #tpu.memory_space<vmem>>
    %dma_start3A_420 = arith.constant 1408 : i32
    %dma_start3A_421 = tpu.memref_slice %arg5[%dma_start3A_420] : memref<2048xi32, #tpu.memory_space<vmem>> -> memref<128xi32, #tpu.memory_space<vmem>>
    %dma_start3A_422 = arith.constant 0 : i32
    %dma_start3A_423 = arith.constant 0 : i32
    %dma_start3A_424 = tpu.memref_slice %arg2[%dma_start3A_422, %dma_start3A_423] : memref<8192x128xf32, #tpu.memory_space<hbm>> -> memref<8192x128xf32, #tpu.memory_space<hbm>>
    tpu.enqueue_indirect_dma source(%dma_start3A_424 : memref<8192x128xf32, #tpu.memory_space<hbm>>) target(%dma_start3A_419 : memref<128x128xf32, #tpu.memory_space<vmem>>) offsets(%dma_start3A_421 : memref<128xi32, #tpu.memory_space<vmem>>) semaphore(%arg10 : memref<!tpu.dma_semaphore, #tpu.memory_space<semaphore_mem>>)
    %dma_wait3A_425 = arith.constant 0 : i32
    %dma_wait3A_426 = arith.constant 0 : i32
    %dma_wait3A_427 = arith.constant 0 : i32
    %dma_wait3A_428 = tpu.memref_slice %arg6[%dma_wait3A_425, %dma_wait3A_426, %dma_wait3A_427] : memref<4x128x128xf32, #tpu.memory_space<vmem>> -> memref<1x128x128xf32, #tpu.memory_space<vmem>>
    %dma_wait3A_429 = tpu.memref_squeeze %dma_wait3A_428 : memref<1x128x128xf32, #tpu.memory_space<vmem>> -> memref<128x128xf32, #tpu.memory_space<vmem>>
    %dma_wait3A_430 = arith.constant 1024 : i32
    %dma_wait3A_431 = tpu.memref_slice %arg5[%dma_wait3A_430] : memref<2048xi32, #tpu.memory_space<vmem>> -> memref<128xi32, #tpu.memory_space<vmem>>
    %dma_wait3A_432 = arith.constant 0 : i32
    %dma_wait3A_433 = arith.constant 0 : i32
    %dma_wait3A_434 = tpu.memref_slice %arg2[%dma_wait3A_432, %dma_wait3A_433] : memref<8192x128xf32, #tpu.memory_space<hbm>> -> memref<8192x128xf32, #tpu.memory_space<hbm>>
    tpu.wait_indirect_dma semaphore(%arg7 : memref<!tpu.dma_semaphore, #tpu.memory_space<semaphore_mem>>) src(%dma_wait3A_434 : memref<8192x128xf32, #tpu.memory_space<hbm>>) dst(%dma_wait3A_429 : memref<128x128xf32, #tpu.memory_space<vmem>>)
    %add3A_435 = arith.constant 1024 : i32
    %add3A_436 = arith.addi %mul3A_2, %add3A_435 : i32
    %dma_start3A_437 = arith.constant 0 : i32
    %dma_start3A_438 = arith.constant 0 : i32
    %dma_start3A_439 = arith.constant 0 : i32
    %dma_start3A_440 = tpu.memref_slice %arg6[%dma_start3A_437, %dma_start3A_438, %dma_start3A_439] : memref<4x128x128xf32, #tpu.memory_space<vmem>> -> memref<1x128x128xf32, #tpu.memory_space<vmem>>
    %dma_start3A_441 = tpu.memref_squeeze %dma_start3A_440 : memref<1x128x128xf32, #tpu.memory_space<vmem>> -> memref<128x128xf32, #tpu.memory_space<vmem>>
    %dma_start3A_442 = arith.constant 0 : i32
    %dma_start3A_443 = tpu.memref_slice %arg4[%add3A_436, %dma_start3A_442] : memref<65536x128xf32, #tpu.memory_space<hbm>> -> memref<128x128xf32, #tpu.memory_space<hbm>>
    %dma_start3A_444 = arith.constant 0 : i32
    %dma_start3A_445 = tpu.memref_slice %arg4[%add3A_436, %dma_start3A_444] : memref<65536x128xf32, #tpu.memory_space<hbm>> -> memref<128x128xf32, #tpu.memory_space<hbm>>
    %dma_start3A_446 = arith.constant 0 : i32
    %dma_start3A_447 = arith.constant 0 : i32
    %dma_start3A_448 = tpu.memref_slice %arg6[%dma_start3A_437, %dma_start3A_446, %dma_start3A_447] : memref<4x128x128xf32, #tpu.memory_space<vmem>> -> memref<1x128x128xf32, #tpu.memory_space<vmem>>
    %dma_start3A_449 = tpu.memref_squeeze %dma_start3A_448 : memref<1x128x128xf32, #tpu.memory_space<vmem>> -> memref<128x128xf32, #tpu.memory_space<vmem>>
    tpu.enqueue_dma source(%dma_start3A_449 : memref<128x128xf32, #tpu.memory_space<vmem>>) target(%dma_start3A_445 : memref<128x128xf32, #tpu.memory_space<hbm>>) target_semaphore(%arg11 : memref<!tpu.dma_semaphore, #tpu.memory_space<semaphore_mem>>)
    %dma_wait3A_450 = arith.constant 0 : i32
    %dma_wait3A_451 = arith.constant 0 : i32
    %dma_wait3A_452 = arith.constant 0 : i32
    %dma_wait3A_453 = tpu.memref_slice %arg6[%dma_wait3A_450, %dma_wait3A_451, %dma_wait3A_452] : memref<4x128x128xf32, #tpu.memory_space<vmem>> -> memref<1x128x128xf32, #tpu.memory_space<vmem>>
    %dma_wait3A_454 = tpu.memref_squeeze %dma_wait3A_453 : memref<1x128x128xf32, #tpu.memory_space<vmem>> -> memref<128x128xf32, #tpu.memory_space<vmem>>
    %dma_wait3A_455 = arith.constant 0 : i32
    %dma_wait3A_456 = tpu.memref_slice %arg4[%add3A_436, %dma_wait3A_455] : memref<65536x128xf32, #tpu.memory_space<hbm>> -> memref<128x128xf32, #tpu.memory_space<hbm>>
    %dma_wait3A_457 = arith.constant 0 : i32
    %dma_wait3A_458 = tpu.memref_slice %arg4[%add3A_436, %dma_wait3A_457] : memref<65536x128xf32, #tpu.memory_space<hbm>> -> memref<128x128xf32, #tpu.memory_space<hbm>>
    %dma_wait3A_459 = arith.constant 0 : i32
    %dma_wait3A_460 = arith.constant 0 : i32
    %dma_wait3A_461 = tpu.memref_slice %arg6[%dma_wait3A_450, %dma_wait3A_459, %dma_wait3A_460] : memref<4x128x128xf32, #tpu.memory_space<vmem>> -> memref<1x128x128xf32, #tpu.memory_space<vmem>>
    %dma_wait3A_462 = tpu.memref_squeeze %dma_wait3A_461 : memref<1x128x128xf32, #tpu.memory_space<vmem>> -> memref<128x128xf32, #tpu.memory_space<vmem>>
    tpu.wait_dma2 semaphore(%arg11 : memref<!tpu.dma_semaphore, #tpu.memory_space<semaphore_mem>>) src(%dma_wait3A_462 : memref<128x128xf32, #tpu.memory_space<vmem>>) dst(%dma_wait3A_458 : memref<128x128xf32, #tpu.memory_space<hbm>>)
    %dma_start3A_463 = arith.constant 0 : i32
    %dma_start3A_464 = arith.constant 0 : i32
    %dma_start3A_465 = arith.constant 0 : i32
    %dma_start3A_466 = tpu.memref_slice %arg6[%dma_start3A_463, %dma_start3A_464, %dma_start3A_465] : memref<4x128x128xf32, #tpu.memory_space<vmem>> -> memref<1x128x128xf32, #tpu.memory_space<vmem>>
    %dma_start3A_467 = tpu.memref_squeeze %dma_start3A_466 : memref<1x128x128xf32, #tpu.memory_space<vmem>> -> memref<128x128xf32, #tpu.memory_space<vmem>>
    %dma_start3A_468 = arith.constant 1536 : i32
    %dma_start3A_469 = tpu.memref_slice %arg5[%dma_start3A_468] : memref<2048xi32, #tpu.memory_space<vmem>> -> memref<128xi32, #tpu.memory_space<vmem>>
    %dma_start3A_470 = arith.constant 0 : i32
    %dma_start3A_471 = arith.constant 0 : i32
    %dma_start3A_472 = tpu.memref_slice %arg2[%dma_start3A_470, %dma_start3A_471] : memref<8192x128xf32, #tpu.memory_space<hbm>> -> memref<8192x128xf32, #tpu.memory_space<hbm>>
    tpu.enqueue_indirect_dma source(%dma_start3A_472 : memref<8192x128xf32, #tpu.memory_space<hbm>>) target(%dma_start3A_467 : memref<128x128xf32, #tpu.memory_space<vmem>>) offsets(%dma_start3A_469 : memref<128xi32, #tpu.memory_space<vmem>>) semaphore(%arg7 : memref<!tpu.dma_semaphore, #tpu.memory_space<semaphore_mem>>)
    %dma_wait3A_473 = arith.constant 1 : i32
    %dma_wait3A_474 = arith.constant 0 : i32
    %dma_wait3A_475 = arith.constant 0 : i32
    %dma_wait3A_476 = tpu.memref_slice %arg6[%dma_wait3A_473, %dma_wait3A_474, %dma_wait3A_475] : memref<4x128x128xf32, #tpu.memory_space<vmem>> -> memref<1x128x128xf32, #tpu.memory_space<vmem>>
    %dma_wait3A_477 = tpu.memref_squeeze %dma_wait3A_476 : memref<1x128x128xf32, #tpu.memory_space<vmem>> -> memref<128x128xf32, #tpu.memory_space<vmem>>
    %dma_wait3A_478 = arith.constant 1152 : i32
    %dma_wait3A_479 = tpu.memref_slice %arg5[%dma_wait3A_478] : memref<2048xi32, #tpu.memory_space<vmem>> -> memref<128xi32, #tpu.memory_space<vmem>>
    %dma_wait3A_480 = arith.constant 0 : i32
    %dma_wait3A_481 = arith.constant 0 : i32
    %dma_wait3A_482 = tpu.memref_slice %arg2[%dma_wait3A_480, %dma_wait3A_481] : memref<8192x128xf32, #tpu.memory_space<hbm>> -> memref<8192x128xf32, #tpu.memory_space<hbm>>
    tpu.wait_indirect_dma semaphore(%arg8 : memref<!tpu.dma_semaphore, #tpu.memory_space<semaphore_mem>>) src(%dma_wait3A_482 : memref<8192x128xf32, #tpu.memory_space<hbm>>) dst(%dma_wait3A_477 : memref<128x128xf32, #tpu.memory_space<vmem>>)
    %add3A_483 = arith.constant 1152 : i32
    %add3A_484 = arith.addi %mul3A_2, %add3A_483 : i32
    %dma_start3A_485 = arith.constant 1 : i32
    %dma_start3A_486 = arith.constant 0 : i32
    %dma_start3A_487 = arith.constant 0 : i32
    %dma_start3A_488 = tpu.memref_slice %arg6[%dma_start3A_485, %dma_start3A_486, %dma_start3A_487] : memref<4x128x128xf32, #tpu.memory_space<vmem>> -> memref<1x128x128xf32, #tpu.memory_space<vmem>>
    %dma_start3A_489 = tpu.memref_squeeze %dma_start3A_488 : memref<1x128x128xf32, #tpu.memory_space<vmem>> -> memref<128x128xf32, #tpu.memory_space<vmem>>
    %dma_start3A_490 = arith.constant 0 : i32
    %dma_start3A_491 = tpu.memref_slice %arg4[%add3A_484, %dma_start3A_490] : memref<65536x128xf32, #tpu.memory_space<hbm>> -> memref<128x128xf32, #tpu.memory_space<hbm>>
    %dma_start3A_492 = arith.constant 0 : i32
    %dma_start3A_493 = tpu.memref_slice %arg4[%add3A_484, %dma_start3A_492] : memref<65536x128xf32, #tpu.memory_space<hbm>> -> memref<128x128xf32, #tpu.memory_space<hbm>>
    %dma_start3A_494 = arith.constant 0 : i32
    %dma_start3A_495 = arith.constant 0 : i32
    %dma_start3A_496 = tpu.memref_slice %arg6[%dma_start3A_485, %dma_start3A_494, %dma_start3A_495] : memref<4x128x128xf32, #tpu.memory_space<vmem>> -> memref<1x128x128xf32, #tpu.memory_space<vmem>>
    %dma_start3A_497 = tpu.memref_squeeze %dma_start3A_496 : memref<1x128x128xf32, #tpu.memory_space<vmem>> -> memref<128x128xf32, #tpu.memory_space<vmem>>
    tpu.enqueue_dma source(%dma_start3A_497 : memref<128x128xf32, #tpu.memory_space<vmem>>) target(%dma_start3A_493 : memref<128x128xf32, #tpu.memory_space<hbm>>) target_semaphore(%arg12 : memref<!tpu.dma_semaphore, #tpu.memory_space<semaphore_mem>>)
    %dma_wait3A_498 = arith.constant 1 : i32
    %dma_wait3A_499 = arith.constant 0 : i32
    %dma_wait3A_500 = arith.constant 0 : i32
    %dma_wait3A_501 = tpu.memref_slice %arg6[%dma_wait3A_498, %dma_wait3A_499, %dma_wait3A_500] : memref<4x128x128xf32, #tpu.memory_space<vmem>> -> memref<1x128x128xf32, #tpu.memory_space<vmem>>
    %dma_wait3A_502 = tpu.memref_squeeze %dma_wait3A_501 : memref<1x128x128xf32, #tpu.memory_space<vmem>> -> memref<128x128xf32, #tpu.memory_space<vmem>>
    %dma_wait3A_503 = arith.constant 0 : i32
    %dma_wait3A_504 = tpu.memref_slice %arg4[%add3A_484, %dma_wait3A_503] : memref<65536x128xf32, #tpu.memory_space<hbm>> -> memref<128x128xf32, #tpu.memory_space<hbm>>
    %dma_wait3A_505 = arith.constant 0 : i32
    %dma_wait3A_506 = tpu.memref_slice %arg4[%add3A_484, %dma_wait3A_505] : memref<65536x128xf32, #tpu.memory_space<hbm>> -> memref<128x128xf32, #tpu.memory_space<hbm>>
    %dma_wait3A_507 = arith.constant 0 : i32
    %dma_wait3A_508 = arith.constant 0 : i32
    %dma_wait3A_509 = tpu.memref_slice %arg6[%dma_wait3A_498, %dma_wait3A_507, %dma_wait3A_508] : memref<4x128x128xf32, #tpu.memory_space<vmem>> -> memref<1x128x128xf32, #tpu.memory_space<vmem>>
    %dma_wait3A_510 = tpu.memref_squeeze %dma_wait3A_509 : memref<1x128x128xf32, #tpu.memory_space<vmem>> -> memref<128x128xf32, #tpu.memory_space<vmem>>
    tpu.wait_dma2 semaphore(%arg12 : memref<!tpu.dma_semaphore, #tpu.memory_space<semaphore_mem>>) src(%dma_wait3A_510 : memref<128x128xf32, #tpu.memory_space<vmem>>) dst(%dma_wait3A_506 : memref<128x128xf32, #tpu.memory_space<hbm>>)
    %dma_start3A_511 = arith.constant 1 : i32
    %dma_start3A_512 = arith.constant 0 : i32
    %dma_start3A_513 = arith.constant 0 : i32
    %dma_start3A_514 = tpu.memref_slice %arg6[%dma_start3A_511, %dma_start3A_512, %dma_start3A_513] : memref<4x128x128xf32, #tpu.memory_space<vmem>> -> memref<1x128x128xf32, #tpu.memory_space<vmem>>
    %dma_start3A_515 = tpu.memref_squeeze %dma_start3A_514 : memref<1x128x128xf32, #tpu.memory_space<vmem>> -> memref<128x128xf32, #tpu.memory_space<vmem>>
    %dma_start3A_516 = arith.constant 1664 : i32
    %dma_start3A_517 = tpu.memref_slice %arg5[%dma_start3A_516] : memref<2048xi32, #tpu.memory_space<vmem>> -> memref<128xi32, #tpu.memory_space<vmem>>
    %dma_start3A_518 = arith.constant 0 : i32
    %dma_start3A_519 = arith.constant 0 : i32
    %dma_start3A_520 = tpu.memref_slice %arg2[%dma_start3A_518, %dma_start3A_519] : memref<8192x128xf32, #tpu.memory_space<hbm>> -> memref<8192x128xf32, #tpu.memory_space<hbm>>
    tpu.enqueue_indirect_dma source(%dma_start3A_520 : memref<8192x128xf32, #tpu.memory_space<hbm>>) target(%dma_start3A_515 : memref<128x128xf32, #tpu.memory_space<vmem>>) offsets(%dma_start3A_517 : memref<128xi32, #tpu.memory_space<vmem>>) semaphore(%arg8 : memref<!tpu.dma_semaphore, #tpu.memory_space<semaphore_mem>>)
    %dma_wait3A_521 = arith.constant 2 : i32
    %dma_wait3A_522 = arith.constant 0 : i32
    %dma_wait3A_523 = arith.constant 0 : i32
    %dma_wait3A_524 = tpu.memref_slice %arg6[%dma_wait3A_521, %dma_wait3A_522, %dma_wait3A_523] : memref<4x128x128xf32, #tpu.memory_space<vmem>> -> memref<1x128x128xf32, #tpu.memory_space<vmem>>
    %dma_wait3A_525 = tpu.memref_squeeze %dma_wait3A_524 : memref<1x128x128xf32, #tpu.memory_space<vmem>> -> memref<128x128xf32, #tpu.memory_space<vmem>>
    %dma_wait3A_526 = arith.constant 1280 : i32
    %dma_wait3A_527 = tpu.memref_slice %arg5[%dma_wait3A_526] : memref<2048xi32, #tpu.memory_space<vmem>> -> memref<128xi32, #tpu.memory_space<vmem>>
    %dma_wait3A_528 = arith.constant 0 : i32
    %dma_wait3A_529 = arith.constant 0 : i32
    %dma_wait3A_530 = tpu.memref_slice %arg2[%dma_wait3A_528, %dma_wait3A_529] : memref<8192x128xf32, #tpu.memory_space<hbm>> -> memref<8192x128xf32, #tpu.memory_space<hbm>>
    tpu.wait_indirect_dma semaphore(%arg9 : memref<!tpu.dma_semaphore, #tpu.memory_space<semaphore_mem>>) src(%dma_wait3A_530 : memref<8192x128xf32, #tpu.memory_space<hbm>>) dst(%dma_wait3A_525 : memref<128x128xf32, #tpu.memory_space<vmem>>)
    %add3A_531 = arith.constant 1280 : i32
    %add3A_532 = arith.addi %mul3A_2, %add3A_531 : i32
    %dma_start3A_533 = arith.constant 2 : i32
    %dma_start3A_534 = arith.constant 0 : i32
    %dma_start3A_535 = arith.constant 0 : i32
    %dma_start3A_536 = tpu.memref_slice %arg6[%dma_start3A_533, %dma_start3A_534, %dma_start3A_535] : memref<4x128x128xf32, #tpu.memory_space<vmem>> -> memref<1x128x128xf32, #tpu.memory_space<vmem>>
    %dma_start3A_537 = tpu.memref_squeeze %dma_start3A_536 : memref<1x128x128xf32, #tpu.memory_space<vmem>> -> memref<128x128xf32, #tpu.memory_space<vmem>>
    %dma_start3A_538 = arith.constant 0 : i32
    %dma_start3A_539 = tpu.memref_slice %arg4[%add3A_532, %dma_start3A_538] : memref<65536x128xf32, #tpu.memory_space<hbm>> -> memref<128x128xf32, #tpu.memory_space<hbm>>
    %dma_start3A_540 = arith.constant 0 : i32
    %dma_start3A_541 = tpu.memref_slice %arg4[%add3A_532, %dma_start3A_540] : memref<65536x128xf32, #tpu.memory_space<hbm>> -> memref<128x128xf32, #tpu.memory_space<hbm>>
    %dma_start3A_542 = arith.constant 0 : i32
    %dma_start3A_543 = arith.constant 0 : i32
    %dma_start3A_544 = tpu.memref_slice %arg6[%dma_start3A_533, %dma_start3A_542, %dma_start3A_543] : memref<4x128x128xf32, #tpu.memory_space<vmem>> -> memref<1x128x128xf32, #tpu.memory_space<vmem>>
    %dma_start3A_545 = tpu.memref_squeeze %dma_start3A_544 : memref<1x128x128xf32, #tpu.memory_space<vmem>> -> memref<128x128xf32, #tpu.memory_space<vmem>>
    tpu.enqueue_dma source(%dma_start3A_545 : memref<128x128xf32, #tpu.memory_space<vmem>>) target(%dma_start3A_541 : memref<128x128xf32, #tpu.memory_space<hbm>>) target_semaphore(%arg13 : memref<!tpu.dma_semaphore, #tpu.memory_space<semaphore_mem>>)
    %dma_wait3A_546 = arith.constant 2 : i32
    %dma_wait3A_547 = arith.constant 0 : i32
    %dma_wait3A_548 = arith.constant 0 : i32
    %dma_wait3A_549 = tpu.memref_slice %arg6[%dma_wait3A_546, %dma_wait3A_547, %dma_wait3A_548] : memref<4x128x128xf32, #tpu.memory_space<vmem>> -> memref<1x128x128xf32, #tpu.memory_space<vmem>>
    %dma_wait3A_550 = tpu.memref_squeeze %dma_wait3A_549 : memref<1x128x128xf32, #tpu.memory_space<vmem>> -> memref<128x128xf32, #tpu.memory_space<vmem>>
    %dma_wait3A_551 = arith.constant 0 : i32
    %dma_wait3A_552 = tpu.memref_slice %arg4[%add3A_532, %dma_wait3A_551] : memref<65536x128xf32, #tpu.memory_space<hbm>> -> memref<128x128xf32, #tpu.memory_space<hbm>>
    %dma_wait3A_553 = arith.constant 0 : i32
    %dma_wait3A_554 = tpu.memref_slice %arg4[%add3A_532, %dma_wait3A_553] : memref<65536x128xf32, #tpu.memory_space<hbm>> -> memref<128x128xf32, #tpu.memory_space<hbm>>
    %dma_wait3A_555 = arith.constant 0 : i32
    %dma_wait3A_556 = arith.constant 0 : i32
    %dma_wait3A_557 = tpu.memref_slice %arg6[%dma_wait3A_546, %dma_wait3A_555, %dma_wait3A_556] : memref<4x128x128xf32, #tpu.memory_space<vmem>> -> memref<1x128x128xf32, #tpu.memory_space<vmem>>
    %dma_wait3A_558 = tpu.memref_squeeze %dma_wait3A_557 : memref<1x128x128xf32, #tpu.memory_space<vmem>> -> memref<128x128xf32, #tpu.memory_space<vmem>>
    tpu.wait_dma2 semaphore(%arg13 : memref<!tpu.dma_semaphore, #tpu.memory_space<semaphore_mem>>) src(%dma_wait3A_558 : memref<128x128xf32, #tpu.memory_space<vmem>>) dst(%dma_wait3A_554 : memref<128x128xf32, #tpu.memory_space<hbm>>)
    %dma_start3A_559 = arith.constant 2 : i32
    %dma_start3A_560 = arith.constant 0 : i32
    %dma_start3A_561 = arith.constant 0 : i32
    %dma_start3A_562 = tpu.memref_slice %arg6[%dma_start3A_559, %dma_start3A_560, %dma_start3A_561] : memref<4x128x128xf32, #tpu.memory_space<vmem>> -> memref<1x128x128xf32, #tpu.memory_space<vmem>>
    %dma_start3A_563 = tpu.memref_squeeze %dma_start3A_562 : memref<1x128x128xf32, #tpu.memory_space<vmem>> -> memref<128x128xf32, #tpu.memory_space<vmem>>
    %dma_start3A_564 = arith.constant 1792 : i32
    %dma_start3A_565 = tpu.memref_slice %arg5[%dma_start3A_564] : memref<2048xi32, #tpu.memory_space<vmem>> -> memref<128xi32, #tpu.memory_space<vmem>>
    %dma_start3A_566 = arith.constant 0 : i32
    %dma_start3A_567 = arith.constant 0 : i32
    %dma_start3A_568 = tpu.memref_slice %arg2[%dma_start3A_566, %dma_start3A_567] : memref<8192x128xf32, #tpu.memory_space<hbm>> -> memref<8192x128xf32, #tpu.memory_space<hbm>>
    tpu.enqueue_indirect_dma source(%dma_start3A_568 : memref<8192x128xf32, #tpu.memory_space<hbm>>) target(%dma_start3A_563 : memref<128x128xf32, #tpu.memory_space<vmem>>) offsets(%dma_start3A_565 : memref<128xi32, #tpu.memory_space<vmem>>) semaphore(%arg9 : memref<!tpu.dma_semaphore, #tpu.memory_space<semaphore_mem>>)
    %dma_wait3A_569 = arith.constant 3 : i32
    %dma_wait3A_570 = arith.constant 0 : i32
    %dma_wait3A_571 = arith.constant 0 : i32
    %dma_wait3A_572 = tpu.memref_slice %arg6[%dma_wait3A_569, %dma_wait3A_570, %dma_wait3A_571] : memref<4x128x128xf32, #tpu.memory_space<vmem>> -> memref<1x128x128xf32, #tpu.memory_space<vmem>>
    %dma_wait3A_573 = tpu.memref_squeeze %dma_wait3A_572 : memref<1x128x128xf32, #tpu.memory_space<vmem>> -> memref<128x128xf32, #tpu.memory_space<vmem>>
    %dma_wait3A_574 = arith.constant 1408 : i32
    %dma_wait3A_575 = tpu.memref_slice %arg5[%dma_wait3A_574] : memref<2048xi32, #tpu.memory_space<vmem>> -> memref<128xi32, #tpu.memory_space<vmem>>
    %dma_wait3A_576 = arith.constant 0 : i32
    %dma_wait3A_577 = arith.constant 0 : i32
    %dma_wait3A_578 = tpu.memref_slice %arg2[%dma_wait3A_576, %dma_wait3A_577] : memref<8192x128xf32, #tpu.memory_space<hbm>> -> memref<8192x128xf32, #tpu.memory_space<hbm>>
    tpu.wait_indirect_dma semaphore(%arg10 : memref<!tpu.dma_semaphore, #tpu.memory_space<semaphore_mem>>) src(%dma_wait3A_578 : memref<8192x128xf32, #tpu.memory_space<hbm>>) dst(%dma_wait3A_573 : memref<128x128xf32, #tpu.memory_space<vmem>>)
    %add3A_579 = arith.constant 1408 : i32
    %add3A_580 = arith.addi %mul3A_2, %add3A_579 : i32
    %dma_start3A_581 = arith.constant 3 : i32
    %dma_start3A_582 = arith.constant 0 : i32
    %dma_start3A_583 = arith.constant 0 : i32
    %dma_start3A_584 = tpu.memref_slice %arg6[%dma_start3A_581, %dma_start3A_582, %dma_start3A_583] : memref<4x128x128xf32, #tpu.memory_space<vmem>> -> memref<1x128x128xf32, #tpu.memory_space<vmem>>
    %dma_start3A_585 = tpu.memref_squeeze %dma_start3A_584 : memref<1x128x128xf32, #tpu.memory_space<vmem>> -> memref<128x128xf32, #tpu.memory_space<vmem>>
    %dma_start3A_586 = arith.constant 0 : i32
    %dma_start3A_587 = tpu.memref_slice %arg4[%add3A_580, %dma_start3A_586] : memref<65536x128xf32, #tpu.memory_space<hbm>> -> memref<128x128xf32, #tpu.memory_space<hbm>>
    %dma_start3A_588 = arith.constant 0 : i32
    %dma_start3A_589 = tpu.memref_slice %arg4[%add3A_580, %dma_start3A_588] : memref<65536x128xf32, #tpu.memory_space<hbm>> -> memref<128x128xf32, #tpu.memory_space<hbm>>
    %dma_start3A_590 = arith.constant 0 : i32
    %dma_start3A_591 = arith.constant 0 : i32
    %dma_start3A_592 = tpu.memref_slice %arg6[%dma_start3A_581, %dma_start3A_590, %dma_start3A_591] : memref<4x128x128xf32, #tpu.memory_space<vmem>> -> memref<1x128x128xf32, #tpu.memory_space<vmem>>
    %dma_start3A_593 = tpu.memref_squeeze %dma_start3A_592 : memref<1x128x128xf32, #tpu.memory_space<vmem>> -> memref<128x128xf32, #tpu.memory_space<vmem>>
    tpu.enqueue_dma source(%dma_start3A_593 : memref<128x128xf32, #tpu.memory_space<vmem>>) target(%dma_start3A_589 : memref<128x128xf32, #tpu.memory_space<hbm>>) target_semaphore(%arg14 : memref<!tpu.dma_semaphore, #tpu.memory_space<semaphore_mem>>)
    %dma_wait3A_594 = arith.constant 3 : i32
    %dma_wait3A_595 = arith.constant 0 : i32
    %dma_wait3A_596 = arith.constant 0 : i32
    %dma_wait3A_597 = tpu.memref_slice %arg6[%dma_wait3A_594, %dma_wait3A_595, %dma_wait3A_596] : memref<4x128x128xf32, #tpu.memory_space<vmem>> -> memref<1x128x128xf32, #tpu.memory_space<vmem>>
    %dma_wait3A_598 = tpu.memref_squeeze %dma_wait3A_597 : memref<1x128x128xf32, #tpu.memory_space<vmem>> -> memref<128x128xf32, #tpu.memory_space<vmem>>
    %dma_wait3A_599 = arith.constant 0 : i32
    %dma_wait3A_600 = tpu.memref_slice %arg4[%add3A_580, %dma_wait3A_599] : memref<65536x128xf32, #tpu.memory_space<hbm>> -> memref<128x128xf32, #tpu.memory_space<hbm>>
    %dma_wait3A_601 = arith.constant 0 : i32
    %dma_wait3A_602 = tpu.memref_slice %arg4[%add3A_580, %dma_wait3A_601] : memref<65536x128xf32, #tpu.memory_space<hbm>> -> memref<128x128xf32, #tpu.memory_space<hbm>>
    %dma_wait3A_603 = arith.constant 0 : i32
    %dma_wait3A_604 = arith.constant 0 : i32
    %dma_wait3A_605 = tpu.memref_slice %arg6[%dma_wait3A_594, %dma_wait3A_603, %dma_wait3A_604] : memref<4x128x128xf32, #tpu.memory_space<vmem>> -> memref<1x128x128xf32, #tpu.memory_space<vmem>>
    %dma_wait3A_606 = tpu.memref_squeeze %dma_wait3A_605 : memref<1x128x128xf32, #tpu.memory_space<vmem>> -> memref<128x128xf32, #tpu.memory_space<vmem>>
    tpu.wait_dma2 semaphore(%arg14 : memref<!tpu.dma_semaphore, #tpu.memory_space<semaphore_mem>>) src(%dma_wait3A_606 : memref<128x128xf32, #tpu.memory_space<vmem>>) dst(%dma_wait3A_602 : memref<128x128xf32, #tpu.memory_space<hbm>>)
    %dma_start3A_607 = arith.constant 3 : i32
    %dma_start3A_608 = arith.constant 0 : i32
    %dma_start3A_609 = arith.constant 0 : i32
    %dma_start3A_610 = tpu.memref_slice %arg6[%dma_start3A_607, %dma_start3A_608, %dma_start3A_609] : memref<4x128x128xf32, #tpu.memory_space<vmem>> -> memref<1x128x128xf32, #tpu.memory_space<vmem>>
    %dma_start3A_611 = tpu.memref_squeeze %dma_start3A_610 : memref<1x128x128xf32, #tpu.memory_space<vmem>> -> memref<128x128xf32, #tpu.memory_space<vmem>>
    %dma_start3A_612 = arith.constant 1920 : i32
    %dma_start3A_613 = tpu.memref_slice %arg5[%dma_start3A_612] : memref<2048xi32, #tpu.memory_space<vmem>> -> memref<128xi32, #tpu.memory_space<vmem>>
    %dma_start3A_614 = arith.constant 0 : i32
    %dma_start3A_615 = arith.constant 0 : i32
    %dma_start3A_616 = tpu.memref_slice %arg2[%dma_start3A_614, %dma_start3A_615] : memref<8192x128xf32, #tpu.memory_space<hbm>> -> memref<8192x128xf32, #tpu.memory_space<hbm>>
    tpu.enqueue_indirect_dma source(%dma_start3A_616 : memref<8192x128xf32, #tpu.memory_space<hbm>>) target(%dma_start3A_611 : memref<128x128xf32, #tpu.memory_space<vmem>>) offsets(%dma_start3A_613 : memref<128xi32, #tpu.memory_space<vmem>>) semaphore(%arg10 : memref<!tpu.dma_semaphore, #tpu.memory_space<semaphore_mem>>)
    %dma_wait3A_617 = arith.constant 0 : i32
    %dma_wait3A_618 = arith.constant 0 : i32
    %dma_wait3A_619 = arith.constant 0 : i32
    %dma_wait3A_620 = tpu.memref_slice %arg6[%dma_wait3A_617, %dma_wait3A_618, %dma_wait3A_619] : memref<4x128x128xf32, #tpu.memory_space<vmem>> -> memref<1x128x128xf32, #tpu.memory_space<vmem>>
    %dma_wait3A_621 = tpu.memref_squeeze %dma_wait3A_620 : memref<1x128x128xf32, #tpu.memory_space<vmem>> -> memref<128x128xf32, #tpu.memory_space<vmem>>
    %dma_wait3A_622 = arith.constant 1536 : i32
    %dma_wait3A_623 = tpu.memref_slice %arg5[%dma_wait3A_622] : memref<2048xi32, #tpu.memory_space<vmem>> -> memref<128xi32, #tpu.memory_space<vmem>>
    %dma_wait3A_624 = arith.constant 0 : i32
    %dma_wait3A_625 = arith.constant 0 : i32
    %dma_wait3A_626 = tpu.memref_slice %arg2[%dma_wait3A_624, %dma_wait3A_625] : memref<8192x128xf32, #tpu.memory_space<hbm>> -> memref<8192x128xf32, #tpu.memory_space<hbm>>
    tpu.wait_indirect_dma semaphore(%arg7 : memref<!tpu.dma_semaphore, #tpu.memory_space<semaphore_mem>>) src(%dma_wait3A_626 : memref<8192x128xf32, #tpu.memory_space<hbm>>) dst(%dma_wait3A_621 : memref<128x128xf32, #tpu.memory_space<vmem>>)
    %add3A_627 = arith.constant 1536 : i32
    %add3A_628 = arith.addi %mul3A_2, %add3A_627 : i32
    %dma_start3A_629 = arith.constant 0 : i32
    %dma_start3A_630 = arith.constant 0 : i32
    %dma_start3A_631 = arith.constant 0 : i32
    %dma_start3A_632 = tpu.memref_slice %arg6[%dma_start3A_629, %dma_start3A_630, %dma_start3A_631] : memref<4x128x128xf32, #tpu.memory_space<vmem>> -> memref<1x128x128xf32, #tpu.memory_space<vmem>>
    %dma_start3A_633 = tpu.memref_squeeze %dma_start3A_632 : memref<1x128x128xf32, #tpu.memory_space<vmem>> -> memref<128x128xf32, #tpu.memory_space<vmem>>
    %dma_start3A_634 = arith.constant 0 : i32
    %dma_start3A_635 = tpu.memref_slice %arg4[%add3A_628, %dma_start3A_634] : memref<65536x128xf32, #tpu.memory_space<hbm>> -> memref<128x128xf32, #tpu.memory_space<hbm>>
    %dma_start3A_636 = arith.constant 0 : i32
    %dma_start3A_637 = tpu.memref_slice %arg4[%add3A_628, %dma_start3A_636] : memref<65536x128xf32, #tpu.memory_space<hbm>> -> memref<128x128xf32, #tpu.memory_space<hbm>>
    %dma_start3A_638 = arith.constant 0 : i32
    %dma_start3A_639 = arith.constant 0 : i32
    %dma_start3A_640 = tpu.memref_slice %arg6[%dma_start3A_629, %dma_start3A_638, %dma_start3A_639] : memref<4x128x128xf32, #tpu.memory_space<vmem>> -> memref<1x128x128xf32, #tpu.memory_space<vmem>>
    %dma_start3A_641 = tpu.memref_squeeze %dma_start3A_640 : memref<1x128x128xf32, #tpu.memory_space<vmem>> -> memref<128x128xf32, #tpu.memory_space<vmem>>
    tpu.enqueue_dma source(%dma_start3A_641 : memref<128x128xf32, #tpu.memory_space<vmem>>) target(%dma_start3A_637 : memref<128x128xf32, #tpu.memory_space<hbm>>) target_semaphore(%arg11 : memref<!tpu.dma_semaphore, #tpu.memory_space<semaphore_mem>>)
    %dma_wait3A_642 = arith.constant 1 : i32
    %dma_wait3A_643 = arith.constant 0 : i32
    %dma_wait3A_644 = arith.constant 0 : i32
    %dma_wait3A_645 = tpu.memref_slice %arg6[%dma_wait3A_642, %dma_wait3A_643, %dma_wait3A_644] : memref<4x128x128xf32, #tpu.memory_space<vmem>> -> memref<1x128x128xf32, #tpu.memory_space<vmem>>
    %dma_wait3A_646 = tpu.memref_squeeze %dma_wait3A_645 : memref<1x128x128xf32, #tpu.memory_space<vmem>> -> memref<128x128xf32, #tpu.memory_space<vmem>>
    %dma_wait3A_647 = arith.constant 1664 : i32
    %dma_wait3A_648 = tpu.memref_slice %arg5[%dma_wait3A_647] : memref<2048xi32, #tpu.memory_space<vmem>> -> memref<128xi32, #tpu.memory_space<vmem>>
    %dma_wait3A_649 = arith.constant 0 : i32
    %dma_wait3A_650 = arith.constant 0 : i32
    %dma_wait3A_651 = tpu.memref_slice %arg2[%dma_wait3A_649, %dma_wait3A_650] : memref<8192x128xf32, #tpu.memory_space<hbm>> -> memref<8192x128xf32, #tpu.memory_space<hbm>>
    tpu.wait_indirect_dma semaphore(%arg8 : memref<!tpu.dma_semaphore, #tpu.memory_space<semaphore_mem>>) src(%dma_wait3A_651 : memref<8192x128xf32, #tpu.memory_space<hbm>>) dst(%dma_wait3A_646 : memref<128x128xf32, #tpu.memory_space<vmem>>)
    %add3A_652 = arith.constant 1664 : i32
    %add3A_653 = arith.addi %mul3A_2, %add3A_652 : i32
    %dma_start3A_654 = arith.constant 1 : i32
    %dma_start3A_655 = arith.constant 0 : i32
    %dma_start3A_656 = arith.constant 0 : i32
    %dma_start3A_657 = tpu.memref_slice %arg6[%dma_start3A_654, %dma_start3A_655, %dma_start3A_656] : memref<4x128x128xf32, #tpu.memory_space<vmem>> -> memref<1x128x128xf32, #tpu.memory_space<vmem>>
    %dma_start3A_658 = tpu.memref_squeeze %dma_start3A_657 : memref<1x128x128xf32, #tpu.memory_space<vmem>> -> memref<128x128xf32, #tpu.memory_space<vmem>>
    %dma_start3A_659 = arith.constant 0 : i32
    %dma_start3A_660 = tpu.memref_slice %arg4[%add3A_653, %dma_start3A_659] : memref<65536x128xf32, #tpu.memory_space<hbm>> -> memref<128x128xf32, #tpu.memory_space<hbm>>
    %dma_start3A_661 = arith.constant 0 : i32
    %dma_start3A_662 = tpu.memref_slice %arg4[%add3A_653, %dma_start3A_661] : memref<65536x128xf32, #tpu.memory_space<hbm>> -> memref<128x128xf32, #tpu.memory_space<hbm>>
    %dma_start3A_663 = arith.constant 0 : i32
    %dma_start3A_664 = arith.constant 0 : i32
    %dma_start3A_665 = tpu.memref_slice %arg6[%dma_start3A_654, %dma_start3A_663, %dma_start3A_664] : memref<4x128x128xf32, #tpu.memory_space<vmem>> -> memref<1x128x128xf32, #tpu.memory_space<vmem>>
    %dma_start3A_666 = tpu.memref_squeeze %dma_start3A_665 : memref<1x128x128xf32, #tpu.memory_space<vmem>> -> memref<128x128xf32, #tpu.memory_space<vmem>>
    tpu.enqueue_dma source(%dma_start3A_666 : memref<128x128xf32, #tpu.memory_space<vmem>>) target(%dma_start3A_662 : memref<128x128xf32, #tpu.memory_space<hbm>>) target_semaphore(%arg12 : memref<!tpu.dma_semaphore, #tpu.memory_space<semaphore_mem>>)
    %dma_wait3A_667 = arith.constant 2 : i32
    %dma_wait3A_668 = arith.constant 0 : i32
    %dma_wait3A_669 = arith.constant 0 : i32
    %dma_wait3A_670 = tpu.memref_slice %arg6[%dma_wait3A_667, %dma_wait3A_668, %dma_wait3A_669] : memref<4x128x128xf32, #tpu.memory_space<vmem>> -> memref<1x128x128xf32, #tpu.memory_space<vmem>>
    %dma_wait3A_671 = tpu.memref_squeeze %dma_wait3A_670 : memref<1x128x128xf32, #tpu.memory_space<vmem>> -> memref<128x128xf32, #tpu.memory_space<vmem>>
    %dma_wait3A_672 = arith.constant 1792 : i32
    %dma_wait3A_673 = tpu.memref_slice %arg5[%dma_wait3A_672] : memref<2048xi32, #tpu.memory_space<vmem>> -> memref<128xi32, #tpu.memory_space<vmem>>
    %dma_wait3A_674 = arith.constant 0 : i32
    %dma_wait3A_675 = arith.constant 0 : i32
    %dma_wait3A_676 = tpu.memref_slice %arg2[%dma_wait3A_674, %dma_wait3A_675] : memref<8192x128xf32, #tpu.memory_space<hbm>> -> memref<8192x128xf32, #tpu.memory_space<hbm>>
    tpu.wait_indirect_dma semaphore(%arg9 : memref<!tpu.dma_semaphore, #tpu.memory_space<semaphore_mem>>) src(%dma_wait3A_676 : memref<8192x128xf32, #tpu.memory_space<hbm>>) dst(%dma_wait3A_671 : memref<128x128xf32, #tpu.memory_space<vmem>>)
    %add3A_677 = arith.constant 1792 : i32
    %add3A_678 = arith.addi %mul3A_2, %add3A_677 : i32
    %dma_start3A_679 = arith.constant 2 : i32
    %dma_start3A_680 = arith.constant 0 : i32
    %dma_start3A_681 = arith.constant 0 : i32
    %dma_start3A_682 = tpu.memref_slice %arg6[%dma_start3A_679, %dma_start3A_680, %dma_start3A_681] : memref<4x128x128xf32, #tpu.memory_space<vmem>> -> memref<1x128x128xf32, #tpu.memory_space<vmem>>
    %dma_start3A_683 = tpu.memref_squeeze %dma_start3A_682 : memref<1x128x128xf32, #tpu.memory_space<vmem>> -> memref<128x128xf32, #tpu.memory_space<vmem>>
    %dma_start3A_684 = arith.constant 0 : i32
    %dma_start3A_685 = tpu.memref_slice %arg4[%add3A_678, %dma_start3A_684] : memref<65536x128xf32, #tpu.memory_space<hbm>> -> memref<128x128xf32, #tpu.memory_space<hbm>>
    %dma_start3A_686 = arith.constant 0 : i32
    %dma_start3A_687 = tpu.memref_slice %arg4[%add3A_678, %dma_start3A_686] : memref<65536x128xf32, #tpu.memory_space<hbm>> -> memref<128x128xf32, #tpu.memory_space<hbm>>
    %dma_start3A_688 = arith.constant 0 : i32
    %dma_start3A_689 = arith.constant 0 : i32
    %dma_start3A_690 = tpu.memref_slice %arg6[%dma_start3A_679, %dma_start3A_688, %dma_start3A_689] : memref<4x128x128xf32, #tpu.memory_space<vmem>> -> memref<1x128x128xf32, #tpu.memory_space<vmem>>
    %dma_start3A_691 = tpu.memref_squeeze %dma_start3A_690 : memref<1x128x128xf32, #tpu.memory_space<vmem>> -> memref<128x128xf32, #tpu.memory_space<vmem>>
    tpu.enqueue_dma source(%dma_start3A_691 : memref<128x128xf32, #tpu.memory_space<vmem>>) target(%dma_start3A_687 : memref<128x128xf32, #tpu.memory_space<hbm>>) target_semaphore(%arg13 : memref<!tpu.dma_semaphore, #tpu.memory_space<semaphore_mem>>)
    %dma_wait3A_692 = arith.constant 3 : i32
    %dma_wait3A_693 = arith.constant 0 : i32
    %dma_wait3A_694 = arith.constant 0 : i32
    %dma_wait3A_695 = tpu.memref_slice %arg6[%dma_wait3A_692, %dma_wait3A_693, %dma_wait3A_694] : memref<4x128x128xf32, #tpu.memory_space<vmem>> -> memref<1x128x128xf32, #tpu.memory_space<vmem>>
    %dma_wait3A_696 = tpu.memref_squeeze %dma_wait3A_695 : memref<1x128x128xf32, #tpu.memory_space<vmem>> -> memref<128x128xf32, #tpu.memory_space<vmem>>
    %dma_wait3A_697 = arith.constant 1920 : i32
    %dma_wait3A_698 = tpu.memref_slice %arg5[%dma_wait3A_697] : memref<2048xi32, #tpu.memory_space<vmem>> -> memref<128xi32, #tpu.memory_space<vmem>>
    %dma_wait3A_699 = arith.constant 0 : i32
    %dma_wait3A_700 = arith.constant 0 : i32
    %dma_wait3A_701 = tpu.memref_slice %arg2[%dma_wait3A_699, %dma_wait3A_700] : memref<8192x128xf32, #tpu.memory_space<hbm>> -> memref<8192x128xf32, #tpu.memory_space<hbm>>
    tpu.wait_indirect_dma semaphore(%arg10 : memref<!tpu.dma_semaphore, #tpu.memory_space<semaphore_mem>>) src(%dma_wait3A_701 : memref<8192x128xf32, #tpu.memory_space<hbm>>) dst(%dma_wait3A_696 : memref<128x128xf32, #tpu.memory_space<vmem>>)
    %add3A_702 = arith.constant 1920 : i32
    %add3A_703 = arith.addi %mul3A_2, %add3A_702 : i32
    %dma_start3A_704 = arith.constant 3 : i32
    %dma_start3A_705 = arith.constant 0 : i32
    %dma_start3A_706 = arith.constant 0 : i32
    %dma_start3A_707 = tpu.memref_slice %arg6[%dma_start3A_704, %dma_start3A_705, %dma_start3A_706] : memref<4x128x128xf32, #tpu.memory_space<vmem>> -> memref<1x128x128xf32, #tpu.memory_space<vmem>>
    %dma_start3A_708 = tpu.memref_squeeze %dma_start3A_707 : memref<1x128x128xf32, #tpu.memory_space<vmem>> -> memref<128x128xf32, #tpu.memory_space<vmem>>
    %dma_start3A_709 = arith.constant 0 : i32
    %dma_start3A_710 = tpu.memref_slice %arg4[%add3A_703, %dma_start3A_709] : memref<65536x128xf32, #tpu.memory_space<hbm>> -> memref<128x128xf32, #tpu.memory_space<hbm>>
    %dma_start3A_711 = arith.constant 0 : i32
    %dma_start3A_712 = tpu.memref_slice %arg4[%add3A_703, %dma_start3A_711] : memref<65536x128xf32, #tpu.memory_space<hbm>> -> memref<128x128xf32, #tpu.memory_space<hbm>>
    %dma_start3A_713 = arith.constant 0 : i32
    %dma_start3A_714 = arith.constant 0 : i32
    %dma_start3A_715 = tpu.memref_slice %arg6[%dma_start3A_704, %dma_start3A_713, %dma_start3A_714] : memref<4x128x128xf32, #tpu.memory_space<vmem>> -> memref<1x128x128xf32, #tpu.memory_space<vmem>>
    %dma_start3A_716 = tpu.memref_squeeze %dma_start3A_715 : memref<1x128x128xf32, #tpu.memory_space<vmem>> -> memref<128x128xf32, #tpu.memory_space<vmem>>
    tpu.enqueue_dma source(%dma_start3A_716 : memref<128x128xf32, #tpu.memory_space<vmem>>) target(%dma_start3A_712 : memref<128x128xf32, #tpu.memory_space<hbm>>) target_semaphore(%arg14 : memref<!tpu.dma_semaphore, #tpu.memory_space<semaphore_mem>>)
    %dma_wait3A_717 = arith.constant 0 : i32
    %dma_wait3A_718 = arith.constant 0 : i32
    %dma_wait3A_719 = arith.constant 0 : i32
    %dma_wait3A_720 = tpu.memref_slice %arg6[%dma_wait3A_717, %dma_wait3A_718, %dma_wait3A_719] : memref<4x128x128xf32, #tpu.memory_space<vmem>> -> memref<1x128x128xf32, #tpu.memory_space<vmem>>
    %dma_wait3A_721 = tpu.memref_squeeze %dma_wait3A_720 : memref<1x128x128xf32, #tpu.memory_space<vmem>> -> memref<128x128xf32, #tpu.memory_space<vmem>>
    %dma_wait3A_722 = arith.constant 0 : i32
    %dma_wait3A_723 = tpu.memref_slice %arg4[%add3A_628, %dma_wait3A_722] : memref<65536x128xf32, #tpu.memory_space<hbm>> -> memref<128x128xf32, #tpu.memory_space<hbm>>
    %dma_wait3A_724 = arith.constant 0 : i32
    %dma_wait3A_725 = tpu.memref_slice %arg4[%add3A_628, %dma_wait3A_724] : memref<65536x128xf32, #tpu.memory_space<hbm>> -> memref<128x128xf32, #tpu.memory_space<hbm>>
    %dma_wait3A_726 = arith.constant 0 : i32
    %dma_wait3A_727 = arith.constant 0 : i32
    %dma_wait3A_728 = tpu.memref_slice %arg6[%dma_wait3A_717, %dma_wait3A_726, %dma_wait3A_727] : memref<4x128x128xf32, #tpu.memory_space<vmem>> -> memref<1x128x128xf32, #tpu.memory_space<vmem>>
    %dma_wait3A_729 = tpu.memref_squeeze %dma_wait3A_728 : memref<1x128x128xf32, #tpu.memory_space<vmem>> -> memref<128x128xf32, #tpu.memory_space<vmem>>
    tpu.wait_dma2 semaphore(%arg11 : memref<!tpu.dma_semaphore, #tpu.memory_space<semaphore_mem>>) src(%dma_wait3A_729 : memref<128x128xf32, #tpu.memory_space<vmem>>) dst(%dma_wait3A_725 : memref<128x128xf32, #tpu.memory_space<hbm>>)
    %dma_wait3A_730 = arith.constant 1 : i32
    %dma_wait3A_731 = arith.constant 0 : i32
    %dma_wait3A_732 = arith.constant 0 : i32
    %dma_wait3A_733 = tpu.memref_slice %arg6[%dma_wait3A_730, %dma_wait3A_731, %dma_wait3A_732] : memref<4x128x128xf32, #tpu.memory_space<vmem>> -> memref<1x128x128xf32, #tpu.memory_space<vmem>>
    %dma_wait3A_734 = tpu.memref_squeeze %dma_wait3A_733 : memref<1x128x128xf32, #tpu.memory_space<vmem>> -> memref<128x128xf32, #tpu.memory_space<vmem>>
    %dma_wait3A_735 = arith.constant 0 : i32
    %dma_wait3A_736 = tpu.memref_slice %arg4[%add3A_653, %dma_wait3A_735] : memref<65536x128xf32, #tpu.memory_space<hbm>> -> memref<128x128xf32, #tpu.memory_space<hbm>>
    %dma_wait3A_737 = arith.constant 0 : i32
    %dma_wait3A_738 = tpu.memref_slice %arg4[%add3A_653, %dma_wait3A_737] : memref<65536x128xf32, #tpu.memory_space<hbm>> -> memref<128x128xf32, #tpu.memory_space<hbm>>
    %dma_wait3A_739 = arith.constant 0 : i32
    %dma_wait3A_740 = arith.constant 0 : i32
    %dma_wait3A_741 = tpu.memref_slice %arg6[%dma_wait3A_730, %dma_wait3A_739, %dma_wait3A_740] : memref<4x128x128xf32, #tpu.memory_space<vmem>> -> memref<1x128x128xf32, #tpu.memory_space<vmem>>
    %dma_wait3A_742 = tpu.memref_squeeze %dma_wait3A_741 : memref<1x128x128xf32, #tpu.memory_space<vmem>> -> memref<128x128xf32, #tpu.memory_space<vmem>>
    tpu.wait_dma2 semaphore(%arg12 : memref<!tpu.dma_semaphore, #tpu.memory_space<semaphore_mem>>) src(%dma_wait3A_742 : memref<128x128xf32, #tpu.memory_space<vmem>>) dst(%dma_wait3A_738 : memref<128x128xf32, #tpu.memory_space<hbm>>)
    %dma_wait3A_743 = arith.constant 2 : i32
    %dma_wait3A_744 = arith.constant 0 : i32
    %dma_wait3A_745 = arith.constant 0 : i32
    %dma_wait3A_746 = tpu.memref_slice %arg6[%dma_wait3A_743, %dma_wait3A_744, %dma_wait3A_745] : memref<4x128x128xf32, #tpu.memory_space<vmem>> -> memref<1x128x128xf32, #tpu.memory_space<vmem>>
    %dma_wait3A_747 = tpu.memref_squeeze %dma_wait3A_746 : memref<1x128x128xf32, #tpu.memory_space<vmem>> -> memref<128x128xf32, #tpu.memory_space<vmem>>
    %dma_wait3A_748 = arith.constant 0 : i32
    %dma_wait3A_749 = tpu.memref_slice %arg4[%add3A_678, %dma_wait3A_748] : memref<65536x128xf32, #tpu.memory_space<hbm>> -> memref<128x128xf32, #tpu.memory_space<hbm>>
    %dma_wait3A_750 = arith.constant 0 : i32
    %dma_wait3A_751 = tpu.memref_slice %arg4[%add3A_678, %dma_wait3A_750] : memref<65536x128xf32, #tpu.memory_space<hbm>> -> memref<128x128xf32, #tpu.memory_space<hbm>>
    %dma_wait3A_752 = arith.constant 0 : i32
    %dma_wait3A_753 = arith.constant 0 : i32
    %dma_wait3A_754 = tpu.memref_slice %arg6[%dma_wait3A_743, %dma_wait3A_752, %dma_wait3A_753] : memref<4x128x128xf32, #tpu.memory_space<vmem>> -> memref<1x128x128xf32, #tpu.memory_space<vmem>>
    %dma_wait3A_755 = tpu.memref_squeeze %dma_wait3A_754 : memref<1x128x128xf32, #tpu.memory_space<vmem>> -> memref<128x128xf32, #tpu.memory_space<vmem>>
    tpu.wait_dma2 semaphore(%arg13 : memref<!tpu.dma_semaphore, #tpu.memory_space<semaphore_mem>>) src(%dma_wait3A_755 : memref<128x128xf32, #tpu.memory_space<vmem>>) dst(%dma_wait3A_751 : memref<128x128xf32, #tpu.memory_space<hbm>>)
    %dma_wait3A_756 = arith.constant 3 : i32
    %dma_wait3A_757 = arith.constant 0 : i32
    %dma_wait3A_758 = arith.constant 0 : i32
    %dma_wait3A_759 = tpu.memref_slice %arg6[%dma_wait3A_756, %dma_wait3A_757, %dma_wait3A_758] : memref<4x128x128xf32, #tpu.memory_space<vmem>> -> memref<1x128x128xf32, #tpu.memory_space<vmem>>
    %dma_wait3A_760 = tpu.memref_squeeze %dma_wait3A_759 : memref<1x128x128xf32, #tpu.memory_space<vmem>> -> memref<128x128xf32, #tpu.memory_space<vmem>>
    %dma_wait3A_761 = arith.constant 0 : i32
    %dma_wait3A_762 = tpu.memref_slice %arg4[%add3A_703, %dma_wait3A_761] : memref<65536x128xf32, #tpu.memory_space<hbm>> -> memref<128x128xf32, #tpu.memory_space<hbm>>
    %dma_wait3A_763 = arith.constant 0 : i32
    %dma_wait3A_764 = tpu.memref_slice %arg4[%add3A_703, %dma_wait3A_763] : memref<65536x128xf32, #tpu.memory_space<hbm>> -> memref<128x128xf32, #tpu.memory_space<hbm>>
    %dma_wait3A_765 = arith.constant 0 : i32
    %dma_wait3A_766 = arith.constant 0 : i32
    %dma_wait3A_767 = tpu.memref_slice %arg6[%dma_wait3A_756, %dma_wait3A_765, %dma_wait3A_766] : memref<4x128x128xf32, #tpu.memory_space<vmem>> -> memref<1x128x128xf32, #tpu.memory_space<vmem>>
    %dma_wait3A_768 = tpu.memref_squeeze %dma_wait3A_767 : memref<1x128x128xf32, #tpu.memory_space<vmem>> -> memref<128x128xf32, #tpu.memory_space<vmem>>
    tpu.wait_dma2 semaphore(%arg14 : memref<!tpu.dma_semaphore, #tpu.memory_space<semaphore_mem>>) src(%dma_wait3A_768 : memref<128x128xf32, #tpu.memory_space<vmem>>) dst(%dma_wait3A_764 : memref<128x128xf32, #tpu.memory_space<hbm>>)
    return
  }
}

#map = affine_map<(d0, d1) -> (0, 0)>
#map1 = affine_map<(d0, d1) -> (0)>
module attributes {stable_mosaic.version = 14 : i64} {
  func.func @gather_kernel(%arg0: i32, %arg1: i32, %arg2: memref<8192x128xf32, #tpu.memory_space<hbm>>, %arg3: memref<65536xi32, #tpu.memory_space<hbm>>, %arg4: memref<65536x128xf32, #tpu.memory_space<hbm>>, %arg5: memref<2048xi32, #tpu.memory_space<vmem>>, %arg6: memref<4x128x128xf32, #tpu.memory_space<vmem>>, %arg7: memref<!tpu.dma_semaphore, #tpu.memory_space<semaphore_mem>>, %arg8: memref<!tpu.dma_semaphore, #tpu.memory_space<semaphore_mem>>, %arg9: memref<!tpu.dma_semaphore, #tpu.memory_space<semaphore_mem>>, %arg10: memref<!tpu.dma_semaphore, #tpu.memory_space<semaphore_mem>>, %arg11: memref<!tpu.dma_semaphore, #tpu.memory_space<semaphore_mem>>, %arg12: memref<!tpu.dma_semaphore, #tpu.memory_space<semaphore_mem>>, %arg13: memref<!tpu.dma_semaphore, #tpu.memory_space<semaphore_mem>>, %arg14: memref<!tpu.dma_semaphore, #tpu.memory_space<semaphore_mem>>) attributes {dimension_semantics = [#tpu.dimension_semantics<core_parallel>, #tpu.dimension_semantics<subcore_parallel>], iteration_bounds = array<i64: 2, 16>, scalar_prefetch = 0 : i64, scratch_operands = 10 : i64, tpu.core_type = #tpu.core_type<sc_vector_subcore>, window_params = [{transform_indices = #map}, {transform_indices = #map1}, {transform_indices = #map}]} {
    %mul3A = arith.constant 2 : i32
    %mul3A_0 = arith.muli %arg1, %mul3A : i32
    %add3A = arith.addi %mul3A_0, %arg0 : i32
    %mul3A_1 = arith.constant 2048 : i32
    %mul3A_2 = arith.muli %add3A, %mul3A_1 : i32
    "tpu.region"() ({
      %run_scoped3A = tpu.sem_alloc : memref<!tpu.dma_semaphore, #tpu.memory_space<semaphore_mem>>
      %dma_start3A_769 = tpu.memref_slice %arg3[%mul3A_2] : memref<65536xi32, #tpu.memory_space<hbm>> -> memref<2048xi32, #tpu.memory_space<hbm>>
      %dma_start3A_770 = tpu.memref_slice %arg3[%mul3A_2] : memref<65536xi32, #tpu.memory_space<hbm>> -> memref<2048xi32, #tpu.memory_space<hbm>>
      tpu.enqueue_dma source(%dma_start3A_770 : memref<2048xi32, #tpu.memory_space<hbm>>) target(%arg5 : memref<2048xi32, #tpu.memory_space<vmem>>) target_semaphore(%run_scoped3A : memref<!tpu.dma_semaphore, #tpu.memory_space<semaphore_mem>>)
      %dma_wait3A_771 = tpu.memref_slice %arg3[%mul3A_2] : memref<65536xi32, #tpu.memory_space<hbm>> -> memref<2048xi32, #tpu.memory_space<hbm>>
      %dma_wait3A_772 = tpu.memref_slice %arg3[%mul3A_2] : memref<65536xi32, #tpu.memory_space<hbm>> -> memref<2048xi32, #tpu.memory_space<hbm>>
      tpu.wait_dma2 semaphore(%run_scoped3A : memref<!tpu.dma_semaphore, #tpu.memory_space<semaphore_mem>>) src(%dma_wait3A_772 : memref<2048xi32, #tpu.memory_space<hbm>>) dst(%arg5 : memref<2048xi32, #tpu.memory_space<vmem>>)
      tpu.yield
    }) : () -> ()
    %dma_start3A = arith.constant 0 : i32
    %dma_start3A_3 = arith.constant 0 : i32
    %dma_start3A_4 = arith.constant 0 : i32
    %dma_start3A_5 = tpu.memref_slice %arg6[%dma_start3A, %dma_start3A_3, %dma_start3A_4] : memref<4x128x128xf32, #tpu.memory_space<vmem>> -> memref<1x128x128xf32, #tpu.memory_space<vmem>>
    %dma_start3A_6 = tpu.memref_squeeze %dma_start3A_5 : memref<1x128x128xf32, #tpu.memory_space<vmem>> -> memref<128x128xf32, #tpu.memory_space<vmem>>
    %dma_start3A_7 = arith.constant 0 : i32
    %dma_start3A_8 = tpu.memref_slice %arg5[%dma_start3A_7] : memref<2048xi32, #tpu.memory_space<vmem>> -> memref<128xi32, #tpu.memory_space<vmem>>
    %dma_start3A_9 = arith.constant 0 : i32
    %dma_start3A_10 = arith.constant 0 : i32
    %dma_start3A_11 = tpu.memref_slice %arg2[%dma_start3A_9, %dma_start3A_10] : memref<8192x128xf32, #tpu.memory_space<hbm>> -> memref<8192x128xf32, #tpu.memory_space<hbm>>
    tpu.enqueue_indirect_dma source(%dma_start3A_11 : memref<8192x128xf32, #tpu.memory_space<hbm>>) target(%dma_start3A_6 : memref<128x128xf32, #tpu.memory_space<vmem>>) offsets(%dma_start3A_8 : memref<128xi32, #tpu.memory_space<vmem>>) semaphore(%arg7 : memref<!tpu.dma_semaphore, #tpu.memory_space<semaphore_mem>>)
    %dma_start3A_12 = arith.constant 1 : i32
    %dma_start3A_13 = arith.constant 0 : i32
    %dma_start3A_14 = arith.constant 0 : i32
    %dma_start3A_15 = tpu.memref_slice %arg6[%dma_start3A_12, %dma_start3A_13, %dma_start3A_14] : memref<4x128x128xf32, #tpu.memory_space<vmem>> -> memref<1x128x128xf32, #tpu.memory_space<vmem>>
    %dma_start3A_16 = tpu.memref_squeeze %dma_start3A_15 : memref<1x128x128xf32, #tpu.memory_space<vmem>> -> memref<128x128xf32, #tpu.memory_space<vmem>>
    %dma_start3A_17 = arith.constant 128 : i32
    %dma_start3A_18 = tpu.memref_slice %arg5[%dma_start3A_17] : memref<2048xi32, #tpu.memory_space<vmem>> -> memref<128xi32, #tpu.memory_space<vmem>>
    %dma_start3A_19 = arith.constant 0 : i32
    %dma_start3A_20 = arith.constant 0 : i32
    %dma_start3A_21 = tpu.memref_slice %arg2[%dma_start3A_19, %dma_start3A_20] : memref<8192x128xf32, #tpu.memory_space<hbm>> -> memref<8192x128xf32, #tpu.memory_space<hbm>>
    tpu.enqueue_indirect_dma source(%dma_start3A_21 : memref<8192x128xf32, #tpu.memory_space<hbm>>) target(%dma_start3A_16 : memref<128x128xf32, #tpu.memory_space<vmem>>) offsets(%dma_start3A_18 : memref<128xi32, #tpu.memory_space<vmem>>) semaphore(%arg8 : memref<!tpu.dma_semaphore, #tpu.memory_space<semaphore_mem>>)
    %dma_start3A_22 = arith.constant 2 : i32
    %dma_start3A_23 = arith.constant 0 : i32
    %dma_start3A_24 = arith.constant 0 : i32
    %dma_start3A_25 = tpu.memref_slice %arg6[%dma_start3A_22, %dma_start3A_23, %dma_start3A_24] : memref<4x128x128xf32, #tpu.memory_space<vmem>> -> memref<1x128x128xf32, #tpu.memory_space<vmem>>
    %dma_start3A_26 = tpu.memref_squeeze %dma_start3A_25 : memref<1x128x128xf32, #tpu.memory_space<vmem>> -> memref<128x128xf32, #tpu.memory_space<vmem>>
    %dma_start3A_27 = arith.constant 256 : i32
    %dma_start3A_28 = tpu.memref_slice %arg5[%dma_start3A_27] : memref<2048xi32, #tpu.memory_space<vmem>> -> memref<128xi32, #tpu.memory_space<vmem>>
    %dma_start3A_29 = arith.constant 0 : i32
    %dma_start3A_30 = arith.constant 0 : i32
    %dma_start3A_31 = tpu.memref_slice %arg2[%dma_start3A_29, %dma_start3A_30] : memref<8192x128xf32, #tpu.memory_space<hbm>> -> memref<8192x128xf32, #tpu.memory_space<hbm>>
    tpu.enqueue_indirect_dma source(%dma_start3A_31 : memref<8192x128xf32, #tpu.memory_space<hbm>>) target(%dma_start3A_26 : memref<128x128xf32, #tpu.memory_space<vmem>>) offsets(%dma_start3A_28 : memref<128xi32, #tpu.memory_space<vmem>>) semaphore(%arg9 : memref<!tpu.dma_semaphore, #tpu.memory_space<semaphore_mem>>)
    %dma_start3A_32 = arith.constant 3 : i32
    %dma_start3A_33 = arith.constant 0 : i32
    %dma_start3A_34 = arith.constant 0 : i32
    %dma_start3A_35 = tpu.memref_slice %arg6[%dma_start3A_32, %dma_start3A_33, %dma_start3A_34] : memref<4x128x128xf32, #tpu.memory_space<vmem>> -> memref<1x128x128xf32, #tpu.memory_space<vmem>>
    %dma_start3A_36 = tpu.memref_squeeze %dma_start3A_35 : memref<1x128x128xf32, #tpu.memory_space<vmem>> -> memref<128x128xf32, #tpu.memory_space<vmem>>
    %dma_start3A_37 = arith.constant 384 : i32
    %dma_start3A_38 = tpu.memref_slice %arg5[%dma_start3A_37] : memref<2048xi32, #tpu.memory_space<vmem>> -> memref<128xi32, #tpu.memory_space<vmem>>
    %dma_start3A_39 = arith.constant 0 : i32
    %dma_start3A_40 = arith.constant 0 : i32
    %dma_start3A_41 = tpu.memref_slice %arg2[%dma_start3A_39, %dma_start3A_40] : memref<8192x128xf32, #tpu.memory_space<hbm>> -> memref<8192x128xf32, #tpu.memory_space<hbm>>
    tpu.enqueue_indirect_dma source(%dma_start3A_41 : memref<8192x128xf32, #tpu.memory_space<hbm>>) target(%dma_start3A_36 : memref<128x128xf32, #tpu.memory_space<vmem>>) offsets(%dma_start3A_38 : memref<128xi32, #tpu.memory_space<vmem>>) semaphore(%arg10 : memref<!tpu.dma_semaphore, #tpu.memory_space<semaphore_mem>>)
    %dma_wait3A = arith.constant 0 : i32
    %dma_wait3A_42 = arith.constant 0 : i32
    %dma_wait3A_43 = arith.constant 0 : i32
    %dma_wait3A_44 = tpu.memref_slice %arg6[%dma_wait3A, %dma_wait3A_42, %dma_wait3A_43] : memref<4x128x128xf32, #tpu.memory_space<vmem>> -> memref<1x128x128xf32, #tpu.memory_space<vmem>>
    %dma_wait3A_45 = tpu.memref_squeeze %dma_wait3A_44 : memref<1x128x128xf32, #tpu.memory_space<vmem>> -> memref<128x128xf32, #tpu.memory_space<vmem>>
    %dma_wait3A_46 = arith.constant 0 : i32
    %dma_wait3A_47 = tpu.memref_slice %arg5[%dma_wait3A_46] : memref<2048xi32, #tpu.memory_space<vmem>> -> memref<128xi32, #tpu.memory_space<vmem>>
    %dma_wait3A_48 = arith.constant 0 : i32
    %dma_wait3A_49 = arith.constant 0 : i32
    %dma_wait3A_50 = tpu.memref_slice %arg2[%dma_wait3A_48, %dma_wait3A_49] : memref<8192x128xf32, #tpu.memory_space<hbm>> -> memref<8192x128xf32, #tpu.memory_space<hbm>>
    tpu.wait_indirect_dma semaphore(%arg7 : memref<!tpu.dma_semaphore, #tpu.memory_space<semaphore_mem>>) src(%dma_wait3A_50 : memref<8192x128xf32, #tpu.memory_space<hbm>>) dst(%dma_wait3A_45 : memref<128x128xf32, #tpu.memory_space<vmem>>)
    %add3A_51 = arith.constant 0 : i32
    %add3A_52 = arith.addi %mul3A_2, %add3A_51 : i32
    %dma_start3A_53 = arith.constant 0 : i32
    %dma_start3A_54 = arith.constant 0 : i32
    %dma_start3A_55 = arith.constant 0 : i32
    %dma_start3A_56 = tpu.memref_slice %arg6[%dma_start3A_53, %dma_start3A_54, %dma_start3A_55] : memref<4x128x128xf32, #tpu.memory_space<vmem>> -> memref<1x128x128xf32, #tpu.memory_space<vmem>>
    %dma_start3A_57 = tpu.memref_squeeze %dma_start3A_56 : memref<1x128x128xf32, #tpu.memory_space<vmem>> -> memref<128x128xf32, #tpu.memory_space<vmem>>
    %dma_start3A_58 = arith.constant 0 : i32
    %dma_start3A_59 = tpu.memref_slice %arg4[%add3A_52, %dma_start3A_58] : memref<65536x128xf32, #tpu.memory_space<hbm>> -> memref<128x128xf32, #tpu.memory_space<hbm>>
    %dma_start3A_60 = arith.constant 0 : i32
    %dma_start3A_61 = tpu.memref_slice %arg4[%add3A_52, %dma_start3A_60] : memref<65536x128xf32, #tpu.memory_space<hbm>> -> memref<128x128xf32, #tpu.memory_space<hbm>>
    %dma_start3A_62 = arith.constant 0 : i32
    %dma_start3A_63 = arith.constant 0 : i32
    %dma_start3A_64 = tpu.memref_slice %arg6[%dma_start3A_53, %dma_start3A_62, %dma_start3A_63] : memref<4x128x128xf32, #tpu.memory_space<vmem>> -> memref<1x128x128xf32, #tpu.memory_space<vmem>>
    %dma_start3A_65 = tpu.memref_squeeze %dma_start3A_64 : memref<1x128x128xf32, #tpu.memory_space<vmem>> -> memref<128x128xf32, #tpu.memory_space<vmem>>
    tpu.enqueue_dma source(%dma_start3A_65 : memref<128x128xf32, #tpu.memory_space<vmem>>) target(%dma_start3A_61 : memref<128x128xf32, #tpu.memory_space<hbm>>) target_semaphore(%arg11 : memref<!tpu.dma_semaphore, #tpu.memory_space<semaphore_mem>>)
    %dma_wait3A_66 = arith.constant 0 : i32
    %dma_wait3A_67 = arith.constant 0 : i32
    %dma_wait3A_68 = arith.constant 0 : i32
    %dma_wait3A_69 = tpu.memref_slice %arg6[%dma_wait3A_66, %dma_wait3A_67, %dma_wait3A_68] : memref<4x128x128xf32, #tpu.memory_space<vmem>> -> memref<1x128x128xf32, #tpu.memory_space<vmem>>
    %dma_wait3A_70 = tpu.memref_squeeze %dma_wait3A_69 : memref<1x128x128xf32, #tpu.memory_space<vmem>> -> memref<128x128xf32, #tpu.memory_space<vmem>>
    %dma_wait3A_71 = arith.constant 0 : i32
    %dma_wait3A_72 = tpu.memref_slice %arg4[%add3A_52, %dma_wait3A_71] : memref<65536x128xf32, #tpu.memory_space<hbm>> -> memref<128x128xf32, #tpu.memory_space<hbm>>
    %dma_wait3A_73 = arith.constant 0 : i32
    %dma_wait3A_74 = tpu.memref_slice %arg4[%add3A_52, %dma_wait3A_73] : memref<65536x128xf32, #tpu.memory_space<hbm>> -> memref<128x128xf32, #tpu.memory_space<hbm>>
    %dma_wait3A_75 = arith.constant 0 : i32
    %dma_wait3A_76 = arith.constant 0 : i32
    %dma_wait3A_77 = tpu.memref_slice %arg6[%dma_wait3A_66, %dma_wait3A_75, %dma_wait3A_76] : memref<4x128x128xf32, #tpu.memory_space<vmem>> -> memref<1x128x128xf32, #tpu.memory_space<vmem>>
    %dma_wait3A_78 = tpu.memref_squeeze %dma_wait3A_77 : memref<1x128x128xf32, #tpu.memory_space<vmem>> -> memref<128x128xf32, #tpu.memory_space<vmem>>
    tpu.wait_dma2 semaphore(%arg11 : memref<!tpu.dma_semaphore, #tpu.memory_space<semaphore_mem>>) src(%dma_wait3A_78 : memref<128x128xf32, #tpu.memory_space<vmem>>) dst(%dma_wait3A_74 : memref<128x128xf32, #tpu.memory_space<hbm>>)
    %dma_start3A_79 = arith.constant 0 : i32
    %dma_start3A_80 = arith.constant 0 : i32
    %dma_start3A_81 = arith.constant 0 : i32
    %dma_start3A_82 = tpu.memref_slice %arg6[%dma_start3A_79, %dma_start3A_80, %dma_start3A_81] : memref<4x128x128xf32, #tpu.memory_space<vmem>> -> memref<1x128x128xf32, #tpu.memory_space<vmem>>
    %dma_start3A_83 = tpu.memref_squeeze %dma_start3A_82 : memref<1x128x128xf32, #tpu.memory_space<vmem>> -> memref<128x128xf32, #tpu.memory_space<vmem>>
    %dma_start3A_84 = arith.constant 512 : i32
    %dma_start3A_85 = tpu.memref_slice %arg5[%dma_start3A_84] : memref<2048xi32, #tpu.memory_space<vmem>> -> memref<128xi32, #tpu.memory_space<vmem>>
    %dma_start3A_86 = arith.constant 0 : i32
    %dma_start3A_87 = arith.constant 0 : i32
    %dma_start3A_88 = tpu.memref_slice %arg2[%dma_start3A_86, %dma_start3A_87] : memref<8192x128xf32, #tpu.memory_space<hbm>> -> memref<8192x128xf32, #tpu.memory_space<hbm>>
    tpu.enqueue_indirect_dma source(%dma_start3A_88 : memref<8192x128xf32, #tpu.memory_space<hbm>>) target(%dma_start3A_83 : memref<128x128xf32, #tpu.memory_space<vmem>>) offsets(%dma_start3A_85 : memref<128xi32, #tpu.memory_space<vmem>>) semaphore(%arg7 : memref<!tpu.dma_semaphore, #tpu.memory_space<semaphore_mem>>)
    %dma_wait3A_89 = arith.constant 1 : i32
    %dma_wait3A_90 = arith.constant 0 : i32
    %dma_wait3A_91 = arith.constant 0 : i32
    %dma_wait3A_92 = tpu.memref_slice %arg6[%dma_wait3A_89, %dma_wait3A_90, %dma_wait3A_91] : memref<4x128x128xf32, #tpu.memory_space<vmem>> -> memref<1x128x128xf32, #tpu.memory_space<vmem>>
    %dma_wait3A_93 = tpu.memref_squeeze %dma_wait3A_92 : memref<1x128x128xf32, #tpu.memory_space<vmem>> -> memref<128x128xf32, #tpu.memory_space<vmem>>
    %dma_wait3A_94 = arith.constant 128 : i32
    %dma_wait3A_95 = tpu.memref_slice %arg5[%dma_wait3A_94] : memref<2048xi32, #tpu.memory_space<vmem>> -> memref<128xi32, #tpu.memory_space<vmem>>
    %dma_wait3A_96 = arith.constant 0 : i32
    %dma_wait3A_97 = arith.constant 0 : i32
    %dma_wait3A_98 = tpu.memref_slice %arg2[%dma_wait3A_96, %dma_wait3A_97] : memref<8192x128xf32, #tpu.memory_space<hbm>> -> memref<8192x128xf32, #tpu.memory_space<hbm>>
    tpu.wait_indirect_dma semaphore(%arg8 : memref<!tpu.dma_semaphore, #tpu.memory_space<semaphore_mem>>) src(%dma_wait3A_98 : memref<8192x128xf32, #tpu.memory_space<hbm>>) dst(%dma_wait3A_93 : memref<128x128xf32, #tpu.memory_space<vmem>>)
    %add3A_99 = arith.constant 128 : i32
    %add3A_100 = arith.addi %mul3A_2, %add3A_99 : i32
    %dma_start3A_101 = arith.constant 1 : i32
    %dma_start3A_102 = arith.constant 0 : i32
    %dma_start3A_103 = arith.constant 0 : i32
    %dma_start3A_104 = tpu.memref_slice %arg6[%dma_start3A_101, %dma_start3A_102, %dma_start3A_103] : memref<4x128x128xf32, #tpu.memory_space<vmem>> -> memref<1x128x128xf32, #tpu.memory_space<vmem>>
    %dma_start3A_105 = tpu.memref_squeeze %dma_start3A_104 : memref<1x128x128xf32, #tpu.memory_space<vmem>> -> memref<128x128xf32, #tpu.memory_space<vmem>>
    %dma_start3A_106 = arith.constant 0 : i32
    %dma_start3A_107 = tpu.memref_slice %arg4[%add3A_100, %dma_start3A_106] : memref<65536x128xf32, #tpu.memory_space<hbm>> -> memref<128x128xf32, #tpu.memory_space<hbm>>
    %dma_start3A_108 = arith.constant 0 : i32
    %dma_start3A_109 = tpu.memref_slice %arg4[%add3A_100, %dma_start3A_108] : memref<65536x128xf32, #tpu.memory_space<hbm>> -> memref<128x128xf32, #tpu.memory_space<hbm>>
    %dma_start3A_110 = arith.constant 0 : i32
    %dma_start3A_111 = arith.constant 0 : i32
    %dma_start3A_112 = tpu.memref_slice %arg6[%dma_start3A_101, %dma_start3A_110, %dma_start3A_111] : memref<4x128x128xf32, #tpu.memory_space<vmem>> -> memref<1x128x128xf32, #tpu.memory_space<vmem>>
    %dma_start3A_113 = tpu.memref_squeeze %dma_start3A_112 : memref<1x128x128xf32, #tpu.memory_space<vmem>> -> memref<128x128xf32, #tpu.memory_space<vmem>>
    tpu.enqueue_dma source(%dma_start3A_113 : memref<128x128xf32, #tpu.memory_space<vmem>>) target(%dma_start3A_109 : memref<128x128xf32, #tpu.memory_space<hbm>>) target_semaphore(%arg12 : memref<!tpu.dma_semaphore, #tpu.memory_space<semaphore_mem>>)
    %dma_wait3A_114 = arith.constant 1 : i32
    %dma_wait3A_115 = arith.constant 0 : i32
    %dma_wait3A_116 = arith.constant 0 : i32
    %dma_wait3A_117 = tpu.memref_slice %arg6[%dma_wait3A_114, %dma_wait3A_115, %dma_wait3A_116] : memref<4x128x128xf32, #tpu.memory_space<vmem>> -> memref<1x128x128xf32, #tpu.memory_space<vmem>>
    %dma_wait3A_118 = tpu.memref_squeeze %dma_wait3A_117 : memref<1x128x128xf32, #tpu.memory_space<vmem>> -> memref<128x128xf32, #tpu.memory_space<vmem>>
    %dma_wait3A_119 = arith.constant 0 : i32
    %dma_wait3A_120 = tpu.memref_slice %arg4[%add3A_100, %dma_wait3A_119] : memref<65536x128xf32, #tpu.memory_space<hbm>> -> memref<128x128xf32, #tpu.memory_space<hbm>>
    %dma_wait3A_121 = arith.constant 0 : i32
    %dma_wait3A_122 = tpu.memref_slice %arg4[%add3A_100, %dma_wait3A_121] : memref<65536x128xf32, #tpu.memory_space<hbm>> -> memref<128x128xf32, #tpu.memory_space<hbm>>
    %dma_wait3A_123 = arith.constant 0 : i32
    %dma_wait3A_124 = arith.constant 0 : i32
    %dma_wait3A_125 = tpu.memref_slice %arg6[%dma_wait3A_114, %dma_wait3A_123, %dma_wait3A_124] : memref<4x128x128xf32, #tpu.memory_space<vmem>> -> memref<1x128x128xf32, #tpu.memory_space<vmem>>
    %dma_wait3A_126 = tpu.memref_squeeze %dma_wait3A_125 : memref<1x128x128xf32, #tpu.memory_space<vmem>> -> memref<128x128xf32, #tpu.memory_space<vmem>>
    tpu.wait_dma2 semaphore(%arg12 : memref<!tpu.dma_semaphore, #tpu.memory_space<semaphore_mem>>) src(%dma_wait3A_126 : memref<128x128xf32, #tpu.memory_space<vmem>>) dst(%dma_wait3A_122 : memref<128x128xf32, #tpu.memory_space<hbm>>)
    %dma_start3A_127 = arith.constant 1 : i32
    %dma_start3A_128 = arith.constant 0 : i32
    %dma_start3A_129 = arith.constant 0 : i32
    %dma_start3A_130 = tpu.memref_slice %arg6[%dma_start3A_127, %dma_start3A_128, %dma_start3A_129] : memref<4x128x128xf32, #tpu.memory_space<vmem>> -> memref<1x128x128xf32, #tpu.memory_space<vmem>>
    %dma_start3A_131 = tpu.memref_squeeze %dma_start3A_130 : memref<1x128x128xf32, #tpu.memory_space<vmem>> -> memref<128x128xf32, #tpu.memory_space<vmem>>
    %dma_start3A_132 = arith.constant 640 : i32
    %dma_start3A_133 = tpu.memref_slice %arg5[%dma_start3A_132] : memref<2048xi32, #tpu.memory_space<vmem>> -> memref<128xi32, #tpu.memory_space<vmem>>
    %dma_start3A_134 = arith.constant 0 : i32
    %dma_start3A_135 = arith.constant 0 : i32
    %dma_start3A_136 = tpu.memref_slice %arg2[%dma_start3A_134, %dma_start3A_135] : memref<8192x128xf32, #tpu.memory_space<hbm>> -> memref<8192x128xf32, #tpu.memory_space<hbm>>
    tpu.enqueue_indirect_dma source(%dma_start3A_136 : memref<8192x128xf32, #tpu.memory_space<hbm>>) target(%dma_start3A_131 : memref<128x128xf32, #tpu.memory_space<vmem>>) offsets(%dma_start3A_133 : memref<128xi32, #tpu.memory_space<vmem>>) semaphore(%arg8 : memref<!tpu.dma_semaphore, #tpu.memory_space<semaphore_mem>>)
    %dma_wait3A_137 = arith.constant 2 : i32
    %dma_wait3A_138 = arith.constant 0 : i32
    %dma_wait3A_139 = arith.constant 0 : i32
    %dma_wait3A_140 = tpu.memref_slice %arg6[%dma_wait3A_137, %dma_wait3A_138, %dma_wait3A_139] : memref<4x128x128xf32, #tpu.memory_space<vmem>> -> memref<1x128x128xf32, #tpu.memory_space<vmem>>
    %dma_wait3A_141 = tpu.memref_squeeze %dma_wait3A_140 : memref<1x128x128xf32, #tpu.memory_space<vmem>> -> memref<128x128xf32, #tpu.memory_space<vmem>>
    %dma_wait3A_142 = arith.constant 256 : i32
    %dma_wait3A_143 = tpu.memref_slice %arg5[%dma_wait3A_142] : memref<2048xi32, #tpu.memory_space<vmem>> -> memref<128xi32, #tpu.memory_space<vmem>>
    %dma_wait3A_144 = arith.constant 0 : i32
    %dma_wait3A_145 = arith.constant 0 : i32
    %dma_wait3A_146 = tpu.memref_slice %arg2[%dma_wait3A_144, %dma_wait3A_145] : memref<8192x128xf32, #tpu.memory_space<hbm>> -> memref<8192x128xf32, #tpu.memory_space<hbm>>
    tpu.wait_indirect_dma semaphore(%arg9 : memref<!tpu.dma_semaphore, #tpu.memory_space<semaphore_mem>>) src(%dma_wait3A_146 : memref<8192x128xf32, #tpu.memory_space<hbm>>) dst(%dma_wait3A_141 : memref<128x128xf32, #tpu.memory_space<vmem>>)
    %add3A_147 = arith.constant 256 : i32
    %add3A_148 = arith.addi %mul3A_2, %add3A_147 : i32
    %dma_start3A_149 = arith.constant 2 : i32
    %dma_start3A_150 = arith.constant 0 : i32
    %dma_start3A_151 = arith.constant 0 : i32
    %dma_start3A_152 = tpu.memref_slice %arg6[%dma_start3A_149, %dma_start3A_150, %dma_start3A_151] : memref<4x128x128xf32, #tpu.memory_space<vmem>> -> memref<1x128x128xf32, #tpu.memory_space<vmem>>
    %dma_start3A_153 = tpu.memref_squeeze %dma_start3A_152 : memref<1x128x128xf32, #tpu.memory_space<vmem>> -> memref<128x128xf32, #tpu.memory_space<vmem>>
    %dma_start3A_154 = arith.constant 0 : i32
    %dma_start3A_155 = tpu.memref_slice %arg4[%add3A_148, %dma_start3A_154] : memref<65536x128xf32, #tpu.memory_space<hbm>> -> memref<128x128xf32, #tpu.memory_space<hbm>>
    %dma_start3A_156 = arith.constant 0 : i32
    %dma_start3A_157 = tpu.memref_slice %arg4[%add3A_148, %dma_start3A_156] : memref<65536x128xf32, #tpu.memory_space<hbm>> -> memref<128x128xf32, #tpu.memory_space<hbm>>
    %dma_start3A_158 = arith.constant 0 : i32
    %dma_start3A_159 = arith.constant 0 : i32
    %dma_start3A_160 = tpu.memref_slice %arg6[%dma_start3A_149, %dma_start3A_158, %dma_start3A_159] : memref<4x128x128xf32, #tpu.memory_space<vmem>> -> memref<1x128x128xf32, #tpu.memory_space<vmem>>
    %dma_start3A_161 = tpu.memref_squeeze %dma_start3A_160 : memref<1x128x128xf32, #tpu.memory_space<vmem>> -> memref<128x128xf32, #tpu.memory_space<vmem>>
    tpu.enqueue_dma source(%dma_start3A_161 : memref<128x128xf32, #tpu.memory_space<vmem>>) target(%dma_start3A_157 : memref<128x128xf32, #tpu.memory_space<hbm>>) target_semaphore(%arg13 : memref<!tpu.dma_semaphore, #tpu.memory_space<semaphore_mem>>)
    %dma_wait3A_162 = arith.constant 2 : i32
    %dma_wait3A_163 = arith.constant 0 : i32
    %dma_wait3A_164 = arith.constant 0 : i32
    %dma_wait3A_165 = tpu.memref_slice %arg6[%dma_wait3A_162, %dma_wait3A_163, %dma_wait3A_164] : memref<4x128x128xf32, #tpu.memory_space<vmem>> -> memref<1x128x128xf32, #tpu.memory_space<vmem>>
    %dma_wait3A_166 = tpu.memref_squeeze %dma_wait3A_165 : memref<1x128x128xf32, #tpu.memory_space<vmem>> -> memref<128x128xf32, #tpu.memory_space<vmem>>
    %dma_wait3A_167 = arith.constant 0 : i32
    %dma_wait3A_168 = tpu.memref_slice %arg4[%add3A_148, %dma_wait3A_167] : memref<65536x128xf32, #tpu.memory_space<hbm>> -> memref<128x128xf32, #tpu.memory_space<hbm>>
    %dma_wait3A_169 = arith.constant 0 : i32
    %dma_wait3A_170 = tpu.memref_slice %arg4[%add3A_148, %dma_wait3A_169] : memref<65536x128xf32, #tpu.memory_space<hbm>> -> memref<128x128xf32, #tpu.memory_space<hbm>>
    %dma_wait3A_171 = arith.constant 0 : i32
    %dma_wait3A_172 = arith.constant 0 : i32
    %dma_wait3A_173 = tpu.memref_slice %arg6[%dma_wait3A_162, %dma_wait3A_171, %dma_wait3A_172] : memref<4x128x128xf32, #tpu.memory_space<vmem>> -> memref<1x128x128xf32, #tpu.memory_space<vmem>>
    %dma_wait3A_174 = tpu.memref_squeeze %dma_wait3A_173 : memref<1x128x128xf32, #tpu.memory_space<vmem>> -> memref<128x128xf32, #tpu.memory_space<vmem>>
    tpu.wait_dma2 semaphore(%arg13 : memref<!tpu.dma_semaphore, #tpu.memory_space<semaphore_mem>>) src(%dma_wait3A_174 : memref<128x128xf32, #tpu.memory_space<vmem>>) dst(%dma_wait3A_170 : memref<128x128xf32, #tpu.memory_space<hbm>>)
    %dma_start3A_175 = arith.constant 2 : i32
    %dma_start3A_176 = arith.constant 0 : i32
    %dma_start3A_177 = arith.constant 0 : i32
    %dma_start3A_178 = tpu.memref_slice %arg6[%dma_start3A_175, %dma_start3A_176, %dma_start3A_177] : memref<4x128x128xf32, #tpu.memory_space<vmem>> -> memref<1x128x128xf32, #tpu.memory_space<vmem>>
    %dma_start3A_179 = tpu.memref_squeeze %dma_start3A_178 : memref<1x128x128xf32, #tpu.memory_space<vmem>> -> memref<128x128xf32, #tpu.memory_space<vmem>>
    %dma_start3A_180 = arith.constant 768 : i32
    %dma_start3A_181 = tpu.memref_slice %arg5[%dma_start3A_180] : memref<2048xi32, #tpu.memory_space<vmem>> -> memref<128xi32, #tpu.memory_space<vmem>>
    %dma_start3A_182 = arith.constant 0 : i32
    %dma_start3A_183 = arith.constant 0 : i32
    %dma_start3A_184 = tpu.memref_slice %arg2[%dma_start3A_182, %dma_start3A_183] : memref<8192x128xf32, #tpu.memory_space<hbm>> -> memref<8192x128xf32, #tpu.memory_space<hbm>>
    tpu.enqueue_indirect_dma source(%dma_start3A_184 : memref<8192x128xf32, #tpu.memory_space<hbm>>) target(%dma_start3A_179 : memref<128x128xf32, #tpu.memory_space<vmem>>) offsets(%dma_start3A_181 : memref<128xi32, #tpu.memory_space<vmem>>) semaphore(%arg9 : memref<!tpu.dma_semaphore, #tpu.memory_space<semaphore_mem>>)
    %dma_wait3A_185 = arith.constant 3 : i32
    %dma_wait3A_186 = arith.constant 0 : i32
    %dma_wait3A_187 = arith.constant 0 : i32
    %dma_wait3A_188 = tpu.memref_slice %arg6[%dma_wait3A_185, %dma_wait3A_186, %dma_wait3A_187] : memref<4x128x128xf32, #tpu.memory_space<vmem>> -> memref<1x128x128xf32, #tpu.memory_space<vmem>>
    %dma_wait3A_189 = tpu.memref_squeeze %dma_wait3A_188 : memref<1x128x128xf32, #tpu.memory_space<vmem>> -> memref<128x128xf32, #tpu.memory_space<vmem>>
    %dma_wait3A_190 = arith.constant 384 : i32
    %dma_wait3A_191 = tpu.memref_slice %arg5[%dma_wait3A_190] : memref<2048xi32, #tpu.memory_space<vmem>> -> memref<128xi32, #tpu.memory_space<vmem>>
    %dma_wait3A_192 = arith.constant 0 : i32
    %dma_wait3A_193 = arith.constant 0 : i32
    %dma_wait3A_194 = tpu.memref_slice %arg2[%dma_wait3A_192, %dma_wait3A_193] : memref<8192x128xf32, #tpu.memory_space<hbm>> -> memref<8192x128xf32, #tpu.memory_space<hbm>>
    tpu.wait_indirect_dma semaphore(%arg10 : memref<!tpu.dma_semaphore, #tpu.memory_space<semaphore_mem>>) src(%dma_wait3A_194 : memref<8192x128xf32, #tpu.memory_space<hbm>>) dst(%dma_wait3A_189 : memref<128x128xf32, #tpu.memory_space<vmem>>)
    %add3A_195 = arith.constant 384 : i32
    %add3A_196 = arith.addi %mul3A_2, %add3A_195 : i32
    %dma_start3A_197 = arith.constant 3 : i32
    %dma_start3A_198 = arith.constant 0 : i32
    %dma_start3A_199 = arith.constant 0 : i32
    %dma_start3A_200 = tpu.memref_slice %arg6[%dma_start3A_197, %dma_start3A_198, %dma_start3A_199] : memref<4x128x128xf32, #tpu.memory_space<vmem>> -> memref<1x128x128xf32, #tpu.memory_space<vmem>>
    %dma_start3A_201 = tpu.memref_squeeze %dma_start3A_200 : memref<1x128x128xf32, #tpu.memory_space<vmem>> -> memref<128x128xf32, #tpu.memory_space<vmem>>
    %dma_start3A_202 = arith.constant 0 : i32
    %dma_start3A_203 = tpu.memref_slice %arg4[%add3A_196, %dma_start3A_202] : memref<65536x128xf32, #tpu.memory_space<hbm>> -> memref<128x128xf32, #tpu.memory_space<hbm>>
    %dma_start3A_204 = arith.constant 0 : i32
    %dma_start3A_205 = tpu.memref_slice %arg4[%add3A_196, %dma_start3A_204] : memref<65536x128xf32, #tpu.memory_space<hbm>> -> memref<128x128xf32, #tpu.memory_space<hbm>>
    %dma_start3A_206 = arith.constant 0 : i32
    %dma_start3A_207 = arith.constant 0 : i32
    %dma_start3A_208 = tpu.memref_slice %arg6[%dma_start3A_197, %dma_start3A_206, %dma_start3A_207] : memref<4x128x128xf32, #tpu.memory_space<vmem>> -> memref<1x128x128xf32, #tpu.memory_space<vmem>>
    %dma_start3A_209 = tpu.memref_squeeze %dma_start3A_208 : memref<1x128x128xf32, #tpu.memory_space<vmem>> -> memref<128x128xf32, #tpu.memory_space<vmem>>
    tpu.enqueue_dma source(%dma_start3A_209 : memref<128x128xf32, #tpu.memory_space<vmem>>) target(%dma_start3A_205 : memref<128x128xf32, #tpu.memory_space<hbm>>) target_semaphore(%arg14 : memref<!tpu.dma_semaphore, #tpu.memory_space<semaphore_mem>>)
    %dma_wait3A_210 = arith.constant 3 : i32
    %dma_wait3A_211 = arith.constant 0 : i32
    %dma_wait3A_212 = arith.constant 0 : i32
    %dma_wait3A_213 = tpu.memref_slice %arg6[%dma_wait3A_210, %dma_wait3A_211, %dma_wait3A_212] : memref<4x128x128xf32, #tpu.memory_space<vmem>> -> memref<1x128x128xf32, #tpu.memory_space<vmem>>
    %dma_wait3A_214 = tpu.memref_squeeze %dma_wait3A_213 : memref<1x128x128xf32, #tpu.memory_space<vmem>> -> memref<128x128xf32, #tpu.memory_space<vmem>>
    %dma_wait3A_215 = arith.constant 0 : i32
    %dma_wait3A_216 = tpu.memref_slice %arg4[%add3A_196, %dma_wait3A_215] : memref<65536x128xf32, #tpu.memory_space<hbm>> -> memref<128x128xf32, #tpu.memory_space<hbm>>
    %dma_wait3A_217 = arith.constant 0 : i32
    %dma_wait3A_218 = tpu.memref_slice %arg4[%add3A_196, %dma_wait3A_217] : memref<65536x128xf32, #tpu.memory_space<hbm>> -> memref<128x128xf32, #tpu.memory_space<hbm>>
    %dma_wait3A_219 = arith.constant 0 : i32
    %dma_wait3A_220 = arith.constant 0 : i32
    %dma_wait3A_221 = tpu.memref_slice %arg6[%dma_wait3A_210, %dma_wait3A_219, %dma_wait3A_220] : memref<4x128x128xf32, #tpu.memory_space<vmem>> -> memref<1x128x128xf32, #tpu.memory_space<vmem>>
    %dma_wait3A_222 = tpu.memref_squeeze %dma_wait3A_221 : memref<1x128x128xf32, #tpu.memory_space<vmem>> -> memref<128x128xf32, #tpu.memory_space<vmem>>
    tpu.wait_dma2 semaphore(%arg14 : memref<!tpu.dma_semaphore, #tpu.memory_space<semaphore_mem>>) src(%dma_wait3A_222 : memref<128x128xf32, #tpu.memory_space<vmem>>) dst(%dma_wait3A_218 : memref<128x128xf32, #tpu.memory_space<hbm>>)
    %dma_start3A_223 = arith.constant 3 : i32
    %dma_start3A_224 = arith.constant 0 : i32
    %dma_start3A_225 = arith.constant 0 : i32
    %dma_start3A_226 = tpu.memref_slice %arg6[%dma_start3A_223, %dma_start3A_224, %dma_start3A_225] : memref<4x128x128xf32, #tpu.memory_space<vmem>> -> memref<1x128x128xf32, #tpu.memory_space<vmem>>
    %dma_start3A_227 = tpu.memref_squeeze %dma_start3A_226 : memref<1x128x128xf32, #tpu.memory_space<vmem>> -> memref<128x128xf32, #tpu.memory_space<vmem>>
    %dma_start3A_228 = arith.constant 896 : i32
    %dma_start3A_229 = tpu.memref_slice %arg5[%dma_start3A_228] : memref<2048xi32, #tpu.memory_space<vmem>> -> memref<128xi32, #tpu.memory_space<vmem>>
    %dma_start3A_230 = arith.constant 0 : i32
    %dma_start3A_231 = arith.constant 0 : i32
    %dma_start3A_232 = tpu.memref_slice %arg2[%dma_start3A_230, %dma_start3A_231] : memref<8192x128xf32, #tpu.memory_space<hbm>> -> memref<8192x128xf32, #tpu.memory_space<hbm>>
    tpu.enqueue_indirect_dma source(%dma_start3A_232 : memref<8192x128xf32, #tpu.memory_space<hbm>>) target(%dma_start3A_227 : memref<128x128xf32, #tpu.memory_space<vmem>>) offsets(%dma_start3A_229 : memref<128xi32, #tpu.memory_space<vmem>>) semaphore(%arg10 : memref<!tpu.dma_semaphore, #tpu.memory_space<semaphore_mem>>)
    %dma_wait3A_233 = arith.constant 0 : i32
    %dma_wait3A_234 = arith.constant 0 : i32
    %dma_wait3A_235 = arith.constant 0 : i32
    %dma_wait3A_236 = tpu.memref_slice %arg6[%dma_wait3A_233, %dma_wait3A_234, %dma_wait3A_235] : memref<4x128x128xf32, #tpu.memory_space<vmem>> -> memref<1x128x128xf32, #tpu.memory_space<vmem>>
    %dma_wait3A_237 = tpu.memref_squeeze %dma_wait3A_236 : memref<1x128x128xf32, #tpu.memory_space<vmem>> -> memref<128x128xf32, #tpu.memory_space<vmem>>
    %dma_wait3A_238 = arith.constant 512 : i32
    %dma_wait3A_239 = tpu.memref_slice %arg5[%dma_wait3A_238] : memref<2048xi32, #tpu.memory_space<vmem>> -> memref<128xi32, #tpu.memory_space<vmem>>
    %dma_wait3A_240 = arith.constant 0 : i32
    %dma_wait3A_241 = arith.constant 0 : i32
    %dma_wait3A_242 = tpu.memref_slice %arg2[%dma_wait3A_240, %dma_wait3A_241] : memref<8192x128xf32, #tpu.memory_space<hbm>> -> memref<8192x128xf32, #tpu.memory_space<hbm>>
    tpu.wait_indirect_dma semaphore(%arg7 : memref<!tpu.dma_semaphore, #tpu.memory_space<semaphore_mem>>) src(%dma_wait3A_242 : memref<8192x128xf32, #tpu.memory_space<hbm>>) dst(%dma_wait3A_237 : memref<128x128xf32, #tpu.memory_space<vmem>>)
    %add3A_243 = arith.constant 512 : i32
    %add3A_244 = arith.addi %mul3A_2, %add3A_243 : i32
    %dma_start3A_245 = arith.constant 0 : i32
    %dma_start3A_246 = arith.constant 0 : i32
    %dma_start3A_247 = arith.constant 0 : i32
    %dma_start3A_248 = tpu.memref_slice %arg6[%dma_start3A_245, %dma_start3A_246, %dma_start3A_247] : memref<4x128x128xf32, #tpu.memory_space<vmem>> -> memref<1x128x128xf32, #tpu.memory_space<vmem>>
    %dma_start3A_249 = tpu.memref_squeeze %dma_start3A_248 : memref<1x128x128xf32, #tpu.memory_space<vmem>> -> memref<128x128xf32, #tpu.memory_space<vmem>>
    %dma_start3A_250 = arith.constant 0 : i32
    %dma_start3A_251 = tpu.memref_slice %arg4[%add3A_244, %dma_start3A_250] : memref<65536x128xf32, #tpu.memory_space<hbm>> -> memref<128x128xf32, #tpu.memory_space<hbm>>
    %dma_start3A_252 = arith.constant 0 : i32
    %dma_start3A_253 = tpu.memref_slice %arg4[%add3A_244, %dma_start3A_252] : memref<65536x128xf32, #tpu.memory_space<hbm>> -> memref<128x128xf32, #tpu.memory_space<hbm>>
    %dma_start3A_254 = arith.constant 0 : i32
    %dma_start3A_255 = arith.constant 0 : i32
    %dma_start3A_256 = tpu.memref_slice %arg6[%dma_start3A_245, %dma_start3A_254, %dma_start3A_255] : memref<4x128x128xf32, #tpu.memory_space<vmem>> -> memref<1x128x128xf32, #tpu.memory_space<vmem>>
    %dma_start3A_257 = tpu.memref_squeeze %dma_start3A_256 : memref<1x128x128xf32, #tpu.memory_space<vmem>> -> memref<128x128xf32, #tpu.memory_space<vmem>>
    tpu.enqueue_dma source(%dma_start3A_257 : memref<128x128xf32, #tpu.memory_space<vmem>>) target(%dma_start3A_253 : memref<128x128xf32, #tpu.memory_space<hbm>>) target_semaphore(%arg11 : memref<!tpu.dma_semaphore, #tpu.memory_space<semaphore_mem>>)
    %dma_wait3A_258 = arith.constant 0 : i32
    %dma_wait3A_259 = arith.constant 0 : i32
    %dma_wait3A_260 = arith.constant 0 : i32
    %dma_wait3A_261 = tpu.memref_slice %arg6[%dma_wait3A_258, %dma_wait3A_259, %dma_wait3A_260] : memref<4x128x128xf32, #tpu.memory_space<vmem>> -> memref<1x128x128xf32, #tpu.memory_space<vmem>>
    %dma_wait3A_262 = tpu.memref_squeeze %dma_wait3A_261 : memref<1x128x128xf32, #tpu.memory_space<vmem>> -> memref<128x128xf32, #tpu.memory_space<vmem>>
    %dma_wait3A_263 = arith.constant 0 : i32
    %dma_wait3A_264 = tpu.memref_slice %arg4[%add3A_244, %dma_wait3A_263] : memref<65536x128xf32, #tpu.memory_space<hbm>> -> memref<128x128xf32, #tpu.memory_space<hbm>>
    %dma_wait3A_265 = arith.constant 0 : i32
    %dma_wait3A_266 = tpu.memref_slice %arg4[%add3A_244, %dma_wait3A_265] : memref<65536x128xf32, #tpu.memory_space<hbm>> -> memref<128x128xf32, #tpu.memory_space<hbm>>
    %dma_wait3A_267 = arith.constant 0 : i32
    %dma_wait3A_268 = arith.constant 0 : i32
    %dma_wait3A_269 = tpu.memref_slice %arg6[%dma_wait3A_258, %dma_wait3A_267, %dma_wait3A_268] : memref<4x128x128xf32, #tpu.memory_space<vmem>> -> memref<1x128x128xf32, #tpu.memory_space<vmem>>
    %dma_wait3A_270 = tpu.memref_squeeze %dma_wait3A_269 : memref<1x128x128xf32, #tpu.memory_space<vmem>> -> memref<128x128xf32, #tpu.memory_space<vmem>>
    tpu.wait_dma2 semaphore(%arg11 : memref<!tpu.dma_semaphore, #tpu.memory_space<semaphore_mem>>) src(%dma_wait3A_270 : memref<128x128xf32, #tpu.memory_space<vmem>>) dst(%dma_wait3A_266 : memref<128x128xf32, #tpu.memory_space<hbm>>)
    %dma_start3A_271 = arith.constant 0 : i32
    %dma_start3A_272 = arith.constant 0 : i32
    %dma_start3A_273 = arith.constant 0 : i32
    %dma_start3A_274 = tpu.memref_slice %arg6[%dma_start3A_271, %dma_start3A_272, %dma_start3A_273] : memref<4x128x128xf32, #tpu.memory_space<vmem>> -> memref<1x128x128xf32, #tpu.memory_space<vmem>>
    %dma_start3A_275 = tpu.memref_squeeze %dma_start3A_274 : memref<1x128x128xf32, #tpu.memory_space<vmem>> -> memref<128x128xf32, #tpu.memory_space<vmem>>
    %dma_start3A_276 = arith.constant 1024 : i32
    %dma_start3A_277 = tpu.memref_slice %arg5[%dma_start3A_276] : memref<2048xi32, #tpu.memory_space<vmem>> -> memref<128xi32, #tpu.memory_space<vmem>>
    %dma_start3A_278 = arith.constant 0 : i32
    %dma_start3A_279 = arith.constant 0 : i32
    %dma_start3A_280 = tpu.memref_slice %arg2[%dma_start3A_278, %dma_start3A_279] : memref<8192x128xf32, #tpu.memory_space<hbm>> -> memref<8192x128xf32, #tpu.memory_space<hbm>>
    tpu.enqueue_indirect_dma source(%dma_start3A_280 : memref<8192x128xf32, #tpu.memory_space<hbm>>) target(%dma_start3A_275 : memref<128x128xf32, #tpu.memory_space<vmem>>) offsets(%dma_start3A_277 : memref<128xi32, #tpu.memory_space<vmem>>) semaphore(%arg7 : memref<!tpu.dma_semaphore, #tpu.memory_space<semaphore_mem>>)
    %dma_wait3A_281 = arith.constant 1 : i32
    %dma_wait3A_282 = arith.constant 0 : i32
    %dma_wait3A_283 = arith.constant 0 : i32
    %dma_wait3A_284 = tpu.memref_slice %arg6[%dma_wait3A_281, %dma_wait3A_282, %dma_wait3A_283] : memref<4x128x128xf32, #tpu.memory_space<vmem>> -> memref<1x128x128xf32, #tpu.memory_space<vmem>>
    %dma_wait3A_285 = tpu.memref_squeeze %dma_wait3A_284 : memref<1x128x128xf32, #tpu.memory_space<vmem>> -> memref<128x128xf32, #tpu.memory_space<vmem>>
    %dma_wait3A_286 = arith.constant 640 : i32
    %dma_wait3A_287 = tpu.memref_slice %arg5[%dma_wait3A_286] : memref<2048xi32, #tpu.memory_space<vmem>> -> memref<128xi32, #tpu.memory_space<vmem>>
    %dma_wait3A_288 = arith.constant 0 : i32
    %dma_wait3A_289 = arith.constant 0 : i32
    %dma_wait3A_290 = tpu.memref_slice %arg2[%dma_wait3A_288, %dma_wait3A_289] : memref<8192x128xf32, #tpu.memory_space<hbm>> -> memref<8192x128xf32, #tpu.memory_space<hbm>>
    tpu.wait_indirect_dma semaphore(%arg8 : memref<!tpu.dma_semaphore, #tpu.memory_space<semaphore_mem>>) src(%dma_wait3A_290 : memref<8192x128xf32, #tpu.memory_space<hbm>>) dst(%dma_wait3A_285 : memref<128x128xf32, #tpu.memory_space<vmem>>)
    %add3A_291 = arith.constant 640 : i32
    %add3A_292 = arith.addi %mul3A_2, %add3A_291 : i32
    %dma_start3A_293 = arith.constant 1 : i32
    %dma_start3A_294 = arith.constant 0 : i32
    %dma_start3A_295 = arith.constant 0 : i32
    %dma_start3A_296 = tpu.memref_slice %arg6[%dma_start3A_293, %dma_start3A_294, %dma_start3A_295] : memref<4x128x128xf32, #tpu.memory_space<vmem>> -> memref<1x128x128xf32, #tpu.memory_space<vmem>>
    %dma_start3A_297 = tpu.memref_squeeze %dma_start3A_296 : memref<1x128x128xf32, #tpu.memory_space<vmem>> -> memref<128x128xf32, #tpu.memory_space<vmem>>
    %dma_start3A_298 = arith.constant 0 : i32
    %dma_start3A_299 = tpu.memref_slice %arg4[%add3A_292, %dma_start3A_298] : memref<65536x128xf32, #tpu.memory_space<hbm>> -> memref<128x128xf32, #tpu.memory_space<hbm>>
    %dma_start3A_300 = arith.constant 0 : i32
    %dma_start3A_301 = tpu.memref_slice %arg4[%add3A_292, %dma_start3A_300] : memref<65536x128xf32, #tpu.memory_space<hbm>> -> memref<128x128xf32, #tpu.memory_space<hbm>>
    %dma_start3A_302 = arith.constant 0 : i32
    %dma_start3A_303 = arith.constant 0 : i32
    %dma_start3A_304 = tpu.memref_slice %arg6[%dma_start3A_293, %dma_start3A_302, %dma_start3A_303] : memref<4x128x128xf32, #tpu.memory_space<vmem>> -> memref<1x128x128xf32, #tpu.memory_space<vmem>>
    %dma_start3A_305 = tpu.memref_squeeze %dma_start3A_304 : memref<1x128x128xf32, #tpu.memory_space<vmem>> -> memref<128x128xf32, #tpu.memory_space<vmem>>
    tpu.enqueue_dma source(%dma_start3A_305 : memref<128x128xf32, #tpu.memory_space<vmem>>) target(%dma_start3A_301 : memref<128x128xf32, #tpu.memory_space<hbm>>) target_semaphore(%arg12 : memref<!tpu.dma_semaphore, #tpu.memory_space<semaphore_mem>>)
    %dma_wait3A_306 = arith.constant 1 : i32
    %dma_wait3A_307 = arith.constant 0 : i32
    %dma_wait3A_308 = arith.constant 0 : i32
    %dma_wait3A_309 = tpu.memref_slice %arg6[%dma_wait3A_306, %dma_wait3A_307, %dma_wait3A_308] : memref<4x128x128xf32, #tpu.memory_space<vmem>> -> memref<1x128x128xf32, #tpu.memory_space<vmem>>
    %dma_wait3A_310 = tpu.memref_squeeze %dma_wait3A_309 : memref<1x128x128xf32, #tpu.memory_space<vmem>> -> memref<128x128xf32, #tpu.memory_space<vmem>>
    %dma_wait3A_311 = arith.constant 0 : i32
    %dma_wait3A_312 = tpu.memref_slice %arg4[%add3A_292, %dma_wait3A_311] : memref<65536x128xf32, #tpu.memory_space<hbm>> -> memref<128x128xf32, #tpu.memory_space<hbm>>
    %dma_wait3A_313 = arith.constant 0 : i32
    %dma_wait3A_314 = tpu.memref_slice %arg4[%add3A_292, %dma_wait3A_313] : memref<65536x128xf32, #tpu.memory_space<hbm>> -> memref<128x128xf32, #tpu.memory_space<hbm>>
    %dma_wait3A_315 = arith.constant 0 : i32
    %dma_wait3A_316 = arith.constant 0 : i32
    %dma_wait3A_317 = tpu.memref_slice %arg6[%dma_wait3A_306, %dma_wait3A_315, %dma_wait3A_316] : memref<4x128x128xf32, #tpu.memory_space<vmem>> -> memref<1x128x128xf32, #tpu.memory_space<vmem>>
    %dma_wait3A_318 = tpu.memref_squeeze %dma_wait3A_317 : memref<1x128x128xf32, #tpu.memory_space<vmem>> -> memref<128x128xf32, #tpu.memory_space<vmem>>
    tpu.wait_dma2 semaphore(%arg12 : memref<!tpu.dma_semaphore, #tpu.memory_space<semaphore_mem>>) src(%dma_wait3A_318 : memref<128x128xf32, #tpu.memory_space<vmem>>) dst(%dma_wait3A_314 : memref<128x128xf32, #tpu.memory_space<hbm>>)
    %dma_start3A_319 = arith.constant 1 : i32
    %dma_start3A_320 = arith.constant 0 : i32
    %dma_start3A_321 = arith.constant 0 : i32
    %dma_start3A_322 = tpu.memref_slice %arg6[%dma_start3A_319, %dma_start3A_320, %dma_start3A_321] : memref<4x128x128xf32, #tpu.memory_space<vmem>> -> memref<1x128x128xf32, #tpu.memory_space<vmem>>
    %dma_start3A_323 = tpu.memref_squeeze %dma_start3A_322 : memref<1x128x128xf32, #tpu.memory_space<vmem>> -> memref<128x128xf32, #tpu.memory_space<vmem>>
    %dma_start3A_324 = arith.constant 1152 : i32
    %dma_start3A_325 = tpu.memref_slice %arg5[%dma_start3A_324] : memref<2048xi32, #tpu.memory_space<vmem>> -> memref<128xi32, #tpu.memory_space<vmem>>
    %dma_start3A_326 = arith.constant 0 : i32
    %dma_start3A_327 = arith.constant 0 : i32
    %dma_start3A_328 = tpu.memref_slice %arg2[%dma_start3A_326, %dma_start3A_327] : memref<8192x128xf32, #tpu.memory_space<hbm>> -> memref<8192x128xf32, #tpu.memory_space<hbm>>
    tpu.enqueue_indirect_dma source(%dma_start3A_328 : memref<8192x128xf32, #tpu.memory_space<hbm>>) target(%dma_start3A_323 : memref<128x128xf32, #tpu.memory_space<vmem>>) offsets(%dma_start3A_325 : memref<128xi32, #tpu.memory_space<vmem>>) semaphore(%arg8 : memref<!tpu.dma_semaphore, #tpu.memory_space<semaphore_mem>>)
    %dma_wait3A_329 = arith.constant 2 : i32
    %dma_wait3A_330 = arith.constant 0 : i32
    %dma_wait3A_331 = arith.constant 0 : i32
    %dma_wait3A_332 = tpu.memref_slice %arg6[%dma_wait3A_329, %dma_wait3A_330, %dma_wait3A_331] : memref<4x128x128xf32, #tpu.memory_space<vmem>> -> memref<1x128x128xf32, #tpu.memory_space<vmem>>
    %dma_wait3A_333 = tpu.memref_squeeze %dma_wait3A_332 : memref<1x128x128xf32, #tpu.memory_space<vmem>> -> memref<128x128xf32, #tpu.memory_space<vmem>>
    %dma_wait3A_334 = arith.constant 768 : i32
    %dma_wait3A_335 = tpu.memref_slice %arg5[%dma_wait3A_334] : memref<2048xi32, #tpu.memory_space<vmem>> -> memref<128xi32, #tpu.memory_space<vmem>>
    %dma_wait3A_336 = arith.constant 0 : i32
    %dma_wait3A_337 = arith.constant 0 : i32
    %dma_wait3A_338 = tpu.memref_slice %arg2[%dma_wait3A_336, %dma_wait3A_337] : memref<8192x128xf32, #tpu.memory_space<hbm>> -> memref<8192x128xf32, #tpu.memory_space<hbm>>
    tpu.wait_indirect_dma semaphore(%arg9 : memref<!tpu.dma_semaphore, #tpu.memory_space<semaphore_mem>>) src(%dma_wait3A_338 : memref<8192x128xf32, #tpu.memory_space<hbm>>) dst(%dma_wait3A_333 : memref<128x128xf32, #tpu.memory_space<vmem>>)
    %add3A_339 = arith.constant 768 : i32
    %add3A_340 = arith.addi %mul3A_2, %add3A_339 : i32
    %dma_start3A_341 = arith.constant 2 : i32
    %dma_start3A_342 = arith.constant 0 : i32
    %dma_start3A_343 = arith.constant 0 : i32
    %dma_start3A_344 = tpu.memref_slice %arg6[%dma_start3A_341, %dma_start3A_342, %dma_start3A_343] : memref<4x128x128xf32, #tpu.memory_space<vmem>> -> memref<1x128x128xf32, #tpu.memory_space<vmem>>
    %dma_start3A_345 = tpu.memref_squeeze %dma_start3A_344 : memref<1x128x128xf32, #tpu.memory_space<vmem>> -> memref<128x128xf32, #tpu.memory_space<vmem>>
    %dma_start3A_346 = arith.constant 0 : i32
    %dma_start3A_347 = tpu.memref_slice %arg4[%add3A_340, %dma_start3A_346] : memref<65536x128xf32, #tpu.memory_space<hbm>> -> memref<128x128xf32, #tpu.memory_space<hbm>>
    %dma_start3A_348 = arith.constant 0 : i32
    %dma_start3A_349 = tpu.memref_slice %arg4[%add3A_340, %dma_start3A_348] : memref<65536x128xf32, #tpu.memory_space<hbm>> -> memref<128x128xf32, #tpu.memory_space<hbm>>
    %dma_start3A_350 = arith.constant 0 : i32
    %dma_start3A_351 = arith.constant 0 : i32
    %dma_start3A_352 = tpu.memref_slice %arg6[%dma_start3A_341, %dma_start3A_350, %dma_start3A_351] : memref<4x128x128xf32, #tpu.memory_space<vmem>> -> memref<1x128x128xf32, #tpu.memory_space<vmem>>
    %dma_start3A_353 = tpu.memref_squeeze %dma_start3A_352 : memref<1x128x128xf32, #tpu.memory_space<vmem>> -> memref<128x128xf32, #tpu.memory_space<vmem>>
    tpu.enqueue_dma source(%dma_start3A_353 : memref<128x128xf32, #tpu.memory_space<vmem>>) target(%dma_start3A_349 : memref<128x128xf32, #tpu.memory_space<hbm>>) target_semaphore(%arg13 : memref<!tpu.dma_semaphore, #tpu.memory_space<semaphore_mem>>)
    %dma_wait3A_354 = arith.constant 2 : i32
    %dma_wait3A_355 = arith.constant 0 : i32
    %dma_wait3A_356 = arith.constant 0 : i32
    %dma_wait3A_357 = tpu.memref_slice %arg6[%dma_wait3A_354, %dma_wait3A_355, %dma_wait3A_356] : memref<4x128x128xf32, #tpu.memory_space<vmem>> -> memref<1x128x128xf32, #tpu.memory_space<vmem>>
    %dma_wait3A_358 = tpu.memref_squeeze %dma_wait3A_357 : memref<1x128x128xf32, #tpu.memory_space<vmem>> -> memref<128x128xf32, #tpu.memory_space<vmem>>
    %dma_wait3A_359 = arith.constant 0 : i32
    %dma_wait3A_360 = tpu.memref_slice %arg4[%add3A_340, %dma_wait3A_359] : memref<65536x128xf32, #tpu.memory_space<hbm>> -> memref<128x128xf32, #tpu.memory_space<hbm>>
    %dma_wait3A_361 = arith.constant 0 : i32
    %dma_wait3A_362 = tpu.memref_slice %arg4[%add3A_340, %dma_wait3A_361] : memref<65536x128xf32, #tpu.memory_space<hbm>> -> memref<128x128xf32, #tpu.memory_space<hbm>>
    %dma_wait3A_363 = arith.constant 0 : i32
    %dma_wait3A_364 = arith.constant 0 : i32
    %dma_wait3A_365 = tpu.memref_slice %arg6[%dma_wait3A_354, %dma_wait3A_363, %dma_wait3A_364] : memref<4x128x128xf32, #tpu.memory_space<vmem>> -> memref<1x128x128xf32, #tpu.memory_space<vmem>>
    %dma_wait3A_366 = tpu.memref_squeeze %dma_wait3A_365 : memref<1x128x128xf32, #tpu.memory_space<vmem>> -> memref<128x128xf32, #tpu.memory_space<vmem>>
    tpu.wait_dma2 semaphore(%arg13 : memref<!tpu.dma_semaphore, #tpu.memory_space<semaphore_mem>>) src(%dma_wait3A_366 : memref<128x128xf32, #tpu.memory_space<vmem>>) dst(%dma_wait3A_362 : memref<128x128xf32, #tpu.memory_space<hbm>>)
    %dma_start3A_367 = arith.constant 2 : i32
    %dma_start3A_368 = arith.constant 0 : i32
    %dma_start3A_369 = arith.constant 0 : i32
    %dma_start3A_370 = tpu.memref_slice %arg6[%dma_start3A_367, %dma_start3A_368, %dma_start3A_369] : memref<4x128x128xf32, #tpu.memory_space<vmem>> -> memref<1x128x128xf32, #tpu.memory_space<vmem>>
    %dma_start3A_371 = tpu.memref_squeeze %dma_start3A_370 : memref<1x128x128xf32, #tpu.memory_space<vmem>> -> memref<128x128xf32, #tpu.memory_space<vmem>>
    %dma_start3A_372 = arith.constant 1280 : i32
    %dma_start3A_373 = tpu.memref_slice %arg5[%dma_start3A_372] : memref<2048xi32, #tpu.memory_space<vmem>> -> memref<128xi32, #tpu.memory_space<vmem>>
    %dma_start3A_374 = arith.constant 0 : i32
    %dma_start3A_375 = arith.constant 0 : i32
    %dma_start3A_376 = tpu.memref_slice %arg2[%dma_start3A_374, %dma_start3A_375] : memref<8192x128xf32, #tpu.memory_space<hbm>> -> memref<8192x128xf32, #tpu.memory_space<hbm>>
    tpu.enqueue_indirect_dma source(%dma_start3A_376 : memref<8192x128xf32, #tpu.memory_space<hbm>>) target(%dma_start3A_371 : memref<128x128xf32, #tpu.memory_space<vmem>>) offsets(%dma_start3A_373 : memref<128xi32, #tpu.memory_space<vmem>>) semaphore(%arg9 : memref<!tpu.dma_semaphore, #tpu.memory_space<semaphore_mem>>)
    %dma_wait3A_377 = arith.constant 3 : i32
    %dma_wait3A_378 = arith.constant 0 : i32
    %dma_wait3A_379 = arith.constant 0 : i32
    %dma_wait3A_380 = tpu.memref_slice %arg6[%dma_wait3A_377, %dma_wait3A_378, %dma_wait3A_379] : memref<4x128x128xf32, #tpu.memory_space<vmem>> -> memref<1x128x128xf32, #tpu.memory_space<vmem>>
    %dma_wait3A_381 = tpu.memref_squeeze %dma_wait3A_380 : memref<1x128x128xf32, #tpu.memory_space<vmem>> -> memref<128x128xf32, #tpu.memory_space<vmem>>
    %dma_wait3A_382 = arith.constant 896 : i32
    %dma_wait3A_383 = tpu.memref_slice %arg5[%dma_wait3A_382] : memref<2048xi32, #tpu.memory_space<vmem>> -> memref<128xi32, #tpu.memory_space<vmem>>
    %dma_wait3A_384 = arith.constant 0 : i32
    %dma_wait3A_385 = arith.constant 0 : i32
    %dma_wait3A_386 = tpu.memref_slice %arg2[%dma_wait3A_384, %dma_wait3A_385] : memref<8192x128xf32, #tpu.memory_space<hbm>> -> memref<8192x128xf32, #tpu.memory_space<hbm>>
    tpu.wait_indirect_dma semaphore(%arg10 : memref<!tpu.dma_semaphore, #tpu.memory_space<semaphore_mem>>) src(%dma_wait3A_386 : memref<8192x128xf32, #tpu.memory_space<hbm>>) dst(%dma_wait3A_381 : memref<128x128xf32, #tpu.memory_space<vmem>>)
    %add3A_387 = arith.constant 896 : i32
    %add3A_388 = arith.addi %mul3A_2, %add3A_387 : i32
    %dma_start3A_389 = arith.constant 3 : i32
    %dma_start3A_390 = arith.constant 0 : i32
    %dma_start3A_391 = arith.constant 0 : i32
    %dma_start3A_392 = tpu.memref_slice %arg6[%dma_start3A_389, %dma_start3A_390, %dma_start3A_391] : memref<4x128x128xf32, #tpu.memory_space<vmem>> -> memref<1x128x128xf32, #tpu.memory_space<vmem>>
    %dma_start3A_393 = tpu.memref_squeeze %dma_start3A_392 : memref<1x128x128xf32, #tpu.memory_space<vmem>> -> memref<128x128xf32, #tpu.memory_space<vmem>>
    %dma_start3A_394 = arith.constant 0 : i32
    %dma_start3A_395 = tpu.memref_slice %arg4[%add3A_388, %dma_start3A_394] : memref<65536x128xf32, #tpu.memory_space<hbm>> -> memref<128x128xf32, #tpu.memory_space<hbm>>
    %dma_start3A_396 = arith.constant 0 : i32
    %dma_start3A_397 = tpu.memref_slice %arg4[%add3A_388, %dma_start3A_396] : memref<65536x128xf32, #tpu.memory_space<hbm>> -> memref<128x128xf32, #tpu.memory_space<hbm>>
    %dma_start3A_398 = arith.constant 0 : i32
    %dma_start3A_399 = arith.constant 0 : i32
    %dma_start3A_400 = tpu.memref_slice %arg6[%dma_start3A_389, %dma_start3A_398, %dma_start3A_399] : memref<4x128x128xf32, #tpu.memory_space<vmem>> -> memref<1x128x128xf32, #tpu.memory_space<vmem>>
    %dma_start3A_401 = tpu.memref_squeeze %dma_start3A_400 : memref<1x128x128xf32, #tpu.memory_space<vmem>> -> memref<128x128xf32, #tpu.memory_space<vmem>>
    tpu.enqueue_dma source(%dma_start3A_401 : memref<128x128xf32, #tpu.memory_space<vmem>>) target(%dma_start3A_397 : memref<128x128xf32, #tpu.memory_space<hbm>>) target_semaphore(%arg14 : memref<!tpu.dma_semaphore, #tpu.memory_space<semaphore_mem>>)
    %dma_wait3A_402 = arith.constant 3 : i32
    %dma_wait3A_403 = arith.constant 0 : i32
    %dma_wait3A_404 = arith.constant 0 : i32
    %dma_wait3A_405 = tpu.memref_slice %arg6[%dma_wait3A_402, %dma_wait3A_403, %dma_wait3A_404] : memref<4x128x128xf32, #tpu.memory_space<vmem>> -> memref<1x128x128xf32, #tpu.memory_space<vmem>>
    %dma_wait3A_406 = tpu.memref_squeeze %dma_wait3A_405 : memref<1x128x128xf32, #tpu.memory_space<vmem>> -> memref<128x128xf32, #tpu.memory_space<vmem>>
    %dma_wait3A_407 = arith.constant 0 : i32
    %dma_wait3A_408 = tpu.memref_slice %arg4[%add3A_388, %dma_wait3A_407] : memref<65536x128xf32, #tpu.memory_space<hbm>> -> memref<128x128xf32, #tpu.memory_space<hbm>>
    %dma_wait3A_409 = arith.constant 0 : i32
    %dma_wait3A_410 = tpu.memref_slice %arg4[%add3A_388, %dma_wait3A_409] : memref<65536x128xf32, #tpu.memory_space<hbm>> -> memref<128x128xf32, #tpu.memory_space<hbm>>
    %dma_wait3A_411 = arith.constant 0 : i32
    %dma_wait3A_412 = arith.constant 0 : i32
    %dma_wait3A_413 = tpu.memref_slice %arg6[%dma_wait3A_402, %dma_wait3A_411, %dma_wait3A_412] : memref<4x128x128xf32, #tpu.memory_space<vmem>> -> memref<1x128x128xf32, #tpu.memory_space<vmem>>
    %dma_wait3A_414 = tpu.memref_squeeze %dma_wait3A_413 : memref<1x128x128xf32, #tpu.memory_space<vmem>> -> memref<128x128xf32, #tpu.memory_space<vmem>>
    tpu.wait_dma2 semaphore(%arg14 : memref<!tpu.dma_semaphore, #tpu.memory_space<semaphore_mem>>) src(%dma_wait3A_414 : memref<128x128xf32, #tpu.memory_space<vmem>>) dst(%dma_wait3A_410 : memref<128x128xf32, #tpu.memory_space<hbm>>)
    %dma_start3A_415 = arith.constant 3 : i32
    %dma_start3A_416 = arith.constant 0 : i32
    %dma_start3A_417 = arith.constant 0 : i32
    %dma_start3A_418 = tpu.memref_slice %arg6[%dma_start3A_415, %dma_start3A_416, %dma_start3A_417] : memref<4x128x128xf32, #tpu.memory_space<vmem>> -> memref<1x128x128xf32, #tpu.memory_space<vmem>>
    %dma_start3A_419 = tpu.memref_squeeze %dma_start3A_418 : memref<1x128x128xf32, #tpu.memory_space<vmem>> -> memref<128x128xf32, #tpu.memory_space<vmem>>
    %dma_start3A_420 = arith.constant 1408 : i32
    %dma_start3A_421 = tpu.memref_slice %arg5[%dma_start3A_420] : memref<2048xi32, #tpu.memory_space<vmem>> -> memref<128xi32, #tpu.memory_space<vmem>>
    %dma_start3A_422 = arith.constant 0 : i32
    %dma_start3A_423 = arith.constant 0 : i32
    %dma_start3A_424 = tpu.memref_slice %arg2[%dma_start3A_422, %dma_start3A_423] : memref<8192x128xf32, #tpu.memory_space<hbm>> -> memref<8192x128xf32, #tpu.memory_space<hbm>>
    tpu.enqueue_indirect_dma source(%dma_start3A_424 : memref<8192x128xf32, #tpu.memory_space<hbm>>) target(%dma_start3A_419 : memref<128x128xf32, #tpu.memory_space<vmem>>) offsets(%dma_start3A_421 : memref<128xi32, #tpu.memory_space<vmem>>) semaphore(%arg10 : memref<!tpu.dma_semaphore, #tpu.memory_space<semaphore_mem>>)
    %dma_wait3A_425 = arith.constant 0 : i32
    %dma_wait3A_426 = arith.constant 0 : i32
    %dma_wait3A_427 = arith.constant 0 : i32
    %dma_wait3A_428 = tpu.memref_slice %arg6[%dma_wait3A_425, %dma_wait3A_426, %dma_wait3A_427] : memref<4x128x128xf32, #tpu.memory_space<vmem>> -> memref<1x128x128xf32, #tpu.memory_space<vmem>>
    %dma_wait3A_429 = tpu.memref_squeeze %dma_wait3A_428 : memref<1x128x128xf32, #tpu.memory_space<vmem>> -> memref<128x128xf32, #tpu.memory_space<vmem>>
    %dma_wait3A_430 = arith.constant 1024 : i32
    %dma_wait3A_431 = tpu.memref_slice %arg5[%dma_wait3A_430] : memref<2048xi32, #tpu.memory_space<vmem>> -> memref<128xi32, #tpu.memory_space<vmem>>
    %dma_wait3A_432 = arith.constant 0 : i32
    %dma_wait3A_433 = arith.constant 0 : i32
    %dma_wait3A_434 = tpu.memref_slice %arg2[%dma_wait3A_432, %dma_wait3A_433] : memref<8192x128xf32, #tpu.memory_space<hbm>> -> memref<8192x128xf32, #tpu.memory_space<hbm>>
    tpu.wait_indirect_dma semaphore(%arg7 : memref<!tpu.dma_semaphore, #tpu.memory_space<semaphore_mem>>) src(%dma_wait3A_434 : memref<8192x128xf32, #tpu.memory_space<hbm>>) dst(%dma_wait3A_429 : memref<128x128xf32, #tpu.memory_space<vmem>>)
    %add3A_435 = arith.constant 1024 : i32
    %add3A_436 = arith.addi %mul3A_2, %add3A_435 : i32
    %dma_start3A_437 = arith.constant 0 : i32
    %dma_start3A_438 = arith.constant 0 : i32
    %dma_start3A_439 = arith.constant 0 : i32
    %dma_start3A_440 = tpu.memref_slice %arg6[%dma_start3A_437, %dma_start3A_438, %dma_start3A_439] : memref<4x128x128xf32, #tpu.memory_space<vmem>> -> memref<1x128x128xf32, #tpu.memory_space<vmem>>
    %dma_start3A_441 = tpu.memref_squeeze %dma_start3A_440 : memref<1x128x128xf32, #tpu.memory_space<vmem>> -> memref<128x128xf32, #tpu.memory_space<vmem>>
    %dma_start3A_442 = arith.constant 0 : i32
    %dma_start3A_443 = tpu.memref_slice %arg4[%add3A_436, %dma_start3A_442] : memref<65536x128xf32, #tpu.memory_space<hbm>> -> memref<128x128xf32, #tpu.memory_space<hbm>>
    %dma_start3A_444 = arith.constant 0 : i32
    %dma_start3A_445 = tpu.memref_slice %arg4[%add3A_436, %dma_start3A_444] : memref<65536x128xf32, #tpu.memory_space<hbm>> -> memref<128x128xf32, #tpu.memory_space<hbm>>
    %dma_start3A_446 = arith.constant 0 : i32
    %dma_start3A_447 = arith.constant 0 : i32
    %dma_start3A_448 = tpu.memref_slice %arg6[%dma_start3A_437, %dma_start3A_446, %dma_start3A_447] : memref<4x128x128xf32, #tpu.memory_space<vmem>> -> memref<1x128x128xf32, #tpu.memory_space<vmem>>
    %dma_start3A_449 = tpu.memref_squeeze %dma_start3A_448 : memref<1x128x128xf32, #tpu.memory_space<vmem>> -> memref<128x128xf32, #tpu.memory_space<vmem>>
    tpu.enqueue_dma source(%dma_start3A_449 : memref<128x128xf32, #tpu.memory_space<vmem>>) target(%dma_start3A_445 : memref<128x128xf32, #tpu.memory_space<hbm>>) target_semaphore(%arg11 : memref<!tpu.dma_semaphore, #tpu.memory_space<semaphore_mem>>)
    %dma_wait3A_450 = arith.constant 0 : i32
    %dma_wait3A_451 = arith.constant 0 : i32
    %dma_wait3A_452 = arith.constant 0 : i32
    %dma_wait3A_453 = tpu.memref_slice %arg6[%dma_wait3A_450, %dma_wait3A_451, %dma_wait3A_452] : memref<4x128x128xf32, #tpu.memory_space<vmem>> -> memref<1x128x128xf32, #tpu.memory_space<vmem>>
    %dma_wait3A_454 = tpu.memref_squeeze %dma_wait3A_453 : memref<1x128x128xf32, #tpu.memory_space<vmem>> -> memref<128x128xf32, #tpu.memory_space<vmem>>
    %dma_wait3A_455 = arith.constant 0 : i32
    %dma_wait3A_456 = tpu.memref_slice %arg4[%add3A_436, %dma_wait3A_455] : memref<65536x128xf32, #tpu.memory_space<hbm>> -> memref<128x128xf32, #tpu.memory_space<hbm>>
    %dma_wait3A_457 = arith.constant 0 : i32
    %dma_wait3A_458 = tpu.memref_slice %arg4[%add3A_436, %dma_wait3A_457] : memref<65536x128xf32, #tpu.memory_space<hbm>> -> memref<128x128xf32, #tpu.memory_space<hbm>>
    %dma_wait3A_459 = arith.constant 0 : i32
    %dma_wait3A_460 = arith.constant 0 : i32
    %dma_wait3A_461 = tpu.memref_slice %arg6[%dma_wait3A_450, %dma_wait3A_459, %dma_wait3A_460] : memref<4x128x128xf32, #tpu.memory_space<vmem>> -> memref<1x128x128xf32, #tpu.memory_space<vmem>>
    %dma_wait3A_462 = tpu.memref_squeeze %dma_wait3A_461 : memref<1x128x128xf32, #tpu.memory_space<vmem>> -> memref<128x128xf32, #tpu.memory_space<vmem>>
    tpu.wait_dma2 semaphore(%arg11 : memref<!tpu.dma_semaphore, #tpu.memory_space<semaphore_mem>>) src(%dma_wait3A_462 : memref<128x128xf32, #tpu.memory_space<vmem>>) dst(%dma_wait3A_458 : memref<128x128xf32, #tpu.memory_space<hbm>>)
    %dma_start3A_463 = arith.constant 0 : i32
    %dma_start3A_464 = arith.constant 0 : i32
    %dma_start3A_465 = arith.constant 0 : i32
    %dma_start3A_466 = tpu.memref_slice %arg6[%dma_start3A_463, %dma_start3A_464, %dma_start3A_465] : memref<4x128x128xf32, #tpu.memory_space<vmem>> -> memref<1x128x128xf32, #tpu.memory_space<vmem>>
    %dma_start3A_467 = tpu.memref_squeeze %dma_start3A_466 : memref<1x128x128xf32, #tpu.memory_space<vmem>> -> memref<128x128xf32, #tpu.memory_space<vmem>>
    %dma_start3A_468 = arith.constant 1536 : i32
    %dma_start3A_469 = tpu.memref_slice %arg5[%dma_start3A_468] : memref<2048xi32, #tpu.memory_space<vmem>> -> memref<128xi32, #tpu.memory_space<vmem>>
    %dma_start3A_470 = arith.constant 0 : i32
    %dma_start3A_471 = arith.constant 0 : i32
    %dma_start3A_472 = tpu.memref_slice %arg2[%dma_start3A_470, %dma_start3A_471] : memref<8192x128xf32, #tpu.memory_space<hbm>> -> memref<8192x128xf32, #tpu.memory_space<hbm>>
    tpu.enqueue_indirect_dma source(%dma_start3A_472 : memref<8192x128xf32, #tpu.memory_space<hbm>>) target(%dma_start3A_467 : memref<128x128xf32, #tpu.memory_space<vmem>>) offsets(%dma_start3A_469 : memref<128xi32, #tpu.memory_space<vmem>>) semaphore(%arg7 : memref<!tpu.dma_semaphore, #tpu.memory_space<semaphore_mem>>)
    %dma_wait3A_473 = arith.constant 1 : i32
    %dma_wait3A_474 = arith.constant 0 : i32
    %dma_wait3A_475 = arith.constant 0 : i32
    %dma_wait3A_476 = tpu.memref_slice %arg6[%dma_wait3A_473, %dma_wait3A_474, %dma_wait3A_475] : memref<4x128x128xf32, #tpu.memory_space<vmem>> -> memref<1x128x128xf32, #tpu.memory_space<vmem>>
    %dma_wait3A_477 = tpu.memref_squeeze %dma_wait3A_476 : memref<1x128x128xf32, #tpu.memory_space<vmem>> -> memref<128x128xf32, #tpu.memory_space<vmem>>
    %dma_wait3A_478 = arith.constant 1152 : i32
    %dma_wait3A_479 = tpu.memref_slice %arg5[%dma_wait3A_478] : memref<2048xi32, #tpu.memory_space<vmem>> -> memref<128xi32, #tpu.memory_space<vmem>>
    %dma_wait3A_480 = arith.constant 0 : i32
    %dma_wait3A_481 = arith.constant 0 : i32
    %dma_wait3A_482 = tpu.memref_slice %arg2[%dma_wait3A_480, %dma_wait3A_481] : memref<8192x128xf32, #tpu.memory_space<hbm>> -> memref<8192x128xf32, #tpu.memory_space<hbm>>
    tpu.wait_indirect_dma semaphore(%arg8 : memref<!tpu.dma_semaphore, #tpu.memory_space<semaphore_mem>>) src(%dma_wait3A_482 : memref<8192x128xf32, #tpu.memory_space<hbm>>) dst(%dma_wait3A_477 : memref<128x128xf32, #tpu.memory_space<vmem>>)
    %add3A_483 = arith.constant 1152 : i32
    %add3A_484 = arith.addi %mul3A_2, %add3A_483 : i32
    %dma_start3A_485 = arith.constant 1 : i32
    %dma_start3A_486 = arith.constant 0 : i32
    %dma_start3A_487 = arith.constant 0 : i32
    %dma_start3A_488 = tpu.memref_slice %arg6[%dma_start3A_485, %dma_start3A_486, %dma_start3A_487] : memref<4x128x128xf32, #tpu.memory_space<vmem>> -> memref<1x128x128xf32, #tpu.memory_space<vmem>>
    %dma_start3A_489 = tpu.memref_squeeze %dma_start3A_488 : memref<1x128x128xf32, #tpu.memory_space<vmem>> -> memref<128x128xf32, #tpu.memory_space<vmem>>
    %dma_start3A_490 = arith.constant 0 : i32
    %dma_start3A_491 = tpu.memref_slice %arg4[%add3A_484, %dma_start3A_490] : memref<65536x128xf32, #tpu.memory_space<hbm>> -> memref<128x128xf32, #tpu.memory_space<hbm>>
    %dma_start3A_492 = arith.constant 0 : i32
    %dma_start3A_493 = tpu.memref_slice %arg4[%add3A_484, %dma_start3A_492] : memref<65536x128xf32, #tpu.memory_space<hbm>> -> memref<128x128xf32, #tpu.memory_space<hbm>>
    %dma_start3A_494 = arith.constant 0 : i32
    %dma_start3A_495 = arith.constant 0 : i32
    %dma_start3A_496 = tpu.memref_slice %arg6[%dma_start3A_485, %dma_start3A_494, %dma_start3A_495] : memref<4x128x128xf32, #tpu.memory_space<vmem>> -> memref<1x128x128xf32, #tpu.memory_space<vmem>>
    %dma_start3A_497 = tpu.memref_squeeze %dma_start3A_496 : memref<1x128x128xf32, #tpu.memory_space<vmem>> -> memref<128x128xf32, #tpu.memory_space<vmem>>
    tpu.enqueue_dma source(%dma_start3A_497 : memref<128x128xf32, #tpu.memory_space<vmem>>) target(%dma_start3A_493 : memref<128x128xf32, #tpu.memory_space<hbm>>) target_semaphore(%arg12 : memref<!tpu.dma_semaphore, #tpu.memory_space<semaphore_mem>>)
    %dma_wait3A_498 = arith.constant 1 : i32
    %dma_wait3A_499 = arith.constant 0 : i32
    %dma_wait3A_500 = arith.constant 0 : i32
    %dma_wait3A_501 = tpu.memref_slice %arg6[%dma_wait3A_498, %dma_wait3A_499, %dma_wait3A_500] : memref<4x128x128xf32, #tpu.memory_space<vmem>> -> memref<1x128x128xf32, #tpu.memory_space<vmem>>
    %dma_wait3A_502 = tpu.memref_squeeze %dma_wait3A_501 : memref<1x128x128xf32, #tpu.memory_space<vmem>> -> memref<128x128xf32, #tpu.memory_space<vmem>>
    %dma_wait3A_503 = arith.constant 0 : i32
    %dma_wait3A_504 = tpu.memref_slice %arg4[%add3A_484, %dma_wait3A_503] : memref<65536x128xf32, #tpu.memory_space<hbm>> -> memref<128x128xf32, #tpu.memory_space<hbm>>
    %dma_wait3A_505 = arith.constant 0 : i32
    %dma_wait3A_506 = tpu.memref_slice %arg4[%add3A_484, %dma_wait3A_505] : memref<65536x128xf32, #tpu.memory_space<hbm>> -> memref<128x128xf32, #tpu.memory_space<hbm>>
    %dma_wait3A_507 = arith.constant 0 : i32
    %dma_wait3A_508 = arith.constant 0 : i32
    %dma_wait3A_509 = tpu.memref_slice %arg6[%dma_wait3A_498, %dma_wait3A_507, %dma_wait3A_508] : memref<4x128x128xf32, #tpu.memory_space<vmem>> -> memref<1x128x128xf32, #tpu.memory_space<vmem>>
    %dma_wait3A_510 = tpu.memref_squeeze %dma_wait3A_509 : memref<1x128x128xf32, #tpu.memory_space<vmem>> -> memref<128x128xf32, #tpu.memory_space<vmem>>
    tpu.wait_dma2 semaphore(%arg12 : memref<!tpu.dma_semaphore, #tpu.memory_space<semaphore_mem>>) src(%dma_wait3A_510 : memref<128x128xf32, #tpu.memory_space<vmem>>) dst(%dma_wait3A_506 : memref<128x128xf32, #tpu.memory_space<hbm>>)
    %dma_start3A_511 = arith.constant 1 : i32
    %dma_start3A_512 = arith.constant 0 : i32
    %dma_start3A_513 = arith.constant 0 : i32
    %dma_start3A_514 = tpu.memref_slice %arg6[%dma_start3A_511, %dma_start3A_512, %dma_start3A_513] : memref<4x128x128xf32, #tpu.memory_space<vmem>> -> memref<1x128x128xf32, #tpu.memory_space<vmem>>
    %dma_start3A_515 = tpu.memref_squeeze %dma_start3A_514 : memref<1x128x128xf32, #tpu.memory_space<vmem>> -> memref<128x128xf32, #tpu.memory_space<vmem>>
    %dma_start3A_516 = arith.constant 1664 : i32
    %dma_start3A_517 = tpu.memref_slice %arg5[%dma_start3A_516] : memref<2048xi32, #tpu.memory_space<vmem>> -> memref<128xi32, #tpu.memory_space<vmem>>
    %dma_start3A_518 = arith.constant 0 : i32
    %dma_start3A_519 = arith.constant 0 : i32
    %dma_start3A_520 = tpu.memref_slice %arg2[%dma_start3A_518, %dma_start3A_519] : memref<8192x128xf32, #tpu.memory_space<hbm>> -> memref<8192x128xf32, #tpu.memory_space<hbm>>
    tpu.enqueue_indirect_dma source(%dma_start3A_520 : memref<8192x128xf32, #tpu.memory_space<hbm>>) target(%dma_start3A_515 : memref<128x128xf32, #tpu.memory_space<vmem>>) offsets(%dma_start3A_517 : memref<128xi32, #tpu.memory_space<vmem>>) semaphore(%arg8 : memref<!tpu.dma_semaphore, #tpu.memory_space<semaphore_mem>>)
    %dma_wait3A_521 = arith.constant 2 : i32
    %dma_wait3A_522 = arith.constant 0 : i32
    %dma_wait3A_523 = arith.constant 0 : i32
    %dma_wait3A_524 = tpu.memref_slice %arg6[%dma_wait3A_521, %dma_wait3A_522, %dma_wait3A_523] : memref<4x128x128xf32, #tpu.memory_space<vmem>> -> memref<1x128x128xf32, #tpu.memory_space<vmem>>
    %dma_wait3A_525 = tpu.memref_squeeze %dma_wait3A_524 : memref<1x128x128xf32, #tpu.memory_space<vmem>> -> memref<128x128xf32, #tpu.memory_space<vmem>>
    %dma_wait3A_526 = arith.constant 1280 : i32
    %dma_wait3A_527 = tpu.memref_slice %arg5[%dma_wait3A_526] : memref<2048xi32, #tpu.memory_space<vmem>> -> memref<128xi32, #tpu.memory_space<vmem>>
    %dma_wait3A_528 = arith.constant 0 : i32
    %dma_wait3A_529 = arith.constant 0 : i32
    %dma_wait3A_530 = tpu.memref_slice %arg2[%dma_wait3A_528, %dma_wait3A_529] : memref<8192x128xf32, #tpu.memory_space<hbm>> -> memref<8192x128xf32, #tpu.memory_space<hbm>>
    tpu.wait_indirect_dma semaphore(%arg9 : memref<!tpu.dma_semaphore, #tpu.memory_space<semaphore_mem>>) src(%dma_wait3A_530 : memref<8192x128xf32, #tpu.memory_space<hbm>>) dst(%dma_wait3A_525 : memref<128x128xf32, #tpu.memory_space<vmem>>)
    %add3A_531 = arith.constant 1280 : i32
    %add3A_532 = arith.addi %mul3A_2, %add3A_531 : i32
    %dma_start3A_533 = arith.constant 2 : i32
    %dma_start3A_534 = arith.constant 0 : i32
    %dma_start3A_535 = arith.constant 0 : i32
    %dma_start3A_536 = tpu.memref_slice %arg6[%dma_start3A_533, %dma_start3A_534, %dma_start3A_535] : memref<4x128x128xf32, #tpu.memory_space<vmem>> -> memref<1x128x128xf32, #tpu.memory_space<vmem>>
    %dma_start3A_537 = tpu.memref_squeeze %dma_start3A_536 : memref<1x128x128xf32, #tpu.memory_space<vmem>> -> memref<128x128xf32, #tpu.memory_space<vmem>>
    %dma_start3A_538 = arith.constant 0 : i32
    %dma_start3A_539 = tpu.memref_slice %arg4[%add3A_532, %dma_start3A_538] : memref<65536x128xf32, #tpu.memory_space<hbm>> -> memref<128x128xf32, #tpu.memory_space<hbm>>
    %dma_start3A_540 = arith.constant 0 : i32
    %dma_start3A_541 = tpu.memref_slice %arg4[%add3A_532, %dma_start3A_540] : memref<65536x128xf32, #tpu.memory_space<hbm>> -> memref<128x128xf32, #tpu.memory_space<hbm>>
    %dma_start3A_542 = arith.constant 0 : i32
    %dma_start3A_543 = arith.constant 0 : i32
    %dma_start3A_544 = tpu.memref_slice %arg6[%dma_start3A_533, %dma_start3A_542, %dma_start3A_543] : memref<4x128x128xf32, #tpu.memory_space<vmem>> -> memref<1x128x128xf32, #tpu.memory_space<vmem>>
    %dma_start3A_545 = tpu.memref_squeeze %dma_start3A_544 : memref<1x128x128xf32, #tpu.memory_space<vmem>> -> memref<128x128xf32, #tpu.memory_space<vmem>>
    tpu.enqueue_dma source(%dma_start3A_545 : memref<128x128xf32, #tpu.memory_space<vmem>>) target(%dma_start3A_541 : memref<128x128xf32, #tpu.memory_space<hbm>>) target_semaphore(%arg13 : memref<!tpu.dma_semaphore, #tpu.memory_space<semaphore_mem>>)
    %dma_wait3A_546 = arith.constant 2 : i32
    %dma_wait3A_547 = arith.constant 0 : i32
    %dma_wait3A_548 = arith.constant 0 : i32
    %dma_wait3A_549 = tpu.memref_slice %arg6[%dma_wait3A_546, %dma_wait3A_547, %dma_wait3A_548] : memref<4x128x128xf32, #tpu.memory_space<vmem>> -> memref<1x128x128xf32, #tpu.memory_space<vmem>>
    %dma_wait3A_550 = tpu.memref_squeeze %dma_wait3A_549 : memref<1x128x128xf32, #tpu.memory_space<vmem>> -> memref<128x128xf32, #tpu.memory_space<vmem>>
    %dma_wait3A_551 = arith.constant 0 : i32
    %dma_wait3A_552 = tpu.memref_slice %arg4[%add3A_532, %dma_wait3A_551] : memref<65536x128xf32, #tpu.memory_space<hbm>> -> memref<128x128xf32, #tpu.memory_space<hbm>>
    %dma_wait3A_553 = arith.constant 0 : i32
    %dma_wait3A_554 = tpu.memref_slice %arg4[%add3A_532, %dma_wait3A_553] : memref<65536x128xf32, #tpu.memory_space<hbm>> -> memref<128x128xf32, #tpu.memory_space<hbm>>
    %dma_wait3A_555 = arith.constant 0 : i32
    %dma_wait3A_556 = arith.constant 0 : i32
    %dma_wait3A_557 = tpu.memref_slice %arg6[%dma_wait3A_546, %dma_wait3A_555, %dma_wait3A_556] : memref<4x128x128xf32, #tpu.memory_space<vmem>> -> memref<1x128x128xf32, #tpu.memory_space<vmem>>
    %dma_wait3A_558 = tpu.memref_squeeze %dma_wait3A_557 : memref<1x128x128xf32, #tpu.memory_space<vmem>> -> memref<128x128xf32, #tpu.memory_space<vmem>>
    tpu.wait_dma2 semaphore(%arg13 : memref<!tpu.dma_semaphore, #tpu.memory_space<semaphore_mem>>) src(%dma_wait3A_558 : memref<128x128xf32, #tpu.memory_space<vmem>>) dst(%dma_wait3A_554 : memref<128x128xf32, #tpu.memory_space<hbm>>)
    %dma_start3A_559 = arith.constant 2 : i32
    %dma_start3A_560 = arith.constant 0 : i32
    %dma_start3A_561 = arith.constant 0 : i32
    %dma_start3A_562 = tpu.memref_slice %arg6[%dma_start3A_559, %dma_start3A_560, %dma_start3A_561] : memref<4x128x128xf32, #tpu.memory_space<vmem>> -> memref<1x128x128xf32, #tpu.memory_space<vmem>>
    %dma_start3A_563 = tpu.memref_squeeze %dma_start3A_562 : memref<1x128x128xf32, #tpu.memory_space<vmem>> -> memref<128x128xf32, #tpu.memory_space<vmem>>
    %dma_start3A_564 = arith.constant 1792 : i32
    %dma_start3A_565 = tpu.memref_slice %arg5[%dma_start3A_564] : memref<2048xi32, #tpu.memory_space<vmem>> -> memref<128xi32, #tpu.memory_space<vmem>>
    %dma_start3A_566 = arith.constant 0 : i32
    %dma_start3A_567 = arith.constant 0 : i32
    %dma_start3A_568 = tpu.memref_slice %arg2[%dma_start3A_566, %dma_start3A_567] : memref<8192x128xf32, #tpu.memory_space<hbm>> -> memref<8192x128xf32, #tpu.memory_space<hbm>>
    tpu.enqueue_indirect_dma source(%dma_start3A_568 : memref<8192x128xf32, #tpu.memory_space<hbm>>) target(%dma_start3A_563 : memref<128x128xf32, #tpu.memory_space<vmem>>) offsets(%dma_start3A_565 : memref<128xi32, #tpu.memory_space<vmem>>) semaphore(%arg9 : memref<!tpu.dma_semaphore, #tpu.memory_space<semaphore_mem>>)
    %dma_wait3A_569 = arith.constant 3 : i32
    %dma_wait3A_570 = arith.constant 0 : i32
    %dma_wait3A_571 = arith.constant 0 : i32
    %dma_wait3A_572 = tpu.memref_slice %arg6[%dma_wait3A_569, %dma_wait3A_570, %dma_wait3A_571] : memref<4x128x128xf32, #tpu.memory_space<vmem>> -> memref<1x128x128xf32, #tpu.memory_space<vmem>>
    %dma_wait3A_573 = tpu.memref_squeeze %dma_wait3A_572 : memref<1x128x128xf32, #tpu.memory_space<vmem>> -> memref<128x128xf32, #tpu.memory_space<vmem>>
    %dma_wait3A_574 = arith.constant 1408 : i32
    %dma_wait3A_575 = tpu.memref_slice %arg5[%dma_wait3A_574] : memref<2048xi32, #tpu.memory_space<vmem>> -> memref<128xi32, #tpu.memory_space<vmem>>
    %dma_wait3A_576 = arith.constant 0 : i32
    %dma_wait3A_577 = arith.constant 0 : i32
    %dma_wait3A_578 = tpu.memref_slice %arg2[%dma_wait3A_576, %dma_wait3A_577] : memref<8192x128xf32, #tpu.memory_space<hbm>> -> memref<8192x128xf32, #tpu.memory_space<hbm>>
    tpu.wait_indirect_dma semaphore(%arg10 : memref<!tpu.dma_semaphore, #tpu.memory_space<semaphore_mem>>) src(%dma_wait3A_578 : memref<8192x128xf32, #tpu.memory_space<hbm>>) dst(%dma_wait3A_573 : memref<128x128xf32, #tpu.memory_space<vmem>>)
    %add3A_579 = arith.constant 1408 : i32
    %add3A_580 = arith.addi %mul3A_2, %add3A_579 : i32
    %dma_start3A_581 = arith.constant 3 : i32
    %dma_start3A_582 = arith.constant 0 : i32
    %dma_start3A_583 = arith.constant 0 : i32
    %dma_start3A_584 = tpu.memref_slice %arg6[%dma_start3A_581, %dma_start3A_582, %dma_start3A_583] : memref<4x128x128xf32, #tpu.memory_space<vmem>> -> memref<1x128x128xf32, #tpu.memory_space<vmem>>
    %dma_start3A_585 = tpu.memref_squeeze %dma_start3A_584 : memref<1x128x128xf32, #tpu.memory_space<vmem>> -> memref<128x128xf32, #tpu.memory_space<vmem>>
    %dma_start3A_586 = arith.constant 0 : i32
    %dma_start3A_587 = tpu.memref_slice %arg4[%add3A_580, %dma_start3A_586] : memref<65536x128xf32, #tpu.memory_space<hbm>> -> memref<128x128xf32, #tpu.memory_space<hbm>>
    %dma_start3A_588 = arith.constant 0 : i32
    %dma_start3A_589 = tpu.memref_slice %arg4[%add3A_580, %dma_start3A_588] : memref<65536x128xf32, #tpu.memory_space<hbm>> -> memref<128x128xf32, #tpu.memory_space<hbm>>
    %dma_start3A_590 = arith.constant 0 : i32
    %dma_start3A_591 = arith.constant 0 : i32
    %dma_start3A_592 = tpu.memref_slice %arg6[%dma_start3A_581, %dma_start3A_590, %dma_start3A_591] : memref<4x128x128xf32, #tpu.memory_space<vmem>> -> memref<1x128x128xf32, #tpu.memory_space<vmem>>
    %dma_start3A_593 = tpu.memref_squeeze %dma_start3A_592 : memref<1x128x128xf32, #tpu.memory_space<vmem>> -> memref<128x128xf32, #tpu.memory_space<vmem>>
    tpu.enqueue_dma source(%dma_start3A_593 : memref<128x128xf32, #tpu.memory_space<vmem>>) target(%dma_start3A_589 : memref<128x128xf32, #tpu.memory_space<hbm>>) target_semaphore(%arg14 : memref<!tpu.dma_semaphore, #tpu.memory_space<semaphore_mem>>)
    %dma_wait3A_594 = arith.constant 3 : i32
    %dma_wait3A_595 = arith.constant 0 : i32
    %dma_wait3A_596 = arith.constant 0 : i32
    %dma_wait3A_597 = tpu.memref_slice %arg6[%dma_wait3A_594, %dma_wait3A_595, %dma_wait3A_596] : memref<4x128x128xf32, #tpu.memory_space<vmem>> -> memref<1x128x128xf32, #tpu.memory_space<vmem>>
    %dma_wait3A_598 = tpu.memref_squeeze %dma_wait3A_597 : memref<1x128x128xf32, #tpu.memory_space<vmem>> -> memref<128x128xf32, #tpu.memory_space<vmem>>
    %dma_wait3A_599 = arith.constant 0 : i32
    %dma_wait3A_600 = tpu.memref_slice %arg4[%add3A_580, %dma_wait3A_599] : memref<65536x128xf32, #tpu.memory_space<hbm>> -> memref<128x128xf32, #tpu.memory_space<hbm>>
    %dma_wait3A_601 = arith.constant 0 : i32
    %dma_wait3A_602 = tpu.memref_slice %arg4[%add3A_580, %dma_wait3A_601] : memref<65536x128xf32, #tpu.memory_space<hbm>> -> memref<128x128xf32, #tpu.memory_space<hbm>>
    %dma_wait3A_603 = arith.constant 0 : i32
    %dma_wait3A_604 = arith.constant 0 : i32
    %dma_wait3A_605 = tpu.memref_slice %arg6[%dma_wait3A_594, %dma_wait3A_603, %dma_wait3A_604] : memref<4x128x128xf32, #tpu.memory_space<vmem>> -> memref<1x128x128xf32, #tpu.memory_space<vmem>>
    %dma_wait3A_606 = tpu.memref_squeeze %dma_wait3A_605 : memref<1x128x128xf32, #tpu.memory_space<vmem>> -> memref<128x128xf32, #tpu.memory_space<vmem>>
    tpu.wait_dma2 semaphore(%arg14 : memref<!tpu.dma_semaphore, #tpu.memory_space<semaphore_mem>>) src(%dma_wait3A_606 : memref<128x128xf32, #tpu.memory_space<vmem>>) dst(%dma_wait3A_602 : memref<128x128xf32, #tpu.memory_space<hbm>>)
    %dma_start3A_607 = arith.constant 3 : i32
    %dma_start3A_608 = arith.constant 0 : i32
    %dma_start3A_609 = arith.constant 0 : i32
    %dma_start3A_610 = tpu.memref_slice %arg6[%dma_start3A_607, %dma_start3A_608, %dma_start3A_609] : memref<4x128x128xf32, #tpu.memory_space<vmem>> -> memref<1x128x128xf32, #tpu.memory_space<vmem>>
    %dma_start3A_611 = tpu.memref_squeeze %dma_start3A_610 : memref<1x128x128xf32, #tpu.memory_space<vmem>> -> memref<128x128xf32, #tpu.memory_space<vmem>>
    %dma_start3A_612 = arith.constant 1920 : i32
    %dma_start3A_613 = tpu.memref_slice %arg5[%dma_start3A_612] : memref<2048xi32, #tpu.memory_space<vmem>> -> memref<128xi32, #tpu.memory_space<vmem>>
    %dma_start3A_614 = arith.constant 0 : i32
    %dma_start3A_615 = arith.constant 0 : i32
    %dma_start3A_616 = tpu.memref_slice %arg2[%dma_start3A_614, %dma_start3A_615] : memref<8192x128xf32, #tpu.memory_space<hbm>> -> memref<8192x128xf32, #tpu.memory_space<hbm>>
    tpu.enqueue_indirect_dma source(%dma_start3A_616 : memref<8192x128xf32, #tpu.memory_space<hbm>>) target(%dma_start3A_611 : memref<128x128xf32, #tpu.memory_space<vmem>>) offsets(%dma_start3A_613 : memref<128xi32, #tpu.memory_space<vmem>>) semaphore(%arg10 : memref<!tpu.dma_semaphore, #tpu.memory_space<semaphore_mem>>)
    %dma_wait3A_617 = arith.constant 0 : i32
    %dma_wait3A_618 = arith.constant 0 : i32
    %dma_wait3A_619 = arith.constant 0 : i32
    %dma_wait3A_620 = tpu.memref_slice %arg6[%dma_wait3A_617, %dma_wait3A_618, %dma_wait3A_619] : memref<4x128x128xf32, #tpu.memory_space<vmem>> -> memref<1x128x128xf32, #tpu.memory_space<vmem>>
    %dma_wait3A_621 = tpu.memref_squeeze %dma_wait3A_620 : memref<1x128x128xf32, #tpu.memory_space<vmem>> -> memref<128x128xf32, #tpu.memory_space<vmem>>
    %dma_wait3A_622 = arith.constant 1536 : i32
    %dma_wait3A_623 = tpu.memref_slice %arg5[%dma_wait3A_622] : memref<2048xi32, #tpu.memory_space<vmem>> -> memref<128xi32, #tpu.memory_space<vmem>>
    %dma_wait3A_624 = arith.constant 0 : i32
    %dma_wait3A_625 = arith.constant 0 : i32
    %dma_wait3A_626 = tpu.memref_slice %arg2[%dma_wait3A_624, %dma_wait3A_625] : memref<8192x128xf32, #tpu.memory_space<hbm>> -> memref<8192x128xf32, #tpu.memory_space<hbm>>
    tpu.wait_indirect_dma semaphore(%arg7 : memref<!tpu.dma_semaphore, #tpu.memory_space<semaphore_mem>>) src(%dma_wait3A_626 : memref<8192x128xf32, #tpu.memory_space<hbm>>) dst(%dma_wait3A_621 : memref<128x128xf32, #tpu.memory_space<vmem>>)
    %add3A_627 = arith.constant 1536 : i32
    %add3A_628 = arith.addi %mul3A_2, %add3A_627 : i32
    %dma_start3A_629 = arith.constant 0 : i32
    %dma_start3A_630 = arith.constant 0 : i32
    %dma_start3A_631 = arith.constant 0 : i32
    %dma_start3A_632 = tpu.memref_slice %arg6[%dma_start3A_629, %dma_start3A_630, %dma_start3A_631] : memref<4x128x128xf32, #tpu.memory_space<vmem>> -> memref<1x128x128xf32, #tpu.memory_space<vmem>>
    %dma_start3A_633 = tpu.memref_squeeze %dma_start3A_632 : memref<1x128x128xf32, #tpu.memory_space<vmem>> -> memref<128x128xf32, #tpu.memory_space<vmem>>
    %dma_start3A_634 = arith.constant 0 : i32
    %dma_start3A_635 = tpu.memref_slice %arg4[%add3A_628, %dma_start3A_634] : memref<65536x128xf32, #tpu.memory_space<hbm>> -> memref<128x128xf32, #tpu.memory_space<hbm>>
    %dma_start3A_636 = arith.constant 0 : i32
    %dma_start3A_637 = tpu.memref_slice %arg4[%add3A_628, %dma_start3A_636] : memref<65536x128xf32, #tpu.memory_space<hbm>> -> memref<128x128xf32, #tpu.memory_space<hbm>>
    %dma_start3A_638 = arith.constant 0 : i32
    %dma_start3A_639 = arith.constant 0 : i32
    %dma_start3A_640 = tpu.memref_slice %arg6[%dma_start3A_629, %dma_start3A_638, %dma_start3A_639] : memref<4x128x128xf32, #tpu.memory_space<vmem>> -> memref<1x128x128xf32, #tpu.memory_space<vmem>>
    %dma_start3A_641 = tpu.memref_squeeze %dma_start3A_640 : memref<1x128x128xf32, #tpu.memory_space<vmem>> -> memref<128x128xf32, #tpu.memory_space<vmem>>
    tpu.enqueue_dma source(%dma_start3A_641 : memref<128x128xf32, #tpu.memory_space<vmem>>) target(%dma_start3A_637 : memref<128x128xf32, #tpu.memory_space<hbm>>) target_semaphore(%arg11 : memref<!tpu.dma_semaphore, #tpu.memory_space<semaphore_mem>>)
    %dma_wait3A_642 = arith.constant 1 : i32
    %dma_wait3A_643 = arith.constant 0 : i32
    %dma_wait3A_644 = arith.constant 0 : i32
    %dma_wait3A_645 = tpu.memref_slice %arg6[%dma_wait3A_642, %dma_wait3A_643, %dma_wait3A_644] : memref<4x128x128xf32, #tpu.memory_space<vmem>> -> memref<1x128x128xf32, #tpu.memory_space<vmem>>
    %dma_wait3A_646 = tpu.memref_squeeze %dma_wait3A_645 : memref<1x128x128xf32, #tpu.memory_space<vmem>> -> memref<128x128xf32, #tpu.memory_space<vmem>>
    %dma_wait3A_647 = arith.constant 1664 : i32
    %dma_wait3A_648 = tpu.memref_slice %arg5[%dma_wait3A_647] : memref<2048xi32, #tpu.memory_space<vmem>> -> memref<128xi32, #tpu.memory_space<vmem>>
    %dma_wait3A_649 = arith.constant 0 : i32
    %dma_wait3A_650 = arith.constant 0 : i32
    %dma_wait3A_651 = tpu.memref_slice %arg2[%dma_wait3A_649, %dma_wait3A_650] : memref<8192x128xf32, #tpu.memory_space<hbm>> -> memref<8192x128xf32, #tpu.memory_space<hbm>>
    tpu.wait_indirect_dma semaphore(%arg8 : memref<!tpu.dma_semaphore, #tpu.memory_space<semaphore_mem>>) src(%dma_wait3A_651 : memref<8192x128xf32, #tpu.memory_space<hbm>>) dst(%dma_wait3A_646 : memref<128x128xf32, #tpu.memory_space<vmem>>)
    %add3A_652 = arith.constant 1664 : i32
    %add3A_653 = arith.addi %mul3A_2, %add3A_652 : i32
    %dma_start3A_654 = arith.constant 1 : i32
    %dma_start3A_655 = arith.constant 0 : i32
    %dma_start3A_656 = arith.constant 0 : i32
    %dma_start3A_657 = tpu.memref_slice %arg6[%dma_start3A_654, %dma_start3A_655, %dma_start3A_656] : memref<4x128x128xf32, #tpu.memory_space<vmem>> -> memref<1x128x128xf32, #tpu.memory_space<vmem>>
    %dma_start3A_658 = tpu.memref_squeeze %dma_start3A_657 : memref<1x128x128xf32, #tpu.memory_space<vmem>> -> memref<128x128xf32, #tpu.memory_space<vmem>>
    %dma_start3A_659 = arith.constant 0 : i32
    %dma_start3A_660 = tpu.memref_slice %arg4[%add3A_653, %dma_start3A_659] : memref<65536x128xf32, #tpu.memory_space<hbm>> -> memref<128x128xf32, #tpu.memory_space<hbm>>
    %dma_start3A_661 = arith.constant 0 : i32
    %dma_start3A_662 = tpu.memref_slice %arg4[%add3A_653, %dma_start3A_661] : memref<65536x128xf32, #tpu.memory_space<hbm>> -> memref<128x128xf32, #tpu.memory_space<hbm>>
    %dma_start3A_663 = arith.constant 0 : i32
    %dma_start3A_664 = arith.constant 0 : i32
    %dma_start3A_665 = tpu.memref_slice %arg6[%dma_start3A_654, %dma_start3A_663, %dma_start3A_664] : memref<4x128x128xf32, #tpu.memory_space<vmem>> -> memref<1x128x128xf32, #tpu.memory_space<vmem>>
    %dma_start3A_666 = tpu.memref_squeeze %dma_start3A_665 : memref<1x128x128xf32, #tpu.memory_space<vmem>> -> memref<128x128xf32, #tpu.memory_space<vmem>>
    tpu.enqueue_dma source(%dma_start3A_666 : memref<128x128xf32, #tpu.memory_space<vmem>>) target(%dma_start3A_662 : memref<128x128xf32, #tpu.memory_space<hbm>>) target_semaphore(%arg12 : memref<!tpu.dma_semaphore, #tpu.memory_space<semaphore_mem>>)
    %dma_wait3A_667 = arith.constant 2 : i32
    %dma_wait3A_668 = arith.constant 0 : i32
    %dma_wait3A_669 = arith.constant 0 : i32
    %dma_wait3A_670 = tpu.memref_slice %arg6[%dma_wait3A_667, %dma_wait3A_668, %dma_wait3A_669] : memref<4x128x128xf32, #tpu.memory_space<vmem>> -> memref<1x128x128xf32, #tpu.memory_space<vmem>>
    %dma_wait3A_671 = tpu.memref_squeeze %dma_wait3A_670 : memref<1x128x128xf32, #tpu.memory_space<vmem>> -> memref<128x128xf32, #tpu.memory_space<vmem>>
    %dma_wait3A_672 = arith.constant 1792 : i32
    %dma_wait3A_673 = tpu.memref_slice %arg5[%dma_wait3A_672] : memref<2048xi32, #tpu.memory_space<vmem>> -> memref<128xi32, #tpu.memory_space<vmem>>
    %dma_wait3A_674 = arith.constant 0 : i32
    %dma_wait3A_675 = arith.constant 0 : i32
    %dma_wait3A_676 = tpu.memref_slice %arg2[%dma_wait3A_674, %dma_wait3A_675] : memref<8192x128xf32, #tpu.memory_space<hbm>> -> memref<8192x128xf32, #tpu.memory_space<hbm>>
    tpu.wait_indirect_dma semaphore(%arg9 : memref<!tpu.dma_semaphore, #tpu.memory_space<semaphore_mem>>) src(%dma_wait3A_676 : memref<8192x128xf32, #tpu.memory_space<hbm>>) dst(%dma_wait3A_671 : memref<128x128xf32, #tpu.memory_space<vmem>>)
    %add3A_677 = arith.constant 1792 : i32
    %add3A_678 = arith.addi %mul3A_2, %add3A_677 : i32
    %dma_start3A_679 = arith.constant 2 : i32
    %dma_start3A_680 = arith.constant 0 : i32
    %dma_start3A_681 = arith.constant 0 : i32
    %dma_start3A_682 = tpu.memref_slice %arg6[%dma_start3A_679, %dma_start3A_680, %dma_start3A_681] : memref<4x128x128xf32, #tpu.memory_space<vmem>> -> memref<1x128x128xf32, #tpu.memory_space<vmem>>
    %dma_start3A_683 = tpu.memref_squeeze %dma_start3A_682 : memref<1x128x128xf32, #tpu.memory_space<vmem>> -> memref<128x128xf32, #tpu.memory_space<vmem>>
    %dma_start3A_684 = arith.constant 0 : i32
    %dma_start3A_685 = tpu.memref_slice %arg4[%add3A_678, %dma_start3A_684] : memref<65536x128xf32, #tpu.memory_space<hbm>> -> memref<128x128xf32, #tpu.memory_space<hbm>>
    %dma_start3A_686 = arith.constant 0 : i32
    %dma_start3A_687 = tpu.memref_slice %arg4[%add3A_678, %dma_start3A_686] : memref<65536x128xf32, #tpu.memory_space<hbm>> -> memref<128x128xf32, #tpu.memory_space<hbm>>
    %dma_start3A_688 = arith.constant 0 : i32
    %dma_start3A_689 = arith.constant 0 : i32
    %dma_start3A_690 = tpu.memref_slice %arg6[%dma_start3A_679, %dma_start3A_688, %dma_start3A_689] : memref<4x128x128xf32, #tpu.memory_space<vmem>> -> memref<1x128x128xf32, #tpu.memory_space<vmem>>
    %dma_start3A_691 = tpu.memref_squeeze %dma_start3A_690 : memref<1x128x128xf32, #tpu.memory_space<vmem>> -> memref<128x128xf32, #tpu.memory_space<vmem>>
    tpu.enqueue_dma source(%dma_start3A_691 : memref<128x128xf32, #tpu.memory_space<vmem>>) target(%dma_start3A_687 : memref<128x128xf32, #tpu.memory_space<hbm>>) target_semaphore(%arg13 : memref<!tpu.dma_semaphore, #tpu.memory_space<semaphore_mem>>)
    %dma_wait3A_692 = arith.constant 3 : i32
    %dma_wait3A_693 = arith.constant 0 : i32
    %dma_wait3A_694 = arith.constant 0 : i32
    %dma_wait3A_695 = tpu.memref_slice %arg6[%dma_wait3A_692, %dma_wait3A_693, %dma_wait3A_694] : memref<4x128x128xf32, #tpu.memory_space<vmem>> -> memref<1x128x128xf32, #tpu.memory_space<vmem>>
    %dma_wait3A_696 = tpu.memref_squeeze %dma_wait3A_695 : memref<1x128x128xf32, #tpu.memory_space<vmem>> -> memref<128x128xf32, #tpu.memory_space<vmem>>
    %dma_wait3A_697 = arith.constant 1920 : i32
    %dma_wait3A_698 = tpu.memref_slice %arg5[%dma_wait3A_697] : memref<2048xi32, #tpu.memory_space<vmem>> -> memref<128xi32, #tpu.memory_space<vmem>>
    %dma_wait3A_699 = arith.constant 0 : i32
    %dma_wait3A_700 = arith.constant 0 : i32
    %dma_wait3A_701 = tpu.memref_slice %arg2[%dma_wait3A_699, %dma_wait3A_700] : memref<8192x128xf32, #tpu.memory_space<hbm>> -> memref<8192x128xf32, #tpu.memory_space<hbm>>
    tpu.wait_indirect_dma semaphore(%arg10 : memref<!tpu.dma_semaphore, #tpu.memory_space<semaphore_mem>>) src(%dma_wait3A_701 : memref<8192x128xf32, #tpu.memory_space<hbm>>) dst(%dma_wait3A_696 : memref<128x128xf32, #tpu.memory_space<vmem>>)
    %add3A_702 = arith.constant 1920 : i32
    %add3A_703 = arith.addi %mul3A_2, %add3A_702 : i32
    %dma_start3A_704 = arith.constant 3 : i32
    %dma_start3A_705 = arith.constant 0 : i32
    %dma_start3A_706 = arith.constant 0 : i32
    %dma_start3A_707 = tpu.memref_slice %arg6[%dma_start3A_704, %dma_start3A_705, %dma_start3A_706] : memref<4x128x128xf32, #tpu.memory_space<vmem>> -> memref<1x128x128xf32, #tpu.memory_space<vmem>>
    %dma_start3A_708 = tpu.memref_squeeze %dma_start3A_707 : memref<1x128x128xf32, #tpu.memory_space<vmem>> -> memref<128x128xf32, #tpu.memory_space<vmem>>
    %dma_start3A_709 = arith.constant 0 : i32
    %dma_start3A_710 = tpu.memref_slice %arg4[%add3A_703, %dma_start3A_709] : memref<65536x128xf32, #tpu.memory_space<hbm>> -> memref<128x128xf32, #tpu.memory_space<hbm>>
    %dma_start3A_711 = arith.constant 0 : i32
    %dma_start3A_712 = tpu.memref_slice %arg4[%add3A_703, %dma_start3A_711] : memref<65536x128xf32, #tpu.memory_space<hbm>> -> memref<128x128xf32, #tpu.memory_space<hbm>>
    %dma_start3A_713 = arith.constant 0 : i32
    %dma_start3A_714 = arith.constant 0 : i32
    %dma_start3A_715 = tpu.memref_slice %arg6[%dma_start3A_704, %dma_start3A_713, %dma_start3A_714] : memref<4x128x128xf32, #tpu.memory_space<vmem>> -> memref<1x128x128xf32, #tpu.memory_space<vmem>>
    %dma_start3A_716 = tpu.memref_squeeze %dma_start3A_715 : memref<1x128x128xf32, #tpu.memory_space<vmem>> -> memref<128x128xf32, #tpu.memory_space<vmem>>
    tpu.enqueue_dma source(%dma_start3A_716 : memref<128x128xf32, #tpu.memory_space<vmem>>) target(%dma_start3A_712 : memref<128x128xf32, #tpu.memory_space<hbm>>) target_semaphore(%arg14 : memref<!tpu.dma_semaphore, #tpu.memory_space<semaphore_mem>>)
    %dma_wait3A_717 = arith.constant 0 : i32
    %dma_wait3A_718 = arith.constant 0 : i32
    %dma_wait3A_719 = arith.constant 0 : i32
    %dma_wait3A_720 = tpu.memref_slice %arg6[%dma_wait3A_717, %dma_wait3A_718, %dma_wait3A_719] : memref<4x128x128xf32, #tpu.memory_space<vmem>> -> memref<1x128x128xf32, #tpu.memory_space<vmem>>
    %dma_wait3A_721 = tpu.memref_squeeze %dma_wait3A_720 : memref<1x128x128xf32, #tpu.memory_space<vmem>> -> memref<128x128xf32, #tpu.memory_space<vmem>>
    %dma_wait3A_722 = arith.constant 0 : i32
    %dma_wait3A_723 = tpu.memref_slice %arg4[%add3A_628, %dma_wait3A_722] : memref<65536x128xf32, #tpu.memory_space<hbm>> -> memref<128x128xf32, #tpu.memory_space<hbm>>
    %dma_wait3A_724 = arith.constant 0 : i32
    %dma_wait3A_725 = tpu.memref_slice %arg4[%add3A_628, %dma_wait3A_724] : memref<65536x128xf32, #tpu.memory_space<hbm>> -> memref<128x128xf32, #tpu.memory_space<hbm>>
    %dma_wait3A_726 = arith.constant 0 : i32
    %dma_wait3A_727 = arith.constant 0 : i32
    %dma_wait3A_728 = tpu.memref_slice %arg6[%dma_wait3A_717, %dma_wait3A_726, %dma_wait3A_727] : memref<4x128x128xf32, #tpu.memory_space<vmem>> -> memref<1x128x128xf32, #tpu.memory_space<vmem>>
    %dma_wait3A_729 = tpu.memref_squeeze %dma_wait3A_728 : memref<1x128x128xf32, #tpu.memory_space<vmem>> -> memref<128x128xf32, #tpu.memory_space<vmem>>
    tpu.wait_dma2 semaphore(%arg11 : memref<!tpu.dma_semaphore, #tpu.memory_space<semaphore_mem>>) src(%dma_wait3A_729 : memref<128x128xf32, #tpu.memory_space<vmem>>) dst(%dma_wait3A_725 : memref<128x128xf32, #tpu.memory_space<hbm>>)
    %dma_wait3A_730 = arith.constant 1 : i32
    %dma_wait3A_731 = arith.constant 0 : i32
    %dma_wait3A_732 = arith.constant 0 : i32
    %dma_wait3A_733 = tpu.memref_slice %arg6[%dma_wait3A_730, %dma_wait3A_731, %dma_wait3A_732] : memref<4x128x128xf32, #tpu.memory_space<vmem>> -> memref<1x128x128xf32, #tpu.memory_space<vmem>>
    %dma_wait3A_734 = tpu.memref_squeeze %dma_wait3A_733 : memref<1x128x128xf32, #tpu.memory_space<vmem>> -> memref<128x128xf32, #tpu.memory_space<vmem>>
    %dma_wait3A_735 = arith.constant 0 : i32
    %dma_wait3A_736 = tpu.memref_slice %arg4[%add3A_653, %dma_wait3A_735] : memref<65536x128xf32, #tpu.memory_space<hbm>> -> memref<128x128xf32, #tpu.memory_space<hbm>>
    %dma_wait3A_737 = arith.constant 0 : i32
    %dma_wait3A_738 = tpu.memref_slice %arg4[%add3A_653, %dma_wait3A_737] : memref<65536x128xf32, #tpu.memory_space<hbm>> -> memref<128x128xf32, #tpu.memory_space<hbm>>
    %dma_wait3A_739 = arith.constant 0 : i32
    %dma_wait3A_740 = arith.constant 0 : i32
    %dma_wait3A_741 = tpu.memref_slice %arg6[%dma_wait3A_730, %dma_wait3A_739, %dma_wait3A_740] : memref<4x128x128xf32, #tpu.memory_space<vmem>> -> memref<1x128x128xf32, #tpu.memory_space<vmem>>
    %dma_wait3A_742 = tpu.memref_squeeze %dma_wait3A_741 : memref<1x128x128xf32, #tpu.memory_space<vmem>> -> memref<128x128xf32, #tpu.memory_space<vmem>>
    tpu.wait_dma2 semaphore(%arg12 : memref<!tpu.dma_semaphore, #tpu.memory_space<semaphore_mem>>) src(%dma_wait3A_742 : memref<128x128xf32, #tpu.memory_space<vmem>>) dst(%dma_wait3A_738 : memref<128x128xf32, #tpu.memory_space<hbm>>)
    %dma_wait3A_743 = arith.constant 2 : i32
    %dma_wait3A_744 = arith.constant 0 : i32
    %dma_wait3A_745 = arith.constant 0 : i32
    %dma_wait3A_746 = tpu.memref_slice %arg6[%dma_wait3A_743, %dma_wait3A_744, %dma_wait3A_745] : memref<4x128x128xf32, #tpu.memory_space<vmem>> -> memref<1x128x128xf32, #tpu.memory_space<vmem>>
    %dma_wait3A_747 = tpu.memref_squeeze %dma_wait3A_746 : memref<1x128x128xf32, #tpu.memory_space<vmem>> -> memref<128x128xf32, #tpu.memory_space<vmem>>
    %dma_wait3A_748 = arith.constant 0 : i32
    %dma_wait3A_749 = tpu.memref_slice %arg4[%add3A_678, %dma_wait3A_748] : memref<65536x128xf32, #tpu.memory_space<hbm>> -> memref<128x128xf32, #tpu.memory_space<hbm>>
    %dma_wait3A_750 = arith.constant 0 : i32
    %dma_wait3A_751 = tpu.memref_slice %arg4[%add3A_678, %dma_wait3A_750] : memref<65536x128xf32, #tpu.memory_space<hbm>> -> memref<128x128xf32, #tpu.memory_space<hbm>>
    %dma_wait3A_752 = arith.constant 0 : i32
    %dma_wait3A_753 = arith.constant 0 : i32
    %dma_wait3A_754 = tpu.memref_slice %arg6[%dma_wait3A_743, %dma_wait3A_752, %dma_wait3A_753] : memref<4x128x128xf32, #tpu.memory_space<vmem>> -> memref<1x128x128xf32, #tpu.memory_space<vmem>>
    %dma_wait3A_755 = tpu.memref_squeeze %dma_wait3A_754 : memref<1x128x128xf32, #tpu.memory_space<vmem>> -> memref<128x128xf32, #tpu.memory_space<vmem>>
    tpu.wait_dma2 semaphore(%arg13 : memref<!tpu.dma_semaphore, #tpu.memory_space<semaphore_mem>>) src(%dma_wait3A_755 : memref<128x128xf32, #tpu.memory_space<vmem>>) dst(%dma_wait3A_751 : memref<128x128xf32, #tpu.memory_space<hbm>>)
    %dma_wait3A_756 = arith.constant 3 : i32
    %dma_wait3A_757 = arith.constant 0 : i32
    %dma_wait3A_758 = arith.constant 0 : i32
    %dma_wait3A_759 = tpu.memref_slice %arg6[%dma_wait3A_756, %dma_wait3A_757, %dma_wait3A_758] : memref<4x128x128xf32, #tpu.memory_space<vmem>> -> memref<1x128x128xf32, #tpu.memory_space<vmem>>
    %dma_wait3A_760 = tpu.memref_squeeze %dma_wait3A_759 : memref<1x128x128xf32, #tpu.memory_space<vmem>> -> memref<128x128xf32, #tpu.memory_space<vmem>>
    %dma_wait3A_761 = arith.constant 0 : i32
    %dma_wait3A_762 = tpu.memref_slice %arg4[%add3A_703, %dma_wait3A_761] : memref<65536x128xf32, #tpu.memory_space<hbm>> -> memref<128x128xf32, #tpu.memory_space<hbm>>
    %dma_wait3A_763 = arith.constant 0 : i32
    %dma_wait3A_764 = tpu.memref_slice %arg4[%add3A_703, %dma_wait3A_763] : memref<65536x128xf32, #tpu.memory_space<hbm>> -> memref<128x128xf32, #tpu.memory_space<hbm>>
    %dma_wait3A_765 = arith.constant 0 : i32
    %dma_wait3A_766 = arith.constant 0 : i32
    %dma_wait3A_767 = tpu.memref_slice %arg6[%dma_wait3A_756, %dma_wait3A_765, %dma_wait3A_766] : memref<4x128x128xf32, #tpu.memory_space<vmem>> -> memref<1x128x128xf32, #tpu.memory_space<vmem>>
    %dma_wait3A_768 = tpu.memref_squeeze %dma_wait3A_767 : memref<1x128x128xf32, #tpu.memory_space<vmem>> -> memref<128x128xf32, #tpu.memory_space<vmem>>
    tpu.wait_dma2 semaphore(%arg14 : memref<!tpu.dma_semaphore, #tpu.memory_space<semaphore_mem>>) src(%dma_wait3A_768 : memref<128x128xf32, #tpu.memory_space<vmem>>) dst(%dma_wait3A_764 : memref<128x128xf32, #tpu.memory_space<hbm>>)
    return
  }
}

module attributes {stable_mosaic.version = 14 : i64} {
  func.func @_prep_body(%arg0: i32, %arg1: memref<1x1024x64xf32, #tpu.memory_space<vmem>>, %arg2: memref<1x1x64xf32, #tpu.memory_space<vmem>>, %arg3: memref<1x1x1024xf32, #tpu.memory_space<vmem>>, %arg4: memref<1x1024x128xf32, #tpu.memory_space<vmem>>, %arg5: memref<1x1024x8xi32, #tpu.memory_space<vmem>>) attributes {dimension_semantics = [#tpu.dimension_semantics<arbitrary>], iteration_bounds = array<i64: 8>, scalar_prefetch = 0 : i64, scratch_operands = 0 : i64, tpu.core_type = #tpu.core_type<tc>, window_params = [{transform_indices = @transform_0, window_bounds = array<i64: 1, 1024, 64>}, {transform_indices = @transform_1, window_bounds = array<i64: 1, 1, 64>}, {transform_indices = @transform_2, window_bounds = array<i64: 1, 1, 1024>}, {transform_indices = @transform_3, window_bounds = array<i64: 1, 1024, 128>}, {transform_indices = @transform_4, window_bounds = array<i64: 1, 1024, 8>}]} {
    %get3A = arith.constant 0 : index
    %get3A_0 = arith.constant 0 : index
    %get3A_1 = arith.constant 0 : index
    %get3A_2 = vector.load %arg1[%get3A, %get3A_0, %get3A_1] : memref<1x1024x64xf32, #tpu.memory_space<vmem>>, vector<1x1024x64xf32>
    %get3A_3 = vector.shape_cast %get3A_2 : vector<1x1024x64xf32> to vector<1024x64xf32>
    %get3A_4 = arith.constant 0 : index
    %get3A_5 = arith.constant 0 : index
    %get3A_6 = arith.constant 0 : index
    %get3A_7 = vector.load %arg2[%get3A_4, %get3A_5, %get3A_6] : memref<1x1x64xf32, #tpu.memory_space<vmem>>, vector<1x1x64xf32>
    %get3A_8 = vector.shape_cast %get3A_7 : vector<1x1x64xf32> to vector<1x64xf32>
    %gt3A = arith.constant 1.000000e-01 : f32
    %gt3A_9 = vector.broadcast %gt3A : f32 to vector<1x64xf32>
    %gt3A_10 = arith.cmpf ogt, %get3A_8, %gt3A_9 : vector<1x64xf32>
    %jit3A = arith.constant 0.000000e+00 : f32
    %broadcast_in_dim3A = vector.shape_cast %gt3A_10 : vector<1x64xi1> to vector<1x64xi1>
    %broadcast_in_dim3A_11 = vector.broadcast %broadcast_in_dim3A : vector<1x64xi1> to vector<1024x64xi1>
    %broadcast_in_dim3A_12 = vector.broadcast %jit3A : f32 to vector<1024x64xf32>
    %select_n3A = arith.select %broadcast_in_dim3A_11, %broadcast_in_dim3A_12, %get3A_3 : vector<1024x64xi1>, vector<1024x64xf32>
    %jit3A_13 = arith.constant 0.000000e+00 : f32
    %broadcast_in_dim3A_14 = vector.shape_cast %gt3A_10 : vector<1x64xi1> to vector<1x64xi1>
    %broadcast_in_dim3A_15 = vector.broadcast %broadcast_in_dim3A_14 : vector<1x64xi1> to vector<1024x64xi1>
    %broadcast_in_dim3A_16 = vector.broadcast %jit3A_13 : f32 to vector<1024x64xf32>
    %select_n3A_17 = arith.select %broadcast_in_dim3A_15, %get3A_3, %broadcast_in_dim3A_16 : vector<1024x64xi1>, vector<1024x64xf32>
    %concatenate3A = tpu.concatenate %select_n3A, %select_n3A_17 in 1 : vector<1024x64xf32>, vector<1024x64xf32> -> vector<1024x128xf32>
    %reduce_sum3A = arith.constant dense<0.000000e+00> : vector<128xf32>
    %reduce_sum3A_18 = vector.multi_reduction <add>, %concatenate3A, %reduce_sum3A [0] : vector<1024x128xf32> to vector<128xf32>
    %broadcast_in_dim3A_19 = vector.shape_cast %reduce_sum3A_18 : vector<128xf32> to vector<1x128xf32>
    %div3A = arith.constant 1.024000e+03 : f32
    %div3A_20 = vector.broadcast %div3A : f32 to vector<1x128xf32>
    %div3A_21 = arith.divf %broadcast_in_dim3A_19, %div3A_20 : vector<1x128xf32>
    %sub3A = vector.broadcast %div3A_21 : vector<1x128xf32> to vector<1024x128xf32>
    %sub3A_22 = arith.subf %concatenate3A, %sub3A : vector<1024x128xf32>
    %mul3A = arith.mulf %sub3A_22, %sub3A_22 : vector<1024x128xf32>
    %reduce_sum3A_23 = arith.constant dense<0.000000e+00> : vector<128xf32>
    %reduce_sum3A_24 = vector.multi_reduction <add>, %mul3A, %reduce_sum3A_23 [0] : vector<1024x128xf32> to vector<128xf32>
    %broadcast_in_dim3A_25 = vector.shape_cast %reduce_sum3A_24 : vector<128xf32> to vector<1x128xf32>
    %div3A_26 = arith.constant 1.023000e+03 : f32
    %div3A_27 = vector.broadcast %div3A_26 : f32 to vector<1x128xf32>
    %div3A_28 = arith.divf %broadcast_in_dim3A_25, %div3A_27 : vector<1x128xf32>
    %sqrt3A = math.sqrt %div3A_28 : vector<1x128xf32>
    %add3A = arith.constant 9.99999974E-6 : f32
    %add3A_29 = vector.broadcast %add3A : f32 to vector<1x128xf32>
    %add3A_30 = arith.addf %sqrt3A, %add3A_29 : vector<1x128xf32>
    %div3A_31 = vector.broadcast %add3A_30 : vector<1x128xf32> to vector<1024x128xf32>
    %div3A_32 = arith.divf %sub3A_22, %div3A_31 : vector<1024x128xf32>
    %jit3A_33 = arith.constant -1.000000e+01 : f32
    %jit3A_34 = arith.constant 1.000000e+01 : f32
    %max3A = vector.broadcast %jit3A_33 : f32 to vector<1024x128xf32>
    %max3A_35 = arith.maximumf %max3A, %div3A_32 : vector<1024x128xf32>
    %min3A = vector.broadcast %jit3A_34 : f32 to vector<1024x128xf32>
    %min3A_36 = arith.minimumf %min3A, %max3A_35 : vector<1024x128xf32>
    %swap3A = arith.constant 0 : index
    %swap3A_37 = arith.constant 0 : index
    %swap3A_38 = arith.constant 0 : index
    %swap3A_39 = vector.load %arg4[%swap3A, %swap3A_37, %swap3A_38] : memref<1x1024x128xf32, #tpu.memory_space<vmem>>, vector<1x1024x128xf32>
    %swap3A_40 = vector.shape_cast %swap3A_39 : vector<1x1024x128xf32> to vector<1024x128xf32>
    %swap3A_41 = vector.shape_cast %min3A_36 : vector<1024x128xf32> to vector<1x1024x128xf32>
    tpu.vector_store %arg4[%swap3A, %swap3A_37, %swap3A_38], %swap3A_41 {strides = array<i32>} : memref<1x1024x128xf32, #tpu.memory_space<vmem>>, vector<1x1024x128xf32>,
    %get3A_42 = arith.constant 0 : index
    %get3A_43 = arith.constant 0 : index
    %get3A_44 = arith.constant 0 : index
    %get3A_45 = vector.load %arg3[%get3A_42, %get3A_43, %get3A_44] : memref<1x1x1024xf32, #tpu.memory_space<vmem>>, vector<1x1x1024xf32>
    %get3A_46 = vector.shape_cast %get3A_45 : vector<1x1x1024xf32> to vector<1x1024xf32>
    %convert_element_type3A = arith.truncf %select_n3A : vector<1024x64xf32> to vector<1024x64xbf16>
    %dot_general3A = arith.constant dense<0.000000e+00> : vector<1024x1024xf32>
    %dot_general3A_47 = tpu.matmul %convert_element_type3A, %convert_element_type3A, %dot_general3A {dimension_numbers = #tpu.dot_dimension_numbers<[1], [1], [0], [0], [0, 0, 1, 0], [], []>, transpose_lhs_hint = false} : vector<1024x64xbf16>, vector<1024x64xbf16>, vector<1024x1024xf32> -> vector<1024x1024xf32>
    %transpose3A = tpu.transpose %get3A_46, [1, 0] : vector<1x1024xf32> -> vector<1024x1xf32>
    %add3A_48 = vector.broadcast %transpose3A : vector<1024x1xf32> to vector<1024x1024xf32>
    %add3A_49 = vector.broadcast %get3A_46 : vector<1x1024xf32> to vector<1024x1024xf32>
    %add3A_50 = arith.addf %add3A_48, %add3A_49 : vector<1024x1024xf32>
    %mul3A_51 = arith.constant 2.000000e+00 : f32
    %mul3A_52 = vector.broadcast %mul3A_51 : f32 to vector<1024x1024xf32>
    %mul3A_53 = arith.mulf %mul3A_52, %dot_general3A_47 : vector<1024x1024xf32>
    %sub3A_54 = arith.subf %add3A_50, %mul3A_53 : vector<1024x1024xf32>
    %max3A_55 = arith.constant 9.99999996E-13 : f32
    %max3A_56 = vector.broadcast %max3A_55 : f32 to vector<1024x1024xf32>
    %max3A_57 = arith.maximumf %sub3A_54, %max3A_56 : vector<1024x1024xf32>
    %sqrt3A_58 = math.sqrt %max3A_57 : vector<1024x1024xf32>
    %iota3A = tpu.iota {dimensions = array<i32: 1>} : vector<1024x1024xi32>
    %convert_element_type3A_59 = arith.sitofp %iota3A : vector<1024x1024xi32> to vector<1024x1024xf32>
    %reduce_min3A = arith.constant dense<0x7F800000> : vector<1024xf32>
    %reduce_min3A_60 = vector.multi_reduction <minimumf>, %sqrt3A_58, %reduce_min3A [1] : vector<1024x1024xf32> to vector<1024xf32>
    %broadcast_in_dim3A_61 = vector.shape_cast %reduce_min3A_60 : vector<1024xf32> to vector<1024x1xf32>
    %eq3A = vector.broadcast %broadcast_in_dim3A_61 : vector<1024x1xf32> to vector<1024x1024xf32>
    %eq3A_62 = arith.cmpf oeq, %sqrt3A_58, %eq3A : vector<1024x1024xf32>
    %jit3A_63 = arith.constant 1.024000e+03 : f32
    %broadcast_in_dim3A_64 = vector.broadcast %jit3A_63 : f32 to vector<1024x1024xf32>
    %select_n3A_65 = arith.select %eq3A_62, %convert_element_type3A_59, %broadcast_in_dim3A_64 : vector<1024x1024xi1>, vector<1024x1024xf32>
    %reduce_min3A_66 = arith.constant dense<0x7F800000> : vector<1024xf32>
    %reduce_min3A_67 = vector.multi_reduction <minimumf>, %select_n3A_65, %reduce_min3A_66 [1] : vector<1024x1024xf32> to vector<1024xf32>
    %broadcast_in_dim3A_68 = vector.shape_cast %reduce_min3A_67 : vector<1024xf32> to vector<1024x1xf32>
    %eq3A_69 = vector.broadcast %broadcast_in_dim3A_68 : vector<1024x1xf32> to vector<1024x1024xf32>
    %eq3A_70 = arith.cmpf oeq, %convert_element_type3A_59, %eq3A_69 : vector<1024x1024xf32>
    %jit3A_71 = arith.constant 0x7F800000 : f32
    %broadcast_in_dim3A_72 = vector.broadcast %jit3A_71 : f32 to vector<1024x1024xf32>
    %select_n3A_73 = arith.select %eq3A_70, %broadcast_in_dim3A_72, %sqrt3A_58 : vector<1024x1024xi1>, vector<1024x1024xf32>
    %reduce_min3A_74 = arith.constant dense<0x7F800000> : vector<1024xf32>
    %reduce_min3A_75 = vector.multi_reduction <minimumf>, %select_n3A_73, %reduce_min3A_74 [1] : vector<1024x1024xf32> to vector<1024xf32>
    %broadcast_in_dim3A_76 = vector.shape_cast %reduce_min3A_75 : vector<1024xf32> to vector<1024x1xf32>
    %eq3A_77 = vector.broadcast %broadcast_in_dim3A_76 : vector<1024x1xf32> to vector<1024x1024xf32>
    %eq3A_78 = arith.cmpf oeq, %select_n3A_73, %eq3A_77 : vector<1024x1024xf32>
    %jit3A_79 = arith.constant 1.024000e+03 : f32
    %broadcast_in_dim3A_80 = vector.broadcast %jit3A_79 : f32 to vector<1024x1024xf32>
    %select_n3A_81 = arith.select %eq3A_78, %convert_element_type3A_59, %broadcast_in_dim3A_80 : vector<1024x1024xi1>, vector<1024x1024xf32>
    %reduce_min3A_82 = arith.constant dense<0x7F800000> : vector<1024xf32>
    %reduce_min3A_83 = vector.multi_reduction <minimumf>, %select_n3A_81, %reduce_min3A_82 [1] : vector<1024x1024xf32> to vector<1024xf32>
    %broadcast_in_dim3A_84 = vector.shape_cast %reduce_min3A_83 : vector<1024xf32> to vector<1024x1xf32>
    %eq3A_85 = vector.broadcast %broadcast_in_dim3A_84 : vector<1024x1xf32> to vector<1024x1024xf32>
    %eq3A_86 = arith.cmpf oeq, %convert_element_type3A_59, %eq3A_85 : vector<1024x1024xf32>
    %jit3A_87 = arith.constant 0x7F800000 : f32
    %broadcast_in_dim3A_88 = vector.broadcast %jit3A_87 : f32 to vector<1024x1024xf32>
    %select_n3A_89 = arith.select %eq3A_86, %broadcast_in_dim3A_88, %select_n3A_73 : vector<1024x1024xi1>, vector<1024x1024xf32>
    %reduce_min3A_90 = arith.constant dense<0x7F800000> : vector<1024xf32>
    %reduce_min3A_91 = vector.multi_reduction <minimumf>, %select_n3A_89, %reduce_min3A_90 [1] : vector<1024x1024xf32> to vector<1024xf32>
    %broadcast_in_dim3A_92 = vector.shape_cast %reduce_min3A_91 : vector<1024xf32> to vector<1024x1xf32>
    %eq3A_93 = vector.broadcast %broadcast_in_dim3A_92 : vector<1024x1xf32> to vector<1024x1024xf32>
    %eq3A_94 = arith.cmpf oeq, %select_n3A_89, %eq3A_93 : vector<1024x1024xf32>
    %jit3A_95 = arith.constant 1.024000e+03 : f32
    %broadcast_in_dim3A_96 = vector.broadcast %jit3A_95 : f32 to vector<1024x1024xf32>
    %select_n3A_97 = arith.select %eq3A_94, %convert_element_type3A_59, %broadcast_in_dim3A_96 : vector<1024x1024xi1>, vector<1024x1024xf32>
    %reduce_min3A_98 = arith.constant dense<0x7F800000> : vector<1024xf32>
    %reduce_min3A_99 = vector.multi_reduction <minimumf>, %select_n3A_97, %reduce_min3A_98 [1] : vector<1024x1024xf32> to vector<1024xf32>
    %broadcast_in_dim3A_100 = vector.shape_cast %reduce_min3A_99 : vector<1024xf32> to vector<1024x1xf32>
    %eq3A_101 = vector.broadcast %broadcast_in_dim3A_100 : vector<1024x1xf32> to vector<1024x1024xf32>
    %eq3A_102 = arith.cmpf oeq, %convert_element_type3A_59, %eq3A_101 : vector<1024x1024xf32>
    %jit3A_103 = arith.constant 0x7F800000 : f32
    %broadcast_in_dim3A_104 = vector.broadcast %jit3A_103 : f32 to vector<1024x1024xf32>
    %select_n3A_105 = arith.select %eq3A_102, %broadcast_in_dim3A_104, %select_n3A_89 : vector<1024x1024xi1>, vector<1024x1024xf32>
    %reduce_min3A_106 = arith.constant dense<0x7F800000> : vector<1024xf32>
    %reduce_min3A_107 = vector.multi_reduction <minimumf>, %select_n3A_105, %reduce_min3A_106 [1] : vector<1024x1024xf32> to vector<1024xf32>
    %broadcast_in_dim3A_108 = vector.shape_cast %reduce_min3A_107 : vector<1024xf32> to vector<1024x1xf32>
    %eq3A_109 = vector.broadcast %broadcast_in_dim3A_108 : vector<1024x1xf32> to vector<1024x1024xf32>
    %eq3A_110 = arith.cmpf oeq, %select_n3A_105, %eq3A_109 : vector<1024x1024xf32>
    %jit3A_111 = arith.constant 1.024000e+03 : f32
    %broadcast_in_dim3A_112 = vector.broadcast %jit3A_111 : f32 to vector<1024x1024xf32>
    %select_n3A_113 = arith.select %eq3A_110, %convert_element_type3A_59, %broadcast_in_dim3A_112 : vector<1024x1024xi1>, vector<1024x1024xf32>
    %reduce_min3A_114 = arith.constant dense<0x7F800000> : vector<1024xf32>
    %reduce_min3A_115 = vector.multi_reduction <minimumf>, %select_n3A_113, %reduce_min3A_114 [1] : vector<1024x1024xf32> to vector<1024xf32>
    %broadcast_in_dim3A_116 = vector.shape_cast %reduce_min3A_115 : vector<1024xf32> to vector<1024x1xf32>
    %eq3A_117 = vector.broadcast %broadcast_in_dim3A_116 : vector<1024x1xf32> to vector<1024x1024xf32>
    %eq3A_118 = arith.cmpf oeq, %convert_element_type3A_59, %eq3A_117 : vector<1024x1024xf32>
    %jit3A_119 = arith.constant 0x7F800000 : f32
    %broadcast_in_dim3A_120 = vector.broadcast %jit3A_119 : f32 to vector<1024x1024xf32>
    %select_n3A_121 = arith.select %eq3A_118, %broadcast_in_dim3A_120, %select_n3A_105 : vector<1024x1024xi1>, vector<1024x1024xf32>
    %reduce_min3A_122 = arith.constant dense<0x7F800000> : vector<1024xf32>
    %reduce_min3A_123 = vector.multi_reduction <minimumf>, %select_n3A_121, %reduce_min3A_122 [1] : vector<1024x1024xf32> to vector<1024xf32>
    %broadcast_in_dim3A_124 = vector.shape_cast %reduce_min3A_123 : vector<1024xf32> to vector<1024x1xf32>
    %eq3A_125 = vector.broadcast %broadcast_in_dim3A_124 : vector<1024x1xf32> to vector<1024x1024xf32>
    %eq3A_126 = arith.cmpf oeq, %select_n3A_121, %eq3A_125 : vector<1024x1024xf32>
    %jit3A_127 = arith.constant 1.024000e+03 : f32
    %broadcast_in_dim3A_128 = vector.broadcast %jit3A_127 : f32 to vector<1024x1024xf32>
    %select_n3A_129 = arith.select %eq3A_126, %convert_element_type3A_59, %broadcast_in_dim3A_128 : vector<1024x1024xi1>, vector<1024x1024xf32>
    %reduce_min3A_130 = arith.constant dense<0x7F800000> : vector<1024xf32>
    %reduce_min3A_131 = vector.multi_reduction <minimumf>, %select_n3A_129, %reduce_min3A_130 [1] : vector<1024x1024xf32> to vector<1024xf32>
    %broadcast_in_dim3A_132 = vector.shape_cast %reduce_min3A_131 : vector<1024xf32> to vector<1024x1xf32>
    %eq3A_133 = vector.broadcast %broadcast_in_dim3A_132 : vector<1024x1xf32> to vector<1024x1024xf32>
    %eq3A_134 = arith.cmpf oeq, %convert_element_type3A_59, %eq3A_133 : vector<1024x1024xf32>
    %jit3A_135 = arith.constant 0x7F800000 : f32
    %broadcast_in_dim3A_136 = vector.broadcast %jit3A_135 : f32 to vector<1024x1024xf32>
    %select_n3A_137 = arith.select %eq3A_134, %broadcast_in_dim3A_136, %select_n3A_121 : vector<1024x1024xi1>, vector<1024x1024xf32>
    %reduce_min3A_138 = arith.constant dense<0x7F800000> : vector<1024xf32>
    %reduce_min3A_139 = vector.multi_reduction <minimumf>, %select_n3A_137, %reduce_min3A_138 [1] : vector<1024x1024xf32> to vector<1024xf32>
    %broadcast_in_dim3A_140 = vector.shape_cast %reduce_min3A_139 : vector<1024xf32> to vector<1024x1xf32>
    %eq3A_141 = vector.broadcast %broadcast_in_dim3A_140 : vector<1024x1xf32> to vector<1024x1024xf32>
    %eq3A_142 = arith.cmpf oeq, %select_n3A_137, %eq3A_141 : vector<1024x1024xf32>
    %jit3A_143 = arith.constant 1.024000e+03 : f32
    %broadcast_in_dim3A_144 = vector.broadcast %jit3A_143 : f32 to vector<1024x1024xf32>
    %select_n3A_145 = arith.select %eq3A_142, %convert_element_type3A_59, %broadcast_in_dim3A_144 : vector<1024x1024xi1>, vector<1024x1024xf32>
    %reduce_min3A_146 = arith.constant dense<0x7F800000> : vector<1024xf32>
    %reduce_min3A_147 = vector.multi_reduction <minimumf>, %select_n3A_145, %reduce_min3A_146 [1] : vector<1024x1024xf32> to vector<1024xf32>
    %broadcast_in_dim3A_148 = vector.shape_cast %reduce_min3A_147 : vector<1024xf32> to vector<1024x1xf32>
    %eq3A_149 = vector.broadcast %broadcast_in_dim3A_148 : vector<1024x1xf32> to vector<1024x1024xf32>
    %eq3A_150 = arith.cmpf oeq, %convert_element_type3A_59, %eq3A_149 : vector<1024x1024xf32>
    %jit3A_151 = arith.constant 0x7F800000 : f32
    %broadcast_in_dim3A_152 = vector.broadcast %jit3A_151 : f32 to vector<1024x1024xf32>
    %select_n3A_153 = arith.select %eq3A_150, %broadcast_in_dim3A_152, %select_n3A_137 : vector<1024x1024xi1>, vector<1024x1024xf32>
    %reduce_min3A_154 = arith.constant dense<0x7F800000> : vector<1024xf32>
    %reduce_min3A_155 = vector.multi_reduction <minimumf>, %select_n3A_153, %reduce_min3A_154 [1] : vector<1024x1024xf32> to vector<1024xf32>
    %broadcast_in_dim3A_156 = vector.shape_cast %reduce_min3A_155 : vector<1024xf32> to vector<1024x1xf32>
    %eq3A_157 = vector.broadcast %broadcast_in_dim3A_156 : vector<1024x1xf32> to vector<1024x1024xf32>
    %eq3A_158 = arith.cmpf oeq, %select_n3A_153, %eq3A_157 : vector<1024x1024xf32>
    %jit3A_159 = arith.constant 1.024000e+03 : f32
    %broadcast_in_dim3A_160 = vector.broadcast %jit3A_159 : f32 to vector<1024x1024xf32>
    %select_n3A_161 = arith.select %eq3A_158, %convert_element_type3A_59, %broadcast_in_dim3A_160 : vector<1024x1024xi1>, vector<1024x1024xf32>
    %reduce_min3A_162 = arith.constant dense<0x7F800000> : vector<1024xf32>
    %reduce_min3A_163 = vector.multi_reduction <minimumf>, %select_n3A_161, %reduce_min3A_162 [1] : vector<1024x1024xf32> to vector<1024xf32>
    %broadcast_in_dim3A_164 = vector.shape_cast %reduce_min3A_163 : vector<1024xf32> to vector<1024x1xf32>
    %eq3A_165 = vector.broadcast %broadcast_in_dim3A_164 : vector<1024x1xf32> to vector<1024x1024xf32>
    %eq3A_166 = arith.cmpf oeq, %convert_element_type3A_59, %eq3A_165 : vector<1024x1024xf32>
    %jit3A_167 = arith.constant 0x7F800000 : f32
    %broadcast_in_dim3A_168 = vector.broadcast %jit3A_167 : f32 to vector<1024x1024xf32>
    %select_n3A_169 = arith.select %eq3A_166, %broadcast_in_dim3A_168, %select_n3A_153 : vector<1024x1024xi1>, vector<1024x1024xf32>
    %reduce_min3A_170 = arith.constant dense<0x7F800000> : vector<1024xf32>
    %reduce_min3A_171 = vector.multi_reduction <minimumf>, %select_n3A_169, %reduce_min3A_170 [1] : vector<1024x1024xf32> to vector<1024xf32>
    %broadcast_in_dim3A_172 = vector.shape_cast %reduce_min3A_171 : vector<1024xf32> to vector<1024x1xf32>
    %eq3A_173 = vector.broadcast %broadcast_in_dim3A_172 : vector<1024x1xf32> to vector<1024x1024xf32>
    %eq3A_174 = arith.cmpf oeq, %select_n3A_169, %eq3A_173 : vector<1024x1024xf32>
    %jit3A_175 = arith.constant 1.024000e+03 : f32
    %broadcast_in_dim3A_176 = vector.broadcast %jit3A_175 : f32 to vector<1024x1024xf32>
    %select_n3A_177 = arith.select %eq3A_174, %convert_element_type3A_59, %broadcast_in_dim3A_176 : vector<1024x1024xi1>, vector<1024x1024xf32>
    %reduce_min3A_178 = arith.constant dense<0x7F800000> : vector<1024xf32>
    %reduce_min3A_179 = vector.multi_reduction <minimumf>, %select_n3A_177, %reduce_min3A_178 [1] : vector<1024x1024xf32> to vector<1024xf32>
    %broadcast_in_dim3A_180 = vector.shape_cast %reduce_min3A_179 : vector<1024xf32> to vector<1024x1xf32>
    %concatenate3A_181 = tpu.concatenate %broadcast_in_dim3A_68, %broadcast_in_dim3A_84, %broadcast_in_dim3A_100, %broadcast_in_dim3A_116, %broadcast_in_dim3A_132, %broadcast_in_dim3A_148, %broadcast_in_dim3A_164, %broadcast_in_dim3A_180 in 1 : vector<1024x1xf32>, vector<1024x1xf32>, vector<1024x1xf32>, vector<1024x1xf32>, vector<1024x1xf32>, vector<1024x1xf32>, vector<1024x1xf32>, vector<1024x1xf32> -> vector<1024x8xf32>
    %convert_element_type3A_182 = arith.fptosi %concatenate3A_181 : vector<1024x8xf32> to vector<1024x8xi32>
    %mul3A_183 = arith.constant 1024 : i32
    %mul3A_184 = arith.muli %arg0, %mul3A_183 : i32
    %add3A_185 = vector.broadcast %mul3A_184 : i32 to vector<1024x8xi32>
    %add3A_186 = arith.addi %convert_element_type3A_182, %add3A_185 : vector<1024x8xi32>
    %swap3A_187 = arith.constant 0 : index
    %swap3A_188 = arith.constant 0 : index
    %swap3A_189 = arith.constant 0 : index
    %swap3A_190 = vector.load %arg5[%swap3A_187, %swap3A_188, %swap3A_189] : memref<1x1024x8xi32, #tpu.memory_space<vmem>>, vector<1x1024x8xi32>
    %swap3A_191 = vector.shape_cast %swap3A_190 : vector<1x1024x8xi32> to vector<1024x8xi32>
    %swap3A_192 = vector.shape_cast %add3A_186 : vector<1024x8xi32> to vector<1x1024x8xi32>
    tpu.vector_store %arg5[%swap3A_187, %swap3A_188, %swap3A_189], %swap3A_192 {strides = array<i32>} : memref<1x1024x8xi32, #tpu.memory_space<vmem>>, vector<1x1024x8xi32>,
    return
  }
  func.func @transform_0(%arg0: i32) -> (i32, i32, i32) {
    %c0_i32 = arith.constant 0 : i32
    %c0_i32_0 = arith.constant 0 : i32
    %c0_i32_1 = arith.constant 0 : i32
    return %arg0, %c0_i32, %c0_i32_0 : i32, i32, i32
  }
  func.func @transform_1(%arg0: i32) -> (i32, i32, i32) {
    %c0_i32 = arith.constant 0 : i32
    %c0_i32_0 = arith.constant 0 : i32
    %c0_i32_1 = arith.constant 0 : i32
    return %arg0, %c0_i32, %c0_i32_0 : i32, i32, i32
  }
  func.func @transform_2(%arg0: i32) -> (i32, i32, i32) {
    %c0_i32 = arith.constant 0 : i32
    %c0_i32_0 = arith.constant 0 : i32
    %c0_i32_1 = arith.constant 0 : i32
    return %arg0, %c0_i32, %c0_i32_0 : i32, i32, i32
  }
  func.func @transform_3(%arg0: i32) -> (i32, i32, i32) {
    %c0_i32 = arith.constant 0 : i32
    %c0_i32_0 = arith.constant 0 : i32
    %c0_i32_1 = arith.constant 0 : i32
    return %arg0, %c0_i32, %c0_i32_0 : i32, i32, i32
  }
  func.func @transform_4(%arg0: i32) -> (i32, i32, i32) {
    %c0_i32 = arith.constant 0 : i32
    %c0_i32_0 = arith.constant 0 : i32
    %c0_i32_1 = arith.constant 0 : i32
    return %arg0, %c0_i32, %c0_i32_0 : i32, i32, i32
  }
}

module attributes {stable_mosaic.version = 14 : i64} {
  func.func @_ff_body(%arg0: i32, %arg1: memref<512x1024xf32, #tpu.memory_space<vmem>>, %arg2: memref<512x128xf32, #tpu.memory_space<vmem>>, %arg3: memref<1024x1024xf32, #tpu.memory_space<vmem>>, %arg4: memref<1x1024xf32, #tpu.memory_space<vmem>>, %arg5: memref<512x512xf32, #tpu.memory_space<vmem>>) attributes {dimension_semantics = [#tpu.dimension_semantics<arbitrary>], iteration_bounds = array<i64: 16>, scalar_prefetch = 0 : i64, scratch_operands = 0 : i64, tpu.core_type = #tpu.core_type<tc>, window_params = [{transform_indices = @transform_0, window_bounds = array<i64: 512, 1024>}, {transform_indices = @transform_1, window_bounds = array<i64: 512, 128>}, {pipeline_mode = #tpu.pipeline_mode<synchronous>, transform_indices = @transform_2, window_bounds = array<i64: 1024, 1024>}, {pipeline_mode = #tpu.pipeline_mode<synchronous>, transform_indices = @transform_3, window_bounds = array<i64: 1, 1024>}, {transform_indices = @transform_4, window_bounds = array<i64: 512, 512>}]} {
    %get3A = arith.constant 0 : index
    %get3A_0 = arith.constant 0 : index
    %get3A_1 = vector.load %arg3[%get3A, %get3A_0] : memref<1024x1024xf32, #tpu.memory_space<vmem>>, vector<1024x1024xf32>
    %slice3A = vector.extract_strided_slice %get3A_1 {offsets = [0, 0], sizes = [1024, 128], strides = [1, 1]} : vector<1024x1024xf32> to vector<1024x128xf32>
    %slice3A_2 = vector.extract_strided_slice %get3A_1 {offsets = [0, 128], sizes = [1024, 128], strides = [1, 1]} : vector<1024x1024xf32> to vector<1024x128xf32>
    %add3A = arith.addf %slice3A, %slice3A_2 : vector<1024x128xf32>
    %slice3A_3 = vector.extract_strided_slice %get3A_1 {offsets = [0, 256], sizes = [1024, 128], strides = [1, 1]} : vector<1024x1024xf32> to vector<1024x128xf32>
    %add3A_4 = arith.addf %add3A, %slice3A_3 : vector<1024x128xf32>
    %slice3A_5 = vector.extract_strided_slice %get3A_1 {offsets = [0, 384], sizes = [1024, 128], strides = [1, 1]} : vector<1024x1024xf32> to vector<1024x128xf32>
    %add3A_6 = arith.addf %add3A_4, %slice3A_5 : vector<1024x128xf32>
    %slice3A_7 = vector.extract_strided_slice %get3A_1 {offsets = [0, 512], sizes = [1024, 128], strides = [1, 1]} : vector<1024x1024xf32> to vector<1024x128xf32>
    %add3A_8 = arith.addf %add3A_6, %slice3A_7 : vector<1024x128xf32>
    %slice3A_9 = vector.extract_strided_slice %get3A_1 {offsets = [0, 640], sizes = [1024, 128], strides = [1, 1]} : vector<1024x1024xf32> to vector<1024x128xf32>
    %add3A_10 = arith.addf %add3A_8, %slice3A_9 : vector<1024x128xf32>
    %slice3A_11 = vector.extract_strided_slice %get3A_1 {offsets = [0, 768], sizes = [1024, 128], strides = [1, 1]} : vector<1024x1024xf32> to vector<1024x128xf32>
    %add3A_12 = arith.addf %add3A_10, %slice3A_11 : vector<1024x128xf32>
    %slice3A_13 = vector.extract_strided_slice %get3A_1 {offsets = [0, 896], sizes = [1024, 128], strides = [1, 1]} : vector<1024x1024xf32> to vector<1024x128xf32>
    %add3A_14 = arith.addf %add3A_12, %slice3A_13 : vector<1024x128xf32>
    %convert_element_type3A = arith.truncf %get3A_1 : vector<1024x1024xf32> to vector<1024x1024xbf16>
    %get3A_15 = arith.constant 0 : index
    %get3A_16 = arith.constant 0 : index
    %get3A_17 = vector.load %arg1[%get3A_15, %get3A_16] : memref<512x1024xf32, #tpu.memory_space<vmem>>, vector<512x1024xf32>
    %convert_element_type3A_18 = arith.truncf %get3A_17 : vector<512x1024xf32> to vector<512x1024xbf16>
    %dot_general3A = arith.constant dense<0.000000e+00> : vector<512x1024xf32>
    %dot_general3A_19 = tpu.matmul %convert_element_type3A_18, %convert_element_type3A, %dot_general3A {dimension_numbers = #tpu.dot_dimension_numbers<[1], [1], [0], [0], [0, 0, 1, 0], [], []>, transpose_lhs_hint = false} : vector<512x1024xbf16>, vector<1024x1024xbf16>, vector<512x1024xf32> -> vector<512x1024xf32>
    %get3A_20 = arith.constant 0 : index
    %get3A_21 = arith.constant 0 : index
    %get3A_22 = vector.load %arg2[%get3A_20, %get3A_21] : memref<512x128xf32, #tpu.memory_space<vmem>>, vector<512x128xf32>
    %convert_element_type3A_23 = arith.truncf %get3A_22 : vector<512x128xf32> to vector<512x128xbf16>
    %convert_element_type3A_24 = arith.truncf %add3A_14 : vector<1024x128xf32> to vector<1024x128xbf16>
    %dot_general3A_25 = arith.constant dense<0.000000e+00> : vector<512x1024xf32>
    %dot_general3A_26 = tpu.matmul %convert_element_type3A_23, %convert_element_type3A_24, %dot_general3A_25 {dimension_numbers = #tpu.dot_dimension_numbers<[1], [1], [0], [0], [0, 0, 1, 0], [], []>, transpose_lhs_hint = false} : vector<512x128xbf16>, vector<1024x128xbf16>, vector<512x1024xf32> -> vector<512x1024xf32>
    %sub3A = arith.subf %dot_general3A_19, %dot_general3A_26 : vector<512x1024xf32>
    %get3A_27 = arith.constant 0 : index
    %get3A_28 = arith.constant 0 : index
    %get3A_29 = vector.load %arg4[%get3A_27, %get3A_28] : memref<1x1024xf32, #tpu.memory_space<vmem>>, vector<1x1024xf32>
    %add3A_30 = vector.broadcast %get3A_29 : vector<1x1024xf32> to vector<512x1024xf32>
    %add3A_31 = arith.addf %sub3A, %add3A_30 : vector<512x1024xf32>
    %slice3A_32 = vector.extract_strided_slice %add3A_31 {offsets = [0, 0], sizes = [512, 512], strides = [1, 1]} : vector<512x1024xf32> to vector<512x512xf32>
    %slice3A_33 = vector.extract_strided_slice %add3A_31 {offsets = [0, 512], sizes = [512, 512], strides = [1, 1]} : vector<512x1024xf32> to vector<512x512xf32>
    %logistic3A = arith.negf %slice3A_33 : vector<512x512xf32>
    %logistic3A_34 = math.exp %logistic3A : vector<512x512xf32>
    %logistic3A_35 = arith.constant 1.000000e+00 : f32
    %logistic3A_36 = vector.broadcast %logistic3A_35 : f32 to vector<512x512xf32>
    %logistic3A_37 = arith.addf %logistic3A_36, %logistic3A_34 : vector<512x512xf32>
    %logistic3A_38 = arith.divf %logistic3A_36, %logistic3A_37 : vector<512x512xf32>
    %mul3A = arith.mulf %slice3A_32, %logistic3A_38 : vector<512x512xf32>
    %swap3A = arith.constant 0 : index
    %swap3A_39 = arith.constant 0 : index
    %swap3A_40 = vector.load %arg5[%swap3A, %swap3A_39] : memref<512x512xf32, #tpu.memory_space<vmem>>, vector<512x512xf32>
    tpu.vector_store %arg5[%swap3A, %swap3A_39], %mul3A {strides = array<i32>} : memref<512x512xf32, #tpu.memory_space<vmem>>, vector<512x512xf32>,
    return
  }
  func.func @transform_0(%arg0: i32) -> (i32, i32) {
    %c0_i32 = arith.constant 0 : i32
    %c0_i32_0 = arith.constant 0 : i32
    return %arg0, %c0_i32 : i32, i32
  }
  func.func @transform_1(%arg0: i32) -> (i32, i32) {
    %c0_i32 = arith.constant 0 : i32
    %c0_i32_0 = arith.constant 0 : i32
    return %arg0, %c0_i32 : i32, i32
  }
  func.func @transform_2(%arg0: i32) -> (i32, i32) {
    %c0_i32 = arith.constant 0 : i32
    %c0_i32_0 = arith.constant 0 : i32
    %c0_i32_1 = arith.constant 0 : i32
    return %c0_i32, %c0_i32_0 : i32, i32
  }
  func.func @transform_3(%arg0: i32) -> (i32, i32) {
    %c0_i32 = arith.constant 0 : i32
    %c0_i32_0 = arith.constant 0 : i32
    %c0_i32_1 = arith.constant 0 : i32
    return %c0_i32, %c0_i32_0 : i32, i32
  }
  func.func @transform_4(%arg0: i32) -> (i32, i32) {
    %c0_i32 = arith.constant 0 : i32
    %c0_i32_0 = arith.constant 0 : i32
    return %arg0, %c0_i32 : i32, i32
  }
}

</mosaic_0001>

<sc_bundles>
// kernel: kernel.11.cloned.1.call-start
scs
__scs_entry_jumppad:
0x0: {  	(pc) =	sbr.rel $0x88, $3  }
0x1: {  	(tag) =	ssettag $0x0;
	lr =	simm.s32 $0x1  }
0x2: {  	[smem:$0x3F9D] =	sst lr;
	_ =	strace $0xD0000000  }
0x3: {  	_ = 	snop  }
0x4: {  	_ = 	snop  }
0x5: {  	_ = 	snop  }
0x6: {  	_ = 	snop  }
0x7: {  	_ = 	snop  }
__scs_overlays_trampoline_lowered:
0x8: {  	[smem:$0x3FAC] =	sst s0  }
0x9: {  	[smem:$0x3FAD] =	sst s1  }
0xa: {  	[smem:$0x3FAE] =	sst s2  }
0xb: {  	[smem:$0x3FAF] =	sst s3  }
0xc: {  	[smem:$0x3FB0] =	sst s4  }
0xd: {  	[smem:$0x3FB1] =	sst s5  }
0xe: {  	[smem:$0x3FB2] =	sst s6  }
0xf: {  	[smem:$0x3FB3] =	sst s7  }
0x10: {  	[smem:$0x3FB4] =	sst s8  }
0x11: {  	[smem:$0x3FB5] =	sst s9;
	s0 =	simm.s32 @!p0 $0x0  }
0x12: {  	s1 =	sld [smem:$0x3F9B];
	s0 =	simm.s32 @p0 $0x1  }
0x13: {  	[smem:$0x3FB6] =	sst s0;
	s0 =	simm.s32 @!p1 $0x0  }
0x14: {  	s2 =	sld [smem:$0x3F9A];
	s0 =	simm.s32 @p1 $0x1  }
0x15: {  	[smem:$0x3FB7] =	sst s0;
	s0 =	simm.s32 @!p2 $0x0  }
0x16: {  	s3 =	sld [smem:$0x3FDB];
	s0 =	simm.s32 @p2 $0x1  }
0x17: {  	s4 =	simm.s32 $0x1BF5;
	[smem:$0x3FB9] =	sst s0  }
0x18: {  	s0 =	sld [smem:$0x3F9C];
	_ =	swait.ge [sflag:s4], $0x0  }
0x19: {  	s7 =	sld [smem:$0x3F9D]  }
0x1a: {  	s8 =	sadd.s32 $0xFFFFE003, lr  }
0x1b: {  	s9 =	sadd.s32 $0xFFFFFEF7, lr;
	s5 =	simm.s32 $0xFFFFFFFF;
	p2 =	slt.u32 s8, $0xFFFFF086  }
0x1c: {  	p1 =	slt.u32 s9, $0xF7A;
	s5 =	simm.s32 @!p2 $0x0  }
0x1d: {  	s5 =	simm.s32 @p1 $0x1;
	p0 =	seq.s32 s7, s2  }
0x1e: {  	s7 =	smul.u32 @!p0 $0xF7A, s2;
	p2 =	seq.s32 @!p0 s5, $0x0  }
0x1f: {  	s9 =	smul.u32 $0xF7A, s1;
	s8 =	simm.s32 @!p0 $0x1BF5;
	p2 =	por !p2, p0  }
0x20: {  	[sflag:s8] =	ssyncset.s32 @!p0 $0xFFFFF086;
	s6 =	sadd.s32 @!p0 s3, s7;
	s7 =	simm.s32 @!p0 $0x108  }
0x21: {  	s3 =	sadd.s32 s3, s9;
	s6 =	sadd.s32 @!p0 $0x88, s6;
	s7 =	simm.s32 @p2 $0x1082  }
0x22: {  	[simem:s7], [sflag:s8] =	dma.local @!p0 [hbm:s6], $0xF7A  }
0x23: {  	s9 =	sor.u32 $0xD0000000, s2;
	s6 =	simm.s32 $0x108;
	_ =	swait.ge @!p0 [sflag:s8], $0x0  }
0x24: {  	s3 =	sadd.s32 $0x88, s3;
	s6 =	simm.s32 @!p1 $0x1082;
	[sflag:s4] =	ssyncset.s32 $0xFFFFF086  }
0x25: {  	[simem:s6], [sflag:s4] =	dma.local [hbm:s3], $0xF7A  }
0x26: {  	[smem:$0x3F9D] =	sst s1;
	(tag) =	ssettag s2;
	_ =	strace s9  }
0x27: {  	s1 =	sld [smem:$0x3FAD]  }
0x28: {  	s2 =	sld [smem:$0x3FAE]  }
0x29: {  	s4 =	sld [smem:$0x3FB0]  }
0x2a: {  	p0 =	seq.s32 s5, $0x0;
	s5 =	sld [smem:$0x3FB1]  }
0x2b: {  	s6 =	sld [smem:$0x3FB2]  }
0x2c: {  	s7 =	sld [smem:$0x3FB3]  }
0x2d: {  	s3 =	simm.s32 $0x108;
	s8 =	sld [smem:$0x3FB4]  }
0x2e: {  	s3 =	simm.s32 @!p0 $0x1082;
	s9 =	sld [smem:$0x3FB5]  }
0x2f: {  	lr =	sadd.s32 s0, s3;
	s0 =	sld [smem:$0x3FAC]  }
0x30: {  	s3 =	sld [smem:$0x3FAF]  }
0x31: {  	[smem:$0x3FB8] =	sst s10  }
0x32: {  	s10 =	sld [smem:$0x3FB6];
	_ =	sdelay $0x3  }
0x33: {  	p0 =	seq.s32 s10, $0x1;
	s10 =	sld [smem:$0x3FB8];
	_ =	sdelay $0x3  }
0x34: {  	[smem:$0x3FB8] =	sst s10  }
0x35: {  	s10 =	sld [smem:$0x3FB7];
	_ =	sdelay $0x3  }
0x36: {  	p1 =	seq.s32 s10, $0x1;
	s10 =	sld [smem:$0x3FB8];
	_ =	sdelay $0x3  }
0x37: {  	[smem:$0x3FB8] =	sst s10  }
0x38: {  	s10 =	sld [smem:$0x3FB9]  }
0x39: {  	_ = 	snop;
	(pc) =	sbr.ind lr, $3  }
0x3a: {  	_ = 	snop  }
0x3b: {  	_ = 	snop  }
0x3c: {  	p2 =	seq.s32 s10, $0x1;
	s10 =	sld [smem:$0x3FB8]  }
0x3d: {  	_ =	shalt  }
0x3e: {  	_ =	shalt  }
0x3f: {  	_ =	shalt  }
0x40: {  	_ =	shalt  }
0x41: {  	_ =	shalt  }
0x42: {  	_ =	shalt  }
0x43: {  	_ =	shalt  }
0x44: {  	_ =	shalt  }
0x45: {  	_ =	shalt  }
0x46: {  	_ =	shalt  }
0x47: {  	_ =	shalt  }
0x48: {  	_ =	shalt  }
0x49: {  	_ =	shalt  }
0x4a: {  	_ =	shalt  }
0x4b: {  	_ =	shalt  }
0x4c: {  	_ =	shalt  }
0x4d: {  	_ =	shalt  }
0x4e: {  	_ =	shalt  }
0x4f: {  	_ =	shalt  }
0x50: {  	_ =	shalt  }
0x51: {  	_ =	shalt  }
0x52: {  	_ =	shalt  }
0x53: {  	_ =	shalt  }
0x54: {  	_ =	shalt  }
0x55: {  	_ =	shalt  }
0x56: {  	_ =	shalt  }
0x57: {  	_ =	shalt  }
0x58: {  	_ =	shalt  }
0x59: {  	_ =	shalt  }
0x5a: {  	_ =	shalt  }
0x5b: {  	_ =	shalt  }
0x5c: {  	_ =	shalt  }
0x5d: {  	_ =	shalt  }
0x5e: {  	_ =	shalt  }
0x5f: {  	_ =	shalt  }
0x60: {  	_ =	shalt  }
0x61: {  	_ =	shalt  }
0x62: {  	_ =	shalt  }
0x63: {  	_ =	shalt  }
0x64: {  	_ =	shalt  }
0x65: {  	_ =	shalt  }
0x66: {  	_ =	shalt  }
0x67: {  	_ =	shalt  }
0x68: {  	_ =	shalt  }
0x69: {  	_ =	shalt  }
0x6a: {  	_ =	shalt  }
0x6b: {  	_ =	shalt  }
0x6c: {  	_ =	shalt  }
0x6d: {  	_ =	shalt  }
0x6e: {  	_ =	shalt  }
0x6f: {  	_ =	shalt  }
0x70: {  	_ =	shalt  }
0x71: {  	_ =	shalt  }
0x72: {  	_ =	shalt  }
0x73: {  	_ =	shalt  }
0x74: {  	_ =	shalt  }
0x75: {  	_ =	shalt  }
0x76: {  	_ =	shalt  }
0x77: {  	_ =	shalt  }
0x78: {  	_ =	shalt  }
0x79: {  	_ =	shalt  }
0x7a: {  	_ =	shalt  }
0x7b: {  	_ =	shalt  }
0x7c: {  	_ =	shalt  }
0x7d: {  	_ =	shalt  }
0x7e: {  	_ =	shalt  }
0x7f: {  	_ =	shalt  }
0x80: {  	_ =	shalt  }
0x81: {  	_ =	shalt  }
0x82: {  	_ =	shalt  }
0x83: {  	_ =	shalt  }
0x84: {  	_ =	shalt  }
0x85: {  	_ =	shalt  }
0x86: {  	_ =	shalt  }
0x87: {  	_ =	shalt  }
.Lfunc_end0:
.L_simem_size_0:
called_computation.1_lowered:
.L_overlay_start_0:
0x88: {  	s2 =	sld [smem:$0x3FD9]  }
0x89: {  	s3 =	sld [smem:$0x3FFE];
	_ =	sdelay $0x1  }
0x8a: {  	s1 =	srdreg.scid  }
0x8b: {  	s0 =	sand.u32 $0x1, s1  }
0x8c: {  	s17 =	sshll.u32 s0, $0xA;
	s2 =	sadd.s32 s3, s2  }
0x8d: {  	s2 =	sadd.s32 s2, s17  }
0x8e: {  	[smem:$0x3FC4] =	sst s2  }
0x8f: {  	_ = 	snop  }
0x90: {  	s2 =	sld [smem:$0x3FD0];
	(tm) =	ssettm $0x1  }
0x91: {  	s18 =	sld [smem:$0x3FFB];
	_ =	sdelay $0x3  }
0x92: {  	_ =	strace s18  }
0x93: {  	s3 =	sld [smem:$0x3FFC];
	_ =	sdelay $0x3  }
0x94: {  	_ =	strace s3  }
0x95: {  	s3 =	sld [smem:$0x3FFD];
	_ =	sdelay $0x3  }
0x96: {  	_ =	strace s3  }
0x97: {  	_ =	strace $0x8FFFFFFF  }
0x98: {  	s19 =	sld [smem:$0x3FDB];
	_ =	sdelay $0x1  }
0x99: {  	s4 =	simm.s32 $_scs_section_size  }
0x9a: {  	s5 =	simm.s32 $_size__tile_overlayer_lowered;
	s6 =	simm.s32 $_tile_overlayer_lowered  }
0x9b: {  	s22 =	simm.s32 $0x1BFF;
	s21 =	sshll.u32 s6, $0x1;
	s3 =	sadd.s32 s4, s19  }
0x9c: {  	s7 =	simm.s32 $0x0;
	s20 =	sshll.u32 s5, $0x1;
	s5 =	sadd.s32 s21, s3  }
0x9d: {  	[timem:s7], [sflag:s22] =	dma.local [hbm:s5], s20  }
0x9e: {  	_ =	swait.ge [sflag:s22], s20  }
0x9f: {  	s4 =	ssub.s32 $0x0, s20;
	[sflag:s22] =	ssyncset.done $0x0  }
0xa0: {  	[sflag:s22] =	ssyncadd.s32 s4;
	_ =	sdelay $0x1  }
0xa1: {  	s23 =	simm.s32 $0x1B8B  }
0xa2: {  	_ =	swait.ge [sflag:s23], $0x1  }
0xa3: {  	[sflag:s23] =	ssyncset.done $0x0  }
0xa4: {  	s25 =	simm.s32 $0x1B8E;
	s24 =	sld [smem:$0x3FFE];
	[sflag:s23] =	ssyncadd.s32 $0xFFFFFFFF  }
0xa5: {  	s26 =	simm.s32 $execute0_lowered;
	[smem:$0x3FD2] =	sst s25  }
0xa6: {  	s5 =	sshll.u32 s26, $0x1;
	_ =	strace $0x80000046;
	[dreg:$0x1] =	wrdreg $0xFFFFFFFF  }
0xa7: {  	s28 =	simm.s32 $_size_execute0_lowered;
	s3 =	sadd.s32 s3, s5;
	[dreg:$0x0] =	wrdreg $0x0  }
0xa8: {  	s5 =	sshll.u32 s28, $0x1;
	[dreg:$0x2] =	wrdreg s3  }
0xa9: {  	[dreg:$0x3] =	wrdreg s5  }
0xaa: {  	[dreg:$0x4] =	wrdreg $0xC0  }
0xab: {  	_ =	task [dreg:s7], $0x5FFFF  }
0xac: {  	[dreg:$0x1] =	wrdreg $0xFFFFFFFF  }
0xad: {  	[dreg:$0x0] =	wrdreg $0x60  }
0xae: {  	[dreg:$0x2] =	wrdreg s24  }
0xaf: {  	[dreg:$0x3] =	wrdreg s2  }
0xb0: {  	[dreg:$0x4] =	wrdreg $0xA  }
0xb1: {  	_ =	task.clear_ibuf [dreg:s7], $0x5FFFF;
	_ =	strace $0x90000046  }
0xb2: {  	s29 =	simm.s32 $0xA;
	_ =	strace $0x80000048  }
0xb3: {  	_ =	swait.ge [sflag:s29], $0x1  }
0xb4: {  	[sflag:s29] =	ssyncadd.s32 $0xFFFFFFFF  }
0xb5: {  	_ =	strace $0x90000048  }
0xb6: {  	_ =	sfence  }
0xb7: {  	s30 =	sld [smem:$0x0];
	_ =	sdelay $0x2  }
0xb8: {  	s31 =	sshll.u32 s1, $0xD;
	s1 =	sshrl.u32 s1, $0x2  }
0xb9: {  	s3 =	sand.u32 $0x4000, s31;
	s1 =	sadd.s32 s1, s30  }
0xba: {  	s0 =	sor.u32 s3, s0;
	s1 =	sshll.u32 s1, $0x11  }
0xbb: {  	s0 =	sor.u32 s1, s0  }
0xbc: {  	s0 =	sadd.s32 $0x8F2B, s0  }
0xbd: {  	[sflag:s0] =	ssyncadd.remote.s32 $0x1  }
0xbe: {  	_ =	sfence.sel $0xFFFF  }
0xbf: {  	[dreg:$0x0] =	wrdreg $0xFFFFFFFF;
	(pc) =	sbr.abs _section_cstart, $3  }
0xc0: {  	[dreg:$0x1] =	wrdreg $0xFFFFFFFF  }
0xc1: {  	_ =	task.clear_ibuf [dreg:s7], $0x2FFFF;
	_ =	strace $0x9FFFFFFF  }
0xc2: {  	(tm) =	ssettm $0x7FFFFFFF  }
0xc3: {  	_ =	shalt  }
tec
execute0_lowered:
.L_overlay_start_1:
0x0: {  	(tag) =	ssettag $0x1  }
0x1: {  	s0 =	srdreg.scid  }
0x2: {  	s1 =	rddreg [dreg:$0x0];
	s2 =	stileid.u32  }
0x3: {  	s3 =	rddreg [dreg:$0x1];
	s30 =	simm.s32 $0x9;
	s0 =	sand.u32 $0x1, s0  }
0x4: {  	s4 =	sshll.u32 s2, $0xC;
	s2 =	simm.s32 $0x0;
	s5 =	sshll.u32 s0, $0xB  }
0x5: {  	s26 =	simm.s32 $0x100;
	[smem:$0x7FF] =	sst s2;
	s4 =	sor.u32 s5, s4  }
0x6: {  	_ =	strace $0x80000047;
	s5 =	sshll.u32 s4, $0x4;
	s4 =	sshrl.u32 s4, $0x3  }
0x7: {  	[dreg:$0x14] =	wrdreg s26;
	s5 =	sadd.s32 s5, s1;
	s3 =	sadd.s32 s3, s4  }
0x8: {  	s8 =	simm.s32 $0x8800;
	[dreg:$0x3] =	wrdreg s3;
	s9 =	sadd.s32 $0x22C00, s5  }
0x9: {  	s31 =	simm.s32 $0x180;
	s10 =	sadd.s32 $0x23400, s5;
	[dreg:$0x4] =	wrdreg s9  }
0xa: {  	s7 =	simm.s32 $0xC800;
	s11 =	sadd.s32 $0x23C00, s5;
	[dreg:$0x5] =	wrdreg s10  }
0xb: {  	s29 =	simm.s32 $0x200;
	s12 =	sadd.s32 $0x24400, s5;
	[dreg:$0x6] =	wrdreg s11  }
0xc: {  	s28 =	simm.s32 $0x280;
	s13 =	sadd.s32 $0x24C00, s5;
	[dreg:$0x7] =	wrdreg s12  }
0xd: {  	s6 =	simm.s32 $0x8;
	s14 =	sadd.s32 $0x25400, s5;
	[dreg:$0x8] =	wrdreg s13  }
0xe: {  	p0 =	por $0x0, $0x0;
	s15 =	sadd.s32 $0x25C00, s5;
	[dreg:$0x9] =	wrdreg s14  }
0xf: {  	s0 =	ssub.s32 $0x2, s0;
	s16 =	sadd.s32 $0x26400, s5;
	[dreg:$0xa] =	wrdreg s15  }
0x10: {  	s23 =	sshrl.u32 s0, $0x1;
	s17 =	sadd.s32 $0x26C00, s5;
	[dreg:$0xb] =	wrdreg s16  }
0x11: {  	s26 =	simm.s32 $0x300;
	s18 =	sadd.s32 $0x27400, s5;
	[dreg:$0xc] =	wrdreg s17  }
0x12: {  	s0 =	ssub.s32 s0, s23;
	s19 =	sadd.s32 $0x27C00, s5;
	[dreg:$0xd] =	wrdreg s18  }
0x13: {  	s23 =	simm.s32 $0x480;
	s20 =	sadd.s32 $0x28400, s5;
	[dreg:$0xe] =	wrdreg s19  }
0x14: {  	s0 =	smax.u32 s0, $0x1;
	s21 =	sadd.s32 $0x28C00, s5;
	[dreg:$0xf] =	wrdreg s20  }
0x15: {  	s4 =	simm.s32 $0x6;
	s22 =	sadd.s32 $0x29400, s5;
	[dreg:$0x10] =	wrdreg s21  }
0x16: {  	s24 =	sadd.s32 $0x29C00, s5;
	s25 =	sadd.s32 $0x2A400, s5;
	[dreg:$0x11] =	wrdreg s22  }
0x17: {  	s3 =	simm.s32 $0x5;
	s5 =	simm.s32 $0x7;
	[dreg:$0x12] =	wrdreg s24  }
0x18: {  	p1 =	sne.s32 s0, $0x1;
	s10 =	sadd.s32 $0x2C00, s1;
	[dreg:$0x13] =	wrdreg s25  }
0x19: {  	s13 =	simm.s32 $0x80;
	s11 =	simm.s32 $0x800;
	s9 =	simm.s32 $0x4800  }
.Ltmp0:
0x1a: {  	s16 =	simm.s32 $0x1;
	s15 =	simm.s32 $0x2;
	(pc) =	sbr.rel @!p1 .LBB2_3-.Ltmp0, $4  }
0x1b: {  	s14 =	simm.s32 $0x3;
	s12 =	simm.s32 $0x4;
	s25 =	simm.s32 $0x380  }
0x1c: {  	s24 =	simm.s32 $0x400;
	s1 =	sadd.s32 $0xFFFFFFFF, s0;
	s22 =	simm.s32 $0x500  }
0x1d: {  	s21 =	simm.s32 $0x580;
	s20 =	simm.s32 $0x600;
	s19 =	simm.s32 $0x680  }
0x1e: {  	s18 =	simm.s32 $0x700;
	s17 =	simm.s32 $0x780;
	s0 =	rddreg [dreg:$0x3]  }
0x1f: {  	[tilespmem:s2], [sflag:$0x9] =	stream.linear.gather [hbm4b:s0+s2], $0x800, $0x38;
	[tilespmem:$0x10800] =	vst v63  }
0x20: {  	_ =	swait.ge [sflag:s30], $0x800  }
0x21: {  	[sflag:s30] =	ssyncset.done $0x0  }
0x22: {  	[sflag:s30] =	ssyncadd.s32 $0xFFFFF800  }
0x23: {  	[tilespmem:s11], [sflag:$0x1] =	stream.indirect.gather [hbm4b:s10+s13], $0x80, s2, s13, $0xb8;
	[tilespmem:$0x10800] =	vst v63  }
0x24: {  	_ = 	snop  }
0x25: {  	[tilespmem:s9], [sflag:$0x2] =	stream.indirect.gather [hbm4b:s10+s13], $0x80, s13, s13, $0xb8;
	[tilespmem:$0x10800] =	vst v63  }
0x26: {  	s0 =	rddreg [dreg:$0x14]  }
0x27: {  	[tilespmem:s8], [sflag:$0x3] =	stream.indirect.gather [hbm4b:s10+s13], $0x80, s0, s13, $0xb8;
	[tilespmem:$0x10800] =	vst v63  }
0x28: {  	_ = 	snop  }
0x29: {  	[tilespmem:s7], [sflag:$0x4] =	stream.indirect.gather [hbm4b:s10+s13], $0x80, s31, s13, $0xb8;
	[tilespmem:$0x10800] =	vst v63  }
0x2a: {  	_ =	swait.ge [sflag:s16], $0x4000  }
0x2b: {  	[sflag:s16] =	ssyncset.done $0x0  }
0x2c: {  	s0 =	rddreg [dreg:$0x4];
	[sflag:s16] =	ssyncadd.s32 $0xFFFFC000  }
0x2d: {  	[hbm4b:s0+s2] =	stream.linear.scatter [tilespmem:s11], [sflag:$0x5], $0x4000, $0x38;
	[tilespmem:$0x10800] =	vst v63  }
0x2e: {  	_ =	swait.ge [sflag:s3], $0x4000  }
0x2f: {  	[sflag:s3] =	ssyncset.done $0x0  }
0x30: {  	[sflag:s3] =	ssyncadd.s32 $0xFFFFC000  }
0x31: {  	[tilespmem:s11], [sflag:$0x1] =	stream.indirect.gather [hbm4b:s10+s13], $0x80, s29, s13, $0xb8;
	[tilespmem:$0x10800] =	vst v63  }
0x32: {  	_ =	swait.ge [sflag:s15], $0x4000  }
0x33: {  	[sflag:s15] =	ssyncset.done $0x0  }
0x34: {  	s0 =	rddreg [dreg:$0x5];
	[sflag:s15] =	ssyncadd.s32 $0xFFFFC000  }
0x35: {  	[hbm4b:s0+s2] =	stream.linear.scatter [tilespmem:s9], [sflag:$0x6], $0x4000, $0x38;
	[tilespmem:$0x10800] =	vst v63  }
0x36: {  	_ =	swait.ge [sflag:s4], $0x4000  }
0x37: {  	[sflag:s4] =	ssyncset.done $0x0  }
0x38: {  	[sflag:s4] =	ssyncadd.s32 $0xFFFFC000  }
0x39: {  	[tilespmem:s9], [sflag:$0x2] =	stream.indirect.gather [hbm4b:s10+s13], $0x80, s28, s13, $0xb8;
	[tilespmem:$0x10800] =	vst v63  }
0x3a: {  	_ =	swait.ge [sflag:s14], $0x4000  }
0x3b: {  	[sflag:s14] =	ssyncset.done $0x0  }
0x3c: {  	s0 =	rddreg [dreg:$0x6];
	[sflag:s14] =	ssyncadd.s32 $0xFFFFC000  }
0x3d: {  	[hbm4b:s0+s2] =	stream.linear.scatter [tilespmem:s8], [sflag:$0x7], $0x4000, $0x38;
	[tilespmem:$0x10800] =	vst v63  }
0x3e: {  	_ =	swait.ge [sflag:s5], $0x4000  }
0x3f: {  	[sflag:s5] =	ssyncset.done $0x0  }
0x40: {  	[sflag:s5] =	ssyncadd.s32 $0xFFFFC000  }
0x41: {  	[tilespmem:s8], [sflag:$0x3] =	stream.indirect.gather [hbm4b:s10+s13], $0x80, s26, s13, $0xb8;
	[tilespmem:$0x10800] =	vst v63  }
0x42: {  	_ =	swait.ge [sflag:s12], $0x4000  }
0x43: {  	[sflag:s12] =	ssyncset.done $0x0  }
0x44: {  	s0 =	rddreg [dreg:$0x7];
	[sflag:s12] =	ssyncadd.s32 $0xFFFFC000  }
0x45: {  	[hbm4b:s0+s2] =	stream.linear.scatter [tilespmem:s7], [sflag:$0x8], $0x4000, $0x38;
	[tilespmem:$0x10800] =	vst v63  }
0x46: {  	_ =	swait.ge [sflag:s6], $0x4000  }
0x47: {  	[sflag:s6] =	ssyncset.done $0x0  }
0x48: {  	[sflag:s6] =	ssyncadd.s32 $0xFFFFC000  }
0x49: {  	[tilespmem:s7], [sflag:$0x4] =	stream.indirect.gather [hbm4b:s10+s13], $0x80, s25, s13, $0xb8;
	[tilespmem:$0x10800] =	vst v63  }
0x4a: {  	_ =	swait.ge [sflag:s16], $0x4000  }
0x4b: {  	[sflag:s16] =	ssyncset.done $0x0  }
0x4c: {  	s0 =	rddreg [dreg:$0x8];
	[sflag:s16] =	ssyncadd.s32 $0xFFFFC000  }
0x4d: {  	[hbm4b:s0+s2] =	stream.linear.scatter [tilespmem:s11], [sflag:$0x5], $0x4000, $0x38;
	[tilespmem:$0x10800] =	vst v63  }
0x4e: {  	_ =	swait.ge [sflag:s3], $0x4000  }
0x4f: {  	[sflag:s3] =	ssyncset.done $0x0  }
0x50: {  	[sflag:s3] =	ssyncadd.s32 $0xFFFFC000  }
0x51: {  	[tilespmem:s11], [sflag:$0x1] =	stream.indirect.gather [hbm4b:s10+s13], $0x80, s24, s13, $0xb8;
	[tilespmem:$0x10800] =	vst v63  }
0x52: {  	_ =	swait.ge [sflag:s15], $0x4000  }
0x53: {  	[sflag:s15] =	ssyncset.done $0x0  }
0x54: {  	s0 =	rddreg [dreg:$0x9];
	[sflag:s15] =	ssyncadd.s32 $0xFFFFC000  }
0x55: {  	[hbm4b:s0+s2] =	stream.linear.scatter [tilespmem:s9], [sflag:$0x6], $0x4000, $0x38;
	[tilespmem:$0x10800] =	vst v63  }
0x56: {  	_ =	swait.ge [sflag:s4], $0x4000  }
0x57: {  	[sflag:s4] =	ssyncset.done $0x0  }
0x58: {  	[sflag:s4] =	ssyncadd.s32 $0xFFFFC000  }
0x59: {  	[tilespmem:s9], [sflag:$0x2] =	stream.indirect.gather [hbm4b:s10+s13], $0x80, s23, s13, $0xb8;
	[tilespmem:$0x10800] =	vst v63  }
0x5a: {  	_ =	swait.ge [sflag:s14], $0x4000  }
0x5b: {  	[sflag:s14] =	ssyncset.done $0x0  }
0x5c: {  	s0 =	rddreg [dreg:$0xa];
	[sflag:s14] =	ssyncadd.s32 $0xFFFFC000  }
0x5d: {  	[hbm4b:s0+s2] =	stream.linear.scatter [tilespmem:s8], [sflag:$0x7], $0x4000, $0x38;
	[tilespmem:$0x10800] =	vst v63  }
0x5e: {  	_ =	swait.ge [sflag:s5], $0x4000  }
0x5f: {  	[sflag:s5] =	ssyncset.done $0x0  }
0x60: {  	[sflag:s5] =	ssyncadd.s32 $0xFFFFC000  }
0x61: {  	[tilespmem:s8], [sflag:$0x3] =	stream.indirect.gather [hbm4b:s10+s13], $0x80, s22, s13, $0xb8;
	[tilespmem:$0x10800] =	vst v63  }
0x62: {  	_ =	swait.ge [sflag:s12], $0x4000  }
0x63: {  	[sflag:s12] =	ssyncset.done $0x0  }
0x64: {  	s0 =	rddreg [dreg:$0xb];
	[sflag:s12] =	ssyncadd.s32 $0xFFFFC000  }
0x65: {  	[hbm4b:s0+s2] =	stream.linear.scatter [tilespmem:s7], [sflag:$0x8], $0x4000, $0x38;
	[tilespmem:$0x10800] =	vst v63  }
0x66: {  	_ =	swait.ge [sflag:s6], $0x4000  }
0x67: {  	[sflag:s6] =	ssyncset.done $0x0  }
0x68: {  	[sflag:s6] =	ssyncadd.s32 $0xFFFFC000  }
0x69: {  	[tilespmem:s7], [sflag:$0x4] =	stream.indirect.gather [hbm4b:s10+s13], $0x80, s21, s13, $0xb8;
	[tilespmem:$0x10800] =	vst v63  }
0x6a: {  	_ =	swait.ge [sflag:s16], $0x4000  }
0x6b: {  	[sflag:s16] =	ssyncset.done $0x0  }
0x6c: {  	s0 =	rddreg [dreg:$0xc];
	[sflag:s16] =	ssyncadd.s32 $0xFFFFC000  }
0x6d: {  	[hbm4b:s0+s2] =	stream.linear.scatter [tilespmem:s11], [sflag:$0x5], $0x4000, $0x38;
	[tilespmem:$0x10800] =	vst v63  }
0x6e: {  	_ =	swait.ge [sflag:s3], $0x4000  }
0x6f: {  	[sflag:s3] =	ssyncset.done $0x0  }
0x70: {  	[sflag:s3] =	ssyncadd.s32 $0xFFFFC000  }
0x71: {  	[tilespmem:s11], [sflag:$0x1] =	stream.indirect.gather [hbm4b:s10+s13], $0x80, s20, s13, $0xb8;
	[tilespmem:$0x10800] =	vst v63  }
0x72: {  	_ =	swait.ge [sflag:s15], $0x4000  }
0x73: {  	[sflag:s15] =	ssyncset.done $0x0  }
0x74: {  	s0 =	rddreg [dreg:$0xd];
	[sflag:s15] =	ssyncadd.s32 $0xFFFFC000  }
0x75: {  	[hbm4b:s0+s2] =	stream.linear.scatter [tilespmem:s9], [sflag:$0x6], $0x4000, $0x38;
	[tilespmem:$0x10800] =	vst v63  }
0x76: {  	_ =	swait.ge [sflag:s4], $0x4000  }
0x77: {  	[sflag:s4] =	ssyncset.done $0x0  }
0x78: {  	[sflag:s4] =	ssyncadd.s32 $0xFFFFC000  }
0x79: {  	[tilespmem:s9], [sflag:$0x2] =	stream.indirect.gather [hbm4b:s10+s13], $0x80, s19, s13, $0xb8;
	[tilespmem:$0x10800] =	vst v63  }
0x7a: {  	_ =	swait.ge [sflag:s14], $0x4000  }
0x7b: {  	[sflag:s14] =	ssyncset.done $0x0  }
0x7c: {  	s0 =	rddreg [dreg:$0xe];
	[sflag:s14] =	ssyncadd.s32 $0xFFFFC000  }
0x7d: {  	[hbm4b:s0+s2] =	stream.linear.scatter [tilespmem:s8], [sflag:$0x7], $0x4000, $0x38;
	[tilespmem:$0x10800] =	vst v63  }
0x7e: {  	_ =	swait.ge [sflag:s5], $0x4000  }
0x7f: {  	[sflag:s5] =	ssyncset.done $0x0  }
0x80: {  	[sflag:s5] =	ssyncadd.s32 $0xFFFFC000  }
0x81: {  	[tilespmem:s8], [sflag:$0x3] =	stream.indirect.gather [hbm4b:s10+s13], $0x80, s18, s13, $0xb8;
	[tilespmem:$0x10800] =	vst v63  }
0x82: {  	_ =	swait.ge [sflag:s12], $0x4000  }
0x83: {  	[sflag:s12] =	ssyncset.done $0x0  }
0x84: {  	s0 =	rddreg [dreg:$0xf];
	[sflag:s12] =	ssyncadd.s32 $0xFFFFC000  }
0x85: {  	[hbm4b:s0+s2] =	stream.linear.scatter [tilespmem:s7], [sflag:$0x8], $0x4000, $0x38;
	[tilespmem:$0x10800] =	vst v63  }
0x86: {  	_ =	swait.ge [sflag:s6], $0x4000  }
0x87: {  	[sflag:s6] =	ssyncset.done $0x0  }
0x88: {  	[sflag:s6] =	ssyncadd.s32 $0xFFFFC000  }
0x89: {  	[tilespmem:s7], [sflag:$0x4] =	stream.indirect.gather [hbm4b:s10+s13], $0x80, s17, s13, $0xb8;
	[tilespmem:$0x10800] =	vst v63  }
0x8a: {  	_ =	swait.ge [sflag:s16], $0x4000  }
0x8b: {  	[sflag:s16] =	ssyncset.done $0x0  }
0x8c: {  	s0 =	rddreg [dreg:$0x10];
	[sflag:s16] =	ssyncadd.s32 $0xFFFFC000  }
0x8d: {  	[hbm4b:s0+s2] =	stream.linear.scatter [tilespmem:s11], [sflag:$0x5], $0x4000, $0x38;
	[tilespmem:$0x10800] =	vst v63  }
0x8e: {  	_ =	swait.ge [sflag:s15], $0x4000  }
0x8f: {  	[sflag:s15] =	ssyncset.done $0x0  }
0x90: {  	s0 =	rddreg [dreg:$0x11];
	[sflag:s15] =	ssyncadd.s32 $0xFFFFC000  }
0x91: {  	[hbm4b:s0+s2] =	stream.linear.scatter [tilespmem:s9], [sflag:$0x6], $0x4000, $0x38;
	[tilespmem:$0x10800] =	vst v63  }
0x92: {  	_ =	swait.ge [sflag:s14], $0x4000  }
0x93: {  	[sflag:s14] =	ssyncset.done $0x0  }
0x94: {  	s0 =	rddreg [dreg:$0x12];
	[sflag:s14] =	ssyncadd.s32 $0xFFFFC000  }
0x95: {  	[hbm4b:s0+s2] =	stream.linear.scatter [tilespmem:s8], [sflag:$0x7], $0x4000, $0x38;
	[tilespmem:$0x10800] =	vst v63  }
0x96: {  	_ =	swait.ge [sflag:s12], $0x4000  }
0x97: {  	[sflag:s12] =	ssyncset.done $0x0  }
0x98: {  	s0 =	rddreg [dreg:$0x13];
	[sflag:s12] =	ssyncadd.s32 $0xFFFFC000  }
0x99: {  	[hbm4b:s0+s2] =	stream.linear.scatter [tilespmem:s7], [sflag:$0x8], $0x4000, $0x38;
	[tilespmem:$0x10800] =	vst v63  }
0x9a: {  	_ =	swait.ge [sflag:s3], $0x4000  }
0x9b: {  	[sflag:s3] =	ssyncset.done $0x0  }
0x9c: {  	[sflag:s3] =	ssyncadd.s32 $0xFFFFC000  }
0x9d: {  	_ =	swait.ge [sflag:s4], $0x4000  }
0x9e: {  	[sflag:s4] =	ssyncset.done $0x0  }
0x9f: {  	p1 =	sne.s32 s1, $0x1;
	[sflag:s4] =	ssyncadd.s32 $0xFFFFC000  }
.Ltmp1:
0xa0: {  	_ =	swait.ge [sflag:s5], $0x4000;
	(pc) =	sbr.rel @!p1 .LBB2_3-.Ltmp1, $4  }
0xa1: {  	[sflag:s5] =	ssyncset.done $0x0  }
0xa2: {  	[sflag:s5] =	ssyncadd.s32 $0xFFFFC000  }
0xa3: {  	s1 =	sadd.s32 $0xFFFFFFFF, s1;
	_ =	swait.ge [sflag:s6], $0x4000  }
0xa4: {  	p0 =	por $0x1, $0x1;
	s0 =	rddreg [dreg:$0x3];
	[sflag:s6] =	ssyncset.done $0x0  }
.LBB2_2:
0xa5: {  	[sflag:s6] =	ssyncadd.s32 $0xFFFFC000  }
0xa6: {  	[tilespmem:s2], [sflag:$0x9] =	stream.linear.gather [hbm4b:s0+s2], $0x800, $0x38;
	[tilespmem:$0x10800] =	vst v63  }
0xa7: {  	_ =	swait.ge [sflag:s30], $0x800  }
0xa8: {  	[sflag:s30] =	ssyncset.done $0x0  }
0xa9: {  	[sflag:s30] =	ssyncadd.s32 $0xFFFFF800  }
0xaa: {  	[tilespmem:s11], [sflag:$0x1] =	stream.indirect.gather [hbm4b:s10+s13], $0x80, s2, s13, $0xb8;
	[tilespmem:$0x10800] =	vst v63  }
0xab: {  	_ = 	snop  }
0xac: {  	[tilespmem:s9], [sflag:$0x2] =	stream.indirect.gather [hbm4b:s10+s13], $0x80, s13, s13, $0xb8;
	[tilespmem:$0x10800] =	vst v63  }
0xad: {  	s0 =	rddreg [dreg:$0x14]  }
0xae: {  	[tilespmem:s8], [sflag:$0x3] =	stream.indirect.gather [hbm4b:s10+s13], $0x80, s0, s13, $0xb8;
	[tilespmem:$0x10800] =	vst v63  }
0xaf: {  	_ = 	snop  }
0xb0: {  	[tilespmem:s7], [sflag:$0x4] =	stream.indirect.gather [hbm4b:s10+s13], $0x80, s31, s13, $0xb8;
	[tilespmem:$0x10800] =	vst v63  }
0xb1: {  	_ =	swait.ge [sflag:s16], $0x4000  }
0xb2: {  	[sflag:s16] =	ssyncset.done $0x0  }
0xb3: {  	s0 =	rddreg [dreg:$0x4];
	[sflag:s16] =	ssyncadd.s32 $0xFFFFC000  }
0xb4: {  	[hbm4b:s0+s2] =	stream.linear.scatter [tilespmem:s11], [sflag:$0x5], $0x4000, $0x38;
	[tilespmem:$0x10800] =	vst v63  }
0xb5: {  	_ =	swait.ge [sflag:s3], $0x4000  }
0xb6: {  	[sflag:s3] =	ssyncset.done $0x0  }
0xb7: {  	[sflag:s3] =	ssyncadd.s32 $0xFFFFC000  }
0xb8: {  	[tilespmem:s11], [sflag:$0x1] =	stream.indirect.gather [hbm4b:s10+s13], $0x80, s29, s13, $0xb8;
	[tilespmem:$0x10800] =	vst v63  }
0xb9: {  	_ =	swait.ge [sflag:s15], $0x4000  }
0xba: {  	[sflag:s15] =	ssyncset.done $0x0  }
0xbb: {  	s0 =	rddreg [dreg:$0x5];
	[sflag:s15] =	ssyncadd.s32 $0xFFFFC000  }
0xbc: {  	[hbm4b:s0+s2] =	stream.linear.scatter [tilespmem:s9], [sflag:$0x6], $0x4000, $0x38;
	[tilespmem:$0x10800] =	vst v63  }
0xbd: {  	_ =	swait.ge [sflag:s4], $0x4000  }
0xbe: {  	[sflag:s4] =	ssyncset.done $0x0  }
0xbf: {  	[sflag:s4] =	ssyncadd.s32 $0xFFFFC000  }
0xc0: {  	[tilespmem:s9], [sflag:$0x2] =	stream.indirect.gather [hbm4b:s10+s13], $0x80, s28, s13, $0xb8;
	[tilespmem:$0x10800] =	vst v63  }
0xc1: {  	_ =	swait.ge [sflag:s14], $0x4000  }
0xc2: {  	[sflag:s14] =	ssyncset.done $0x0  }
0xc3: {  	s0 =	rddreg [dreg:$0x6];
	[sflag:s14] =	ssyncadd.s32 $0xFFFFC000  }
0xc4: {  	[hbm4b:s0+s2] =	stream.linear.scatter [tilespmem:s8], [sflag:$0x7], $0x4000, $0x38;
	[tilespmem:$0x10800] =	vst v63  }
0xc5: {  	_ =	swait.ge [sflag:s5], $0x4000  }
0xc6: {  	[sflag:s5] =	ssyncset.done $0x0  }
0xc7: {  	[sflag:s5] =	ssyncadd.s32 $0xFFFFC000  }
0xc8: {  	[tilespmem:s8], [sflag:$0x3] =	stream.indirect.gather [hbm4b:s10+s13], $0x80, s26, s13, $0xb8;
	[tilespmem:$0x10800] =	vst v63  }
0xc9: {  	_ =	swait.ge [sflag:s12], $0x4000  }
0xca: {  	[sflag:s12] =	ssyncset.done $0x0  }
0xcb: {  	s0 =	rddreg [dreg:$0x7];
	[sflag:s12] =	ssyncadd.s32 $0xFFFFC000  }
0xcc: {  	[hbm4b:s0+s2] =	stream.linear.scatter [tilespmem:s7], [sflag:$0x8], $0x4000, $0x38;
	[tilespmem:$0x10800] =	vst v63  }
0xcd: {  	_ =	swait.ge [sflag:s6], $0x4000  }
0xce: {  	[sflag:s6] =	ssyncset.done $0x0  }
0xcf: {  	[sflag:s6] =	ssyncadd.s32 $0xFFFFC000  }
0xd0: {  	[tilespmem:s7], [sflag:$0x4] =	stream.indirect.gather [hbm4b:s10+s13], $0x80, s25, s13, $0xb8;
	[tilespmem:$0x10800] =	vst v63  }
0xd1: {  	_ =	swait.ge [sflag:s16], $0x4000  }
0xd2: {  	[sflag:s16] =	ssyncset.done $0x0  }
0xd3: {  	s0 =	rddreg [dreg:$0x8];
	[sflag:s16] =	ssyncadd.s32 $0xFFFFC000  }
0xd4: {  	[hbm4b:s0+s2] =	stream.linear.scatter [tilespmem:s11], [sflag:$0x5], $0x4000, $0x38;
	[tilespmem:$0x10800] =	vst v63  }
0xd5: {  	_ =	swait.ge [sflag:s3], $0x4000  }
0xd6: {  	[sflag:s3] =	ssyncset.done $0x0  }
0xd7: {  	[sflag:s3] =	ssyncadd.s32 $0xFFFFC000  }
0xd8: {  	[tilespmem:s11], [sflag:$0x1] =	stream.indirect.gather [hbm4b:s10+s13], $0x80, s24, s13, $0xb8;
	[tilespmem:$0x10800] =	vst v63  }
0xd9: {  	_ =	swait.ge [sflag:s15], $0x4000  }
0xda: {  	[sflag:s15] =	ssyncset.done $0x0  }
0xdb: {  	s0 =	rddreg [dreg:$0x9];
	[sflag:s15] =	ssyncadd.s32 $0xFFFFC000  }
0xdc: {  	[hbm4b:s0+s2] =	stream.linear.scatter [tilespmem:s9], [sflag:$0x6], $0x4000, $0x38;
	[tilespmem:$0x10800] =	vst v63  }
0xdd: {  	_ =	swait.ge [sflag:s4], $0x4000  }
0xde: {  	[sflag:s4] =	ssyncset.done $0x0  }
0xdf: {  	[sflag:s4] =	ssyncadd.s32 $0xFFFFC000  }
0xe0: {  	[tilespmem:s9], [sflag:$0x2] =	stream.indirect.gather [hbm4b:s10+s13], $0x80, s23, s13, $0xb8;
	[tilespmem:$0x10800] =	vst v63  }
0xe1: {  	_ =	swait.ge [sflag:s14], $0x4000  }
0xe2: {  	[sflag:s14] =	ssyncset.done $0x0  }
0xe3: {  	s0 =	rddreg [dreg:$0xa];
	[sflag:s14] =	ssyncadd.s32 $0xFFFFC000  }
0xe4: {  	[hbm4b:s0+s2] =	stream.linear.scatter [tilespmem:s8], [sflag:$0x7], $0x4000, $0x38;
	[tilespmem:$0x10800] =	vst v63  }
0xe5: {  	_ =	swait.ge [sflag:s5], $0x4000  }
0xe6: {  	[sflag:s5] =	ssyncset.done $0x0  }
0xe7: {  	[sflag:s5] =	ssyncadd.s32 $0xFFFFC000  }
0xe8: {  	[tilespmem:s8], [sflag:$0x3] =	stream.indirect.gather [hbm4b:s10+s13], $0x80, s22, s13, $0xb8;
	[tilespmem:$0x10800] =	vst v63  }
0xe9: {  	_ =	swait.ge [sflag:s12], $0x4000  }
0xea: {  	[sflag:s12] =	ssyncset.done $0x0  }
0xeb: {  	s0 =	rddreg [dreg:$0xb];
	[sflag:s12] =	ssyncadd.s32 $0xFFFFC000  }
0xec: {  	[hbm4b:s0+s2] =	stream.linear.scatter [tilespmem:s7], [sflag:$0x8], $0x4000, $0x38;
	[tilespmem:$0x10800] =	vst v63  }
0xed: {  	_ =	swait.ge [sflag:s6], $0x4000  }
0xee: {  	[sflag:s6] =	ssyncset.done $0x0  }
0xef: {  	[sflag:s6] =	ssyncadd.s32 $0xFFFFC000  }
0xf0: {  	[tilespmem:s7], [sflag:$0x4] =	stream.indirect.gather [hbm4b:s10+s13], $0x80, s21, s13, $0xb8;
	[tilespmem:$0x10800] =	vst v63  }
0xf1: {  	_ =	swait.ge [sflag:s16], $0x4000  }
0xf2: {  	[sflag:s16] =	ssyncset.done $0x0  }
0xf3: {  	s0 =	rddreg [dreg:$0xc];
	[sflag:s16] =	ssyncadd.s32 $0xFFFFC000  }
0xf4: {  	[hbm4b:s0+s2] =	stream.linear.scatter [tilespmem:s11], [sflag:$0x5], $0x4000, $0x38;
	[tilespmem:$0x10800] =	vst v63  }
0xf5: {  	_ =	swait.ge [sflag:s3], $0x4000  }
0xf6: {  	[sflag:s3] =	ssyncset.done $0x0  }
0xf7: {  	[sflag:s3] =	ssyncadd.s32 $0xFFFFC000  }
0xf8: {  	[tilespmem:s11], [sflag:$0x1] =	stream.indirect.gather [hbm4b:s10+s13], $0x80, s20, s13, $0xb8;
	[tilespmem:$0x10800] =	vst v63  }
0xf9: {  	_ =	swait.ge [sflag:s15], $0x4000  }
0xfa: {  	[sflag:s15] =	ssyncset.done $0x0  }
0xfb: {  	s0 =	rddreg [dreg:$0xd];
	[sflag:s15] =	ssyncadd.s32 $0xFFFFC000  }
0xfc: {  	[hbm4b:s0+s2] =	stream.linear.scatter [tilespmem:s9], [sflag:$0x6], $0x4000, $0x38;
	[tilespmem:$0x10800] =	vst v63  }
0xfd: {  	_ =	swait.ge [sflag:s4], $0x4000  }
0xfe: {  	[sflag:s4] =	ssyncset.done $0x0  }
0xff: {  	[sflag:s4] =	ssyncadd.s32 $0xFFFFC000  }
0x100: {  	[tilespmem:s9], [sflag:$0x2] =	stream.indirect.gather [hbm4b:s10+s13], $0x80, s19, s13, $0xb8;
	[tilespmem:$0x10800] =	vst v63  }
0x101: {  	_ =	swait.ge [sflag:s14], $0x4000  }
0x102: {  	[sflag:s14] =	ssyncset.done $0x0  }
0x103: {  	s0 =	rddreg [dreg:$0xe];
	[sflag:s14] =	ssyncadd.s32 $0xFFFFC000  }
0x104: {  	[hbm4b:s0+s2] =	stream.linear.scatter [tilespmem:s8], [sflag:$0x7], $0x4000, $0x38;
	[tilespmem:$0x10800] =	vst v63  }
0x105: {  	_ =	swait.ge [sflag:s5], $0x4000  }
0x106: {  	[sflag:s5] =	ssyncset.done $0x0  }
0x107: {  	[sflag:s5] =	ssyncadd.s32 $0xFFFFC000  }
0x108: {  	[tilespmem:s8], [sflag:$0x3] =	stream.indirect.gather [hbm4b:s10+s13], $0x80, s18, s13, $0xb8;
	[tilespmem:$0x10800] =	vst v63  }
0x109: {  	_ =	swait.ge [sflag:s12], $0x4000  }
0x10a: {  	[sflag:s12] =	ssyncset.done $0x0  }
0x10b: {  	s0 =	rddreg [dreg:$0xf];
	[sflag:s12] =	ssyncadd.s32 $0xFFFFC000  }
0x10c: {  	[hbm4b:s0+s2] =	stream.linear.scatter [tilespmem:s7], [sflag:$0x8], $0x4000, $0x38;
	[tilespmem:$0x10800] =	vst v63  }
0x10d: {  	_ =	swait.ge [sflag:s6], $0x4000  }
0x10e: {  	[sflag:s6] =	ssyncset.done $0x0  }
0x10f: {  	[sflag:s6] =	ssyncadd.s32 $0xFFFFC000  }
0x110: {  	[tilespmem:s7], [sflag:$0x4] =	stream.indirect.gather [hbm4b:s10+s13], $0x80, s17, s13, $0xb8;
	[tilespmem:$0x10800] =	vst v63  }
0x111: {  	_ =	swait.ge [sflag:s16], $0x4000  }
0x112: {  	[sflag:s16] =	ssyncset.done $0x0  }
0x113: {  	s0 =	rddreg [dreg:$0x10];
	[sflag:s16] =	ssyncadd.s32 $0xFFFFC000  }
0x114: {  	[hbm4b:s0+s2] =	stream.linear.scatter [tilespmem:s11], [sflag:$0x5], $0x4000, $0x38;
	[tilespmem:$0x10800] =	vst v63  }
0x115: {  	_ =	swait.ge [sflag:s15], $0x4000  }
0x116: {  	[sflag:s15] =	ssyncset.done $0x0  }
0x117: {  	s0 =	rddreg [dreg:$0x11];
	[sflag:s15] =	ssyncadd.s32 $0xFFFFC000  }
0x118: {  	[hbm4b:s0+s2] =	stream.linear.scatter [tilespmem:s9], [sflag:$0x6], $0x4000, $0x38;
	[tilespmem:$0x10800] =	vst v63  }
0x119: {  	_ =	swait.ge [sflag:s14], $0x4000  }
0x11a: {  	[sflag:s14] =	ssyncset.done $0x0  }
0x11b: {  	s0 =	rddreg [dreg:$0x12];
	[sflag:s14] =	ssyncadd.s32 $0xFFFFC000  }
0x11c: {  	[hbm4b:s0+s2] =	stream.linear.scatter [tilespmem:s8], [sflag:$0x7], $0x4000, $0x38;
	[tilespmem:$0x10800] =	vst v63  }
0x11d: {  	_ =	swait.ge [sflag:s12], $0x4000  }
0x11e: {  	[sflag:s12] =	ssyncset.done $0x0  }
0x11f: {  	s0 =	rddreg [dreg:$0x13];
	[sflag:s12] =	ssyncadd.s32 $0xFFFFC000  }
0x120: {  	[hbm4b:s0+s2] =	stream.linear.scatter [tilespmem:s7], [sflag:$0x8], $0x4000, $0x38;
	[tilespmem:$0x10800] =	vst v63  }
0x121: {  	_ =	swait.ge [sflag:s3], $0x4000  }
0x122: {  	[sflag:s3] =	ssyncset.done $0x0  }
0x123: {  	[sflag:s3] =	ssyncadd.s32 $0xFFFFC000  }
0x124: {  	_ =	swait.ge [sflag:s4], $0x4000  }
0x125: {  	[sflag:s4] =	ssyncset.done $0x0  }
0x126: {  	p1 =	sne.s32 s1, $0x1;
	[sflag:s4] =	ssyncadd.s32 $0xFFFFC000  }
.Ltmp2:
0x127: {  	_ =	swait.ge [sflag:s5], $0x4000;
	(pc) =	sbr.rel @p1 .LBB2_2-.Ltmp2, $4  }
0x128: {  	[sflag:s5] =	ssyncset.done $0x0  }
0x129: {  	[sflag:s5] =	ssyncadd.s32 $0xFFFFC000  }
0x12a: {  	_ =	swait.ge [sflag:s6], $0x4000  }
0x12b: {  	s1 =	sadd.s32 $0xFFFFFFFF, s1;
	s0 =	rddreg [dreg:$0x3];
	[sflag:s6] =	ssyncset.done $0x0  }
.LBB2_3:
0x12c: {  	[sflag:s6] =	ssyncadd.s32 @p0 $0xFFFFC000  }
0x12d: {  	[tilespmem:s2], [sflag:$0x9] =	stream.linear.gather [hbm4b:s0+s2], $0x800, $0x38;
	[tilespmem:$0x10800] =	vst v63  }
0x12e: {  	_ =	swait.ge [sflag:s30], $0x800  }
0x12f: {  	[sflag:s30] =	ssyncset.done $0x0  }
0x130: {  	[sflag:s30] =	ssyncadd.s32 $0xFFFFF800  }
0x131: {  	[tilespmem:s11], [sflag:$0x1] =	stream.indirect.gather [hbm4b:s10+s13], $0x80, s2, s13, $0xb8;
	[tilespmem:$0x10800] =	vst v63  }
0x132: {  	_ = 	snop  }
0x133: {  	[tilespmem:s9], [sflag:$0x2] =	stream.indirect.gather [hbm4b:s10+s13], $0x80, s13, s13, $0xb8;
	[tilespmem:$0x10800] =	vst v63  }
0x134: {  	s1 =	rddreg [dreg:$0x14]  }
0x135: {  	[tilespmem:s8], [sflag:$0x3] =	stream.indirect.gather [hbm4b:s10+s13], $0x80, s1, s13, $0xb8;
	[tilespmem:$0x10800] =	vst v63  }
0x136: {  	_ = 	snop  }
0x137: {  	[tilespmem:s7], [sflag:$0x4] =	stream.indirect.gather [hbm4b:s10+s13], $0x80, s31, s13, $0xb8;
	[tilespmem:$0x10800] =	vst v63  }
0x138: {  	_ =	swait.ge [sflag:s16], $0x4000  }
0x139: {  	[sflag:s16] =	ssyncset.done $0x0  }
0x13a: {  	s30 =	rddreg [dreg:$0x4];
	[sflag:s16] =	ssyncadd.s32 $0xFFFFC000  }
0x13b: {  	[hbm4b:s30+s2] =	stream.linear.scatter [tilespmem:s11], [sflag:$0x5], $0x4000, $0x38;
	[tilespmem:$0x10800] =	vst v63  }
0x13c: {  	_ =	swait.ge [sflag:s3], $0x4000  }
0x13d: {  	[sflag:s3] =	ssyncset.done $0x0  }
0x13e: {  	[sflag:s3] =	ssyncadd.s32 $0xFFFFC000  }
0x13f: {  	[tilespmem:s11], [sflag:$0x1] =	stream.indirect.gather [hbm4b:s10+s13], $0x80, s29, s13, $0xb8;
	[tilespmem:$0x10800] =	vst v63  }
0x140: {  	_ =	swait.ge [sflag:s15], $0x4000  }
0x141: {  	[sflag:s15] =	ssyncset.done $0x0  }
0x142: {  	s31 =	rddreg [dreg:$0x5];
	[sflag:s15] =	ssyncadd.s32 $0xFFFFC000  }
0x143: {  	[hbm4b:s31+s2] =	stream.linear.scatter [tilespmem:s9], [sflag:$0x6], $0x4000, $0x38;
	[tilespmem:$0x10800] =	vst v63  }
0x144: {  	_ =	swait.ge [sflag:s4], $0x4000  }
0x145: {  	[sflag:s4] =	ssyncset.done $0x0  }
0x146: {  	[sflag:s4] =	ssyncadd.s32 $0xFFFFC000  }
0x147: {  	[tilespmem:s9], [sflag:$0x2] =	stream.indirect.gather [hbm4b:s10+s13], $0x80, s28, s13, $0xb8;
	[tilespmem:$0x10800] =	vst v63  }
0x148: {  	_ =	swait.ge [sflag:s14], $0x4000  }
0x149: {  	[sflag:s14] =	ssyncset.done $0x0  }
0x14a: {  	s1 =	rddreg [dreg:$0x6];
	[sflag:s14] =	ssyncadd.s32 $0xFFFFC000  }
0x14b: {  	[hbm4b:s1+s2] =	stream.linear.scatter [tilespmem:s8], [sflag:$0x7], $0x4000, $0x38;
	[tilespmem:$0x10800] =	vst v63  }
0x14c: {  	_ =	swait.ge [sflag:s5], $0x4000  }
0x14d: {  	[sflag:s5] =	ssyncset.done $0x0  }
0x14e: {  	[sflag:s5] =	ssyncadd.s32 $0xFFFFC000  }
0x14f: {  	[tilespmem:s8], [sflag:$0x3] =	stream.indirect.gather [hbm4b:s10+s13], $0x80, s26, s13, $0xb8;
	[tilespmem:$0x10800] =	vst v63  }
0x150: {  	_ =	swait.ge [sflag:s12], $0x4000  }
0x151: {  	[sflag:s12] =	ssyncset.done $0x0  }
0x152: {  	s28 =	rddreg [dreg:$0x7];
	[sflag:s12] =	ssyncadd.s32 $0xFFFFC000  }
0x153: {  	[hbm4b:s28+s2] =	stream.linear.scatter [tilespmem:s7], [sflag:$0x8], $0x4000, $0x38;
	[tilespmem:$0x10800] =	vst v63  }
0x154: {  	_ =	swait.ge [sflag:s6], $0x4000  }
0x155: {  	[sflag:s6] =	ssyncset.done $0x0  }
0x156: {  	[sflag:s6] =	ssyncadd.s32 $0xFFFFC000  }
0x157: {  	[tilespmem:s7], [sflag:$0x4] =	stream.indirect.gather [hbm4b:s10+s13], $0x80, s25, s13, $0xb8;
	[tilespmem:$0x10800] =	vst v63  }
0x158: {  	_ =	swait.ge [sflag:s16], $0x4000  }
0x159: {  	[sflag:s16] =	ssyncset.done $0x0  }
0x15a: {  	s29 =	rddreg [dreg:$0x8];
	[sflag:s16] =	ssyncadd.s32 $0xFFFFC000  }
0x15b: {  	[hbm4b:s29+s2] =	stream.linear.scatter [tilespmem:s11], [sflag:$0x5], $0x4000, $0x38;
	[tilespmem:$0x10800] =	vst v63  }
0x15c: {  	_ =	swait.ge [sflag:s3], $0x4000  }
0x15d: {  	[sflag:s3] =	ssyncset.done $0x0  }
0x15e: {  	[sflag:s3] =	ssyncadd.s32 $0xFFFFC000  }
0x15f: {  	[tilespmem:s11], [sflag:$0x1] =	stream.indirect.gather [hbm4b:s10+s13], $0x80, s24, s13, $0xb8;
	[tilespmem:$0x10800] =	vst v63  }
0x160: {  	_ =	swait.ge [sflag:s15], $0x4000  }
0x161: {  	[sflag:s15] =	ssyncset.done $0x0  }
0x162: {  	s30 =	rddreg [dreg:$0x9];
	[sflag:s15] =	ssyncadd.s32 $0xFFFFC000  }
0x163: {  	[hbm4b:s30+s2] =	stream.linear.scatter [tilespmem:s9], [sflag:$0x6], $0x4000, $0x38;
	[tilespmem:$0x10800] =	vst v63  }
0x164: {  	_ =	swait.ge [sflag:s4], $0x4000  }
0x165: {  	[sflag:s4] =	ssyncset.done $0x0  }
0x166: {  	[sflag:s4] =	ssyncadd.s32 $0xFFFFC000  }
0x167: {  	[tilespmem:s9], [sflag:$0x2] =	stream.indirect.gather [hbm4b:s10+s13], $0x80, s23, s13, $0xb8;
	[tilespmem:$0x10800] =	vst v63  }
0x168: {  	_ =	swait.ge [sflag:s14], $0x4000  }
0x169: {  	[sflag:s14] =	ssyncset.done $0x0  }
0x16a: {  	s31 =	rddreg [dreg:$0xa];
	[sflag:s14] =	ssyncadd.s32 $0xFFFFC000  }
0x16b: {  	[hbm4b:s31+s2] =	stream.linear.scatter [tilespmem:s8], [sflag:$0x7], $0x4000, $0x38;
	[tilespmem:$0x10800] =	vst v63  }
0x16c: {  	_ =	swait.ge [sflag:s5], $0x4000  }
0x16d: {  	[sflag:s5] =	ssyncset.done $0x0  }
0x16e: {  	[sflag:s5] =	ssyncadd.s32 $0xFFFFC000  }
0x16f: {  	[tilespmem:s8], [sflag:$0x3] =	stream.indirect.gather [hbm4b:s10+s13], $0x80, s22, s13, $0xb8;
	[tilespmem:$0x10800] =	vst v63  }
0x170: {  	_ =	swait.ge [sflag:s12], $0x4000  }
0x171: {  	[sflag:s12] =	ssyncset.done $0x0  }
0x172: {  	s1 =	rddreg [dreg:$0xb];
	[sflag:s12] =	ssyncadd.s32 $0xFFFFC000  }
0x173: {  	[hbm4b:s1+s2] =	stream.linear.scatter [tilespmem:s7], [sflag:$0x8], $0x4000, $0x38;
	[tilespmem:$0x10800] =	vst v63  }
0x174: {  	_ =	swait.ge [sflag:s6], $0x4000  }
0x175: {  	[sflag:s6] =	ssyncset.done $0x0  }
0x176: {  	[sflag:s6] =	ssyncadd.s32 $0xFFFFC000  }
0x177: {  	[tilespmem:s7], [sflag:$0x4] =	stream.indirect.gather [hbm4b:s10+s13], $0x80, s21, s13, $0xb8;
	[tilespmem:$0x10800] =	vst v63  }
0x178: {  	_ =	swait.ge [sflag:s16], $0x4000  }
0x179: {  	[sflag:s16] =	ssyncset.done $0x0  }
0x17a: {  	s22 =	rddreg [dreg:$0xc];
	[sflag:s16] =	ssyncadd.s32 $0xFFFFC000  }
0x17b: {  	[hbm4b:s22+s2] =	stream.linear.scatter [tilespmem:s11], [sflag:$0x5], $0x4000, $0x38;
	[tilespmem:$0x10800] =	vst v63  }
0x17c: {  	_ =	swait.ge [sflag:s3], $0x4000  }
0x17d: {  	[sflag:s3] =	ssyncset.done $0x0  }
0x17e: {  	[sflag:s3] =	ssyncadd.s32 $0xFFFFC000  }
0x17f: {  	[tilespmem:s11], [sflag:$0x1] =	stream.indirect.gather [hbm4b:s10+s13], $0x80, s20, s13, $0xb8;
	[tilespmem:$0x10800] =	vst v63  }
0x180: {  	_ =	swait.ge [sflag:s15], $0x4000  }
0x181: {  	[sflag:s15] =	ssyncset.done $0x0  }
0x182: {  	s23 =	rddreg [dreg:$0xd];
	[sflag:s15] =	ssyncadd.s32 $0xFFFFC000  }
0x183: {  	[hbm4b:s23+s2] =	stream.linear.scatter [tilespmem:s9], [sflag:$0x6], $0x4000, $0x38;
	[tilespmem:$0x10800] =	vst v63  }
0x184: {  	_ =	swait.ge [sflag:s4], $0x4000  }
0x185: {  	[sflag:s4] =	ssyncset.done $0x0  }
0x186: {  	[sflag:s4] =	ssyncadd.s32 $0xFFFFC000  }
0x187: {  	[tilespmem:s9], [sflag:$0x2] =	stream.indirect.gather [hbm4b:s10+s13], $0x80, s19, s13, $0xb8;
	[tilespmem:$0x10800] =	vst v63  }
0x188: {  	_ =	swait.ge [sflag:s14], $0x4000  }
0x189: {  	[sflag:s14] =	ssyncset.done $0x0  }
0x18a: {  	s24 =	rddreg [dreg:$0xe];
	[sflag:s14] =	ssyncadd.s32 $0xFFFFC000  }
0x18b: {  	[hbm4b:s24+s2] =	stream.linear.scatter [tilespmem:s8], [sflag:$0x7], $0x4000, $0x38;
	[tilespmem:$0x10800] =	vst v63  }
0x18c: {  	_ =	swait.ge [sflag:s5], $0x4000  }
0x18d: {  	[sflag:s5] =	ssyncset.done $0x0  }
0x18e: {  	[sflag:s5] =	ssyncadd.s32 $0xFFFFC000  }
0x18f: {  	[tilespmem:s8], [sflag:$0x3] =	stream.indirect.gather [hbm4b:s10+s13], $0x80, s18, s13, $0xb8;
	[tilespmem:$0x10800] =	vst v63  }
0x190: {  	_ =	swait.ge [sflag:s12], $0x4000  }
0x191: {  	[sflag:s12] =	ssyncset.done $0x0  }
0x192: {  	s25 =	rddreg [dreg:$0xf];
	[sflag:s12] =	ssyncadd.s32 $0xFFFFC000  }
0x193: {  	[hbm4b:s25+s2] =	stream.linear.scatter [tilespmem:s7], [sflag:$0x8], $0x4000, $0x38;
	[tilespmem:$0x10800] =	vst v63  }
0x194: {  	_ =	swait.ge [sflag:s6], $0x4000  }
0x195: {  	[sflag:s6] =	ssyncset.done $0x0  }
0x196: {  	[sflag:s6] =	ssyncadd.s32 $0xFFFFC000  }
0x197: {  	[tilespmem:s7], [sflag:$0x4] =	stream.indirect.gather [hbm4b:s10+s13], $0x80, s17, s13, $0xb8;
	[tilespmem:$0x10800] =	vst v63  }
0x198: {  	_ =	swait.ge [sflag:s16], $0x4000  }
0x199: {  	[sflag:s16] =	ssyncset.done $0x0  }
0x19a: {  	s26 =	rddreg [dreg:$0x10];
	[sflag:s16] =	ssyncadd.s32 $0xFFFFC000  }
0x19b: {  	[hbm4b:s26+s2] =	stream.linear.scatter [tilespmem:s11], [sflag:$0x5], $0x4000, $0x38;
	[tilespmem:$0x10800] =	vst v63  }
0x19c: {  	_ =	swait.ge [sflag:s15], $0x4000  }
0x19d: {  	[sflag:s15] =	ssyncset.done $0x0  }
0x19e: {  	s28 =	rddreg [dreg:$0x11];
	[sflag:s15] =	ssyncadd.s32 $0xFFFFC000  }
0x19f: {  	[hbm4b:s28+s2] =	stream.linear.scatter [tilespmem:s9], [sflag:$0x6], $0x4000, $0x38;
	[tilespmem:$0x10800] =	vst v63  }
0x1a0: {  	_ =	swait.ge [sflag:s14], $0x4000  }
0x1a1: {  	[sflag:s14] =	ssyncset.done $0x0  }
0x1a2: {  	s29 =	rddreg [dreg:$0x12];
	[sflag:s14] =	ssyncadd.s32 $0xFFFFC000  }
0x1a3: {  	[hbm4b:s29+s2] =	stream.linear.scatter [tilespmem:s8], [sflag:$0x7], $0x4000, $0x38;
	[tilespmem:$0x10800] =	vst v63  }
0x1a4: {  	_ =	swait.ge [sflag:s12], $0x4000  }
0x1a5: {  	[sflag:s12] =	ssyncset.done $0x0  }
0x1a6: {  	s30 =	rddreg [dreg:$0x13];
	[sflag:s12] =	ssyncadd.s32 $0xFFFFC000  }
0x1a7: {  	[hbm4b:s30+s2] =	stream.linear.scatter [tilespmem:s7], [sflag:$0x8], $0x4000, $0x38;
	[tilespmem:$0x10800] =	vst v63  }
0x1a8: {  	_ =	swait.ge [sflag:s3], $0x4000  }
0x1a9: {  	[sflag:s3] =	ssyncset.done $0x0  }
0x1aa: {  	[sflag:s3] =	ssyncadd.s32 $0xFFFFC000  }
0x1ab: {  	_ =	swait.ge [sflag:s4], $0x4000  }
0x1ac: {  	[sflag:s4] =	ssyncset.done $0x0  }
0x1ad: {  	[sflag:s4] =	ssyncadd.s32 $0xFFFFC000  }
0x1ae: {  	_ =	swait.ge [sflag:s5], $0x4000  }
0x1af: {  	[sflag:s5] =	ssyncset.done $0x0  }
0x1b0: {  	[sflag:s5] =	ssyncadd.s32 $0xFFFFC000  }
0x1b1: {  	_ =	swait.ge [sflag:s6], $0x4000  }
0x1b2: {  	[sflag:s6] =	ssyncset.done $0x0  }
0x1b3: {  	[sflag:s6] =	ssyncadd.s32 $0xFFFFC000  }
0x1b4: {  	_ =	sfence.sel $0x180000  }
0x1b5: {  	[bflag:$0x0] =	sbarrier.arrive $0xFFFF  }
0x1b6: {  	_ =	strace $0x90000047  }
0x1b7: {  	s31 =	stileid.u32;
	[bflag:$0x2] =	sbarrier.arrive $0xFFFF  }
0x1b8: {  	p0 =	sne.s32 s31, $0x0;
	s0 =	rddreg [dreg:$0x2]  }
0x1b9: {  	s0 =	sadd.s32 @!p0 $0x100000, s0  }
0x1ba: {  	[sflag:s0] =	ssyncadd.tile.s32 @!p0 $0x1;
	_ =	shalt  }
.Lfunc_end2:
_tile_overlayer_lowered:
.L_overlay_start_2:
0x1bb: {  	(tag) =	ssettag $0x2  }
0x1bc: {  	s0 =	rddreg [dreg:$0x0];
	s2 =	stileid.u32  }
0x1bd: {  	s1 =	rddreg [dreg:$0x1];
	p0 =	sne.s32 s2, $0x0  }
0x1be: {  	s3 =	rddreg [dreg:$0x2];
	[bflag:$0x3] =	sbarrier.arrive $0xFFFF;
	s2 =	simm.s32 @!p0 $0x1C09  }
0x1bf: {  	[timem:s3], [sflag:s2] =	dma.local @!p0 [hbm:s0], s1  }
0x1c0: {  	s0 =	simm.s32 @!p0 $0x9  }
0x1c1: {  	_ =	swait.ge @!p0 [sflag:s0], s1  }
0x1c2: {  	s1 =	ssub.s32 @!p0 $0x0, s1;
	[sflag:s0] =	ssyncset.done @!p0 $0x0  }
0x1c3: {  	[sflag:s0] =	ssyncadd.s32 @!p0 s1  }
0x1c4: {  	[bflag:$0x3] =	sbarrier.arrive $0xFFFF  }
0x1c5: {  	_ =	shalt  }

// kernel: kernel.8.cloned.1.call-start
scs
__scs_entry_jumppad:
0x0: {  	(pc) =	sbr.rel $0x88, $3  }
0x1: {  	(tag) =	ssettag $0x0;
	lr =	simm.s32 $0x1  }
0x2: {  	[smem:$0x3F9D] =	sst lr;
	_ =	strace $0xD0000000  }
0x3: {  	_ = 	snop  }
0x4: {  	_ = 	snop  }
0x5: {  	_ = 	snop  }
0x6: {  	_ = 	snop  }
0x7: {  	_ = 	snop  }
__scs_overlays_trampoline_lowered:
0x8: {  	[smem:$0x3FAC] =	sst s0  }
0x9: {  	[smem:$0x3FAD] =	sst s1  }
0xa: {  	[smem:$0x3FAE] =	sst s2  }
0xb: {  	[smem:$0x3FAF] =	sst s3  }
0xc: {  	[smem:$0x3FB0] =	sst s4  }
0xd: {  	[smem:$0x3FB1] =	sst s5  }
0xe: {  	[smem:$0x3FB2] =	sst s6  }
0xf: {  	[smem:$0x3FB3] =	sst s7  }
0x10: {  	[smem:$0x3FB4] =	sst s8  }
0x11: {  	[smem:$0x3FB5] =	sst s9;
	s0 =	simm.s32 @!p0 $0x0  }
0x12: {  	s1 =	sld [smem:$0x3F9B];
	s0 =	simm.s32 @p0 $0x1  }
0x13: {  	[smem:$0x3FB6] =	sst s0;
	s0 =	simm.s32 @!p1 $0x0  }
0x14: {  	s2 =	sld [smem:$0x3F9A];
	s0 =	simm.s32 @p1 $0x1  }
0x15: {  	[smem:$0x3FB7] =	sst s0;
	s0 =	simm.s32 @!p2 $0x0  }
0x16: {  	s3 =	sld [smem:$0x3FDB];
	s0 =	simm.s32 @p2 $0x1  }
0x17: {  	s4 =	simm.s32 $0x1BF5;
	[smem:$0x3FB9] =	sst s0  }
0x18: {  	s0 =	sld [smem:$0x3F9C];
	_ =	swait.ge [sflag:s4], $0x0  }
0x19: {  	s7 =	sld [smem:$0x3F9D]  }
0x1a: {  	s8 =	sadd.s32 $0xFFFFE003, lr  }
0x1b: {  	s9 =	sadd.s32 $0xFFFFFEF7, lr;
	s5 =	simm.s32 $0xFFFFFFFF;
	p2 =	slt.u32 s8, $0xFFFFF086  }
0x1c: {  	p1 =	slt.u32 s9, $0xF7A;
	s5 =	simm.s32 @!p2 $0x0  }
0x1d: {  	s5 =	simm.s32 @p1 $0x1;
	p0 =	seq.s32 s7, s2  }
0x1e: {  	s7 =	smul.u32 @!p0 $0xF7A, s2;
	p2 =	seq.s32 @!p0 s5, $0x0  }
0x1f: {  	s9 =	smul.u32 $0xF7A, s1;
	s8 =	simm.s32 @!p0 $0x1BF5;
	p2 =	por !p2, p0  }
0x20: {  	[sflag:s8] =	ssyncset.s32 @!p0 $0xFFFFF086;
	s6 =	sadd.s32 @!p0 s3, s7;
	s7 =	simm.s32 @!p0 $0x108  }
0x21: {  	s3 =	sadd.s32 s3, s9;
	s6 =	sadd.s32 @!p0 $0x88, s6;
	s7 =	simm.s32 @p2 $0x1082  }
0x22: {  	[simem:s7], [sflag:s8] =	dma.local @!p0 [hbm:s6], $0xF7A  }
0x23: {  	s9 =	sor.u32 $0xD0000000, s2;
	s6 =	simm.s32 $0x108;
	_ =	swait.ge @!p0 [sflag:s8], $0x0  }
0x24: {  	s3 =	sadd.s32 $0x88, s3;
	s6 =	simm.s32 @!p1 $0x1082;
	[sflag:s4] =	ssyncset.s32 $0xFFFFF086  }
0x25: {  	[simem:s6], [sflag:s4] =	dma.local [hbm:s3], $0xF7A  }
0x26: {  	[smem:$0x3F9D] =	sst s1;
	(tag) =	ssettag s2;
	_ =	strace s9  }
0x27: {  	s1 =	sld [smem:$0x3FAD]  }
0x28: {  	s2 =	sld [smem:$0x3FAE]  }
0x29: {  	s4 =	sld [smem:$0x3FB0]  }
0x2a: {  	p0 =	seq.s32 s5, $0x0;
	s5 =	sld [smem:$0x3FB1]  }
0x2b: {  	s6 =	sld [smem:$0x3FB2]  }
0x2c: {  	s7 =	sld [smem:$0x3FB3]  }
0x2d: {  	s3 =	simm.s32 $0x108;
	s8 =	sld [smem:$0x3FB4]  }
0x2e: {  	s3 =	simm.s32 @!p0 $0x1082;
	s9 =	sld [smem:$0x3FB5]  }
0x2f: {  	lr =	sadd.s32 s0, s3;
	s0 =	sld [smem:$0x3FAC]  }
0x30: {  	s3 =	sld [smem:$0x3FAF]  }
0x31: {  	[smem:$0x3FB8] =	sst s10  }
0x32: {  	s10 =	sld [smem:$0x3FB6];
	_ =	sdelay $0x3  }
0x33: {  	p0 =	seq.s32 s10, $0x1;
	s10 =	sld [smem:$0x3FB8];
	_ =	sdelay $0x3  }
0x34: {  	[smem:$0x3FB8] =	sst s10  }
0x35: {  	s10 =	sld [smem:$0x3FB7];
	_ =	sdelay $0x3  }
0x36: {  	p1 =	seq.s32 s10, $0x1;
	s10 =	sld [smem:$0x3FB8];
	_ =	sdelay $0x3  }
0x37: {  	[smem:$0x3FB8] =	sst s10  }
0x38: {  	s10 =	sld [smem:$0x3FB9]  }
0x39: {  	_ = 	snop;
	(pc) =	sbr.ind lr, $3  }
0x3a: {  	_ = 	snop  }
0x3b: {  	_ = 	snop  }
0x3c: {  	p2 =	seq.s32 s10, $0x1;
	s10 =	sld [smem:$0x3FB8]  }
0x3d: {  	_ =	shalt  }
0x3e: {  	_ =	shalt  }
0x3f: {  	_ =	shalt  }
0x40: {  	_ =	shalt  }
0x41: {  	_ =	shalt  }
0x42: {  	_ =	shalt  }
0x43: {  	_ =	shalt  }
0x44: {  	_ =	shalt  }
0x45: {  	_ =	shalt  }
0x46: {  	_ =	shalt  }
0x47: {  	_ =	shalt  }
0x48: {  	_ =	shalt  }
0x49: {  	_ =	shalt  }
0x4a: {  	_ =	shalt  }
0x4b: {  	_ =	shalt  }
0x4c: {  	_ =	shalt  }
0x4d: {  	_ =	shalt  }
0x4e: {  	_ =	shalt  }
0x4f: {  	_ =	shalt  }
0x50: {  	_ =	shalt  }
0x51: {  	_ =	shalt  }
0x52: {  	_ =	shalt  }
0x53: {  	_ =	shalt  }
0x54: {  	_ =	shalt  }
0x55: {  	_ =	shalt  }
0x56: {  	_ =	shalt  }
0x57: {  	_ =	shalt  }
0x58: {  	_ =	shalt  }
0x59: {  	_ =	shalt  }
0x5a: {  	_ =	shalt  }
0x5b: {  	_ =	shalt  }
0x5c: {  	_ =	shalt  }
0x5d: {  	_ =	shalt  }
0x5e: {  	_ =	shalt  }
0x5f: {  	_ =	shalt  }
0x60: {  	_ =	shalt  }
0x61: {  	_ =	shalt  }
0x62: {  	_ =	shalt  }
0x63: {  	_ =	shalt  }
0x64: {  	_ =	shalt  }
0x65: {  	_ =	shalt  }
0x66: {  	_ =	shalt  }
0x67: {  	_ =	shalt  }
0x68: {  	_ =	shalt  }
0x69: {  	_ =	shalt  }
0x6a: {  	_ =	shalt  }
0x6b: {  	_ =	shalt  }
0x6c: {  	_ =	shalt  }
0x6d: {  	_ =	shalt  }
0x6e: {  	_ =	shalt  }
0x6f: {  	_ =	shalt  }
0x70: {  	_ =	shalt  }
0x71: {  	_ =	shalt  }
0x72: {  	_ =	shalt  }
0x73: {  	_ =	shalt  }
0x74: {  	_ =	shalt  }
0x75: {  	_ =	shalt  }
0x76: {  	_ =	shalt  }
0x77: {  	_ =	shalt  }
0x78: {  	_ =	shalt  }
0x79: {  	_ =	shalt  }
0x7a: {  	_ =	shalt  }
0x7b: {  	_ =	shalt  }
0x7c: {  	_ =	shalt  }
0x7d: {  	_ =	shalt  }
0x7e: {  	_ =	shalt  }
0x7f: {  	_ =	shalt  }
0x80: {  	_ =	shalt  }
0x81: {  	_ =	shalt  }
0x82: {  	_ =	shalt  }
0x83: {  	_ =	shalt  }
0x84: {  	_ =	shalt  }
0x85: {  	_ =	shalt  }
0x86: {  	_ =	shalt  }
0x87: {  	_ =	shalt  }
.Lfunc_end0:
.L_simem_size_0:
called_computation_lowered:
.L_overlay_start_0:
0x88: {  	s2 =	sld [smem:$0x3FD9]  }
0x89: {  	s3 =	sld [smem:$0x3FFE];
	_ =	sdelay $0x1  }
0x8a: {  	s1 =	srdreg.scid  }
0x8b: {  	s0 =	sand.u32 $0x1, s1  }
0x8c: {  	s17 =	sshll.u32 s0, $0xA;
	s2 =	sadd.s32 s3, s2  }
0x8d: {  	s2 =	sadd.s32 s2, s17  }
0x8e: {  	[smem:$0x3FC4] =	sst s2  }
0x8f: {  	_ = 	snop  }
0x90: {  	(tm) =	ssettm $0x1  }
0x91: {  	s18 =	sld [smem:$0x3FFB];
	_ =	sdelay $0x3  }
0x92: {  	_ =	strace s18  }
0x93: {  	s2 =	sld [smem:$0x3FFC];
	_ =	sdelay $0x3  }
0x94: {  	_ =	strace s2  }
0x95: {  	s2 =	sld [smem:$0x3FFD];
	_ =	sdelay $0x3  }
0x96: {  	_ =	strace s2  }
0x97: {  	_ =	strace $0x8FFFFFFF  }
0x98: {  	s19 =	sld [smem:$0x3FDB];
	_ =	sdelay $0x1  }
0x99: {  	s20 =	simm.s32 $_scs_section_size  }
0x9a: {  	s4 =	simm.s32 $_size__tile_overlayer_lowered;
	s5 =	simm.s32 $_tile_overlayer_lowered  }
0x9b: {  	s6 =	simm.s32 $0x1BFF;
	s21 =	sshll.u32 s5, $0x1;
	s3 =	sadd.s32 s20, s19  }
0x9c: {  	s22 =	simm.s32 $0x0;
	s4 =	sshll.u32 s4, $0x1;
	s5 =	sadd.s32 s21, s3  }
0x9d: {  	[timem:s22], [sflag:s6] =	dma.local [hbm:s5], s4  }
0x9e: {  	_ =	swait.ge [sflag:s6], s4  }
0x9f: {  	s4 =	ssub.s32 $0x0, s4;
	[sflag:s6] =	ssyncset.done $0x0  }
0xa0: {  	[sflag:s6] =	ssyncadd.s32 s4;
	_ =	sdelay $0x1  }
0xa1: {  	s23 =	simm.s32 $0x1B8B  }
0xa2: {  	_ =	swait.ge [sflag:s23], $0x1  }
0xa3: {  	[sflag:s23] =	ssyncset.done $0x0  }
0xa4: {  	[sflag:s23] =	ssyncadd.s32 $0xFFFFFFFF  }
0xa5: {  	s4 =	sld [smem:$0x0]  }
0xa6: {  	s5 =	sand.u32 $0xFFFFFFFE, s1  }
0xa7: {  	p0 =	sne.s32 s1, s5  }
0xa8: {  	s5 =	sshll.u32 @p0 s5, $0xE  }
0xa9: {  	s5 =	sadd.s32 @p0 $0x11B8D, s5;
	s6 =	sshll.u32 @p0 s4, $0x11  }
0xaa: {  	s5 =	sor.u32 @p0 s6, s5  }
0xab: {  	[sflag:s5] =	ssyncadd.remote.s32 @p0 $0x1;
	_ =	sdelay $0x1  }
0xac: {  	s5 =	simm.s32 @p0 $0x1B8D  }
0xad: {  	_ =	swait.eq @p0 [sflag:s5], $0x1  }
0xae: {  	[sflag:s5] =	ssyncadd.s32 @p0 $0xFFFFFFFF  }
0xaf: {  	s6 =	sshll.u32 @!p0 s1, $0xE  }
0xb0: {  	s6 =	sor.u32 @!p0 $0x4000, s6;
	s5 =	simm.s32 @!p0 $0x1B8D  }
0xb1: {  	s4 =	sshll.u32 @!p0 s4, $0x11;
	s6 =	sadd.s32 @!p0 $0x11B8D, s6;
	_ =	swait.eq @!p0 [sflag:s5], $0x1  }
0xb2: {  	s4 =	sor.u32 @!p0 s4, s6;
	[sflag:s5] =	ssyncadd.s32 @!p0 $0xFFFFFFFF  }
0xb3: {  	s25 =	simm.s32 $0x1B8E;
	s24 =	sld [smem:$0x3FFE];
	[sflag:s4] =	ssyncadd.remote.s32 @!p0 $0x1  }
0xb4: {  	s26 =	simm.s32 $execute0_lowered;
	[smem:$0x3FD2] =	sst s25  }
0xb5: {  	s5 =	sshll.u32 s26, $0x1;
	_ =	strace $0x80000049;
	[dreg:$0x1] =	wrdreg $0xFFFFFFFF  }
0xb6: {  	s28 =	simm.s32 $_size_execute0_lowered;
	s3 =	sadd.s32 s3, s5;
	[dreg:$0x0] =	wrdreg $0x0  }
0xb7: {  	s5 =	sshll.u32 s28, $0x1;
	[dreg:$0x2] =	wrdreg s3  }
0xb8: {  	[dreg:$0x3] =	wrdreg s5  }
0xb9: {  	[dreg:$0x4] =	wrdreg $0xC0  }
0xba: {  	_ =	task [dreg:s22], $0x5FFFF  }
0xbb: {  	[dreg:$0x1] =	wrdreg $0xFFFFFFFF  }
0xbc: {  	[dreg:$0x0] =	wrdreg $0x60  }
0xbd: {  	[dreg:$0x2] =	wrdreg s24  }
0xbe: {  	[dreg:$0x3] =	wrdreg $0x9  }
0xbf: {  	_ =	task.clear_ibuf [dreg:s22], $0x4FFFF;
	_ =	strace $0x90000049  }
0xc0: {  	s29 =	simm.s32 $0x9;
	_ =	strace $0x8000004B  }
0xc1: {  	_ =	swait.ge [sflag:s29], $0x1  }
0xc2: {  	[sflag:s29] =	ssyncadd.s32 $0xFFFFFFFF  }
0xc3: {  	_ =	strace $0x9000004B  }
0xc4: {  	_ =	sfence  }
0xc5: {  	s30 =	sld [smem:$0x0];
	_ =	sdelay $0x2  }
0xc6: {  	s31 =	sshll.u32 s1, $0xD;
	s1 =	sshrl.u32 s1, $0x2  }
0xc7: {  	s4 =	sand.u32 $0x4000, s31;
	s1 =	sadd.s32 s1, s30  }
0xc8: {  	s0 =	sor.u32 s4, s0;
	s1 =	sshll.u32 s1, $0x11  }
0xc9: {  	s0 =	sor.u32 s1, s0  }
0xca: {  	s0 =	sadd.s32 $0x8F2B, s0  }
0xcb: {  	[sflag:s0] =	ssyncadd.remote.s32 $0x1  }
0xcc: {  	_ =	sfence.sel $0xFFFF  }
0xcd: {  	[dreg:$0x0] =	wrdreg $0xFFFFFFFF;
	(pc) =	sbr.abs _section_cstart, $3  }
0xce: {  	[dreg:$0x1] =	wrdreg $0xFFFFFFFF  }
0xcf: {  	_ =	task.clear_ibuf [dreg:s22], $0x2FFFF;
	_ =	strace $0x9FFFFFFF  }
0xd0: {  	(tm) =	ssettm $0x7FFFFFFF  }
0xd1: {  	_ =	shalt  }
tec
execute0_lowered:
.L_overlay_start_1:
0x0: {  	(tag) =	ssettag $0x1  }
0x1: {  	s0 =	srdreg.scid  }
0x2: {  	s1 =	stileid.u32;
	s0 =	sand.u32 $0x1, s0  }
0x3: {  	s3 =	rddreg [dreg:$0x0];
	s1 =	sshll.u32 s1, $0xC;
	s2 =	sshll.u32 s0, $0xB  }
0x4: {  	s30 =	simm.s32 $0x9;
	s1 =	sor.u32 s2, s1;
	s2 =	simm.s32 $0x0  }
0x5: {  	s26 =	simm.s32 $0x100;
	s4 =	sshrl.u32 s1, $0x3;
	[smem:$0x7FF] =	sst s2  }
0x6: {  	s1 =	sshll.u32 s1, $0x4;
	s4 =	sadd.s32 s4, s3;
	_ =	strace $0x8000004A  }
0x7: {  	s1 =	sadd.s32 s1, s3;
	[dreg:$0x13] =	wrdreg s26;
	s4 =	sadd.s32 $0x142C00, s4  }
0x8: {  	s9 =	simm.s32 $0x4800;
	s11 =	sadd.s32 $0x144C00, s1;
	[dreg:$0x2] =	wrdreg s4  }
0x9: {  	s8 =	simm.s32 $0x8800;
	s12 =	sadd.s32 $0x145400, s1;
	[dreg:$0x3] =	wrdreg s11  }
0xa: {  	s31 =	simm.s32 $0x180;
	s13 =	sadd.s32 $0x145C00, s1;
	[dreg:$0x4] =	wrdreg s12  }
0xb: {  	s7 =	simm.s32 $0xC800;
	s14 =	sadd.s32 $0x146400, s1;
	[dreg:$0x5] =	wrdreg s13  }
0xc: {  	s29 =	simm.s32 $0x200;
	s15 =	sadd.s32 $0x146C00, s1;
	[dreg:$0x6] =	wrdreg s14  }
0xd: {  	s28 =	simm.s32 $0x280;
	s16 =	sadd.s32 $0x147400, s1;
	[dreg:$0x7] =	wrdreg s15  }
0xe: {  	s6 =	simm.s32 $0x8;
	s17 =	sadd.s32 $0x147C00, s1;
	[dreg:$0x8] =	wrdreg s16  }
0xf: {  	p0 =	por $0x0, $0x0;
	s18 =	sadd.s32 $0x148400, s1;
	[dreg:$0x9] =	wrdreg s17  }
0x10: {  	s10 =	sadd.s32 $0x122C00, s3;
	s19 =	sadd.s32 $0x148C00, s1;
	[dreg:$0xa] =	wrdreg s18  }
0x11: {  	s0 =	ssub.s32 $0x2, s0;
	s20 =	sadd.s32 $0x149400, s1;
	[dreg:$0xb] =	wrdreg s19  }
0x12: {  	s5 =	sshrl.u32 s0, $0x1;
	s21 =	sadd.s32 $0x149C00, s1;
	[dreg:$0xc] =	wrdreg s20  }
0x13: {  	s0 =	ssub.s32 s0, s5;
	s22 =	sadd.s32 $0x14A400, s1;
	[dreg:$0xd] =	wrdreg s21  }
0x14: {  	s5 =	simm.s32 $0x7;
	s23 =	sadd.s32 $0x14AC00, s1;
	[dreg:$0xe] =	wrdreg s22  }
0x15: {  	s0 =	smax.u32 s0, $0x1;
	s24 =	sadd.s32 $0x14B400, s1;
	[dreg:$0xf] =	wrdreg s23  }
0x16: {  	s3 =	simm.s32 $0x5;
	s25 =	sadd.s32 $0x14BC00, s1;
	[dreg:$0x10] =	wrdreg s24  }
0x17: {  	s26 =	simm.s32 $0x300;
	s1 =	sadd.s32 $0x14C400, s1;
	[dreg:$0x11] =	wrdreg s25  }
0x18: {  	p1 =	sne.s32 s0, $0x1;
	[dreg:$0x12] =	wrdreg s1;
	s13 =	simm.s32 $0x80  }
0x19: {  	s11 =	simm.s32 $0x800;
	s16 =	simm.s32 $0x1;
	s15 =	simm.s32 $0x2  }
.Ltmp0:
0x1a: {  	s4 =	simm.s32 $0x6;
	s14 =	simm.s32 $0x3;
	(pc) =	sbr.rel @!p1 .LBB2_3-.Ltmp0, $4  }
0x1b: {  	s12 =	simm.s32 $0x4;
	s25 =	simm.s32 $0x380;
	s24 =	simm.s32 $0x400  }
0x1c: {  	s23 =	simm.s32 $0x480;
	s1 =	sadd.s32 $0xFFFFFFFF, s0;
	s22 =	simm.s32 $0x500  }
0x1d: {  	s21 =	simm.s32 $0x580;
	s20 =	simm.s32 $0x600;
	s19 =	simm.s32 $0x680  }
0x1e: {  	s18 =	simm.s32 $0x700;
	s17 =	simm.s32 $0x780;
	s0 =	rddreg [dreg:$0x2]  }
0x1f: {  	[tilespmem:s2], [sflag:$0x9] =	stream.linear.gather [hbm4b:s0+s2], $0x800, $0x38;
	[tilespmem:$0x10800] =	vst v63  }
0x20: {  	_ =	swait.ge [sflag:s30], $0x800  }
0x21: {  	[sflag:s30] =	ssyncset.done $0x0  }
0x22: {  	[sflag:s30] =	ssyncadd.s32 $0xFFFFF800  }
0x23: {  	[tilespmem:s11], [sflag:$0x1] =	stream.indirect.gather [hbm4b:s10+s13], $0x80, s2, s13, $0xb8;
	[tilespmem:$0x10800] =	vst v63  }
0x24: {  	_ = 	snop  }
0x25: {  	[tilespmem:s9], [sflag:$0x2] =	stream.indirect.gather [hbm4b:s10+s13], $0x80, s13, s13, $0xb8;
	[tilespmem:$0x10800] =	vst v63  }
0x26: {  	s0 =	rddreg [dreg:$0x13]  }
0x27: {  	[tilespmem:s8], [sflag:$0x3] =	stream.indirect.gather [hbm4b:s10+s13], $0x80, s0, s13, $0xb8;
	[tilespmem:$0x10800] =	vst v63  }
0x28: {  	_ = 	snop  }
0x29: {  	[tilespmem:s7], [sflag:$0x4] =	stream.indirect.gather [hbm4b:s10+s13], $0x80, s31, s13, $0xb8;
	[tilespmem:$0x10800] =	vst v63  }
0x2a: {  	_ =	swait.ge [sflag:s16], $0x4000  }
0x2b: {  	[sflag:s16] =	ssyncset.done $0x0  }
0x2c: {  	s0 =	rddreg [dreg:$0x3];
	[sflag:s16] =	ssyncadd.s32 $0xFFFFC000  }
0x2d: {  	[hbm4b:s0+s2] =	stream.linear.scatter [tilespmem:s11], [sflag:$0x5], $0x4000, $0x38;
	[tilespmem:$0x10800] =	vst v63  }
0x2e: {  	_ =	swait.ge [sflag:s3], $0x4000  }
0x2f: {  	[sflag:s3] =	ssyncset.done $0x0  }
0x30: {  	[sflag:s3] =	ssyncadd.s32 $0xFFFFC000  }
0x31: {  	[tilespmem:s11], [sflag:$0x1] =	stream.indirect.gather [hbm4b:s10+s13], $0x80, s29, s13, $0xb8;
	[tilespmem:$0x10800] =	vst v63  }
0x32: {  	_ =	swait.ge [sflag:s15], $0x4000  }
0x33: {  	[sflag:s15] =	ssyncset.done $0x0  }
0x34: {  	s0 =	rddreg [dreg:$0x4];
	[sflag:s15] =	ssyncadd.s32 $0xFFFFC000  }
0x35: {  	[hbm4b:s0+s2] =	stream.linear.scatter [tilespmem:s9], [sflag:$0x6], $0x4000, $0x38;
	[tilespmem:$0x10800] =	vst v63  }
0x36: {  	_ =	swait.ge [sflag:s4], $0x4000  }
0x37: {  	[sflag:s4] =	ssyncset.done $0x0  }
0x38: {  	[sflag:s4] =	ssyncadd.s32 $0xFFFFC000  }
0x39: {  	[tilespmem:s9], [sflag:$0x2] =	stream.indirect.gather [hbm4b:s10+s13], $0x80, s28, s13, $0xb8;
	[tilespmem:$0x10800] =	vst v63  }
0x3a: {  	_ =	swait.ge [sflag:s14], $0x4000  }
0x3b: {  	[sflag:s14] =	ssyncset.done $0x0  }
0x3c: {  	s0 =	rddreg [dreg:$0x5];
	[sflag:s14] =	ssyncadd.s32 $0xFFFFC000  }
0x3d: {  	[hbm4b:s0+s2] =	stream.linear.scatter [tilespmem:s8], [sflag:$0x7], $0x4000, $0x38;
	[tilespmem:$0x10800] =	vst v63  }
0x3e: {  	_ =	swait.ge [sflag:s5], $0x4000  }
0x3f: {  	[sflag:s5] =	ssyncset.done $0x0  }
0x40: {  	[sflag:s5] =	ssyncadd.s32 $0xFFFFC000  }
0x41: {  	[tilespmem:s8], [sflag:$0x3] =	stream.indirect.gather [hbm4b:s10+s13], $0x80, s26, s13, $0xb8;
	[tilespmem:$0x10800] =	vst v63  }
0x42: {  	_ =	swait.ge [sflag:s12], $0x4000  }
0x43: {  	[sflag:s12] =	ssyncset.done $0x0  }
0x44: {  	s0 =	rddreg [dreg:$0x6];
	[sflag:s12] =	ssyncadd.s32 $0xFFFFC000  }
0x45: {  	[hbm4b:s0+s2] =	stream.linear.scatter [tilespmem:s7], [sflag:$0x8], $0x4000, $0x38;
	[tilespmem:$0x10800] =	vst v63  }
0x46: {  	_ =	swait.ge [sflag:s6], $0x4000  }
0x47: {  	[sflag:s6] =	ssyncset.done $0x0  }
0x48: {  	[sflag:s6] =	ssyncadd.s32 $0xFFFFC000  }
0x49: {  	[tilespmem:s7], [sflag:$0x4] =	stream.indirect.gather [hbm4b:s10+s13], $0x80, s25, s13, $0xb8;
	[tilespmem:$0x10800] =	vst v63  }
0x4a: {  	_ =	swait.ge [sflag:s16], $0x4000  }
0x4b: {  	[sflag:s16] =	ssyncset.done $0x0  }
0x4c: {  	s0 =	rddreg [dreg:$0x7];
	[sflag:s16] =	ssyncadd.s32 $0xFFFFC000  }
0x4d: {  	[hbm4b:s0+s2] =	stream.linear.scatter [tilespmem:s11], [sflag:$0x5], $0x4000, $0x38;
	[tilespmem:$0x10800] =	vst v63  }
0x4e: {  	_ =	swait.ge [sflag:s3], $0x4000  }
0x4f: {  	[sflag:s3] =	ssyncset.done $0x0  }
0x50: {  	[sflag:s3] =	ssyncadd.s32 $0xFFFFC000  }
0x51: {  	[tilespmem:s11], [sflag:$0x1] =	stream.indirect.gather [hbm4b:s10+s13], $0x80, s24, s13, $0xb8;
	[tilespmem:$0x10800] =	vst v63  }
0x52: {  	_ =	swait.ge [sflag:s15], $0x4000  }
0x53: {  	[sflag:s15] =	ssyncset.done $0x0  }
0x54: {  	s0 =	rddreg [dreg:$0x8];
	[sflag:s15] =	ssyncadd.s32 $0xFFFFC000  }
0x55: {  	[hbm4b:s0+s2] =	stream.linear.scatter [tilespmem:s9], [sflag:$0x6], $0x4000, $0x38;
	[tilespmem:$0x10800] =	vst v63  }
0x56: {  	_ =	swait.ge [sflag:s4], $0x4000  }
0x57: {  	[sflag:s4] =	ssyncset.done $0x0  }
0x58: {  	[sflag:s4] =	ssyncadd.s32 $0xFFFFC000  }
0x59: {  	[tilespmem:s9], [sflag:$0x2] =	stream.indirect.gather [hbm4b:s10+s13], $0x80, s23, s13, $0xb8;
	[tilespmem:$0x10800] =	vst v63  }
0x5a: {  	_ =	swait.ge [sflag:s14], $0x4000  }
0x5b: {  	[sflag:s14] =	ssyncset.done $0x0  }
0x5c: {  	s0 =	rddreg [dreg:$0x9];
	[sflag:s14] =	ssyncadd.s32 $0xFFFFC000  }
0x5d: {  	[hbm4b:s0+s2] =	stream.linear.scatter [tilespmem:s8], [sflag:$0x7], $0x4000, $0x38;
	[tilespmem:$0x10800] =	vst v63  }
0x5e: {  	_ =	swait.ge [sflag:s5], $0x4000  }
0x5f: {  	[sflag:s5] =	ssyncset.done $0x0  }
0x60: {  	[sflag:s5] =	ssyncadd.s32 $0xFFFFC000  }
0x61: {  	[tilespmem:s8], [sflag:$0x3] =	stream.indirect.gather [hbm4b:s10+s13], $0x80, s22, s13, $0xb8;
	[tilespmem:$0x10800] =	vst v63  }
0x62: {  	_ =	swait.ge [sflag:s12], $0x4000  }
0x63: {  	[sflag:s12] =	ssyncset.done $0x0  }
0x64: {  	s0 =	rddreg [dreg:$0xa];
	[sflag:s12] =	ssyncadd.s32 $0xFFFFC000  }
0x65: {  	[hbm4b:s0+s2] =	stream.linear.scatter [tilespmem:s7], [sflag:$0x8], $0x4000, $0x38;
	[tilespmem:$0x10800] =	vst v63  }
0x66: {  	_ =	swait.ge [sflag:s6], $0x4000  }
0x67: {  	[sflag:s6] =	ssyncset.done $0x0  }
0x68: {  	[sflag:s6] =	ssyncadd.s32 $0xFFFFC000  }
0x69: {  	[tilespmem:s7], [sflag:$0x4] =	stream.indirect.gather [hbm4b:s10+s13], $0x80, s21, s13, $0xb8;
	[tilespmem:$0x10800] =	vst v63  }
0x6a: {  	_ =	swait.ge [sflag:s16], $0x4000  }
0x6b: {  	[sflag:s16] =	ssyncset.done $0x0  }
0x6c: {  	s0 =	rddreg [dreg:$0xb];
	[sflag:s16] =	ssyncadd.s32 $0xFFFFC000  }
0x6d: {  	[hbm4b:s0+s2] =	stream.linear.scatter [tilespmem:s11], [sflag:$0x5], $0x4000, $0x38;
	[tilespmem:$0x10800] =	vst v63  }
0x6e: {  	_ =	swait.ge [sflag:s3], $0x4000  }
0x6f: {  	[sflag:s3] =	ssyncset.done $0x0  }
0x70: {  	[sflag:s3] =	ssyncadd.s32 $0xFFFFC000  }
0x71: {  	[tilespmem:s11], [sflag:$0x1] =	stream.indirect.gather [hbm4b:s10+s13], $0x80, s20, s13, $0xb8;
	[tilespmem:$0x10800] =	vst v63  }
0x72: {  	_ =	swait.ge [sflag:s15], $0x4000  }
0x73: {  	[sflag:s15] =	ssyncset.done $0x0  }
0x74: {  	s0 =	rddreg [dreg:$0xc];
	[sflag:s15] =	ssyncadd.s32 $0xFFFFC000  }
0x75: {  	[hbm4b:s0+s2] =	stream.linear.scatter [tilespmem:s9], [sflag:$0x6], $0x4000, $0x38;
	[tilespmem:$0x10800] =	vst v63  }
0x76: {  	_ =	swait.ge [sflag:s4], $0x4000  }
0x77: {  	[sflag:s4] =	ssyncset.done $0x0  }
0x78: {  	[sflag:s4] =	ssyncadd.s32 $0xFFFFC000  }
0x79: {  	[tilespmem:s9], [sflag:$0x2] =	stream.indirect.gather [hbm4b:s10+s13], $0x80, s19, s13, $0xb8;
	[tilespmem:$0x10800] =	vst v63  }
0x7a: {  	_ =	swait.ge [sflag:s14], $0x4000  }
0x7b: {  	[sflag:s14] =	ssyncset.done $0x0  }
0x7c: {  	s0 =	rddreg [dreg:$0xd];
	[sflag:s14] =	ssyncadd.s32 $0xFFFFC000  }
0x7d: {  	[hbm4b:s0+s2] =	stream.linear.scatter [tilespmem:s8], [sflag:$0x7], $0x4000, $0x38;
	[tilespmem:$0x10800] =	vst v63  }
0x7e: {  	_ =	swait.ge [sflag:s5], $0x4000  }
0x7f: {  	[sflag:s5] =	ssyncset.done $0x0  }
0x80: {  	[sflag:s5] =	ssyncadd.s32 $0xFFFFC000  }
0x81: {  	[tilespmem:s8], [sflag:$0x3] =	stream.indirect.gather [hbm4b:s10+s13], $0x80, s18, s13, $0xb8;
	[tilespmem:$0x10800] =	vst v63  }
0x82: {  	_ =	swait.ge [sflag:s12], $0x4000  }
0x83: {  	[sflag:s12] =	ssyncset.done $0x0  }
0x84: {  	s0 =	rddreg [dreg:$0xe];
	[sflag:s12] =	ssyncadd.s32 $0xFFFFC000  }
0x85: {  	[hbm4b:s0+s2] =	stream.linear.scatter [tilespmem:s7], [sflag:$0x8], $0x4000, $0x38;
	[tilespmem:$0x10800] =	vst v63  }
0x86: {  	_ =	swait.ge [sflag:s6], $0x4000  }
0x87: {  	[sflag:s6] =	ssyncset.done $0x0  }
0x88: {  	[sflag:s6] =	ssyncadd.s32 $0xFFFFC000  }
0x89: {  	[tilespmem:s7], [sflag:$0x4] =	stream.indirect.gather [hbm4b:s10+s13], $0x80, s17, s13, $0xb8;
	[tilespmem:$0x10800] =	vst v63  }
0x8a: {  	_ =	swait.ge [sflag:s16], $0x4000  }
0x8b: {  	[sflag:s16] =	ssyncset.done $0x0  }
0x8c: {  	s0 =	rddreg [dreg:$0xf];
	[sflag:s16] =	ssyncadd.s32 $0xFFFFC000  }
0x8d: {  	[hbm4b:s0+s2] =	stream.linear.scatter [tilespmem:s11], [sflag:$0x5], $0x4000, $0x38;
	[tilespmem:$0x10800] =	vst v63  }
0x8e: {  	_ =	swait.ge [sflag:s15], $0x4000  }
0x8f: {  	[sflag:s15] =	ssyncset.done $0x0  }
0x90: {  	s0 =	rddreg [dreg:$0x10];
	[sflag:s15] =	ssyncadd.s32 $0xFFFFC000  }
0x91: {  	[hbm4b:s0+s2] =	stream.linear.scatter [tilespmem:s9], [sflag:$0x6], $0x4000, $0x38;
	[tilespmem:$0x10800] =	vst v63  }
0x92: {  	_ =	swait.ge [sflag:s14], $0x4000  }
0x93: {  	[sflag:s14] =	ssyncset.done $0x0  }
0x94: {  	s0 =	rddreg [dreg:$0x11];
	[sflag:s14] =	ssyncadd.s32 $0xFFFFC000  }
0x95: {  	[hbm4b:s0+s2] =	stream.linear.scatter [tilespmem:s8], [sflag:$0x7], $0x4000, $0x38;
	[tilespmem:$0x10800] =	vst v63  }
0x96: {  	_ =	swait.ge [sflag:s12], $0x4000  }
0x97: {  	[sflag:s12] =	ssyncset.done $0x0  }
0x98: {  	s0 =	rddreg [dreg:$0x12];
	[sflag:s12] =	ssyncadd.s32 $0xFFFFC000  }
0x99: {  	[hbm4b:s0+s2] =	stream.linear.scatter [tilespmem:s7], [sflag:$0x8], $0x4000, $0x38;
	[tilespmem:$0x10800] =	vst v63  }
0x9a: {  	_ =	swait.ge [sflag:s3], $0x4000  }
0x9b: {  	[sflag:s3] =	ssyncset.done $0x0  }
0x9c: {  	[sflag:s3] =	ssyncadd.s32 $0xFFFFC000  }
0x9d: {  	_ =	swait.ge [sflag:s4], $0x4000  }
0x9e: {  	[sflag:s4] =	ssyncset.done $0x0  }
0x9f: {  	p1 =	sne.s32 s1, $0x1;
	[sflag:s4] =	ssyncadd.s32 $0xFFFFC000  }
.Ltmp1:
0xa0: {  	_ =	swait.ge [sflag:s5], $0x4000;
	(pc) =	sbr.rel @!p1 .LBB2_3-.Ltmp1, $4  }
0xa1: {  	[sflag:s5] =	ssyncset.done $0x0  }
0xa2: {  	[sflag:s5] =	ssyncadd.s32 $0xFFFFC000  }
0xa3: {  	s1 =	sadd.s32 $0xFFFFFFFF, s1;
	_ =	swait.ge [sflag:s6], $0x4000  }
0xa4: {  	p0 =	por $0x1, $0x1;
	s0 =	rddreg [dreg:$0x2];
	[sflag:s6] =	ssyncset.done $0x0  }
.LBB2_2:
0xa5: {  	[sflag:s6] =	ssyncadd.s32 $0xFFFFC000  }
0xa6: {  	[tilespmem:s2], [sflag:$0x9] =	stream.linear.gather [hbm4b:s0+s2], $0x800, $0x38;
	[tilespmem:$0x10800] =	vst v63  }
0xa7: {  	_ =	swait.ge [sflag:s30], $0x800  }
0xa8: {  	[sflag:s30] =	ssyncset.done $0x0  }
0xa9: {  	[sflag:s30] =	ssyncadd.s32 $0xFFFFF800  }
0xaa: {  	[tilespmem:s11], [sflag:$0x1] =	stream.indirect.gather [hbm4b:s10+s13], $0x80, s2, s13, $0xb8;
	[tilespmem:$0x10800] =	vst v63  }
0xab: {  	_ = 	snop  }
0xac: {  	[tilespmem:s9], [sflag:$0x2] =	stream.indirect.gather [hbm4b:s10+s13], $0x80, s13, s13, $0xb8;
	[tilespmem:$0x10800] =	vst v63  }
0xad: {  	s0 =	rddreg [dreg:$0x13]  }
0xae: {  	[tilespmem:s8], [sflag:$0x3] =	stream.indirect.gather [hbm4b:s10+s13], $0x80, s0, s13, $0xb8;
	[tilespmem:$0x10800] =	vst v63  }
0xaf: {  	_ = 	snop  }
0xb0: {  	[tilespmem:s7], [sflag:$0x4] =	stream.indirect.gather [hbm4b:s10+s13], $0x80, s31, s13, $0xb8;
	[tilespmem:$0x10800] =	vst v63  }
0xb1: {  	_ =	swait.ge [sflag:s16], $0x4000  }
0xb2: {  	[sflag:s16] =	ssyncset.done $0x0  }
0xb3: {  	s0 =	rddreg [dreg:$0x3];
	[sflag:s16] =	ssyncadd.s32 $0xFFFFC000  }
0xb4: {  	[hbm4b:s0+s2] =	stream.linear.scatter [tilespmem:s11], [sflag:$0x5], $0x4000, $0x38;
	[tilespmem:$0x10800] =	vst v63  }
0xb5: {  	_ =	swait.ge [sflag:s3], $0x4000  }
0xb6: {  	[sflag:s3] =	ssyncset.done $0x0  }
0xb7: {  	[sflag:s3] =	ssyncadd.s32 $0xFFFFC000  }
0xb8: {  	[tilespmem:s11], [sflag:$0x1] =	stream.indirect.gather [hbm4b:s10+s13], $0x80, s29, s13, $0xb8;
	[tilespmem:$0x10800] =	vst v63  }
0xb9: {  	_ =	swait.ge [sflag:s15], $0x4000  }
0xba: {  	[sflag:s15] =	ssyncset.done $0x0  }
0xbb: {  	s0 =	rddreg [dreg:$0x4];
	[sflag:s15] =	ssyncadd.s32 $0xFFFFC000  }
0xbc: {  	[hbm4b:s0+s2] =	stream.linear.scatter [tilespmem:s9], [sflag:$0x6], $0x4000, $0x38;
	[tilespmem:$0x10800] =	vst v63  }
0xbd: {  	_ =	swait.ge [sflag:s4], $0x4000  }
0xbe: {  	[sflag:s4] =	ssyncset.done $0x0  }
0xbf: {  	[sflag:s4] =	ssyncadd.s32 $0xFFFFC000  }
0xc0: {  	[tilespmem:s9], [sflag:$0x2] =	stream.indirect.gather [hbm4b:s10+s13], $0x80, s28, s13, $0xb8;
	[tilespmem:$0x10800] =	vst v63  }
0xc1: {  	_ =	swait.ge [sflag:s14], $0x4000  }
0xc2: {  	[sflag:s14] =	ssyncset.done $0x0  }
0xc3: {  	s0 =	rddreg [dreg:$0x5];
	[sflag:s14] =	ssyncadd.s32 $0xFFFFC000  }
0xc4: {  	[hbm4b:s0+s2] =	stream.linear.scatter [tilespmem:s8], [sflag:$0x7], $0x4000, $0x38;
	[tilespmem:$0x10800] =	vst v63  }
0xc5: {  	_ =	swait.ge [sflag:s5], $0x4000  }
0xc6: {  	[sflag:s5] =	ssyncset.done $0x0  }
0xc7: {  	[sflag:s5] =	ssyncadd.s32 $0xFFFFC000  }
0xc8: {  	[tilespmem:s8], [sflag:$0x3] =	stream.indirect.gather [hbm4b:s10+s13], $0x80, s26, s13, $0xb8;
	[tilespmem:$0x10800] =	vst v63  }
0xc9: {  	_ =	swait.ge [sflag:s12], $0x4000  }
0xca: {  	[sflag:s12] =	ssyncset.done $0x0  }
0xcb: {  	s0 =	rddreg [dreg:$0x6];
	[sflag:s12] =	ssyncadd.s32 $0xFFFFC000  }
0xcc: {  	[hbm4b:s0+s2] =	stream.linear.scatter [tilespmem:s7], [sflag:$0x8], $0x4000, $0x38;
	[tilespmem:$0x10800] =	vst v63  }
0xcd: {  	_ =	swait.ge [sflag:s6], $0x4000  }
0xce: {  	[sflag:s6] =	ssyncset.done $0x0  }
0xcf: {  	[sflag:s6] =	ssyncadd.s32 $0xFFFFC000  }
0xd0: {  	[tilespmem:s7], [sflag:$0x4] =	stream.indirect.gather [hbm4b:s10+s13], $0x80, s25, s13, $0xb8;
	[tilespmem:$0x10800] =	vst v63  }
0xd1: {  	_ =	swait.ge [sflag:s16], $0x4000  }
0xd2: {  	[sflag:s16] =	ssyncset.done $0x0  }
0xd3: {  	s0 =	rddreg [dreg:$0x7];
	[sflag:s16] =	ssyncadd.s32 $0xFFFFC000  }
0xd4: {  	[hbm4b:s0+s2] =	stream.linear.scatter [tilespmem:s11], [sflag:$0x5], $0x4000, $0x38;
	[tilespmem:$0x10800] =	vst v63  }
0xd5: {  	_ =	swait.ge [sflag:s3], $0x4000  }
0xd6: {  	[sflag:s3] =	ssyncset.done $0x0  }
0xd7: {  	[sflag:s3] =	ssyncadd.s32 $0xFFFFC000  }
0xd8: {  	[tilespmem:s11], [sflag:$0x1] =	stream.indirect.gather [hbm4b:s10+s13], $0x80, s24, s13, $0xb8;
	[tilespmem:$0x10800] =	vst v63  }
0xd9: {  	_ =	swait.ge [sflag:s15], $0x4000  }
0xda: {  	[sflag:s15] =	ssyncset.done $0x0  }
0xdb: {  	s0 =	rddreg [dreg:$0x8];
	[sflag:s15] =	ssyncadd.s32 $0xFFFFC000  }
0xdc: {  	[hbm4b:s0+s2] =	stream.linear.scatter [tilespmem:s9], [sflag:$0x6], $0x4000, $0x38;
	[tilespmem:$0x10800] =	vst v63  }
0xdd: {  	_ =	swait.ge [sflag:s4], $0x4000  }
0xde: {  	[sflag:s4] =	ssyncset.done $0x0  }
0xdf: {  	[sflag:s4] =	ssyncadd.s32 $0xFFFFC000  }
0xe0: {  	[tilespmem:s9], [sflag:$0x2] =	stream.indirect.gather [hbm4b:s10+s13], $0x80, s23, s13, $0xb8;
	[tilespmem:$0x10800] =	vst v63  }
0xe1: {  	_ =	swait.ge [sflag:s14], $0x4000  }
0xe2: {  	[sflag:s14] =	ssyncset.done $0x0  }
0xe3: {  	s0 =	rddreg [dreg:$0x9];
	[sflag:s14] =	ssyncadd.s32 $0xFFFFC000  }
0xe4: {  	[hbm4b:s0+s2] =	stream.linear.scatter [tilespmem:s8], [sflag:$0x7], $0x4000, $0x38;
	[tilespmem:$0x10800] =	vst v63  }
0xe5: {  	_ =	swait.ge [sflag:s5], $0x4000  }
0xe6: {  	[sflag:s5] =	ssyncset.done $0x0  }
0xe7: {  	[sflag:s5] =	ssyncadd.s32 $0xFFFFC000  }
0xe8: {  	[tilespmem:s8], [sflag:$0x3] =	stream.indirect.gather [hbm4b:s10+s13], $0x80, s22, s13, $0xb8;
	[tilespmem:$0x10800] =	vst v63  }
0xe9: {  	_ =	swait.ge [sflag:s12], $0x4000  }
0xea: {  	[sflag:s12] =	ssyncset.done $0x0  }
0xeb: {  	s0 =	rddreg [dreg:$0xa];
	[sflag:s12] =	ssyncadd.s32 $0xFFFFC000  }
0xec: {  	[hbm4b:s0+s2] =	stream.linear.scatter [tilespmem:s7], [sflag:$0x8], $0x4000, $0x38;
	[tilespmem:$0x10800] =	vst v63  }
0xed: {  	_ =	swait.ge [sflag:s6], $0x4000  }
0xee: {  	[sflag:s6] =	ssyncset.done $0x0  }
0xef: {  	[sflag:s6] =	ssyncadd.s32 $0xFFFFC000  }
0xf0: {  	[tilespmem:s7], [sflag:$0x4] =	stream.indirect.gather [hbm4b:s10+s13], $0x80, s21, s13, $0xb8;
	[tilespmem:$0x10800] =	vst v63  }
0xf1: {  	_ =	swait.ge [sflag:s16], $0x4000  }
0xf2: {  	[sflag:s16] =	ssyncset.done $0x0  }
0xf3: {  	s0 =	rddreg [dreg:$0xb];
	[sflag:s16] =	ssyncadd.s32 $0xFFFFC000  }
0xf4: {  	[hbm4b:s0+s2] =	stream.linear.scatter [tilespmem:s11], [sflag:$0x5], $0x4000, $0x38;
	[tilespmem:$0x10800] =	vst v63  }
0xf5: {  	_ =	swait.ge [sflag:s3], $0x4000  }
0xf6: {  	[sflag:s3] =	ssyncset.done $0x0  }
0xf7: {  	[sflag:s3] =	ssyncadd.s32 $0xFFFFC000  }
0xf8: {  	[tilespmem:s11], [sflag:$0x1] =	stream.indirect.gather [hbm4b:s10+s13], $0x80, s20, s13, $0xb8;
	[tilespmem:$0x10800] =	vst v63  }
0xf9: {  	_ =	swait.ge [sflag:s15], $0x4000  }
0xfa: {  	[sflag:s15] =	ssyncset.done $0x0  }
0xfb: {  	s0 =	rddreg [dreg:$0xc];
	[sflag:s15] =	ssyncadd.s32 $0xFFFFC000  }
0xfc: {  	[hbm4b:s0+s2] =	stream.linear.scatter [tilespmem:s9], [sflag:$0x6], $0x4000, $0x38;
	[tilespmem:$0x10800] =	vst v63  }
0xfd: {  	_ =	swait.ge [sflag:s4], $0x4000  }
0xfe: {  	[sflag:s4] =	ssyncset.done $0x0  }
0xff: {  	[sflag:s4] =	ssyncadd.s32 $0xFFFFC000  }
0x100: {  	[tilespmem:s9], [sflag:$0x2] =	stream.indirect.gather [hbm4b:s10+s13], $0x80, s19, s13, $0xb8;
	[tilespmem:$0x10800] =	vst v63  }
0x101: {  	_ =	swait.ge [sflag:s14], $0x4000  }
0x102: {  	[sflag:s14] =	ssyncset.done $0x0  }
0x103: {  	s0 =	rddreg [dreg:$0xd];
	[sflag:s14] =	ssyncadd.s32 $0xFFFFC000  }
0x104: {  	[hbm4b:s0+s2] =	stream.linear.scatter [tilespmem:s8], [sflag:$0x7], $0x4000, $0x38;
	[tilespmem:$0x10800] =	vst v63  }
0x105: {  	_ =	swait.ge [sflag:s5], $0x4000  }
0x106: {  	[sflag:s5] =	ssyncset.done $0x0  }
0x107: {  	[sflag:s5] =	ssyncadd.s32 $0xFFFFC000  }
0x108: {  	[tilespmem:s8], [sflag:$0x3] =	stream.indirect.gather [hbm4b:s10+s13], $0x80, s18, s13, $0xb8;
	[tilespmem:$0x10800] =	vst v63  }
0x109: {  	_ =	swait.ge [sflag:s12], $0x4000  }
0x10a: {  	[sflag:s12] =	ssyncset.done $0x0  }
0x10b: {  	s0 =	rddreg [dreg:$0xe];
	[sflag:s12] =	ssyncadd.s32 $0xFFFFC000  }
0x10c: {  	[hbm4b:s0+s2] =	stream.linear.scatter [tilespmem:s7], [sflag:$0x8], $0x4000, $0x38;
	[tilespmem:$0x10800] =	vst v63  }
0x10d: {  	_ =	swait.ge [sflag:s6], $0x4000  }
0x10e: {  	[sflag:s6] =	ssyncset.done $0x0  }
0x10f: {  	[sflag:s6] =	ssyncadd.s32 $0xFFFFC000  }
0x110: {  	[tilespmem:s7], [sflag:$0x4] =	stream.indirect.gather [hbm4b:s10+s13], $0x80, s17, s13, $0xb8;
	[tilespmem:$0x10800] =	vst v63  }
0x111: {  	_ =	swait.ge [sflag:s16], $0x4000  }
0x112: {  	[sflag:s16] =	ssyncset.done $0x0  }
0x113: {  	s0 =	rddreg [dreg:$0xf];
	[sflag:s16] =	ssyncadd.s32 $0xFFFFC000  }
0x114: {  	[hbm4b:s0+s2] =	stream.linear.scatter [tilespmem:s11], [sflag:$0x5], $0x4000, $0x38;
	[tilespmem:$0x10800] =	vst v63  }
0x115: {  	_ =	swait.ge [sflag:s15], $0x4000  }
0x116: {  	[sflag:s15] =	ssyncset.done $0x0  }
0x117: {  	s0 =	rddreg [dreg:$0x10];
	[sflag:s15] =	ssyncadd.s32 $0xFFFFC000  }
0x118: {  	[hbm4b:s0+s2] =	stream.linear.scatter [tilespmem:s9], [sflag:$0x6], $0x4000, $0x38;
	[tilespmem:$0x10800] =	vst v63  }
0x119: {  	_ =	swait.ge [sflag:s14], $0x4000  }
0x11a: {  	[sflag:s14] =	ssyncset.done $0x0  }
0x11b: {  	s0 =	rddreg [dreg:$0x11];
	[sflag:s14] =	ssyncadd.s32 $0xFFFFC000  }
0x11c: {  	[hbm4b:s0+s2] =	stream.linear.scatter [tilespmem:s8], [sflag:$0x7], $0x4000, $0x38;
	[tilespmem:$0x10800] =	vst v63  }
0x11d: {  	_ =	swait.ge [sflag:s12], $0x4000  }
0x11e: {  	[sflag:s12] =	ssyncset.done $0x0  }
0x11f: {  	s0 =	rddreg [dreg:$0x12];
	[sflag:s12] =	ssyncadd.s32 $0xFFFFC000  }
0x120: {  	[hbm4b:s0+s2] =	stream.linear.scatter [tilespmem:s7], [sflag:$0x8], $0x4000, $0x38;
	[tilespmem:$0x10800] =	vst v63  }
0x121: {  	_ =	swait.ge [sflag:s3], $0x4000  }
0x122: {  	[sflag:s3] =	ssyncset.done $0x0  }
0x123: {  	[sflag:s3] =	ssyncadd.s32 $0xFFFFC000  }
0x124: {  	_ =	swait.ge [sflag:s4], $0x4000  }
0x125: {  	[sflag:s4] =	ssyncset.done $0x0  }
0x126: {  	p1 =	sne.s32 s1, $0x1;
	[sflag:s4] =	ssyncadd.s32 $0xFFFFC000  }
.Ltmp2:
0x127: {  	_ =	swait.ge [sflag:s5], $0x4000;
	(pc) =	sbr.rel @p1 .LBB2_2-.Ltmp2, $4  }
0x128: {  	[sflag:s5] =	ssyncset.done $0x0  }
0x129: {  	[sflag:s5] =	ssyncadd.s32 $0xFFFFC000  }
0x12a: {  	_ =	swait.ge [sflag:s6], $0x4000  }
0x12b: {  	s1 =	sadd.s32 $0xFFFFFFFF, s1;
	s0 =	rddreg [dreg:$0x2];
	[sflag:s6] =	ssyncset.done $0x0  }
.LBB2_3:
0x12c: {  	[sflag:s6] =	ssyncadd.s32 @p0 $0xFFFFC000  }
0x12d: {  	[tilespmem:s2], [sflag:$0x9] =	stream.linear.gather [hbm4b:s0+s2], $0x800, $0x38;
	[tilespmem:$0x10800] =	vst v63  }
0x12e: {  	_ =	swait.ge [sflag:s30], $0x800  }
0x12f: {  	[sflag:s30] =	ssyncset.done $0x0  }
0x130: {  	[sflag:s30] =	ssyncadd.s32 $0xFFFFF800  }
0x131: {  	[tilespmem:s11], [sflag:$0x1] =	stream.indirect.gather [hbm4b:s10+s13], $0x80, s2, s13, $0xb8;
	[tilespmem:$0x10800] =	vst v63  }
0x132: {  	_ = 	snop  }
0x133: {  	[tilespmem:s9], [sflag:$0x2] =	stream.indirect.gather [hbm4b:s10+s13], $0x80, s13, s13, $0xb8;
	[tilespmem:$0x10800] =	vst v63  }
0x134: {  	s1 =	rddreg [dreg:$0x13]  }
0x135: {  	[tilespmem:s8], [sflag:$0x3] =	stream.indirect.gather [hbm4b:s10+s13], $0x80, s1, s13, $0xb8;
	[tilespmem:$0x10800] =	vst v63  }
0x136: {  	_ = 	snop  }
0x137: {  	[tilespmem:s7], [sflag:$0x4] =	stream.indirect.gather [hbm4b:s10+s13], $0x80, s31, s13, $0xb8;
	[tilespmem:$0x10800] =	vst v63  }
0x138: {  	_ =	swait.ge [sflag:s16], $0x4000  }
0x139: {  	[sflag:s16] =	ssyncset.done $0x0  }
0x13a: {  	s30 =	rddreg [dreg:$0x3];
	[sflag:s16] =	ssyncadd.s32 $0xFFFFC000  }
0x13b: {  	[hbm4b:s30+s2] =	stream.linear.scatter [tilespmem:s11], [sflag:$0x5], $0x4000, $0x38;
	[tilespmem:$0x10800] =	vst v63  }
0x13c: {  	_ =	swait.ge [sflag:s3], $0x4000  }
0x13d: {  	[sflag:s3] =	ssyncset.done $0x0  }
0x13e: {  	[sflag:s3] =	ssyncadd.s32 $0xFFFFC000  }
0x13f: {  	[tilespmem:s11], [sflag:$0x1] =	stream.indirect.gather [hbm4b:s10+s13], $0x80, s29, s13, $0xb8;
	[tilespmem:$0x10800] =	vst v63  }
0x140: {  	_ =	swait.ge [sflag:s15], $0x4000  }
0x141: {  	[sflag:s15] =	ssyncset.done $0x0  }
0x142: {  	s31 =	rddreg [dreg:$0x4];
	[sflag:s15] =	ssyncadd.s32 $0xFFFFC000  }
0x143: {  	[hbm4b:s31+s2] =	stream.linear.scatter [tilespmem:s9], [sflag:$0x6], $0x4000, $0x38;
	[tilespmem:$0x10800] =	vst v63  }
0x144: {  	_ =	swait.ge [sflag:s4], $0x4000  }
0x145: {  	[sflag:s4] =	ssyncset.done $0x0  }
0x146: {  	[sflag:s4] =	ssyncadd.s32 $0xFFFFC000  }
0x147: {  	[tilespmem:s9], [sflag:$0x2] =	stream.indirect.gather [hbm4b:s10+s13], $0x80, s28, s13, $0xb8;
	[tilespmem:$0x10800] =	vst v63  }
0x148: {  	_ =	swait.ge [sflag:s14], $0x4000  }
0x149: {  	[sflag:s14] =	ssyncset.done $0x0  }
0x14a: {  	s1 =	rddreg [dreg:$0x5];
	[sflag:s14] =	ssyncadd.s32 $0xFFFFC000  }
0x14b: {  	[hbm4b:s1+s2] =	stream.linear.scatter [tilespmem:s8], [sflag:$0x7], $0x4000, $0x38;
	[tilespmem:$0x10800] =	vst v63  }
0x14c: {  	_ =	swait.ge [sflag:s5], $0x4000  }
0x14d: {  	[sflag:s5] =	ssyncset.done $0x0  }
0x14e: {  	[sflag:s5] =	ssyncadd.s32 $0xFFFFC000  }
0x14f: {  	[tilespmem:s8], [sflag:$0x3] =	stream.indirect.gather [hbm4b:s10+s13], $0x80, s26, s13, $0xb8;
	[tilespmem:$0x10800] =	vst v63  }
0x150: {  	_ =	swait.ge [sflag:s12], $0x4000  }
0x151: {  	[sflag:s12] =	ssyncset.done $0x0  }
0x152: {  	s28 =	rddreg [dreg:$0x6];
	[sflag:s12] =	ssyncadd.s32 $0xFFFFC000  }
0x153: {  	[hbm4b:s28+s2] =	stream.linear.scatter [tilespmem:s7], [sflag:$0x8], $0x4000, $0x38;
	[tilespmem:$0x10800] =	vst v63  }
0x154: {  	_ =	swait.ge [sflag:s6], $0x4000  }
0x155: {  	[sflag:s6] =	ssyncset.done $0x0  }
0x156: {  	[sflag:s6] =	ssyncadd.s32 $0xFFFFC000  }
0x157: {  	[tilespmem:s7], [sflag:$0x4] =	stream.indirect.gather [hbm4b:s10+s13], $0x80, s25, s13, $0xb8;
	[tilespmem:$0x10800] =	vst v63  }
0x158: {  	_ =	swait.ge [sflag:s16], $0x4000  }
0x159: {  	[sflag:s16] =	ssyncset.done $0x0  }
0x15a: {  	s29 =	rddreg [dreg:$0x7];
	[sflag:s16] =	ssyncadd.s32 $0xFFFFC000  }
0x15b: {  	[hbm4b:s29+s2] =	stream.linear.scatter [tilespmem:s11], [sflag:$0x5], $0x4000, $0x38;
	[tilespmem:$0x10800] =	vst v63  }
0x15c: {  	_ =	swait.ge [sflag:s3], $0x4000  }
0x15d: {  	[sflag:s3] =	ssyncset.done $0x0  }
0x15e: {  	[sflag:s3] =	ssyncadd.s32 $0xFFFFC000  }
0x15f: {  	[tilespmem:s11], [sflag:$0x1] =	stream.indirect.gather [hbm4b:s10+s13], $0x80, s24, s13, $0xb8;
	[tilespmem:$0x10800] =	vst v63  }
0x160: {  	_ =	swait.ge [sflag:s15], $0x4000  }
0x161: {  	[sflag:s15] =	ssyncset.done $0x0  }
0x162: {  	s30 =	rddreg [dreg:$0x8];
	[sflag:s15] =	ssyncadd.s32 $0xFFFFC000  }
0x163: {  	[hbm4b:s30+s2] =	stream.linear.scatter [tilespmem:s9], [sflag:$0x6], $0x4000, $0x38;
	[tilespmem:$0x10800] =	vst v63  }
0x164: {  	_ =	swait.ge [sflag:s4], $0x4000  }
0x165: {  	[sflag:s4] =	ssyncset.done $0x0  }
0x166: {  	[sflag:s4] =	ssyncadd.s32 $0xFFFFC000  }
0x167: {  	[tilespmem:s9], [sflag:$0x2] =	stream.indirect.gather [hbm4b:s10+s13], $0x80, s23, s13, $0xb8;
	[tilespmem:$0x10800] =	vst v63  }
0x168: {  	_ =	swait.ge [sflag:s14], $0x4000  }
0x169: {  	[sflag:s14] =	ssyncset.done $0x0  }
0x16a: {  	s31 =	rddreg [dreg:$0x9];
	[sflag:s14] =	ssyncadd.s32 $0xFFFFC000  }
0x16b: {  	[hbm4b:s31+s2] =	stream.linear.scatter [tilespmem:s8], [sflag:$0x7], $0x4000, $0x38;
	[tilespmem:$0x10800] =	vst v63  }
0x16c: {  	_ =	swait.ge [sflag:s5], $0x4000  }
0x16d: {  	[sflag:s5] =	ssyncset.done $0x0  }
0x16e: {  	[sflag:s5] =	ssyncadd.s32 $0xFFFFC000  }
0x16f: {  	[tilespmem:s8], [sflag:$0x3] =	stream.indirect.gather [hbm4b:s10+s13], $0x80, s22, s13, $0xb8;
	[tilespmem:$0x10800] =	vst v63  }
0x170: {  	_ =	swait.ge [sflag:s12], $0x4000  }
0x171: {  	[sflag:s12] =	ssyncset.done $0x0  }
0x172: {  	s1 =	rddreg [dreg:$0xa];
	[sflag:s12] =	ssyncadd.s32 $0xFFFFC000  }
0x173: {  	[hbm4b:s1+s2] =	stream.linear.scatter [tilespmem:s7], [sflag:$0x8], $0x4000, $0x38;
	[tilespmem:$0x10800] =	vst v63  }
0x174: {  	_ =	swait.ge [sflag:s6], $0x4000  }
0x175: {  	[sflag:s6] =	ssyncset.done $0x0  }
0x176: {  	[sflag:s6] =	ssyncadd.s32 $0xFFFFC000  }
0x177: {  	[tilespmem:s7], [sflag:$0x4] =	stream.indirect.gather [hbm4b:s10+s13], $0x80, s21, s13, $0xb8;
	[tilespmem:$0x10800] =	vst v63  }
0x178: {  	_ =	swait.ge [sflag:s16], $0x4000  }
0x179: {  	[sflag:s16] =	ssyncset.done $0x0  }
0x17a: {  	s22 =	rddreg [dreg:$0xb];
	[sflag:s16] =	ssyncadd.s32 $0xFFFFC000  }
0x17b: {  	[hbm4b:s22+s2] =	stream.linear.scatter [tilespmem:s11], [sflag:$0x5], $0x4000, $0x38;
	[tilespmem:$0x10800] =	vst v63  }
0x17c: {  	_ =	swait.ge [sflag:s3], $0x4000  }
0x17d: {  	[sflag:s3] =	ssyncset.done $0x0  }
0x17e: {  	[sflag:s3] =	ssyncadd.s32 $0xFFFFC000  }
0x17f: {  	[tilespmem:s11], [sflag:$0x1] =	stream.indirect.gather [hbm4b:s10+s13], $0x80, s20, s13, $0xb8;
	[tilespmem:$0x10800] =	vst v63  }
0x180: {  	_ =	swait.ge [sflag:s15], $0x4000  }
0x181: {  	[sflag:s15] =	ssyncset.done $0x0  }
0x182: {  	s23 =	rddreg [dreg:$0xc];
	[sflag:s15] =	ssyncadd.s32 $0xFFFFC000  }
0x183: {  	[hbm4b:s23+s2] =	stream.linear.scatter [tilespmem:s9], [sflag:$0x6], $0x4000, $0x38;
	[tilespmem:$0x10800] =	vst v63  }
0x184: {  	_ =	swait.ge [sflag:s4], $0x4000  }
0x185: {  	[sflag:s4] =	ssyncset.done $0x0  }
0x186: {  	[sflag:s4] =	ssyncadd.s32 $0xFFFFC000  }
0x187: {  	[tilespmem:s9], [sflag:$0x2] =	stream.indirect.gather [hbm4b:s10+s13], $0x80, s19, s13, $0xb8;
	[tilespmem:$0x10800] =	vst v63  }
0x188: {  	_ =	swait.ge [sflag:s14], $0x4000  }
0x189: {  	[sflag:s14] =	ssyncset.done $0x0  }
0x18a: {  	s24 =	rddreg [dreg:$0xd];
	[sflag:s14] =	ssyncadd.s32 $0xFFFFC000  }
0x18b: {  	[hbm4b:s24+s2] =	stream.linear.scatter [tilespmem:s8], [sflag:$0x7], $0x4000, $0x38;
	[tilespmem:$0x10800] =	vst v63  }
0x18c: {  	_ =	swait.ge [sflag:s5], $0x4000  }
0x18d: {  	[sflag:s5] =	ssyncset.done $0x0  }
0x18e: {  	[sflag:s5] =	ssyncadd.s32 $0xFFFFC000  }
0x18f: {  	[tilespmem:s8], [sflag:$0x3] =	stream.indirect.gather [hbm4b:s10+s13], $0x80, s18, s13, $0xb8;
	[tilespmem:$0x10800] =	vst v63  }
0x190: {  	_ =	swait.ge [sflag:s12], $0x4000  }
0x191: {  	[sflag:s12] =	ssyncset.done $0x0  }
0x192: {  	s25 =	rddreg [dreg:$0xe];
	[sflag:s12] =	ssyncadd.s32 $0xFFFFC000  }
0x193: {  	[hbm4b:s25+s2] =	stream.linear.scatter [tilespmem:s7], [sflag:$0x8], $0x4000, $0x38;
	[tilespmem:$0x10800] =	vst v63  }
0x194: {  	_ =	swait.ge [sflag:s6], $0x4000  }
0x195: {  	[sflag:s6] =	ssyncset.done $0x0  }
0x196: {  	[sflag:s6] =	ssyncadd.s32 $0xFFFFC000  }
0x197: {  	[tilespmem:s7], [sflag:$0x4] =	stream.indirect.gather [hbm4b:s10+s13], $0x80, s17, s13, $0xb8;
	[tilespmem:$0x10800] =	vst v63  }
0x198: {  	_ =	swait.ge [sflag:s16], $0x4000  }
0x199: {  	[sflag:s16] =	ssyncset.done $0x0  }
0x19a: {  	s26 =	rddreg [dreg:$0xf];
	[sflag:s16] =	ssyncadd.s32 $0xFFFFC000  }
0x19b: {  	[hbm4b:s26+s2] =	stream.linear.scatter [tilespmem:s11], [sflag:$0x5], $0x4000, $0x38;
	[tilespmem:$0x10800] =	vst v63  }
0x19c: {  	_ =	swait.ge [sflag:s15], $0x4000  }
0x19d: {  	[sflag:s15] =	ssyncset.done $0x0  }
0x19e: {  	s28 =	rddreg [dreg:$0x10];
	[sflag:s15] =	ssyncadd.s32 $0xFFFFC000  }
0x19f: {  	[hbm4b:s28+s2] =	stream.linear.scatter [tilespmem:s9], [sflag:$0x6], $0x4000, $0x38;
	[tilespmem:$0x10800] =	vst v63  }
0x1a0: {  	_ =	swait.ge [sflag:s14], $0x4000  }
0x1a1: {  	[sflag:s14] =	ssyncset.done $0x0  }
0x1a2: {  	s29 =	rddreg [dreg:$0x11];
	[sflag:s14] =	ssyncadd.s32 $0xFFFFC000  }
0x1a3: {  	[hbm4b:s29+s2] =	stream.linear.scatter [tilespmem:s8], [sflag:$0x7], $0x4000, $0x38;
	[tilespmem:$0x10800] =	vst v63  }
0x1a4: {  	_ =	swait.ge [sflag:s12], $0x4000  }
0x1a5: {  	[sflag:s12] =	ssyncset.done $0x0  }
0x1a6: {  	s30 =	rddreg [dreg:$0x12];
	[sflag:s12] =	ssyncadd.s32 $0xFFFFC000  }
0x1a7: {  	[hbm4b:s30+s2] =	stream.linear.scatter [tilespmem:s7], [sflag:$0x8], $0x4000, $0x38;
	[tilespmem:$0x10800] =	vst v63  }
0x1a8: {  	_ =	swait.ge [sflag:s3], $0x4000  }
0x1a9: {  	[sflag:s3] =	ssyncset.done $0x0  }
0x1aa: {  	[sflag:s3] =	ssyncadd.s32 $0xFFFFC000  }
0x1ab: {  	_ =	swait.ge [sflag:s4], $0x4000  }
0x1ac: {  	[sflag:s4] =	ssyncset.done $0x0  }
0x1ad: {  	[sflag:s4] =	ssyncadd.s32 $0xFFFFC000  }
0x1ae: {  	_ =	swait.ge [sflag:s5], $0x4000  }
0x1af: {  	[sflag:s5] =	ssyncset.done $0x0  }
0x1b0: {  	[sflag:s5] =	ssyncadd.s32 $0xFFFFC000  }
0x1b1: {  	_ =	swait.ge [sflag:s6], $0x4000  }
0x1b2: {  	[sflag:s6] =	ssyncset.done $0x0  }
0x1b3: {  	[sflag:s6] =	ssyncadd.s32 $0xFFFFC000  }
0x1b4: {  	_ =	sfence.sel $0x180000  }
0x1b5: {  	[bflag:$0x0] =	sbarrier.arrive $0xFFFF  }
0x1b6: {  	_ =	strace $0x9000004A  }
0x1b7: {  	s31 =	stileid.u32;
	[bflag:$0x2] =	sbarrier.arrive $0xFFFF  }
0x1b8: {  	p0 =	sne.s32 s31, $0x0;
	s0 =	rddreg [dreg:$0x1]  }
0x1b9: {  	s0 =	sadd.s32 @!p0 $0x100000, s0  }
0x1ba: {  	[sflag:s0] =	ssyncadd.tile.s32 @!p0 $0x1;
	_ =	shalt  }
.Lfunc_end2:
_tile_overlayer_lowered:
.L_overlay_start_2:
0x1bb: {  	(tag) =	ssettag $0x2  }
0x1bc: {  	s0 =	rddreg [dreg:$0x0];
	s2 =	stileid.u32  }
0x1bd: {  	s1 =	rddreg [dreg:$0x1];
	p0 =	sne.s32 s2, $0x0  }
0x1be: {  	s3 =	rddreg [dreg:$0x2];
	[bflag:$0x3] =	sbarrier.arrive $0xFFFF;
	s2 =	simm.s32 @!p0 $0x1C09  }
0x1bf: {  	[timem:s3], [sflag:s2] =	dma.local @!p0 [hbm:s0], s1  }
0x1c0: {  	s0 =	simm.s32 @!p0 $0x9  }
0x1c1: {  	_ =	swait.ge @!p0 [sflag:s0], s1  }
0x1c2: {  	s1 =	ssub.s32 @!p0 $0x0, s1;
	[sflag:s0] =	ssyncset.done @!p0 $0x0  }
0x1c3: {  	[sflag:s0] =	ssyncadd.s32 @!p0 s1  }
0x1c4: {  	[bflag:$0x3] =	sbarrier.arrive $0xFFFF  }
0x1c5: {  	_ =	shalt  }

</sc_bundles>
